<compile_context>
chip_gen: v7x
topology: tpu7x:2x2x1
jax: 0.10.2.dev20260603
libtpu: 0.0.44.dev20260713+nightly
codegen_flags: <defaults>
</compile_context>

<pallas_src>
import functools

import jax
import jax.numpy as jnp
from jax.experimental import pallas as pl
from jax.experimental.pallas import tpu as pltpu
from jax.experimental.pallas import tpu_sc as plsc

N = 307
NP = 384
T = 12
CC = 64
CT = 64
KCH = 3
PRED = 12
NEG = -1e30

_f32 = jnp.float32


def _dot(a, b):
    return jnp.dot(a, b, preferred_element_type=_f32)


def _dg(a, b, ca, cb):
    return jax.lax.dot_general(a, b, (((ca,), (cb,)), ((), ())),
                               preferred_element_type=_f32)


def _block_compute(x, u1, U2, u3, be, Ve, W1, W2, W3, bs, Vs,
                   chebw, chebb, tw, tb, rw, rb, lng, lnb, Cm, FP):
    X_t = [x[t * NP:(t + 1) * NP, :] for t in range(T)]

    a1_rows = [_dot(u1, X_t[t]) for t in range(T)]
    A1 = jnp.concatenate(a1_rows, axis=0)
    LHS = _dg(A1, U2, 1, 0)
    rhs_cols = [_dg(X_t[t], u3, 1, 1) for t in range(T)]
    RHS = jnp.concatenate(rhs_cols, axis=1)
    E = _dot(LHS, RHS)
    E2 = _dot(Ve, jax.nn.sigmoid(E + be))
    Em = jnp.max(E2, axis=0, keepdims=True)
    Ee = jnp.exp(E2 - Em)
    Et = Ee / jnp.sum(Ee, axis=0, keepdims=True)

    a = _dg(Et, W1, 1, 1)
    B1 = a[0:1, 0:1] * X_t[0]
    for s in range(1, T):
        B1 = B1 + a[s:s + 1, 0:1] * X_t[s]
    LHS2 = _dg(B1, W2, 1, 0)
    d_cols = [_dg(X_t[t], W3, 1, 1) for t in range(T)]
    D = jnp.concatenate(d_cols, axis=1)
    C1 = _dot(D, Et)
    S = _dg(LHS2, C1, 1, 1)
    S2 = _dot(Vs, jax.nn.sigmoid(S + bs))
    rowid = jax.lax.broadcasted_iota(jnp.int32, (NP, NP), 0)
    S2 = jnp.where(rowid < N, S2, NEG)
    Sm_ = jnp.max(S2, axis=0, keepdims=True)
    Se = jnp.exp(S2 - Sm_)
    Sm = Se / jnp.sum(Se, axis=0, keepdims=True)

    colid = jax.lax.broadcasted_iota(jnp.int32, (NP, NP), 1)
    eye = rowid == colid
    dcol = jnp.sum(jnp.where(eye, Sm, 0.0), axis=1, keepdims=True)
    CS = Cm * Sm

    H0 = jnp.concatenate([dcol * X_t[t] for t in range(T)], axis=1)
    H1 = _dg(CS, H0, 0, 0)
    H2 = 2.0 * _dg(CS, H1, 0, 0) - H0
    Xhat_t = []
    for t in range(T):
        sl = slice(t * FP, (t + 1) * FP)
        o = (_dot(H0[:, sl], chebw[0:FP, :])
             + _dot(H1[:, sl], chebw[FP:2 * FP, :])
             + _dot(H2[:, sl], chebw[2 * FP:3 * FP, :]) + chebb)
        Xhat_t.append(jnp.maximum(o, 0.0))

    TW = [tw[w * CC:(w + 1) * CC, :] for w in range(3)]
    out_rows = []
    for t in range(T):
        acc = tb + _dot(X_t[t], rw) + rb
        for w in range(3):
            tt = t + w - 1
            if 0 <= tt < T:
                acc = acc + _dot(Xhat_t[tt], TW[w])
        Z = jnp.maximum(acc, 0.0)
        mu = jnp.mean(Z, axis=1, keepdims=True)
        var = jnp.mean(Z * Z, axis=1, keepdims=True) - mu * mu
        ZN = (Z - mu) * jax.lax.rsqrt(var + 1e-5) * lng + lnb
        out_rows.append(ZN)
    return jnp.concatenate(out_rows, axis=0)


def _block_kernel(FP, x_ref, u1, U2, u3, be, Ve, W1, W2, W3, bs, Vs,
                  chebw, chebb, tw, tb, rw, rb, lng, lnb, Cm, o_ref):
    o_ref[0] = _block_compute(
        x_ref[0], u1[...], U2[...], u3[...], be[...],
        Ve[...], W1[...], W2[...], W3[...], bs[...], Vs[...], chebw[...],
        chebb[...], tw[...], tb[...], rw[...], rb[...], lng[...],
        lnb[...], Cm[...], FP)


def _full(shape):
    nd = len(shape)
    return pl.BlockSpec(shape, lambda b: (0,) * nd)


def _run_block(x, wlist, FP, B):
    in_specs = [pl.BlockSpec((1, T * NP, FP), lambda b: (b, 0, 0))]
    in_specs += [_full(w.shape) for w in wlist]
    return pl.pallas_call(
        functools.partial(_block_kernel, FP),
        grid=(B,),
        in_specs=in_specs,
        out_specs=pl.BlockSpec((1, T * NP, CT), lambda b: (b, 0, 0)),
        out_shape=jax.ShapeDtypeStruct((B, T * NP, CT), _f32),
        compiler_params=pltpu.CompilerParams(
            dimension_semantics=("parallel",)),
    )(x, *wlist)


def _final_kernel(with_affine, x_ref, fw, fb, lw, o_ref):
    x = x_ref[0]
    acc = fb[...]
    for t in range(T):
        acc = acc + _dot(x[t * NP:(t + 1) * NP, :],
                         fw[t * CT:(t + 1) * CT, :])
    acc = jnp.maximum(acc, 0.0)
    if with_affine:
        acc = acc * lw[0:1, 0:1] + lw[1:2, 0:1]
    o_ref[0] = acc


def _run_final(x, fw, fb, lw, with_affine, B):
    return pl.pallas_call(
        functools.partial(_final_kernel, with_affine),
        grid=(B,),
        in_specs=[pl.BlockSpec((1, T * NP, CT), lambda b: (b, 0, 0)),
                  _full(fw.shape), _full(fb.shape), _full(lw.shape)],
        out_specs=pl.BlockSpec((1, NP, PRED), lambda b: (b, 0, 0)),
        out_shape=jax.ShapeDtypeStruct((B, NP, PRED), _f32),
        compiler_params=pltpu.CompilerParams(
            dimension_semantics=("parallel",)),
    )(x, fw, fb, lw)


def _pad2(a, r, c):
    return jnp.pad(a, ((0, r - a.shape[0]), (0, c - a.shape[1])))


def _prep_block_weights(p, F, FP):
    u1 = _pad2(p['U1'][None, :], 1, NP)
    U2 = _pad2(p['U2'], FP, NP)
    u3 = _pad2(p['U3'][None, :], 1, FP)
    be = p['be'][0]
    Ve = p['Ve']
    W1 = p['W1'][None, :]
    W2 = _pad2(p['W2'], FP, T)
    W3 = _pad2(p['W3'][None, :], 1, FP)
    bs = _pad2(p['bs'][0], NP, NP)
    Vs = _pad2(p['Vs'], NP, NP)
    chebw = jnp.concatenate(
        [_pad2(p['cheb_w'][k], FP, CC) for k in range(KCH)], axis=0)
    chebb = p['cheb_b'][None, :]
    tw = jnp.concatenate(
        [jnp.transpose(p['time_w'][:, :, 0, w]) for w in range(3)], axis=0)
    tb = p['time_b'][None, :]
    rw = _pad2(jnp.transpose(p['res_w'][:, :, 0, 0]), FP, CT)
    rb = p['res_b'][None, :]
    lng = p['ln_g'][None, :]
    lnb = p['ln_b'][None, :]
    return [u1, U2, u3, be, Ve, W1, W2, W3, bs, Vs, chebw, chebb,
            tw, tb, rw, rb, lng, lnb]


NE = 4912
NCHUNK = NE // 16
NDEG = 320
CFLAT = N * NP


def _edge_sc_body(edges_hbm, out_hbm, ev, deg, dinv, cflat):
    wid = jax.lax.axis_index("c") * 16 + jax.lax.axis_index("s")

    @pl.when(wid == 0)
    def _():
        pltpu.sync_copy(edges_hbm, ev)
        for i in range(NDEG // 16):
            deg[pl.ds(i * 16, 16)] = jnp.zeros((16,), _f32)

        def deg_body(i, carry):
            r = ev[pl.ds(i * 16, 16)]
            c = ev[pl.ds(NE + i * 16, 16)]
            mf = jnp.where(r != c, 1.0, 0.0).astype(_f32)
            plsc.addupdate_scatter(deg, [r], mf)
            return carry
        jax.lax.fori_loop(0, NCHUNK, deg_body, 0)

        for i in range(NDEG // 16):
            d = deg[pl.ds(i * 16, 16)]
            bits = plsc.bitcast(d, jnp.int32)
            y = plsc.bitcast(jnp.int32(0x5F3759DF) - (bits >> 1), _f32)
            for _ in range(4):
                y = y * (1.5 - 0.5 * d * y * y)
            dinv[pl.ds(i * 16, 16)] = jnp.where(d > 0.5, y, 0.0)

        def zero_body(i, carry):
            cflat[pl.ds(i * 16, 16)] = jnp.zeros((16,), _f32)
            return carry
        jax.lax.fori_loop(0, CFLAT // 16, zero_body, 0)

        def c_body(i, carry):
            r = ev[pl.ds(i * 16, 16)]
            c = ev[pl.ds(NE + i * 16, 16)]
            mf = jnp.where(r != c, -1.0, 0.0).astype(_f32)
            dr = plsc.load_gather(dinv, [r])
            dc = plsc.load_gather(dinv, [c])
            plsc.addupdate_scatter(cflat, [r * NP + c], dr * dc * mf)
            return carry
        jax.lax.fori_loop(0, NCHUNK, c_body, 0)

        pltpu.sync_copy(cflat, out_hbm)


def _edge_matrix(edge_index):
    edge_sc = functools.partial(
        pl.kernel,
        out_type=jax.ShapeDtypeStruct((CFLAT,), _f32),
        mesh=plsc.VectorSubcoreMesh(core_axis_name="c",
                                    subcore_axis_name="s"),
        compiler_params=pltpu.CompilerParams(needs_layout_passes=False),
        scratch_types=[pltpu.VMEM((2 * NE,), jnp.int32),
                       pltpu.VMEM((NDEG,), _f32),
                       pltpu.VMEM((NDEG,), _f32),
                       pltpu.VMEM((CFLAT,), _f32)],
    )(_edge_sc_body)
    cm_flat = edge_sc(edge_index.reshape(2 * NE))
    return jnp.pad(cm_flat.reshape(N, NP), ((0, NP - N), (0, 0)))


def _astgcn(x, params, Cm, B):
    w0 = _prep_block_weights(params['blocks'][0], 1, 8) + [Cm]
    h = _run_block(x, w0, 8, B)
    w1 = _prep_block_weights(params['blocks'][1], CT, CT) + [Cm]
    h = _run_block(h, w1, CT, B)
    fw = jnp.concatenate(
        [jnp.transpose(params['final_w'][:, t, 0, :]) for t in range(T)],
        axis=0)
    fb = params['final_b'][None, :]
    return h, fw, fb


def kernel(x, edge_index, params):
    B = x.shape[0]
    Cm = _edge_matrix(edge_index)

    x1 = jnp.transpose(x, (0, 3, 1, 2))
    x1 = jnp.pad(x1, ((0, 0), (0, 0), (0, NP - N), (0, 7)))
    h, fw, fb = _astgcn(x1.reshape(B, T * NP, 8),
                        params['astgcn1'], Cm, B)
    lw_dummy = jnp.zeros((2, 1), _f32)
    h = _run_final(h, fw, fb, lw_dummy, False, B)

    x2 = jnp.transpose(h, (0, 2, 1))[..., None]
    x2 = jnp.pad(x2, ((0, 0), (0, 0), (0, 0), (0, 7)))
    h2, fw2, fb2 = _astgcn(x2.reshape(B, T * NP, 8),
                           params['astgcn2'], Cm, B)
    lw = jnp.concatenate([params['lin_w'][0:1, 0:1],
                          params['lin_b'][None, 0:1]], axis=0)
    y = _run_final(h2, fw2, fb2, lw, True, B)

    return y[:, :N, :, None]

# --- scband reference (transcript-rebuilt; emitter-appended) ---
"""Pipeline reference for scband-astgcnmodel-4372276707888 (READ-ONLY COPY).

The authoritative reference and input builder live on the scoring server;
editing this copy changes nothing except your own understanding.
"""

import jax, jax.numpy as jnp
import numpy as np

NB_BLOCK = 2
IN_CHANNELS = 1
K = 3
NB_CHEV = 64
NB_TIME = 64
TIME_STRIDES = 1
NUM_PREDICT = 12
LEN_INPUT = 12
NUM_VERTICES = 307
BATCH = 32
NUM_EDGES = 4912

def _g(key, shape):
    return jax.random.normal(key, shape, dtype=jnp.float32) * 0.1

def make_block_params(key, F_in, Kc, Cc, Ct, N, T):
    ks = jax.random.split(key, 16)
    return {'U1': _g(ks[0], (N,)), 'U2': _g(ks[1], (F_in, N)), 'U3': _g(ks[2], (F_in,)), 'be': _g(ks[3], (1, T, T)), 'Ve': _g(ks[4], (T, T)), 'W1': _g(ks[5], (T,)), 'W2': _g(ks[6], (F_in, T)), 'W3': _g(ks[7], (F_in,)), 'bs': _g(ks[8], (1, N, N)), 'Vs': _g(ks[9], (N, N)), 'cheb_w': _g(ks[10], (Kc, F_in, Cc)), 'cheb_b': _g(ks[11], (Cc,)), 'time_w': _g(ks[12], (Ct, Cc, 1, 3)), 'time_b': _g(ks[13], (Ct,)), 'res_w': _g(ks[14], (Ct, F_in, 1, 1)), 'res_b': _g(ks[15], (Ct,)), 'ln_g': jnp.ones((Ct,), jnp.float32), 'ln_b': jnp.zeros((Ct,), jnp.float32)}

def make_astgcn_params(key, in_ch, Kc, Cc, Ct, strides, P, T, N, nb_block):
    ks = jax.random.split(key, nb_block + 1)
    blocks = [make_block_params(ks[0], in_ch, Kc, Cc, Ct, N, T)]
    for i in range(1, nb_block):
        blocks.append(make_block_params(ks[i], Ct, Kc, Cc, Ct, N, T // strides))
    return {'blocks': blocks, 'final_w': _g(ks[-1], (P, T // strides, 1, Ct)), 'final_b': jnp.zeros((P,), jnp.float32)}

def conv2d(x, w, b, stride, padding):
    y = jax.lax.conv_general_dilated(x, w, window_strides=stride, padding=padding, dimension_numbers=('NCHW', 'OIHW', 'NCHW'))
    return y + b[None, :, None, None]

def layer_norm(x, g, b, eps=1e-5):
    mu = jnp.mean(x, axis=-1, keepdims=True)
    var = jnp.var(x, axis=-1, keepdims=True)
    return (x - mu) / jnp.sqrt(var + eps) * g + b

def temporal_attention(p, X):
    Xp = jnp.transpose(X, (0, 3, 2, 1))
    LHS = jnp.matmul(jnp.matmul(Xp, p['U1']), p['U2'])
    RHS = jnp.matmul(p['U3'], X)
    E = jnp.matmul(LHS, RHS)
    E = jnp.matmul(p['Ve'], jax.nn.sigmoid(E + p['be']))
    return jax.nn.softmax(E, axis=1)

def spatial_attention(p, X):
    LHS = jnp.matmul(jnp.matmul(X, p['W1']), p['W2'])
    RHS = jnp.swapaxes(jnp.matmul(p['W3'], X), -1, -2)
    S = jnp.matmul(LHS, RHS)
    S = jnp.matmul(p['Vs'], jax.nn.sigmoid(S + p['bs']))
    return jax.nn.softmax(S, axis=1)

def compute_cheb_norm(edge_index, num_nodes):
    row, col = edge_index[0], edge_index[1]
    mask = (row != col).astype(jnp.float32)
    deg = jnp.zeros((num_nodes,), jnp.float32).at[row].add(mask)
    dinv = jnp.where(deg > 0, 1.0 / jnp.sqrt(jnp.where(deg > 0, deg, 1.0)), 0.0)
    return -dinv[row] * dinv[col] * mask

def cheb_conv_attention(p, x, edge_index, norm, att):
    row, col = edge_index[0], edge_index[1]
    att_norm = norm[None, :] * att[:, row, col]
    d = jnp.diagonal(att, axis1=1, axis2=2)
    Tx0 = d[:, :, None] * x
    W = p['cheb_w']
    out = jnp.matmul(Tx0, W[0])
    def prop(h):
        msg = att_norm[:, :, None] * h[:, row, :]
        return jnp.zeros_like(h).at[:, col, :].add(msg)
    Tx1 = Tx0
    if W.shape[0] > 1:
        Tx1 = prop(Tx0)
        out = out + jnp.matmul(Tx1, W[1])
    for k in range(2, W.shape[0]):
        Tx2 = 2.0 * prop(Tx1) - Tx0
        out = out + jnp.matmul(Tx2, W[k])
        Tx0, Tx1 = Tx1, Tx2
    return out + p['cheb_b']

def astgcn_block(p, X, edge_index, norm, strides):
    B, N, F, T = X.shape
    Et = temporal_attention(p, X)
    Xt = jnp.matmul(X.reshape(B, N * F, T), Et).reshape(B, N, F, T)
    S = spatial_attention(p, Xt)
    data = [cheb_conv_attention(p, X[:, :, :, t], edge_index, norm, S) for t in range(T)]
    Xhat = jax.nn.relu(jnp.stack(data, axis=-1))
    Xh = conv2d(jnp.transpose(Xhat, (0, 2, 1, 3)), p['time_w'], p['time_b'], (1, strides), ((0, 0), (1, 1)))
    Xr = conv2d(jnp.transpose(X, (0, 2, 1, 3)), p['res_w'], p['res_b'], (1, strides), ((0, 0), (0, 0)))
    Z = jnp.transpose(jax.nn.relu(Xr + Xh), (0, 3, 2, 1))
    Z = layer_norm(Z, p['ln_g'], p['ln_b'])
    return jnp.transpose(Z, (0, 2, 3, 1))

def astgcn_forward(p, X, edge_index, norm, time_strides):
    X = astgcn_block(p['blocks'][0], X, edge_index, norm, time_strides)
    for bp in p['blocks'][1:]:
        X = astgcn_block(bp, X, edge_index, norm, 1)
    Y = conv2d(jnp.transpose(X, (0, 3, 1, 2)), p['final_w'], p['final_b'], (1, 1), ((0, 0), (0, 0)))
    Y = Y[:, :, :, -1]
    return jnp.transpose(Y, (0, 2, 1))

def model_forward(params, x, edge_index):
    norm = compute_cheb_norm(edge_index, x.shape[1])
    h = astgcn_forward(params['astgcn1'], x, edge_index, norm, TIME_STRIDES)
    h = jax.nn.relu(h)
    B, N, P = h.shape
    h = h.reshape(B, N, IN_CHANNELS, P)
    h = astgcn_forward(params['astgcn2'], h, edge_index, norm, TIME_STRIDES)
    h = jax.nn.relu(h)
    y = jnp.matmul(h[..., None], jnp.transpose(params['lin_w'])) + params['lin_b']
    return y

def setup_inputs(seed: int = 0):
    key = jax.random.key(seed)
    k1, k2, k3, k4, k5 = jax.random.split(key, 5)
    x = jax.random.normal(k1, (BATCH, NUM_VERTICES, IN_CHANNELS, LEN_INPUT), dtype=jnp.float32)
    edge_index = jax.random.randint(k2, (2, NUM_EDGES), 0, NUM_VERTICES, dtype=jnp.int32)
    params = {'astgcn1': make_astgcn_params(k3, IN_CHANNELS, K, NB_CHEV, NB_TIME, TIME_STRIDES, NUM_PREDICT, LEN_INPUT, NUM_VERTICES, NB_BLOCK), 'astgcn2': make_astgcn_params(k4, IN_CHANNELS, K, NB_CHEV, NB_TIME, TIME_STRIDES, NUM_PREDICT, NUM_PREDICT, NUM_VERTICES, NB_BLOCK), 'lin_w': _g(k5, (1, 1)), 'lin_b': jnp.zeros((1,), jnp.float32)}
    return {'x': x, 'edge_index': edge_index, 'params': params}

def reference(x, edge_index, params):
    return model_forward(params, x, edge_index)

if __name__ == "__main__":
    import jax
    _d = setup_inputs()
    print(jax.jit(kernel)(*tuple(_d.values())))

</pallas_src>

<mosaic_0001>
#map = affine_map<(d0, d1) -> (0)>
module attributes {stable_mosaic.version = 14 : i64} {
  func.func @_edge_sc_body(%arg0: i32, %arg1: i32, %arg2: memref<9824xi32, #tpu.memory_space<hbm>>, %arg3: memref<117888xf32, #tpu.memory_space<hbm>>, %arg4: memref<9824xi32, #tpu.memory_space<vmem>>, %arg5: memref<320xf32, #tpu.memory_space<vmem>>, %arg6: memref<320xf32, #tpu.memory_space<vmem>>, %arg7: memref<117888xf32, #tpu.memory_space<vmem>>) attributes {dimension_semantics = [#tpu.dimension_semantics<core_parallel>, #tpu.dimension_semantics<subcore_parallel>], iteration_bounds = array<i64: 2, 16>, scalar_prefetch = 0 : i64, scratch_operands = 4 : i64, tpu.core_type = #tpu.core_type<sc_vector_subcore>, window_params = [{transform_indices = #map}, {transform_indices = #map}]} {
    %mul3A = arith.constant 16 : i32
    %mul3A_0 = arith.muli %arg0, %mul3A : i32
    %add3A = arith.addi %mul3A_0, %arg1 : i32
    %eq3A = arith.constant 0 : i32
    %eq3A_1 = arith.cmpi eq, %add3A, %eq3A : i32
    %convert_element_type3A = arith.extui %eq3A_1 : i1 to i32
    %cond3A = arith.constant 0 : i32
    %cond3A_2 = arith.cmpi ne, %convert_element_type3A, %cond3A : i32
    scf.if %cond3A_2 {
      "tpu.region"() ({
        %run_scoped3A = tpu.sem_alloc : memref<!tpu.dma_semaphore, #tpu.memory_space<semaphore_mem>>
        tpu.enqueue_dma source(%arg2 : memref<9824xi32, #tpu.memory_space<hbm>>) target(%arg4 : memref<9824xi32, #tpu.memory_space<vmem>>) target_semaphore(%run_scoped3A : memref<!tpu.dma_semaphore, #tpu.memory_space<semaphore_mem>>)
        tpu.wait_dma2 semaphore(%run_scoped3A : memref<!tpu.dma_semaphore, #tpu.memory_space<semaphore_mem>>) src(%arg2 : memref<9824xi32, #tpu.memory_space<hbm>>) dst(%arg4 : memref<9824xi32, #tpu.memory_space<vmem>>)
        tpu.yield
      }) : () -> ()
      %broadcast_in_dim3A = arith.constant 0.000000e+00 : f32
      %broadcast_in_dim3A_3 = vector.broadcast %broadcast_in_dim3A : f32 to vector<16xf32>
      %swap3A = arith.constant 0 : index
      %swap3A_4 = tpu.vector_load %arg5[%swap3A] {strides = array<i32>} : memref<320xf32, #tpu.memory_space<vmem>>, vector<16xf32>,
      tpu.vector_store %arg5[%swap3A], %broadcast_in_dim3A_3 {strides = array<i32>} : memref<320xf32, #tpu.memory_space<vmem>>, vector<16xf32>,
      %broadcast_in_dim3A_5 = arith.constant 0.000000e+00 : f32
      %broadcast_in_dim3A_6 = vector.broadcast %broadcast_in_dim3A_5 : f32 to vector<16xf32>
      %swap3A_7 = arith.constant 16 : index
      %swap3A_8 = tpu.vector_load %arg5[%swap3A_7] {strides = array<i32>} : memref<320xf32, #tpu.memory_space<vmem>>, vector<16xf32>,
      tpu.vector_store %arg5[%swap3A_7], %broadcast_in_dim3A_6 {strides = array<i32>} : memref<320xf32, #tpu.memory_space<vmem>>, vector<16xf32>,
      %broadcast_in_dim3A_9 = arith.constant 0.000000e+00 : f32
      %broadcast_in_dim3A_10 = vector.broadcast %broadcast_in_dim3A_9 : f32 to vector<16xf32>
      %swap3A_11 = arith.constant 32 : index
      %swap3A_12 = tpu.vector_load %arg5[%swap3A_11] {strides = array<i32>} : memref<320xf32, #tpu.memory_space<vmem>>, vector<16xf32>,
      tpu.vector_store %arg5[%swap3A_11], %broadcast_in_dim3A_10 {strides = array<i32>} : memref<320xf32, #tpu.memory_space<vmem>>, vector<16xf32>,
      %broadcast_in_dim3A_13 = arith.constant 0.000000e+00 : f32
      %broadcast_in_dim3A_14 = vector.broadcast %broadcast_in_dim3A_13 : f32 to vector<16xf32>
      %swap3A_15 = arith.constant 48 : index
      %swap3A_16 = tpu.vector_load %arg5[%swap3A_15] {strides = array<i32>} : memref<320xf32, #tpu.memory_space<vmem>>, vector<16xf32>,
      tpu.vector_store %arg5[%swap3A_15], %broadcast_in_dim3A_14 {strides = array<i32>} : memref<320xf32, #tpu.memory_space<vmem>>, vector<16xf32>,
      %broadcast_in_dim3A_17 = arith.constant 0.000000e+00 : f32
      %broadcast_in_dim3A_18 = vector.broadcast %broadcast_in_dim3A_17 : f32 to vector<16xf32>
      %swap3A_19 = arith.constant 64 : index
      %swap3A_20 = tpu.vector_load %arg5[%swap3A_19] {strides = array<i32>} : memref<320xf32, #tpu.memory_space<vmem>>, vector<16xf32>,
      tpu.vector_store %arg5[%swap3A_19], %broadcast_in_dim3A_18 {strides = array<i32>} : memref<320xf32, #tpu.memory_space<vmem>>, vector<16xf32>,
      %broadcast_in_dim3A_21 = arith.constant 0.000000e+00 : f32
      %broadcast_in_dim3A_22 = vector.broadcast %broadcast_in_dim3A_21 : f32 to vector<16xf32>
      %swap3A_23 = arith.constant 80 : index
      %swap3A_24 = tpu.vector_load %arg5[%swap3A_23] {strides = array<i32>} : memref<320xf32, #tpu.memory_space<vmem>>, vector<16xf32>,
      tpu.vector_store %arg5[%swap3A_23], %broadcast_in_dim3A_22 {strides = array<i32>} : memref<320xf32, #tpu.memory_space<vmem>>, vector<16xf32>,
      %broadcast_in_dim3A_25 = arith.constant 0.000000e+00 : f32
      %broadcast_in_dim3A_26 = vector.broadcast %broadcast_in_dim3A_25 : f32 to vector<16xf32>
      %swap3A_27 = arith.constant 96 : index
      %swap3A_28 = tpu.vector_load %arg5[%swap3A_27] {strides = array<i32>} : memref<320xf32, #tpu.memory_space<vmem>>, vector<16xf32>,
      tpu.vector_store %arg5[%swap3A_27], %broadcast_in_dim3A_26 {strides = array<i32>} : memref<320xf32, #tpu.memory_space<vmem>>, vector<16xf32>,
      %broadcast_in_dim3A_29 = arith.constant 0.000000e+00 : f32
      %broadcast_in_dim3A_30 = vector.broadcast %broadcast_in_dim3A_29 : f32 to vector<16xf32>
      %swap3A_31 = arith.constant 112 : index
      %swap3A_32 = tpu.vector_load %arg5[%swap3A_31] {strides = array<i32>} : memref<320xf32, #tpu.memory_space<vmem>>, vector<16xf32>,
      tpu.vector_store %arg5[%swap3A_31], %broadcast_in_dim3A_30 {strides = array<i32>} : memref<320xf32, #tpu.memory_space<vmem>>, vector<16xf32>,
      %broadcast_in_dim3A_33 = arith.constant 0.000000e+00 : f32
      %broadcast_in_dim3A_34 = vector.broadcast %broadcast_in_dim3A_33 : f32 to vector<16xf32>
      %swap3A_35 = arith.constant 128 : index
      %swap3A_36 = tpu.vector_load %arg5[%swap3A_35] {strides = array<i32>} : memref<320xf32, #tpu.memory_space<vmem>>, vector<16xf32>,
      tpu.vector_store %arg5[%swap3A_35], %broadcast_in_dim3A_34 {strides = array<i32>} : memref<320xf32, #tpu.memory_space<vmem>>, vector<16xf32>,
      %broadcast_in_dim3A_37 = arith.constant 0.000000e+00 : f32
      %broadcast_in_dim3A_38 = vector.broadcast %broadcast_in_dim3A_37 : f32 to vector<16xf32>
      %swap3A_39 = arith.constant 144 : index
      %swap3A_40 = tpu.vector_load %arg5[%swap3A_39] {strides = array<i32>} : memref<320xf32, #tpu.memory_space<vmem>>, vector<16xf32>,
      tpu.vector_store %arg5[%swap3A_39], %broadcast_in_dim3A_38 {strides = array<i32>} : memref<320xf32, #tpu.memory_space<vmem>>, vector<16xf32>,
      %broadcast_in_dim3A_41 = arith.constant 0.000000e+00 : f32
      %broadcast_in_dim3A_42 = vector.broadcast %broadcast_in_dim3A_41 : f32 to vector<16xf32>
      %swap3A_43 = arith.constant 160 : index
      %swap3A_44 = tpu.vector_load %arg5[%swap3A_43] {strides = array<i32>} : memref<320xf32, #tpu.memory_space<vmem>>, vector<16xf32>,
      tpu.vector_store %arg5[%swap3A_43], %broadcast_in_dim3A_42 {strides = array<i32>} : memref<320xf32, #tpu.memory_space<vmem>>, vector<16xf32>,
      %broadcast_in_dim3A_45 = arith.constant 0.000000e+00 : f32
      %broadcast_in_dim3A_46 = vector.broadcast %broadcast_in_dim3A_45 : f32 to vector<16xf32>
      %swap3A_47 = arith.constant 176 : index
      %swap3A_48 = tpu.vector_load %arg5[%swap3A_47] {strides = array<i32>} : memref<320xf32, #tpu.memory_space<vmem>>, vector<16xf32>,
      tpu.vector_store %arg5[%swap3A_47], %broadcast_in_dim3A_46 {strides = array<i32>} : memref<320xf32, #tpu.memory_space<vmem>>, vector<16xf32>,
      %broadcast_in_dim3A_49 = arith.constant 0.000000e+00 : f32
      %broadcast_in_dim3A_50 = vector.broadcast %broadcast_in_dim3A_49 : f32 to vector<16xf32>
      %swap3A_51 = arith.constant 192 : index
      %swap3A_52 = tpu.vector_load %arg5[%swap3A_51] {strides = array<i32>} : memref<320xf32, #tpu.memory_space<vmem>>, vector<16xf32>,
      tpu.vector_store %arg5[%swap3A_51], %broadcast_in_dim3A_50 {strides = array<i32>} : memref<320xf32, #tpu.memory_space<vmem>>, vector<16xf32>,
      %broadcast_in_dim3A_53 = arith.constant 0.000000e+00 : f32
      %broadcast_in_dim3A_54 = vector.broadcast %broadcast_in_dim3A_53 : f32 to vector<16xf32>
      %swap3A_55 = arith.constant 208 : index
      %swap3A_56 = tpu.vector_load %arg5[%swap3A_55] {strides = array<i32>} : memref<320xf32, #tpu.memory_space<vmem>>, vector<16xf32>,
      tpu.vector_store %arg5[%swap3A_55], %broadcast_in_dim3A_54 {strides = array<i32>} : memref<320xf32, #tpu.memory_space<vmem>>, vector<16xf32>,
      %broadcast_in_dim3A_57 = arith.constant 0.000000e+00 : f32
      %broadcast_in_dim3A_58 = vector.broadcast %broadcast_in_dim3A_57 : f32 to vector<16xf32>
      %swap3A_59 = arith.constant 224 : index
      %swap3A_60 = tpu.vector_load %arg5[%swap3A_59] {strides = array<i32>} : memref<320xf32, #tpu.memory_space<vmem>>, vector<16xf32>,
      tpu.vector_store %arg5[%swap3A_59], %broadcast_in_dim3A_58 {strides = array<i32>} : memref<320xf32, #tpu.memory_space<vmem>>, vector<16xf32>,
      %broadcast_in_dim3A_61 = arith.constant 0.000000e+00 : f32
      %broadcast_in_dim3A_62 = vector.broadcast %broadcast_in_dim3A_61 : f32 to vector<16xf32>
      %swap3A_63 = arith.constant 240 : index
      %swap3A_64 = tpu.vector_load %arg5[%swap3A_63] {strides = array<i32>} : memref<320xf32, #tpu.memory_space<vmem>>, vector<16xf32>,
      tpu.vector_store %arg5[%swap3A_63], %broadcast_in_dim3A_62 {strides = array<i32>} : memref<320xf32, #tpu.memory_space<vmem>>, vector<16xf32>,
      %broadcast_in_dim3A_65 = arith.constant 0.000000e+00 : f32
      %broadcast_in_dim3A_66 = vector.broadcast %broadcast_in_dim3A_65 : f32 to vector<16xf32>
      %swap3A_67 = arith.constant 256 : index
      %swap3A_68 = tpu.vector_load %arg5[%swap3A_67] {strides = array<i32>} : memref<320xf32, #tpu.memory_space<vmem>>, vector<16xf32>,
      tpu.vector_store %arg5[%swap3A_67], %broadcast_in_dim3A_66 {strides = array<i32>} : memref<320xf32, #tpu.memory_space<vmem>>, vector<16xf32>,
      %broadcast_in_dim3A_69 = arith.constant 0.000000e+00 : f32
      %broadcast_in_dim3A_70 = vector.broadcast %broadcast_in_dim3A_69 : f32 to vector<16xf32>
      %swap3A_71 = arith.constant 272 : index
      %swap3A_72 = tpu.vector_load %arg5[%swap3A_71] {strides = array<i32>} : memref<320xf32, #tpu.memory_space<vmem>>, vector<16xf32>,
      tpu.vector_store %arg5[%swap3A_71], %broadcast_in_dim3A_70 {strides = array<i32>} : memref<320xf32, #tpu.memory_space<vmem>>, vector<16xf32>,
      %broadcast_in_dim3A_73 = arith.constant 0.000000e+00 : f32
      %broadcast_in_dim3A_74 = vector.broadcast %broadcast_in_dim3A_73 : f32 to vector<16xf32>
      %swap3A_75 = arith.constant 288 : index
      %swap3A_76 = tpu.vector_load %arg5[%swap3A_75] {strides = array<i32>} : memref<320xf32, #tpu.memory_space<vmem>>, vector<16xf32>,
      tpu.vector_store %arg5[%swap3A_75], %broadcast_in_dim3A_74 {strides = array<i32>} : memref<320xf32, #tpu.memory_space<vmem>>, vector<16xf32>,
      %broadcast_in_dim3A_77 = arith.constant 0.000000e+00 : f32
      %broadcast_in_dim3A_78 = vector.broadcast %broadcast_in_dim3A_77 : f32 to vector<16xf32>
      %swap3A_79 = arith.constant 304 : index
      %swap3A_80 = tpu.vector_load %arg5[%swap3A_79] {strides = array<i32>} : memref<320xf32, #tpu.memory_space<vmem>>, vector<16xf32>,
      tpu.vector_store %arg5[%swap3A_79], %broadcast_in_dim3A_78 {strides = array<i32>} : memref<320xf32, #tpu.memory_space<vmem>>, vector<16xf32>,
      %scan3A = arith.constant 0 : i32
      %scan3A_81 = arith.constant 0 : i32
      %scan3A_82 = arith.constant 307 : i32
      %scan3A_83 = arith.addi %scan3A_81, %scan3A_82 : i32
      %scan3A_84 = arith.constant 1 : i32
      scf.for %scan3A_1171 = %scan3A_81 to %scan3A_83 step %scan3A_84  : i32 {
        %mul3A_1172 = arith.constant 16 : i32
        %mul3A_1173 = arith.muli %scan3A_1171, %mul3A_1172 : i32
        %get3A_1174 = arith.index_cast %mul3A_1173 : i32 to index
        %get3A_1175 = tpu.vector_load %arg4[%get3A_1174] {strides = array<i32>} : memref<9824xi32, #tpu.memory_space<vmem>>, vector<16xi32>,
        %mul3A_1176 = arith.constant 16 : i32
        %mul3A_1177 = arith.muli %scan3A_1171, %mul3A_1176 : i32
        %add3A_1178 = arith.constant 4912 : i32
        %add3A_1179 = arith.addi %add3A_1178, %mul3A_1177 : i32
        %get3A_1180 = arith.index_cast %add3A_1179 : i32 to index
        %get3A_1181 = tpu.vector_load %arg4[%get3A_1180] {strides = array<i32>} : memref<9824xi32, #tpu.memory_space<vmem>>, vector<16xi32>,
        %ne3A = arith.cmpi ne, %get3A_1175, %get3A_1181 : vector<16xi32>
        %jit3A_1182 = arith.constant 1.000000e+00 : f32
        %jit3A_1183 = arith.constant 0.000000e+00 : f32
        %broadcast_in_dim3A_1184 = vector.broadcast %jit3A_1182 : f32 to vector<16xf32>
        %broadcast_in_dim3A_1185 = vector.broadcast %jit3A_1183 : f32 to vector<16xf32>
        %select_n3A_1186 = arith.select %ne3A, %broadcast_in_dim3A_1184, %broadcast_in_dim3A_1185 : vector<16xi1>, vector<16xf32>
        tpu.vector_store_idx %arg5[%get3A_1175], %select_n3A_1186 {add = true} : memref<320xf32, #tpu.memory_space<vmem>>[vector<16xi32>], vector<16xf32>,
      }
      %scan3A_85 = arith.constant 307 : i32
      %get3A = arith.constant 0 : index
      %get3A_86 = tpu.vector_load %arg5[%get3A] {strides = array<i32>} : memref<320xf32, #tpu.memory_space<vmem>>, vector<16xf32>,
      %bitcast3A = vector.bitcast %get3A_86 : vector<16xf32> to vector<16xi32>
      %shift_right_arithmetic3A = arith.constant 1 : i32
      %shift_right_arithmetic3A_87 = vector.broadcast %shift_right_arithmetic3A : i32 to vector<16xi32>
      %shift_right_arithmetic3A_88 = arith.shrsi %bitcast3A, %shift_right_arithmetic3A_87 : vector<16xi32>
      %sub3A = arith.constant 1597463007 : i32
      %sub3A_89 = vector.broadcast %sub3A : i32 to vector<16xi32>
      %sub3A_90 = arith.subi %sub3A_89, %shift_right_arithmetic3A_88 : vector<16xi32>
      %bitcast3A_91 = vector.bitcast %sub3A_90 : vector<16xi32> to vector<16xf32>
      %mul3A_92 = arith.constant 5.000000e-01 : f32
      %mul3A_93 = vector.broadcast %mul3A_92 : f32 to vector<16xf32>
      %mul3A_94 = arith.mulf %mul3A_93, %get3A_86 : vector<16xf32>
      %mul3A_95 = arith.mulf %mul3A_94, %bitcast3A_91 : vector<16xf32>
      %mul3A_96 = arith.mulf %mul3A_95, %bitcast3A_91 : vector<16xf32>
      %sub3A_97 = arith.constant 1.500000e+00 : f32
      %sub3A_98 = vector.broadcast %sub3A_97 : f32 to vector<16xf32>
      %sub3A_99 = arith.subf %sub3A_98, %mul3A_96 : vector<16xf32>
      %mul3A_100 = arith.mulf %bitcast3A_91, %sub3A_99 : vector<16xf32>
      %mul3A_101 = arith.constant 5.000000e-01 : f32
      %mul3A_102 = vector.broadcast %mul3A_101 : f32 to vector<16xf32>
      %mul3A_103 = arith.mulf %mul3A_102, %get3A_86 : vector<16xf32>
      %mul3A_104 = arith.mulf %mul3A_103, %mul3A_100 : vector<16xf32>
      %mul3A_105 = arith.mulf %mul3A_104, %mul3A_100 : vector<16xf32>
      %sub3A_106 = arith.constant 1.500000e+00 : f32
      %sub3A_107 = vector.broadcast %sub3A_106 : f32 to vector<16xf32>
      %sub3A_108 = arith.subf %sub3A_107, %mul3A_105 : vector<16xf32>
      %mul3A_109 = arith.mulf %mul3A_100, %sub3A_108 : vector<16xf32>
      %mul3A_110 = arith.constant 5.000000e-01 : f32
      %mul3A_111 = vector.broadcast %mul3A_110 : f32 to vector<16xf32>
      %mul3A_112 = arith.mulf %mul3A_111, %get3A_86 : vector<16xf32>
      %mul3A_113 = arith.mulf %mul3A_112, %mul3A_109 : vector<16xf32>
      %mul3A_114 = arith.mulf %mul3A_113, %mul3A_109 : vector<16xf32>
      %sub3A_115 = arith.constant 1.500000e+00 : f32
      %sub3A_116 = vector.broadcast %sub3A_115 : f32 to vector<16xf32>
      %sub3A_117 = arith.subf %sub3A_116, %mul3A_114 : vector<16xf32>
      %mul3A_118 = arith.mulf %mul3A_109, %sub3A_117 : vector<16xf32>
      %mul3A_119 = arith.constant 5.000000e-01 : f32
      %mul3A_120 = vector.broadcast %mul3A_119 : f32 to vector<16xf32>
      %mul3A_121 = arith.mulf %mul3A_120, %get3A_86 : vector<16xf32>
      %mul3A_122 = arith.mulf %mul3A_121, %mul3A_118 : vector<16xf32>
      %mul3A_123 = arith.mulf %mul3A_122, %mul3A_118 : vector<16xf32>
      %sub3A_124 = arith.constant 1.500000e+00 : f32
      %sub3A_125 = vector.broadcast %sub3A_124 : f32 to vector<16xf32>
      %sub3A_126 = arith.subf %sub3A_125, %mul3A_123 : vector<16xf32>
      %mul3A_127 = arith.mulf %mul3A_118, %sub3A_126 : vector<16xf32>
      %gt3A = arith.constant 5.000000e-01 : f32
      %gt3A_128 = vector.broadcast %gt3A : f32 to vector<16xf32>
      %gt3A_129 = arith.cmpf ogt, %get3A_86, %gt3A_128 : vector<16xf32>
      %jit3A = arith.constant 0.000000e+00 : f32
      %broadcast_in_dim3A_130 = vector.broadcast %jit3A : f32 to vector<16xf32>
      %select_n3A = arith.select %gt3A_129, %mul3A_127, %broadcast_in_dim3A_130 : vector<16xi1>, vector<16xf32>
      %swap3A_131 = arith.constant 0 : index
      %swap3A_132 = tpu.vector_load %arg6[%swap3A_131] {strides = array<i32>} : memref<320xf32, #tpu.memory_space<vmem>>, vector<16xf32>,
      tpu.vector_store %arg6[%swap3A_131], %select_n3A {strides = array<i32>} : memref<320xf32, #tpu.memory_space<vmem>>, vector<16xf32>,
      %get3A_133 = arith.constant 16 : index
      %get3A_134 = tpu.vector_load %arg5[%get3A_133] {strides = array<i32>} : memref<320xf32, #tpu.memory_space<vmem>>, vector<16xf32>,
      %bitcast3A_135 = vector.bitcast %get3A_134 : vector<16xf32> to vector<16xi32>
      %shift_right_arithmetic3A_136 = arith.constant 1 : i32
      %shift_right_arithmetic3A_137 = vector.broadcast %shift_right_arithmetic3A_136 : i32 to vector<16xi32>
      %shift_right_arithmetic3A_138 = arith.shrsi %bitcast3A_135, %shift_right_arithmetic3A_137 : vector<16xi32>
      %sub3A_139 = arith.constant 1597463007 : i32
      %sub3A_140 = vector.broadcast %sub3A_139 : i32 to vector<16xi32>
      %sub3A_141 = arith.subi %sub3A_140, %shift_right_arithmetic3A_138 : vector<16xi32>
      %bitcast3A_142 = vector.bitcast %sub3A_141 : vector<16xi32> to vector<16xf32>
      %mul3A_143 = arith.constant 5.000000e-01 : f32
      %mul3A_144 = vector.broadcast %mul3A_143 : f32 to vector<16xf32>
      %mul3A_145 = arith.mulf %mul3A_144, %get3A_134 : vector<16xf32>
      %mul3A_146 = arith.mulf %mul3A_145, %bitcast3A_142 : vector<16xf32>
      %mul3A_147 = arith.mulf %mul3A_146, %bitcast3A_142 : vector<16xf32>
      %sub3A_148 = arith.constant 1.500000e+00 : f32
      %sub3A_149 = vector.broadcast %sub3A_148 : f32 to vector<16xf32>
      %sub3A_150 = arith.subf %sub3A_149, %mul3A_147 : vector<16xf32>
      %mul3A_151 = arith.mulf %bitcast3A_142, %sub3A_150 : vector<16xf32>
      %mul3A_152 = arith.constant 5.000000e-01 : f32
      %mul3A_153 = vector.broadcast %mul3A_152 : f32 to vector<16xf32>
      %mul3A_154 = arith.mulf %mul3A_153, %get3A_134 : vector<16xf32>
      %mul3A_155 = arith.mulf %mul3A_154, %mul3A_151 : vector<16xf32>
      %mul3A_156 = arith.mulf %mul3A_155, %mul3A_151 : vector<16xf32>
      %sub3A_157 = arith.constant 1.500000e+00 : f32
      %sub3A_158 = vector.broadcast %sub3A_157 : f32 to vector<16xf32>
      %sub3A_159 = arith.subf %sub3A_158, %mul3A_156 : vector<16xf32>
      %mul3A_160 = arith.mulf %mul3A_151, %sub3A_159 : vector<16xf32>
      %mul3A_161 = arith.constant 5.000000e-01 : f32
      %mul3A_162 = vector.broadcast %mul3A_161 : f32 to vector<16xf32>
      %mul3A_163 = arith.mulf %mul3A_162, %get3A_134 : vector<16xf32>
      %mul3A_164 = arith.mulf %mul3A_163, %mul3A_160 : vector<16xf32>
      %mul3A_165 = arith.mulf %mul3A_164, %mul3A_160 : vector<16xf32>
      %sub3A_166 = arith.constant 1.500000e+00 : f32
      %sub3A_167 = vector.broadcast %sub3A_166 : f32 to vector<16xf32>
      %sub3A_168 = arith.subf %sub3A_167, %mul3A_165 : vector<16xf32>
      %mul3A_169 = arith.mulf %mul3A_160, %sub3A_168 : vector<16xf32>
      %mul3A_170 = arith.constant 5.000000e-01 : f32
      %mul3A_171 = vector.broadcast %mul3A_170 : f32 to vector<16xf32>
      %mul3A_172 = arith.mulf %mul3A_171, %get3A_134 : vector<16xf32>
      %mul3A_173 = arith.mulf %mul3A_172, %mul3A_169 : vector<16xf32>
      %mul3A_174 = arith.mulf %mul3A_173, %mul3A_169 : vector<16xf32>
      %sub3A_175 = arith.constant 1.500000e+00 : f32
      %sub3A_176 = vector.broadcast %sub3A_175 : f32 to vector<16xf32>
      %sub3A_177 = arith.subf %sub3A_176, %mul3A_174 : vector<16xf32>
      %mul3A_178 = arith.mulf %mul3A_169, %sub3A_177 : vector<16xf32>
      %gt3A_179 = arith.constant 5.000000e-01 : f32
      %gt3A_180 = vector.broadcast %gt3A_179 : f32 to vector<16xf32>
      %gt3A_181 = arith.cmpf ogt, %get3A_134, %gt3A_180 : vector<16xf32>
      %jit3A_182 = arith.constant 0.000000e+00 : f32
      %broadcast_in_dim3A_183 = vector.broadcast %jit3A_182 : f32 to vector<16xf32>
      %select_n3A_184 = arith.select %gt3A_181, %mul3A_178, %broadcast_in_dim3A_183 : vector<16xi1>, vector<16xf32>
      %swap3A_185 = arith.constant 16 : index
      %swap3A_186 = tpu.vector_load %arg6[%swap3A_185] {strides = array<i32>} : memref<320xf32, #tpu.memory_space<vmem>>, vector<16xf32>,
      tpu.vector_store %arg6[%swap3A_185], %select_n3A_184 {strides = array<i32>} : memref<320xf32, #tpu.memory_space<vmem>>, vector<16xf32>,
      %get3A_187 = arith.constant 32 : index
      %get3A_188 = tpu.vector_load %arg5[%get3A_187] {strides = array<i32>} : memref<320xf32, #tpu.memory_space<vmem>>, vector<16xf32>,
      %bitcast3A_189 = vector.bitcast %get3A_188 : vector<16xf32> to vector<16xi32>
      %shift_right_arithmetic3A_190 = arith.constant 1 : i32
      %shift_right_arithmetic3A_191 = vector.broadcast %shift_right_arithmetic3A_190 : i32 to vector<16xi32>
      %shift_right_arithmetic3A_192 = arith.shrsi %bitcast3A_189, %shift_right_arithmetic3A_191 : vector<16xi32>
      %sub3A_193 = arith.constant 1597463007 : i32
      %sub3A_194 = vector.broadcast %sub3A_193 : i32 to vector<16xi32>
      %sub3A_195 = arith.subi %sub3A_194, %shift_right_arithmetic3A_192 : vector<16xi32>
      %bitcast3A_196 = vector.bitcast %sub3A_195 : vector<16xi32> to vector<16xf32>
      %mul3A_197 = arith.constant 5.000000e-01 : f32
      %mul3A_198 = vector.broadcast %mul3A_197 : f32 to vector<16xf32>
      %mul3A_199 = arith.mulf %mul3A_198, %get3A_188 : vector<16xf32>
      %mul3A_200 = arith.mulf %mul3A_199, %bitcast3A_196 : vector<16xf32>
      %mul3A_201 = arith.mulf %mul3A_200, %bitcast3A_196 : vector<16xf32>
      %sub3A_202 = arith.constant 1.500000e+00 : f32
      %sub3A_203 = vector.broadcast %sub3A_202 : f32 to vector<16xf32>
      %sub3A_204 = arith.subf %sub3A_203, %mul3A_201 : vector<16xf32>
      %mul3A_205 = arith.mulf %bitcast3A_196, %sub3A_204 : vector<16xf32>
      %mul3A_206 = arith.constant 5.000000e-01 : f32
      %mul3A_207 = vector.broadcast %mul3A_206 : f32 to vector<16xf32>
      %mul3A_208 = arith.mulf %mul3A_207, %get3A_188 : vector<16xf32>
      %mul3A_209 = arith.mulf %mul3A_208, %mul3A_205 : vector<16xf32>
      %mul3A_210 = arith.mulf %mul3A_209, %mul3A_205 : vector<16xf32>
      %sub3A_211 = arith.constant 1.500000e+00 : f32
      %sub3A_212 = vector.broadcast %sub3A_211 : f32 to vector<16xf32>
      %sub3A_213 = arith.subf %sub3A_212, %mul3A_210 : vector<16xf32>
      %mul3A_214 = arith.mulf %mul3A_205, %sub3A_213 : vector<16xf32>
      %mul3A_215 = arith.constant 5.000000e-01 : f32
      %mul3A_216 = vector.broadcast %mul3A_215 : f32 to vector<16xf32>
      %mul3A_217 = arith.mulf %mul3A_216, %get3A_188 : vector<16xf32>
      %mul3A_218 = arith.mulf %mul3A_217, %mul3A_214 : vector<16xf32>
      %mul3A_219 = arith.mulf %mul3A_218, %mul3A_214 : vector<16xf32>
      %sub3A_220 = arith.constant 1.500000e+00 : f32
      %sub3A_221 = vector.broadcast %sub3A_220 : f32 to vector<16xf32>
      %sub3A_222 = arith.subf %sub3A_221, %mul3A_219 : vector<16xf32>
      %mul3A_223 = arith.mulf %mul3A_214, %sub3A_222 : vector<16xf32>
      %mul3A_224 = arith.constant 5.000000e-01 : f32
      %mul3A_225 = vector.broadcast %mul3A_224 : f32 to vector<16xf32>
      %mul3A_226 = arith.mulf %mul3A_225, %get3A_188 : vector<16xf32>
      %mul3A_227 = arith.mulf %mul3A_226, %mul3A_223 : vector<16xf32>
      %mul3A_228 = arith.mulf %mul3A_227, %mul3A_223 : vector<16xf32>
      %sub3A_229 = arith.constant 1.500000e+00 : f32
      %sub3A_230 = vector.broadcast %sub3A_229 : f32 to vector<16xf32>
      %sub3A_231 = arith.subf %sub3A_230, %mul3A_228 : vector<16xf32>
      %mul3A_232 = arith.mulf %mul3A_223, %sub3A_231 : vector<16xf32>
      %gt3A_233 = arith.constant 5.000000e-01 : f32
      %gt3A_234 = vector.broadcast %gt3A_233 : f32 to vector<16xf32>
      %gt3A_235 = arith.cmpf ogt, %get3A_188, %gt3A_234 : vector<16xf32>
      %jit3A_236 = arith.constant 0.000000e+00 : f32
      %broadcast_in_dim3A_237 = vector.broadcast %jit3A_236 : f32 to vector<16xf32>
      %select_n3A_238 = arith.select %gt3A_235, %mul3A_232, %broadcast_in_dim3A_237 : vector<16xi1>, vector<16xf32>
      %swap3A_239 = arith.constant 32 : index
      %swap3A_240 = tpu.vector_load %arg6[%swap3A_239] {strides = array<i32>} : memref<320xf32, #tpu.memory_space<vmem>>, vector<16xf32>,
      tpu.vector_store %arg6[%swap3A_239], %select_n3A_238 {strides = array<i32>} : memref<320xf32, #tpu.memory_space<vmem>>, vector<16xf32>,
      %get3A_241 = arith.constant 48 : index
      %get3A_242 = tpu.vector_load %arg5[%get3A_241] {strides = array<i32>} : memref<320xf32, #tpu.memory_space<vmem>>, vector<16xf32>,
      %bitcast3A_243 = vector.bitcast %get3A_242 : vector<16xf32> to vector<16xi32>
      %shift_right_arithmetic3A_244 = arith.constant 1 : i32
      %shift_right_arithmetic3A_245 = vector.broadcast %shift_right_arithmetic3A_244 : i32 to vector<16xi32>
      %shift_right_arithmetic3A_246 = arith.shrsi %bitcast3A_243, %shift_right_arithmetic3A_245 : vector<16xi32>
      %sub3A_247 = arith.constant 1597463007 : i32
      %sub3A_248 = vector.broadcast %sub3A_247 : i32 to vector<16xi32>
      %sub3A_249 = arith.subi %sub3A_248, %shift_right_arithmetic3A_246 : vector<16xi32>
      %bitcast3A_250 = vector.bitcast %sub3A_249 : vector<16xi32> to vector<16xf32>
      %mul3A_251 = arith.constant 5.000000e-01 : f32
      %mul3A_252 = vector.broadcast %mul3A_251 : f32 to vector<16xf32>
      %mul3A_253 = arith.mulf %mul3A_252, %get3A_242 : vector<16xf32>
      %mul3A_254 = arith.mulf %mul3A_253, %bitcast3A_250 : vector<16xf32>
      %mul3A_255 = arith.mulf %mul3A_254, %bitcast3A_250 : vector<16xf32>
      %sub3A_256 = arith.constant 1.500000e+00 : f32
      %sub3A_257 = vector.broadcast %sub3A_256 : f32 to vector<16xf32>
      %sub3A_258 = arith.subf %sub3A_257, %mul3A_255 : vector<16xf32>
      %mul3A_259 = arith.mulf %bitcast3A_250, %sub3A_258 : vector<16xf32>
      %mul3A_260 = arith.constant 5.000000e-01 : f32
      %mul3A_261 = vector.broadcast %mul3A_260 : f32 to vector<16xf32>
      %mul3A_262 = arith.mulf %mul3A_261, %get3A_242 : vector<16xf32>
      %mul3A_263 = arith.mulf %mul3A_262, %mul3A_259 : vector<16xf32>
      %mul3A_264 = arith.mulf %mul3A_263, %mul3A_259 : vector<16xf32>
      %sub3A_265 = arith.constant 1.500000e+00 : f32
      %sub3A_266 = vector.broadcast %sub3A_265 : f32 to vector<16xf32>
      %sub3A_267 = arith.subf %sub3A_266, %mul3A_264 : vector<16xf32>
      %mul3A_268 = arith.mulf %mul3A_259, %sub3A_267 : vector<16xf32>
      %mul3A_269 = arith.constant 5.000000e-01 : f32
      %mul3A_270 = vector.broadcast %mul3A_269 : f32 to vector<16xf32>
      %mul3A_271 = arith.mulf %mul3A_270, %get3A_242 : vector<16xf32>
      %mul3A_272 = arith.mulf %mul3A_271, %mul3A_268 : vector<16xf32>
      %mul3A_273 = arith.mulf %mul3A_272, %mul3A_268 : vector<16xf32>
      %sub3A_274 = arith.constant 1.500000e+00 : f32
      %sub3A_275 = vector.broadcast %sub3A_274 : f32 to vector<16xf32>
      %sub3A_276 = arith.subf %sub3A_275, %mul3A_273 : vector<16xf32>
      %mul3A_277 = arith.mulf %mul3A_268, %sub3A_276 : vector<16xf32>
      %mul3A_278 = arith.constant 5.000000e-01 : f32
      %mul3A_279 = vector.broadcast %mul3A_278 : f32 to vector<16xf32>
      %mul3A_280 = arith.mulf %mul3A_279, %get3A_242 : vector<16xf32>
      %mul3A_281 = arith.mulf %mul3A_280, %mul3A_277 : vector<16xf32>
      %mul3A_282 = arith.mulf %mul3A_281, %mul3A_277 : vector<16xf32>
      %sub3A_283 = arith.constant 1.500000e+00 : f32
      %sub3A_284 = vector.broadcast %sub3A_283 : f32 to vector<16xf32>
      %sub3A_285 = arith.subf %sub3A_284, %mul3A_282 : vector<16xf32>
      %mul3A_286 = arith.mulf %mul3A_277, %sub3A_285 : vector<16xf32>
      %gt3A_287 = arith.constant 5.000000e-01 : f32
      %gt3A_288 = vector.broadcast %gt3A_287 : f32 to vector<16xf32>
      %gt3A_289 = arith.cmpf ogt, %get3A_242, %gt3A_288 : vector<16xf32>
      %jit3A_290 = arith.constant 0.000000e+00 : f32
      %broadcast_in_dim3A_291 = vector.broadcast %jit3A_290 : f32 to vector<16xf32>
      %select_n3A_292 = arith.select %gt3A_289, %mul3A_286, %broadcast_in_dim3A_291 : vector<16xi1>, vector<16xf32>
      %swap3A_293 = arith.constant 48 : index
      %swap3A_294 = tpu.vector_load %arg6[%swap3A_293] {strides = array<i32>} : memref<320xf32, #tpu.memory_space<vmem>>, vector<16xf32>,
      tpu.vector_store %arg6[%swap3A_293], %select_n3A_292 {strides = array<i32>} : memref<320xf32, #tpu.memory_space<vmem>>, vector<16xf32>,
      %get3A_295 = arith.constant 64 : index
      %get3A_296 = tpu.vector_load %arg5[%get3A_295] {strides = array<i32>} : memref<320xf32, #tpu.memory_space<vmem>>, vector<16xf32>,
      %bitcast3A_297 = vector.bitcast %get3A_296 : vector<16xf32> to vector<16xi32>
      %shift_right_arithmetic3A_298 = arith.constant 1 : i32
      %shift_right_arithmetic3A_299 = vector.broadcast %shift_right_arithmetic3A_298 : i32 to vector<16xi32>
      %shift_right_arithmetic3A_300 = arith.shrsi %bitcast3A_297, %shift_right_arithmetic3A_299 : vector<16xi32>
      %sub3A_301 = arith.constant 1597463007 : i32
      %sub3A_302 = vector.broadcast %sub3A_301 : i32 to vector<16xi32>
      %sub3A_303 = arith.subi %sub3A_302, %shift_right_arithmetic3A_300 : vector<16xi32>
      %bitcast3A_304 = vector.bitcast %sub3A_303 : vector<16xi32> to vector<16xf32>
      %mul3A_305 = arith.constant 5.000000e-01 : f32
      %mul3A_306 = vector.broadcast %mul3A_305 : f32 to vector<16xf32>
      %mul3A_307 = arith.mulf %mul3A_306, %get3A_296 : vector<16xf32>
      %mul3A_308 = arith.mulf %mul3A_307, %bitcast3A_304 : vector<16xf32>
      %mul3A_309 = arith.mulf %mul3A_308, %bitcast3A_304 : vector<16xf32>
      %sub3A_310 = arith.constant 1.500000e+00 : f32
      %sub3A_311 = vector.broadcast %sub3A_310 : f32 to vector<16xf32>
      %sub3A_312 = arith.subf %sub3A_311, %mul3A_309 : vector<16xf32>
      %mul3A_313 = arith.mulf %bitcast3A_304, %sub3A_312 : vector<16xf32>
      %mul3A_314 = arith.constant 5.000000e-01 : f32
      %mul3A_315 = vector.broadcast %mul3A_314 : f32 to vector<16xf32>
      %mul3A_316 = arith.mulf %mul3A_315, %get3A_296 : vector<16xf32>
      %mul3A_317 = arith.mulf %mul3A_316, %mul3A_313 : vector<16xf32>
      %mul3A_318 = arith.mulf %mul3A_317, %mul3A_313 : vector<16xf32>
      %sub3A_319 = arith.constant 1.500000e+00 : f32
      %sub3A_320 = vector.broadcast %sub3A_319 : f32 to vector<16xf32>
      %sub3A_321 = arith.subf %sub3A_320, %mul3A_318 : vector<16xf32>
      %mul3A_322 = arith.mulf %mul3A_313, %sub3A_321 : vector<16xf32>
      %mul3A_323 = arith.constant 5.000000e-01 : f32
      %mul3A_324 = vector.broadcast %mul3A_323 : f32 to vector<16xf32>
      %mul3A_325 = arith.mulf %mul3A_324, %get3A_296 : vector<16xf32>
      %mul3A_326 = arith.mulf %mul3A_325, %mul3A_322 : vector<16xf32>
      %mul3A_327 = arith.mulf %mul3A_326, %mul3A_322 : vector<16xf32>
      %sub3A_328 = arith.constant 1.500000e+00 : f32
      %sub3A_329 = vector.broadcast %sub3A_328 : f32 to vector<16xf32>
      %sub3A_330 = arith.subf %sub3A_329, %mul3A_327 : vector<16xf32>
      %mul3A_331 = arith.mulf %mul3A_322, %sub3A_330 : vector<16xf32>
      %mul3A_332 = arith.constant 5.000000e-01 : f32
      %mul3A_333 = vector.broadcast %mul3A_332 : f32 to vector<16xf32>
      %mul3A_334 = arith.mulf %mul3A_333, %get3A_296 : vector<16xf32>
      %mul3A_335 = arith.mulf %mul3A_334, %mul3A_331 : vector<16xf32>
      %mul3A_336 = arith.mulf %mul3A_335, %mul3A_331 : vector<16xf32>
      %sub3A_337 = arith.constant 1.500000e+00 : f32
      %sub3A_338 = vector.broadcast %sub3A_337 : f32 to vector<16xf32>
      %sub3A_339 = arith.subf %sub3A_338, %mul3A_336 : vector<16xf32>
      %mul3A_340 = arith.mulf %mul3A_331, %sub3A_339 : vector<16xf32>
      %gt3A_341 = arith.constant 5.000000e-01 : f32
      %gt3A_342 = vector.broadcast %gt3A_341 : f32 to vector<16xf32>
      %gt3A_343 = arith.cmpf ogt, %get3A_296, %gt3A_342 : vector<16xf32>
      %jit3A_344 = arith.constant 0.000000e+00 : f32
      %broadcast_in_dim3A_345 = vector.broadcast %jit3A_344 : f32 to vector<16xf32>
      %select_n3A_346 = arith.select %gt3A_343, %mul3A_340, %broadcast_in_dim3A_345 : vector<16xi1>, vector<16xf32>
      %swap3A_347 = arith.constant 64 : index
      %swap3A_348 = tpu.vector_load %arg6[%swap3A_347] {strides = array<i32>} : memref<320xf32, #tpu.memory_space<vmem>>, vector<16xf32>,
      tpu.vector_store %arg6[%swap3A_347], %select_n3A_346 {strides = array<i32>} : memref<320xf32, #tpu.memory_space<vmem>>, vector<16xf32>,
      %get3A_349 = arith.constant 80 : index
      %get3A_350 = tpu.vector_load %arg5[%get3A_349] {strides = array<i32>} : memref<320xf32, #tpu.memory_space<vmem>>, vector<16xf32>,
      %bitcast3A_351 = vector.bitcast %get3A_350 : vector<16xf32> to vector<16xi32>
      %shift_right_arithmetic3A_352 = arith.constant 1 : i32
      %shift_right_arithmetic3A_353 = vector.broadcast %shift_right_arithmetic3A_352 : i32 to vector<16xi32>
      %shift_right_arithmetic3A_354 = arith.shrsi %bitcast3A_351, %shift_right_arithmetic3A_353 : vector<16xi32>
      %sub3A_355 = arith.constant 1597463007 : i32
      %sub3A_356 = vector.broadcast %sub3A_355 : i32 to vector<16xi32>
      %sub3A_357 = arith.subi %sub3A_356, %shift_right_arithmetic3A_354 : vector<16xi32>
      %bitcast3A_358 = vector.bitcast %sub3A_357 : vector<16xi32> to vector<16xf32>
      %mul3A_359 = arith.constant 5.000000e-01 : f32
      %mul3A_360 = vector.broadcast %mul3A_359 : f32 to vector<16xf32>
      %mul3A_361 = arith.mulf %mul3A_360, %get3A_350 : vector<16xf32>
      %mul3A_362 = arith.mulf %mul3A_361, %bitcast3A_358 : vector<16xf32>
      %mul3A_363 = arith.mulf %mul3A_362, %bitcast3A_358 : vector<16xf32>
      %sub3A_364 = arith.constant 1.500000e+00 : f32
      %sub3A_365 = vector.broadcast %sub3A_364 : f32 to vector<16xf32>
      %sub3A_366 = arith.subf %sub3A_365, %mul3A_363 : vector<16xf32>
      %mul3A_367 = arith.mulf %bitcast3A_358, %sub3A_366 : vector<16xf32>
      %mul3A_368 = arith.constant 5.000000e-01 : f32
      %mul3A_369 = vector.broadcast %mul3A_368 : f32 to vector<16xf32>
      %mul3A_370 = arith.mulf %mul3A_369, %get3A_350 : vector<16xf32>
      %mul3A_371 = arith.mulf %mul3A_370, %mul3A_367 : vector<16xf32>
      %mul3A_372 = arith.mulf %mul3A_371, %mul3A_367 : vector<16xf32>
      %sub3A_373 = arith.constant 1.500000e+00 : f32
      %sub3A_374 = vector.broadcast %sub3A_373 : f32 to vector<16xf32>
      %sub3A_375 = arith.subf %sub3A_374, %mul3A_372 : vector<16xf32>
      %mul3A_376 = arith.mulf %mul3A_367, %sub3A_375 : vector<16xf32>
      %mul3A_377 = arith.constant 5.000000e-01 : f32
      %mul3A_378 = vector.broadcast %mul3A_377 : f32 to vector<16xf32>
      %mul3A_379 = arith.mulf %mul3A_378, %get3A_350 : vector<16xf32>
      %mul3A_380 = arith.mulf %mul3A_379, %mul3A_376 : vector<16xf32>
      %mul3A_381 = arith.mulf %mul3A_380, %mul3A_376 : vector<16xf32>
      %sub3A_382 = arith.constant 1.500000e+00 : f32
      %sub3A_383 = vector.broadcast %sub3A_382 : f32 to vector<16xf32>
      %sub3A_384 = arith.subf %sub3A_383, %mul3A_381 : vector<16xf32>
      %mul3A_385 = arith.mulf %mul3A_376, %sub3A_384 : vector<16xf32>
      %mul3A_386 = arith.constant 5.000000e-01 : f32
      %mul3A_387 = vector.broadcast %mul3A_386 : f32 to vector<16xf32>
      %mul3A_388 = arith.mulf %mul3A_387, %get3A_350 : vector<16xf32>
      %mul3A_389 = arith.mulf %mul3A_388, %mul3A_385 : vector<16xf32>
      %mul3A_390 = arith.mulf %mul3A_389, %mul3A_385 : vector<16xf32>
      %sub3A_391 = arith.constant 1.500000e+00 : f32
      %sub3A_392 = vector.broadcast %sub3A_391 : f32 to vector<16xf32>
      %sub3A_393 = arith.subf %sub3A_392, %mul3A_390 : vector<16xf32>
      %mul3A_394 = arith.mulf %mul3A_385, %sub3A_393 : vector<16xf32>
      %gt3A_395 = arith.constant 5.000000e-01 : f32
      %gt3A_396 = vector.broadcast %gt3A_395 : f32 to vector<16xf32>
      %gt3A_397 = arith.cmpf ogt, %get3A_350, %gt3A_396 : vector<16xf32>
      %jit3A_398 = arith.constant 0.000000e+00 : f32
      %broadcast_in_dim3A_399 = vector.broadcast %jit3A_398 : f32 to vector<16xf32>
      %select_n3A_400 = arith.select %gt3A_397, %mul3A_394, %broadcast_in_dim3A_399 : vector<16xi1>, vector<16xf32>
      %swap3A_401 = arith.constant 80 : index
      %swap3A_402 = tpu.vector_load %arg6[%swap3A_401] {strides = array<i32>} : memref<320xf32, #tpu.memory_space<vmem>>, vector<16xf32>,
      tpu.vector_store %arg6[%swap3A_401], %select_n3A_400 {strides = array<i32>} : memref<320xf32, #tpu.memory_space<vmem>>, vector<16xf32>,
      %get3A_403 = arith.constant 96 : index
      %get3A_404 = tpu.vector_load %arg5[%get3A_403] {strides = array<i32>} : memref<320xf32, #tpu.memory_space<vmem>>, vector<16xf32>,
      %bitcast3A_405 = vector.bitcast %get3A_404 : vector<16xf32> to vector<16xi32>
      %shift_right_arithmetic3A_406 = arith.constant 1 : i32
      %shift_right_arithmetic3A_407 = vector.broadcast %shift_right_arithmetic3A_406 : i32 to vector<16xi32>
      %shift_right_arithmetic3A_408 = arith.shrsi %bitcast3A_405, %shift_right_arithmetic3A_407 : vector<16xi32>
      %sub3A_409 = arith.constant 1597463007 : i32
      %sub3A_410 = vector.broadcast %sub3A_409 : i32 to vector<16xi32>
      %sub3A_411 = arith.subi %sub3A_410, %shift_right_arithmetic3A_408 : vector<16xi32>
      %bitcast3A_412 = vector.bitcast %sub3A_411 : vector<16xi32> to vector<16xf32>
      %mul3A_413 = arith.constant 5.000000e-01 : f32
      %mul3A_414 = vector.broadcast %mul3A_413 : f32 to vector<16xf32>
      %mul3A_415 = arith.mulf %mul3A_414, %get3A_404 : vector<16xf32>
      %mul3A_416 = arith.mulf %mul3A_415, %bitcast3A_412 : vector<16xf32>
      %mul3A_417 = arith.mulf %mul3A_416, %bitcast3A_412 : vector<16xf32>
      %sub3A_418 = arith.constant 1.500000e+00 : f32
      %sub3A_419 = vector.broadcast %sub3A_418 : f32 to vector<16xf32>
      %sub3A_420 = arith.subf %sub3A_419, %mul3A_417 : vector<16xf32>
      %mul3A_421 = arith.mulf %bitcast3A_412, %sub3A_420 : vector<16xf32>
      %mul3A_422 = arith.constant 5.000000e-01 : f32
      %mul3A_423 = vector.broadcast %mul3A_422 : f32 to vector<16xf32>
      %mul3A_424 = arith.mulf %mul3A_423, %get3A_404 : vector<16xf32>
      %mul3A_425 = arith.mulf %mul3A_424, %mul3A_421 : vector<16xf32>
      %mul3A_426 = arith.mulf %mul3A_425, %mul3A_421 : vector<16xf32>
      %sub3A_427 = arith.constant 1.500000e+00 : f32
      %sub3A_428 = vector.broadcast %sub3A_427 : f32 to vector<16xf32>
      %sub3A_429 = arith.subf %sub3A_428, %mul3A_426 : vector<16xf32>
      %mul3A_430 = arith.mulf %mul3A_421, %sub3A_429 : vector<16xf32>
      %mul3A_431 = arith.constant 5.000000e-01 : f32
      %mul3A_432 = vector.broadcast %mul3A_431 : f32 to vector<16xf32>
      %mul3A_433 = arith.mulf %mul3A_432, %get3A_404 : vector<16xf32>
      %mul3A_434 = arith.mulf %mul3A_433, %mul3A_430 : vector<16xf32>
      %mul3A_435 = arith.mulf %mul3A_434, %mul3A_430 : vector<16xf32>
      %sub3A_436 = arith.constant 1.500000e+00 : f32
      %sub3A_437 = vector.broadcast %sub3A_436 : f32 to vector<16xf32>
      %sub3A_438 = arith.subf %sub3A_437, %mul3A_435 : vector<16xf32>
      %mul3A_439 = arith.mulf %mul3A_430, %sub3A_438 : vector<16xf32>
      %mul3A_440 = arith.constant 5.000000e-01 : f32
      %mul3A_441 = vector.broadcast %mul3A_440 : f32 to vector<16xf32>
      %mul3A_442 = arith.mulf %mul3A_441, %get3A_404 : vector<16xf32>
      %mul3A_443 = arith.mulf %mul3A_442, %mul3A_439 : vector<16xf32>
      %mul3A_444 = arith.mulf %mul3A_443, %mul3A_439 : vector<16xf32>
      %sub3A_445 = arith.constant 1.500000e+00 : f32
      %sub3A_446 = vector.broadcast %sub3A_445 : f32 to vector<16xf32>
      %sub3A_447 = arith.subf %sub3A_446, %mul3A_444 : vector<16xf32>
      %mul3A_448 = arith.mulf %mul3A_439, %sub3A_447 : vector<16xf32>
      %gt3A_449 = arith.constant 5.000000e-01 : f32
      %gt3A_450 = vector.broadcast %gt3A_449 : f32 to vector<16xf32>
      %gt3A_451 = arith.cmpf ogt, %get3A_404, %gt3A_450 : vector<16xf32>
      %jit3A_452 = arith.constant 0.000000e+00 : f32
      %broadcast_in_dim3A_453 = vector.broadcast %jit3A_452 : f32 to vector<16xf32>
      %select_n3A_454 = arith.select %gt3A_451, %mul3A_448, %broadcast_in_dim3A_453 : vector<16xi1>, vector<16xf32>
      %swap3A_455 = arith.constant 96 : index
      %swap3A_456 = tpu.vector_load %arg6[%swap3A_455] {strides = array<i32>} : memref<320xf32, #tpu.memory_space<vmem>>, vector<16xf32>,
      tpu.vector_store %arg6[%swap3A_455], %select_n3A_454 {strides = array<i32>} : memref<320xf32, #tpu.memory_space<vmem>>, vector<16xf32>,
      %get3A_457 = arith.constant 112 : index
      %get3A_458 = tpu.vector_load %arg5[%get3A_457] {strides = array<i32>} : memref<320xf32, #tpu.memory_space<vmem>>, vector<16xf32>,
      %bitcast3A_459 = vector.bitcast %get3A_458 : vector<16xf32> to vector<16xi32>
      %shift_right_arithmetic3A_460 = arith.constant 1 : i32
      %shift_right_arithmetic3A_461 = vector.broadcast %shift_right_arithmetic3A_460 : i32 to vector<16xi32>
      %shift_right_arithmetic3A_462 = arith.shrsi %bitcast3A_459, %shift_right_arithmetic3A_461 : vector<16xi32>
      %sub3A_463 = arith.constant 1597463007 : i32
      %sub3A_464 = vector.broadcast %sub3A_463 : i32 to vector<16xi32>
      %sub3A_465 = arith.subi %sub3A_464, %shift_right_arithmetic3A_462 : vector<16xi32>
      %bitcast3A_466 = vector.bitcast %sub3A_465 : vector<16xi32> to vector<16xf32>
      %mul3A_467 = arith.constant 5.000000e-01 : f32
      %mul3A_468 = vector.broadcast %mul3A_467 : f32 to vector<16xf32>
      %mul3A_469 = arith.mulf %mul3A_468, %get3A_458 : vector<16xf32>
      %mul3A_470 = arith.mulf %mul3A_469, %bitcast3A_466 : vector<16xf32>
      %mul3A_471 = arith.mulf %mul3A_470, %bitcast3A_466 : vector<16xf32>
      %sub3A_472 = arith.constant 1.500000e+00 : f32
      %sub3A_473 = vector.broadcast %sub3A_472 : f32 to vector<16xf32>
      %sub3A_474 = arith.subf %sub3A_473, %mul3A_471 : vector<16xf32>
      %mul3A_475 = arith.mulf %bitcast3A_466, %sub3A_474 : vector<16xf32>
      %mul3A_476 = arith.constant 5.000000e-01 : f32
      %mul3A_477 = vector.broadcast %mul3A_476 : f32 to vector<16xf32>
      %mul3A_478 = arith.mulf %mul3A_477, %get3A_458 : vector<16xf32>
      %mul3A_479 = arith.mulf %mul3A_478, %mul3A_475 : vector<16xf32>
      %mul3A_480 = arith.mulf %mul3A_479, %mul3A_475 : vector<16xf32>
      %sub3A_481 = arith.constant 1.500000e+00 : f32
      %sub3A_482 = vector.broadcast %sub3A_481 : f32 to vector<16xf32>
      %sub3A_483 = arith.subf %sub3A_482, %mul3A_480 : vector<16xf32>
      %mul3A_484 = arith.mulf %mul3A_475, %sub3A_483 : vector<16xf32>
      %mul3A_485 = arith.constant 5.000000e-01 : f32
      %mul3A_486 = vector.broadcast %mul3A_485 : f32 to vector<16xf32>
      %mul3A_487 = arith.mulf %mul3A_486, %get3A_458 : vector<16xf32>
      %mul3A_488 = arith.mulf %mul3A_487, %mul3A_484 : vector<16xf32>
      %mul3A_489 = arith.mulf %mul3A_488, %mul3A_484 : vector<16xf32>
      %sub3A_490 = arith.constant 1.500000e+00 : f32
      %sub3A_491 = vector.broadcast %sub3A_490 : f32 to vector<16xf32>
      %sub3A_492 = arith.subf %sub3A_491, %mul3A_489 : vector<16xf32>
      %mul3A_493 = arith.mulf %mul3A_484, %sub3A_492 : vector<16xf32>
      %mul3A_494 = arith.constant 5.000000e-01 : f32
      %mul3A_495 = vector.broadcast %mul3A_494 : f32 to vector<16xf32>
      %mul3A_496 = arith.mulf %mul3A_495, %get3A_458 : vector<16xf32>
      %mul3A_497 = arith.mulf %mul3A_496, %mul3A_493 : vector<16xf32>
      %mul3A_498 = arith.mulf %mul3A_497, %mul3A_493 : vector<16xf32>
      %sub3A_499 = arith.constant 1.500000e+00 : f32
      %sub3A_500 = vector.broadcast %sub3A_499 : f32 to vector<16xf32>
      %sub3A_501 = arith.subf %sub3A_500, %mul3A_498 : vector<16xf32>
      %mul3A_502 = arith.mulf %mul3A_493, %sub3A_501 : vector<16xf32>
      %gt3A_503 = arith.constant 5.000000e-01 : f32
      %gt3A_504 = vector.broadcast %gt3A_503 : f32 to vector<16xf32>
      %gt3A_505 = arith.cmpf ogt, %get3A_458, %gt3A_504 : vector<16xf32>
      %jit3A_506 = arith.constant 0.000000e+00 : f32
      %broadcast_in_dim3A_507 = vector.broadcast %jit3A_506 : f32 to vector<16xf32>
      %select_n3A_508 = arith.select %gt3A_505, %mul3A_502, %broadcast_in_dim3A_507 : vector<16xi1>, vector<16xf32>
      %swap3A_509 = arith.constant 112 : index
      %swap3A_510 = tpu.vector_load %arg6[%swap3A_509] {strides = array<i32>} : memref<320xf32, #tpu.memory_space<vmem>>, vector<16xf32>,
      tpu.vector_store %arg6[%swap3A_509], %select_n3A_508 {strides = array<i32>} : memref<320xf32, #tpu.memory_space<vmem>>, vector<16xf32>,
      %get3A_511 = arith.constant 128 : index
      %get3A_512 = tpu.vector_load %arg5[%get3A_511] {strides = array<i32>} : memref<320xf32, #tpu.memory_space<vmem>>, vector<16xf32>,
      %bitcast3A_513 = vector.bitcast %get3A_512 : vector<16xf32> to vector<16xi32>
      %shift_right_arithmetic3A_514 = arith.constant 1 : i32
      %shift_right_arithmetic3A_515 = vector.broadcast %shift_right_arithmetic3A_514 : i32 to vector<16xi32>
      %shift_right_arithmetic3A_516 = arith.shrsi %bitcast3A_513, %shift_right_arithmetic3A_515 : vector<16xi32>
      %sub3A_517 = arith.constant 1597463007 : i32
      %sub3A_518 = vector.broadcast %sub3A_517 : i32 to vector<16xi32>
      %sub3A_519 = arith.subi %sub3A_518, %shift_right_arithmetic3A_516 : vector<16xi32>
      %bitcast3A_520 = vector.bitcast %sub3A_519 : vector<16xi32> to vector<16xf32>
      %mul3A_521 = arith.constant 5.000000e-01 : f32
      %mul3A_522 = vector.broadcast %mul3A_521 : f32 to vector<16xf32>
      %mul3A_523 = arith.mulf %mul3A_522, %get3A_512 : vector<16xf32>
      %mul3A_524 = arith.mulf %mul3A_523, %bitcast3A_520 : vector<16xf32>
      %mul3A_525 = arith.mulf %mul3A_524, %bitcast3A_520 : vector<16xf32>
      %sub3A_526 = arith.constant 1.500000e+00 : f32
      %sub3A_527 = vector.broadcast %sub3A_526 : f32 to vector<16xf32>
      %sub3A_528 = arith.subf %sub3A_527, %mul3A_525 : vector<16xf32>
      %mul3A_529 = arith.mulf %bitcast3A_520, %sub3A_528 : vector<16xf32>
      %mul3A_530 = arith.constant 5.000000e-01 : f32
      %mul3A_531 = vector.broadcast %mul3A_530 : f32 to vector<16xf32>
      %mul3A_532 = arith.mulf %mul3A_531, %get3A_512 : vector<16xf32>
      %mul3A_533 = arith.mulf %mul3A_532, %mul3A_529 : vector<16xf32>
      %mul3A_534 = arith.mulf %mul3A_533, %mul3A_529 : vector<16xf32>
      %sub3A_535 = arith.constant 1.500000e+00 : f32
      %sub3A_536 = vector.broadcast %sub3A_535 : f32 to vector<16xf32>
      %sub3A_537 = arith.subf %sub3A_536, %mul3A_534 : vector<16xf32>
      %mul3A_538 = arith.mulf %mul3A_529, %sub3A_537 : vector<16xf32>
      %mul3A_539 = arith.constant 5.000000e-01 : f32
      %mul3A_540 = vector.broadcast %mul3A_539 : f32 to vector<16xf32>
      %mul3A_541 = arith.mulf %mul3A_540, %get3A_512 : vector<16xf32>
      %mul3A_542 = arith.mulf %mul3A_541, %mul3A_538 : vector<16xf32>
      %mul3A_543 = arith.mulf %mul3A_542, %mul3A_538 : vector<16xf32>
      %sub3A_544 = arith.constant 1.500000e+00 : f32
      %sub3A_545 = vector.broadcast %sub3A_544 : f32 to vector<16xf32>
      %sub3A_546 = arith.subf %sub3A_545, %mul3A_543 : vector<16xf32>
      %mul3A_547 = arith.mulf %mul3A_538, %sub3A_546 : vector<16xf32>
      %mul3A_548 = arith.constant 5.000000e-01 : f32
      %mul3A_549 = vector.broadcast %mul3A_548 : f32 to vector<16xf32>
      %mul3A_550 = arith.mulf %mul3A_549, %get3A_512 : vector<16xf32>
      %mul3A_551 = arith.mulf %mul3A_550, %mul3A_547 : vector<16xf32>
      %mul3A_552 = arith.mulf %mul3A_551, %mul3A_547 : vector<16xf32>
      %sub3A_553 = arith.constant 1.500000e+00 : f32
      %sub3A_554 = vector.broadcast %sub3A_553 : f32 to vector<16xf32>
      %sub3A_555 = arith.subf %sub3A_554, %mul3A_552 : vector<16xf32>
      %mul3A_556 = arith.mulf %mul3A_547, %sub3A_555 : vector<16xf32>
      %gt3A_557 = arith.constant 5.000000e-01 : f32
      %gt3A_558 = vector.broadcast %gt3A_557 : f32 to vector<16xf32>
      %gt3A_559 = arith.cmpf ogt, %get3A_512, %gt3A_558 : vector<16xf32>
      %jit3A_560 = arith.constant 0.000000e+00 : f32
      %broadcast_in_dim3A_561 = vector.broadcast %jit3A_560 : f32 to vector<16xf32>
      %select_n3A_562 = arith.select %gt3A_559, %mul3A_556, %broadcast_in_dim3A_561 : vector<16xi1>, vector<16xf32>
      %swap3A_563 = arith.constant 128 : index
      %swap3A_564 = tpu.vector_load %arg6[%swap3A_563] {strides = array<i32>} : memref<320xf32, #tpu.memory_space<vmem>>, vector<16xf32>,
      tpu.vector_store %arg6[%swap3A_563], %select_n3A_562 {strides = array<i32>} : memref<320xf32, #tpu.memory_space<vmem>>, vector<16xf32>,
      %get3A_565 = arith.constant 144 : index
      %get3A_566 = tpu.vector_load %arg5[%get3A_565] {strides = array<i32>} : memref<320xf32, #tpu.memory_space<vmem>>, vector<16xf32>,
      %bitcast3A_567 = vector.bitcast %get3A_566 : vector<16xf32> to vector<16xi32>
      %shift_right_arithmetic3A_568 = arith.constant 1 : i32
      %shift_right_arithmetic3A_569 = vector.broadcast %shift_right_arithmetic3A_568 : i32 to vector<16xi32>
      %shift_right_arithmetic3A_570 = arith.shrsi %bitcast3A_567, %shift_right_arithmetic3A_569 : vector<16xi32>
      %sub3A_571 = arith.constant 1597463007 : i32
      %sub3A_572 = vector.broadcast %sub3A_571 : i32 to vector<16xi32>
      %sub3A_573 = arith.subi %sub3A_572, %shift_right_arithmetic3A_570 : vector<16xi32>
      %bitcast3A_574 = vector.bitcast %sub3A_573 : vector<16xi32> to vector<16xf32>
      %mul3A_575 = arith.constant 5.000000e-01 : f32
      %mul3A_576 = vector.broadcast %mul3A_575 : f32 to vector<16xf32>
      %mul3A_577 = arith.mulf %mul3A_576, %get3A_566 : vector<16xf32>
      %mul3A_578 = arith.mulf %mul3A_577, %bitcast3A_574 : vector<16xf32>
      %mul3A_579 = arith.mulf %mul3A_578, %bitcast3A_574 : vector<16xf32>
      %sub3A_580 = arith.constant 1.500000e+00 : f32
      %sub3A_581 = vector.broadcast %sub3A_580 : f32 to vector<16xf32>
      %sub3A_582 = arith.subf %sub3A_581, %mul3A_579 : vector<16xf32>
      %mul3A_583 = arith.mulf %bitcast3A_574, %sub3A_582 : vector<16xf32>
      %mul3A_584 = arith.constant 5.000000e-01 : f32
      %mul3A_585 = vector.broadcast %mul3A_584 : f32 to vector<16xf32>
      %mul3A_586 = arith.mulf %mul3A_585, %get3A_566 : vector<16xf32>
      %mul3A_587 = arith.mulf %mul3A_586, %mul3A_583 : vector<16xf32>
      %mul3A_588 = arith.mulf %mul3A_587, %mul3A_583 : vector<16xf32>
      %sub3A_589 = arith.constant 1.500000e+00 : f32
      %sub3A_590 = vector.broadcast %sub3A_589 : f32 to vector<16xf32>
      %sub3A_591 = arith.subf %sub3A_590, %mul3A_588 : vector<16xf32>
      %mul3A_592 = arith.mulf %mul3A_583, %sub3A_591 : vector<16xf32>
      %mul3A_593 = arith.constant 5.000000e-01 : f32
      %mul3A_594 = vector.broadcast %mul3A_593 : f32 to vector<16xf32>
      %mul3A_595 = arith.mulf %mul3A_594, %get3A_566 : vector<16xf32>
      %mul3A_596 = arith.mulf %mul3A_595, %mul3A_592 : vector<16xf32>
      %mul3A_597 = arith.mulf %mul3A_596, %mul3A_592 : vector<16xf32>
      %sub3A_598 = arith.constant 1.500000e+00 : f32
      %sub3A_599 = vector.broadcast %sub3A_598 : f32 to vector<16xf32>
      %sub3A_600 = arith.subf %sub3A_599, %mul3A_597 : vector<16xf32>
      %mul3A_601 = arith.mulf %mul3A_592, %sub3A_600 : vector<16xf32>
      %mul3A_602 = arith.constant 5.000000e-01 : f32
      %mul3A_603 = vector.broadcast %mul3A_602 : f32 to vector<16xf32>
      %mul3A_604 = arith.mulf %mul3A_603, %get3A_566 : vector<16xf32>
      %mul3A_605 = arith.mulf %mul3A_604, %mul3A_601 : vector<16xf32>
      %mul3A_606 = arith.mulf %mul3A_605, %mul3A_601 : vector<16xf32>
      %sub3A_607 = arith.constant 1.500000e+00 : f32
      %sub3A_608 = vector.broadcast %sub3A_607 : f32 to vector<16xf32>
      %sub3A_609 = arith.subf %sub3A_608, %mul3A_606 : vector<16xf32>
      %mul3A_610 = arith.mulf %mul3A_601, %sub3A_609 : vector<16xf32>
      %gt3A_611 = arith.constant 5.000000e-01 : f32
      %gt3A_612 = vector.broadcast %gt3A_611 : f32 to vector<16xf32>
      %gt3A_613 = arith.cmpf ogt, %get3A_566, %gt3A_612 : vector<16xf32>
      %jit3A_614 = arith.constant 0.000000e+00 : f32
      %broadcast_in_dim3A_615 = vector.broadcast %jit3A_614 : f32 to vector<16xf32>
      %select_n3A_616 = arith.select %gt3A_613, %mul3A_610, %broadcast_in_dim3A_615 : vector<16xi1>, vector<16xf32>
      %swap3A_617 = arith.constant 144 : index
      %swap3A_618 = tpu.vector_load %arg6[%swap3A_617] {strides = array<i32>} : memref<320xf32, #tpu.memory_space<vmem>>, vector<16xf32>,
      tpu.vector_store %arg6[%swap3A_617], %select_n3A_616 {strides = array<i32>} : memref<320xf32, #tpu.memory_space<vmem>>, vector<16xf32>,
      %get3A_619 = arith.constant 160 : index
      %get3A_620 = tpu.vector_load %arg5[%get3A_619] {strides = array<i32>} : memref<320xf32, #tpu.memory_space<vmem>>, vector<16xf32>,
      %bitcast3A_621 = vector.bitcast %get3A_620 : vector<16xf32> to vector<16xi32>
      %shift_right_arithmetic3A_622 = arith.constant 1 : i32
      %shift_right_arithmetic3A_623 = vector.broadcast %shift_right_arithmetic3A_622 : i32 to vector<16xi32>
      %shift_right_arithmetic3A_624 = arith.shrsi %bitcast3A_621, %shift_right_arithmetic3A_623 : vector<16xi32>
      %sub3A_625 = arith.constant 1597463007 : i32
      %sub3A_626 = vector.broadcast %sub3A_625 : i32 to vector<16xi32>
      %sub3A_627 = arith.subi %sub3A_626, %shift_right_arithmetic3A_624 : vector<16xi32>
      %bitcast3A_628 = vector.bitcast %sub3A_627 : vector<16xi32> to vector<16xf32>
      %mul3A_629 = arith.constant 5.000000e-01 : f32
      %mul3A_630 = vector.broadcast %mul3A_629 : f32 to vector<16xf32>
      %mul3A_631 = arith.mulf %mul3A_630, %get3A_620 : vector<16xf32>
      %mul3A_632 = arith.mulf %mul3A_631, %bitcast3A_628 : vector<16xf32>
      %mul3A_633 = arith.mulf %mul3A_632, %bitcast3A_628 : vector<16xf32>
      %sub3A_634 = arith.constant 1.500000e+00 : f32
      %sub3A_635 = vector.broadcast %sub3A_634 : f32 to vector<16xf32>
      %sub3A_636 = arith.subf %sub3A_635, %mul3A_633 : vector<16xf32>
      %mul3A_637 = arith.mulf %bitcast3A_628, %sub3A_636 : vector<16xf32>
      %mul3A_638 = arith.constant 5.000000e-01 : f32
      %mul3A_639 = vector.broadcast %mul3A_638 : f32 to vector<16xf32>
      %mul3A_640 = arith.mulf %mul3A_639, %get3A_620 : vector<16xf32>
      %mul3A_641 = arith.mulf %mul3A_640, %mul3A_637 : vector<16xf32>
      %mul3A_642 = arith.mulf %mul3A_641, %mul3A_637 : vector<16xf32>
      %sub3A_643 = arith.constant 1.500000e+00 : f32
      %sub3A_644 = vector.broadcast %sub3A_643 : f32 to vector<16xf32>
      %sub3A_645 = arith.subf %sub3A_644, %mul3A_642 : vector<16xf32>
      %mul3A_646 = arith.mulf %mul3A_637, %sub3A_645 : vector<16xf32>
      %mul3A_647 = arith.constant 5.000000e-01 : f32
      %mul3A_648 = vector.broadcast %mul3A_647 : f32 to vector<16xf32>
      %mul3A_649 = arith.mulf %mul3A_648, %get3A_620 : vector<16xf32>
      %mul3A_650 = arith.mulf %mul3A_649, %mul3A_646 : vector<16xf32>
      %mul3A_651 = arith.mulf %mul3A_650, %mul3A_646 : vector<16xf32>
      %sub3A_652 = arith.constant 1.500000e+00 : f32
      %sub3A_653 = vector.broadcast %sub3A_652 : f32 to vector<16xf32>
      %sub3A_654 = arith.subf %sub3A_653, %mul3A_651 : vector<16xf32>
      %mul3A_655 = arith.mulf %mul3A_646, %sub3A_654 : vector<16xf32>
      %mul3A_656 = arith.constant 5.000000e-01 : f32
      %mul3A_657 = vector.broadcast %mul3A_656 : f32 to vector<16xf32>
      %mul3A_658 = arith.mulf %mul3A_657, %get3A_620 : vector<16xf32>
      %mul3A_659 = arith.mulf %mul3A_658, %mul3A_655 : vector<16xf32>
      %mul3A_660 = arith.mulf %mul3A_659, %mul3A_655 : vector<16xf32>
      %sub3A_661 = arith.constant 1.500000e+00 : f32
      %sub3A_662 = vector.broadcast %sub3A_661 : f32 to vector<16xf32>
      %sub3A_663 = arith.subf %sub3A_662, %mul3A_660 : vector<16xf32>
      %mul3A_664 = arith.mulf %mul3A_655, %sub3A_663 : vector<16xf32>
      %gt3A_665 = arith.constant 5.000000e-01 : f32
      %gt3A_666 = vector.broadcast %gt3A_665 : f32 to vector<16xf32>
      %gt3A_667 = arith.cmpf ogt, %get3A_620, %gt3A_666 : vector<16xf32>
      %jit3A_668 = arith.constant 0.000000e+00 : f32
      %broadcast_in_dim3A_669 = vector.broadcast %jit3A_668 : f32 to vector<16xf32>
      %select_n3A_670 = arith.select %gt3A_667, %mul3A_664, %broadcast_in_dim3A_669 : vector<16xi1>, vector<16xf32>
      %swap3A_671 = arith.constant 160 : index
      %swap3A_672 = tpu.vector_load %arg6[%swap3A_671] {strides = array<i32>} : memref<320xf32, #tpu.memory_space<vmem>>, vector<16xf32>,
      tpu.vector_store %arg6[%swap3A_671], %select_n3A_670 {strides = array<i32>} : memref<320xf32, #tpu.memory_space<vmem>>, vector<16xf32>,
      %get3A_673 = arith.constant 176 : index
      %get3A_674 = tpu.vector_load %arg5[%get3A_673] {strides = array<i32>} : memref<320xf32, #tpu.memory_space<vmem>>, vector<16xf32>,
      %bitcast3A_675 = vector.bitcast %get3A_674 : vector<16xf32> to vector<16xi32>
      %shift_right_arithmetic3A_676 = arith.constant 1 : i32
      %shift_right_arithmetic3A_677 = vector.broadcast %shift_right_arithmetic3A_676 : i32 to vector<16xi32>
      %shift_right_arithmetic3A_678 = arith.shrsi %bitcast3A_675, %shift_right_arithmetic3A_677 : vector<16xi32>
      %sub3A_679 = arith.constant 1597463007 : i32
      %sub3A_680 = vector.broadcast %sub3A_679 : i32 to vector<16xi32>
      %sub3A_681 = arith.subi %sub3A_680, %shift_right_arithmetic3A_678 : vector<16xi32>
      %bitcast3A_682 = vector.bitcast %sub3A_681 : vector<16xi32> to vector<16xf32>
      %mul3A_683 = arith.constant 5.000000e-01 : f32
      %mul3A_684 = vector.broadcast %mul3A_683 : f32 to vector<16xf32>
      %mul3A_685 = arith.mulf %mul3A_684, %get3A_674 : vector<16xf32>
      %mul3A_686 = arith.mulf %mul3A_685, %bitcast3A_682 : vector<16xf32>
      %mul3A_687 = arith.mulf %mul3A_686, %bitcast3A_682 : vector<16xf32>
      %sub3A_688 = arith.constant 1.500000e+00 : f32
      %sub3A_689 = vector.broadcast %sub3A_688 : f32 to vector<16xf32>
      %sub3A_690 = arith.subf %sub3A_689, %mul3A_687 : vector<16xf32>
      %mul3A_691 = arith.mulf %bitcast3A_682, %sub3A_690 : vector<16xf32>
      %mul3A_692 = arith.constant 5.000000e-01 : f32
      %mul3A_693 = vector.broadcast %mul3A_692 : f32 to vector<16xf32>
      %mul3A_694 = arith.mulf %mul3A_693, %get3A_674 : vector<16xf32>
      %mul3A_695 = arith.mulf %mul3A_694, %mul3A_691 : vector<16xf32>
      %mul3A_696 = arith.mulf %mul3A_695, %mul3A_691 : vector<16xf32>
      %sub3A_697 = arith.constant 1.500000e+00 : f32
      %sub3A_698 = vector.broadcast %sub3A_697 : f32 to vector<16xf32>
      %sub3A_699 = arith.subf %sub3A_698, %mul3A_696 : vector<16xf32>
      %mul3A_700 = arith.mulf %mul3A_691, %sub3A_699 : vector<16xf32>
      %mul3A_701 = arith.constant 5.000000e-01 : f32
      %mul3A_702 = vector.broadcast %mul3A_701 : f32 to vector<16xf32>
      %mul3A_703 = arith.mulf %mul3A_702, %get3A_674 : vector<16xf32>
      %mul3A_704 = arith.mulf %mul3A_703, %mul3A_700 : vector<16xf32>
      %mul3A_705 = arith.mulf %mul3A_704, %mul3A_700 : vector<16xf32>
      %sub3A_706 = arith.constant 1.500000e+00 : f32
      %sub3A_707 = vector.broadcast %sub3A_706 : f32 to vector<16xf32>
      %sub3A_708 = arith.subf %sub3A_707, %mul3A_705 : vector<16xf32>
      %mul3A_709 = arith.mulf %mul3A_700, %sub3A_708 : vector<16xf32>
      %mul3A_710 = arith.constant 5.000000e-01 : f32
      %mul3A_711 = vector.broadcast %mul3A_710 : f32 to vector<16xf32>
      %mul3A_712 = arith.mulf %mul3A_711, %get3A_674 : vector<16xf32>
      %mul3A_713 = arith.mulf %mul3A_712, %mul3A_709 : vector<16xf32>
      %mul3A_714 = arith.mulf %mul3A_713, %mul3A_709 : vector<16xf32>
      %sub3A_715 = arith.constant 1.500000e+00 : f32
      %sub3A_716 = vector.broadcast %sub3A_715 : f32 to vector<16xf32>
      %sub3A_717 = arith.subf %sub3A_716, %mul3A_714 : vector<16xf32>
      %mul3A_718 = arith.mulf %mul3A_709, %sub3A_717 : vector<16xf32>
      %gt3A_719 = arith.constant 5.000000e-01 : f32
      %gt3A_720 = vector.broadcast %gt3A_719 : f32 to vector<16xf32>
      %gt3A_721 = arith.cmpf ogt, %get3A_674, %gt3A_720 : vector<16xf32>
      %jit3A_722 = arith.constant 0.000000e+00 : f32
      %broadcast_in_dim3A_723 = vector.broadcast %jit3A_722 : f32 to vector<16xf32>
      %select_n3A_724 = arith.select %gt3A_721, %mul3A_718, %broadcast_in_dim3A_723 : vector<16xi1>, vector<16xf32>
      %swap3A_725 = arith.constant 176 : index
      %swap3A_726 = tpu.vector_load %arg6[%swap3A_725] {strides = array<i32>} : memref<320xf32, #tpu.memory_space<vmem>>, vector<16xf32>,
      tpu.vector_store %arg6[%swap3A_725], %select_n3A_724 {strides = array<i32>} : memref<320xf32, #tpu.memory_space<vmem>>, vector<16xf32>,
      %get3A_727 = arith.constant 192 : index
      %get3A_728 = tpu.vector_load %arg5[%get3A_727] {strides = array<i32>} : memref<320xf32, #tpu.memory_space<vmem>>, vector<16xf32>,
      %bitcast3A_729 = vector.bitcast %get3A_728 : vector<16xf32> to vector<16xi32>
      %shift_right_arithmetic3A_730 = arith.constant 1 : i32
      %shift_right_arithmetic3A_731 = vector.broadcast %shift_right_arithmetic3A_730 : i32 to vector<16xi32>
      %shift_right_arithmetic3A_732 = arith.shrsi %bitcast3A_729, %shift_right_arithmetic3A_731 : vector<16xi32>
      %sub3A_733 = arith.constant 1597463007 : i32
      %sub3A_734 = vector.broadcast %sub3A_733 : i32 to vector<16xi32>
      %sub3A_735 = arith.subi %sub3A_734, %shift_right_arithmetic3A_732 : vector<16xi32>
      %bitcast3A_736 = vector.bitcast %sub3A_735 : vector<16xi32> to vector<16xf32>
      %mul3A_737 = arith.constant 5.000000e-01 : f32
      %mul3A_738 = vector.broadcast %mul3A_737 : f32 to vector<16xf32>
      %mul3A_739 = arith.mulf %mul3A_738, %get3A_728 : vector<16xf32>
      %mul3A_740 = arith.mulf %mul3A_739, %bitcast3A_736 : vector<16xf32>
      %mul3A_741 = arith.mulf %mul3A_740, %bitcast3A_736 : vector<16xf32>
      %sub3A_742 = arith.constant 1.500000e+00 : f32
      %sub3A_743 = vector.broadcast %sub3A_742 : f32 to vector<16xf32>
      %sub3A_744 = arith.subf %sub3A_743, %mul3A_741 : vector<16xf32>
      %mul3A_745 = arith.mulf %bitcast3A_736, %sub3A_744 : vector<16xf32>
      %mul3A_746 = arith.constant 5.000000e-01 : f32
      %mul3A_747 = vector.broadcast %mul3A_746 : f32 to vector<16xf32>
      %mul3A_748 = arith.mulf %mul3A_747, %get3A_728 : vector<16xf32>
      %mul3A_749 = arith.mulf %mul3A_748, %mul3A_745 : vector<16xf32>
      %mul3A_750 = arith.mulf %mul3A_749, %mul3A_745 : vector<16xf32>
      %sub3A_751 = arith.constant 1.500000e+00 : f32
      %sub3A_752 = vector.broadcast %sub3A_751 : f32 to vector<16xf32>
      %sub3A_753 = arith.subf %sub3A_752, %mul3A_750 : vector<16xf32>
      %mul3A_754 = arith.mulf %mul3A_745, %sub3A_753 : vector<16xf32>
      %mul3A_755 = arith.constant 5.000000e-01 : f32
      %mul3A_756 = vector.broadcast %mul3A_755 : f32 to vector<16xf32>
      %mul3A_757 = arith.mulf %mul3A_756, %get3A_728 : vector<16xf32>
      %mul3A_758 = arith.mulf %mul3A_757, %mul3A_754 : vector<16xf32>
      %mul3A_759 = arith.mulf %mul3A_758, %mul3A_754 : vector<16xf32>
      %sub3A_760 = arith.constant 1.500000e+00 : f32
      %sub3A_761 = vector.broadcast %sub3A_760 : f32 to vector<16xf32>
      %sub3A_762 = arith.subf %sub3A_761, %mul3A_759 : vector<16xf32>
      %mul3A_763 = arith.mulf %mul3A_754, %sub3A_762 : vector<16xf32>
      %mul3A_764 = arith.constant 5.000000e-01 : f32
      %mul3A_765 = vector.broadcast %mul3A_764 : f32 to vector<16xf32>
      %mul3A_766 = arith.mulf %mul3A_765, %get3A_728 : vector<16xf32>
      %mul3A_767 = arith.mulf %mul3A_766, %mul3A_763 : vector<16xf32>
      %mul3A_768 = arith.mulf %mul3A_767, %mul3A_763 : vector<16xf32>
      %sub3A_769 = arith.constant 1.500000e+00 : f32
      %sub3A_770 = vector.broadcast %sub3A_769 : f32 to vector<16xf32>
      %sub3A_771 = arith.subf %sub3A_770, %mul3A_768 : vector<16xf32>
      %mul3A_772 = arith.mulf %mul3A_763, %sub3A_771 : vector<16xf32>
      %gt3A_773 = arith.constant 5.000000e-01 : f32
      %gt3A_774 = vector.broadcast %gt3A_773 : f32 to vector<16xf32>
      %gt3A_775 = arith.cmpf ogt, %get3A_728, %gt3A_774 : vector<16xf32>
      %jit3A_776 = arith.constant 0.000000e+00 : f32
      %broadcast_in_dim3A_777 = vector.broadcast %jit3A_776 : f32 to vector<16xf32>
      %select_n3A_778 = arith.select %gt3A_775, %mul3A_772, %broadcast_in_dim3A_777 : vector<16xi1>, vector<16xf32>
      %swap3A_779 = arith.constant 192 : index
      %swap3A_780 = tpu.vector_load %arg6[%swap3A_779] {strides = array<i32>} : memref<320xf32, #tpu.memory_space<vmem>>, vector<16xf32>,
      tpu.vector_store %arg6[%swap3A_779], %select_n3A_778 {strides = array<i32>} : memref<320xf32, #tpu.memory_space<vmem>>, vector<16xf32>,
      %get3A_781 = arith.constant 208 : index
      %get3A_782 = tpu.vector_load %arg5[%get3A_781] {strides = array<i32>} : memref<320xf32, #tpu.memory_space<vmem>>, vector<16xf32>,
      %bitcast3A_783 = vector.bitcast %get3A_782 : vector<16xf32> to vector<16xi32>
      %shift_right_arithmetic3A_784 = arith.constant 1 : i32
      %shift_right_arithmetic3A_785 = vector.broadcast %shift_right_arithmetic3A_784 : i32 to vector<16xi32>
      %shift_right_arithmetic3A_786 = arith.shrsi %bitcast3A_783, %shift_right_arithmetic3A_785 : vector<16xi32>
      %sub3A_787 = arith.constant 1597463007 : i32
      %sub3A_788 = vector.broadcast %sub3A_787 : i32 to vector<16xi32>
      %sub3A_789 = arith.subi %sub3A_788, %shift_right_arithmetic3A_786 : vector<16xi32>
      %bitcast3A_790 = vector.bitcast %sub3A_789 : vector<16xi32> to vector<16xf32>
      %mul3A_791 = arith.constant 5.000000e-01 : f32
      %mul3A_792 = vector.broadcast %mul3A_791 : f32 to vector<16xf32>
      %mul3A_793 = arith.mulf %mul3A_792, %get3A_782 : vector<16xf32>
      %mul3A_794 = arith.mulf %mul3A_793, %bitcast3A_790 : vector<16xf32>
      %mul3A_795 = arith.mulf %mul3A_794, %bitcast3A_790 : vector<16xf32>
      %sub3A_796 = arith.constant 1.500000e+00 : f32
      %sub3A_797 = vector.broadcast %sub3A_796 : f32 to vector<16xf32>
      %sub3A_798 = arith.subf %sub3A_797, %mul3A_795 : vector<16xf32>
      %mul3A_799 = arith.mulf %bitcast3A_790, %sub3A_798 : vector<16xf32>
      %mul3A_800 = arith.constant 5.000000e-01 : f32
      %mul3A_801 = vector.broadcast %mul3A_800 : f32 to vector<16xf32>
      %mul3A_802 = arith.mulf %mul3A_801, %get3A_782 : vector<16xf32>
      %mul3A_803 = arith.mulf %mul3A_802, %mul3A_799 : vector<16xf32>
      %mul3A_804 = arith.mulf %mul3A_803, %mul3A_799 : vector<16xf32>
      %sub3A_805 = arith.constant 1.500000e+00 : f32
      %sub3A_806 = vector.broadcast %sub3A_805 : f32 to vector<16xf32>
      %sub3A_807 = arith.subf %sub3A_806, %mul3A_804 : vector<16xf32>
      %mul3A_808 = arith.mulf %mul3A_799, %sub3A_807 : vector<16xf32>
      %mul3A_809 = arith.constant 5.000000e-01 : f32
      %mul3A_810 = vector.broadcast %mul3A_809 : f32 to vector<16xf32>
      %mul3A_811 = arith.mulf %mul3A_810, %get3A_782 : vector<16xf32>
      %mul3A_812 = arith.mulf %mul3A_811, %mul3A_808 : vector<16xf32>
      %mul3A_813 = arith.mulf %mul3A_812, %mul3A_808 : vector<16xf32>
      %sub3A_814 = arith.constant 1.500000e+00 : f32
      %sub3A_815 = vector.broadcast %sub3A_814 : f32 to vector<16xf32>
      %sub3A_816 = arith.subf %sub3A_815, %mul3A_813 : vector<16xf32>
      %mul3A_817 = arith.mulf %mul3A_808, %sub3A_816 : vector<16xf32>
      %mul3A_818 = arith.constant 5.000000e-01 : f32
      %mul3A_819 = vector.broadcast %mul3A_818 : f32 to vector<16xf32>
      %mul3A_820 = arith.mulf %mul3A_819, %get3A_782 : vector<16xf32>
      %mul3A_821 = arith.mulf %mul3A_820, %mul3A_817 : vector<16xf32>
      %mul3A_822 = arith.mulf %mul3A_821, %mul3A_817 : vector<16xf32>
      %sub3A_823 = arith.constant 1.500000e+00 : f32
      %sub3A_824 = vector.broadcast %sub3A_823 : f32 to vector<16xf32>
      %sub3A_825 = arith.subf %sub3A_824, %mul3A_822 : vector<16xf32>
      %mul3A_826 = arith.mulf %mul3A_817, %sub3A_825 : vector<16xf32>
      %gt3A_827 = arith.constant 5.000000e-01 : f32
      %gt3A_828 = vector.broadcast %gt3A_827 : f32 to vector<16xf32>
      %gt3A_829 = arith.cmpf ogt, %get3A_782, %gt3A_828 : vector<16xf32>
      %jit3A_830 = arith.constant 0.000000e+00 : f32
      %broadcast_in_dim3A_831 = vector.broadcast %jit3A_830 : f32 to vector<16xf32>
      %select_n3A_832 = arith.select %gt3A_829, %mul3A_826, %broadcast_in_dim3A_831 : vector<16xi1>, vector<16xf32>
      %swap3A_833 = arith.constant 208 : index
      %swap3A_834 = tpu.vector_load %arg6[%swap3A_833] {strides = array<i32>} : memref<320xf32, #tpu.memory_space<vmem>>, vector<16xf32>,
      tpu.vector_store %arg6[%swap3A_833], %select_n3A_832 {strides = array<i32>} : memref<320xf32, #tpu.memory_space<vmem>>, vector<16xf32>,
      %get3A_835 = arith.constant 224 : index
      %get3A_836 = tpu.vector_load %arg5[%get3A_835] {strides = array<i32>} : memref<320xf32, #tpu.memory_space<vmem>>, vector<16xf32>,
      %bitcast3A_837 = vector.bitcast %get3A_836 : vector<16xf32> to vector<16xi32>
      %shift_right_arithmetic3A_838 = arith.constant 1 : i32
      %shift_right_arithmetic3A_839 = vector.broadcast %shift_right_arithmetic3A_838 : i32 to vector<16xi32>
      %shift_right_arithmetic3A_840 = arith.shrsi %bitcast3A_837, %shift_right_arithmetic3A_839 : vector<16xi32>
      %sub3A_841 = arith.constant 1597463007 : i32
      %sub3A_842 = vector.broadcast %sub3A_841 : i32 to vector<16xi32>
      %sub3A_843 = arith.subi %sub3A_842, %shift_right_arithmetic3A_840 : vector<16xi32>
      %bitcast3A_844 = vector.bitcast %sub3A_843 : vector<16xi32> to vector<16xf32>
      %mul3A_845 = arith.constant 5.000000e-01 : f32
      %mul3A_846 = vector.broadcast %mul3A_845 : f32 to vector<16xf32>
      %mul3A_847 = arith.mulf %mul3A_846, %get3A_836 : vector<16xf32>
      %mul3A_848 = arith.mulf %mul3A_847, %bitcast3A_844 : vector<16xf32>
      %mul3A_849 = arith.mulf %mul3A_848, %bitcast3A_844 : vector<16xf32>
      %sub3A_850 = arith.constant 1.500000e+00 : f32
      %sub3A_851 = vector.broadcast %sub3A_850 : f32 to vector<16xf32>
      %sub3A_852 = arith.subf %sub3A_851, %mul3A_849 : vector<16xf32>
      %mul3A_853 = arith.mulf %bitcast3A_844, %sub3A_852 : vector<16xf32>
      %mul3A_854 = arith.constant 5.000000e-01 : f32
      %mul3A_855 = vector.broadcast %mul3A_854 : f32 to vector<16xf32>
      %mul3A_856 = arith.mulf %mul3A_855, %get3A_836 : vector<16xf32>
      %mul3A_857 = arith.mulf %mul3A_856, %mul3A_853 : vector<16xf32>
      %mul3A_858 = arith.mulf %mul3A_857, %mul3A_853 : vector<16xf32>
      %sub3A_859 = arith.constant 1.500000e+00 : f32
      %sub3A_860 = vector.broadcast %sub3A_859 : f32 to vector<16xf32>
      %sub3A_861 = arith.subf %sub3A_860, %mul3A_858 : vector<16xf32>
      %mul3A_862 = arith.mulf %mul3A_853, %sub3A_861 : vector<16xf32>
      %mul3A_863 = arith.constant 5.000000e-01 : f32
      %mul3A_864 = vector.broadcast %mul3A_863 : f32 to vector<16xf32>
      %mul3A_865 = arith.mulf %mul3A_864, %get3A_836 : vector<16xf32>
      %mul3A_866 = arith.mulf %mul3A_865, %mul3A_862 : vector<16xf32>
      %mul3A_867 = arith.mulf %mul3A_866, %mul3A_862 : vector<16xf32>
      %sub3A_868 = arith.constant 1.500000e+00 : f32
      %sub3A_869 = vector.broadcast %sub3A_868 : f32 to vector<16xf32>
      %sub3A_870 = arith.subf %sub3A_869, %mul3A_867 : vector<16xf32>
      %mul3A_871 = arith.mulf %mul3A_862, %sub3A_870 : vector<16xf32>
      %mul3A_872 = arith.constant 5.000000e-01 : f32
      %mul3A_873 = vector.broadcast %mul3A_872 : f32 to vector<16xf32>
      %mul3A_874 = arith.mulf %mul3A_873, %get3A_836 : vector<16xf32>
      %mul3A_875 = arith.mulf %mul3A_874, %mul3A_871 : vector<16xf32>
      %mul3A_876 = arith.mulf %mul3A_875, %mul3A_871 : vector<16xf32>
      %sub3A_877 = arith.constant 1.500000e+00 : f32
      %sub3A_878 = vector.broadcast %sub3A_877 : f32 to vector<16xf32>
      %sub3A_879 = arith.subf %sub3A_878, %mul3A_876 : vector<16xf32>
      %mul3A_880 = arith.mulf %mul3A_871, %sub3A_879 : vector<16xf32>
      %gt3A_881 = arith.constant 5.000000e-01 : f32
      %gt3A_882 = vector.broadcast %gt3A_881 : f32 to vector<16xf32>
      %gt3A_883 = arith.cmpf ogt, %get3A_836, %gt3A_882 : vector<16xf32>
      %jit3A_884 = arith.constant 0.000000e+00 : f32
      %broadcast_in_dim3A_885 = vector.broadcast %jit3A_884 : f32 to vector<16xf32>
      %select_n3A_886 = arith.select %gt3A_883, %mul3A_880, %broadcast_in_dim3A_885 : vector<16xi1>, vector<16xf32>
      %swap3A_887 = arith.constant 224 : index
      %swap3A_888 = tpu.vector_load %arg6[%swap3A_887] {strides = array<i32>} : memref<320xf32, #tpu.memory_space<vmem>>, vector<16xf32>,
      tpu.vector_store %arg6[%swap3A_887], %select_n3A_886 {strides = array<i32>} : memref<320xf32, #tpu.memory_space<vmem>>, vector<16xf32>,
      %get3A_889 = arith.constant 240 : index
      %get3A_890 = tpu.vector_load %arg5[%get3A_889] {strides = array<i32>} : memref<320xf32, #tpu.memory_space<vmem>>, vector<16xf32>,
      %bitcast3A_891 = vector.bitcast %get3A_890 : vector<16xf32> to vector<16xi32>
      %shift_right_arithmetic3A_892 = arith.constant 1 : i32
      %shift_right_arithmetic3A_893 = vector.broadcast %shift_right_arithmetic3A_892 : i32 to vector<16xi32>
      %shift_right_arithmetic3A_894 = arith.shrsi %bitcast3A_891, %shift_right_arithmetic3A_893 : vector<16xi32>
      %sub3A_895 = arith.constant 1597463007 : i32
      %sub3A_896 = vector.broadcast %sub3A_895 : i32 to vector<16xi32>
      %sub3A_897 = arith.subi %sub3A_896, %shift_right_arithmetic3A_894 : vector<16xi32>
      %bitcast3A_898 = vector.bitcast %sub3A_897 : vector<16xi32> to vector<16xf32>
      %mul3A_899 = arith.constant 5.000000e-01 : f32
      %mul3A_900 = vector.broadcast %mul3A_899 : f32 to vector<16xf32>
      %mul3A_901 = arith.mulf %mul3A_900, %get3A_890 : vector<16xf32>
      %mul3A_902 = arith.mulf %mul3A_901, %bitcast3A_898 : vector<16xf32>
      %mul3A_903 = arith.mulf %mul3A_902, %bitcast3A_898 : vector<16xf32>
      %sub3A_904 = arith.constant 1.500000e+00 : f32
      %sub3A_905 = vector.broadcast %sub3A_904 : f32 to vector<16xf32>
      %sub3A_906 = arith.subf %sub3A_905, %mul3A_903 : vector<16xf32>
      %mul3A_907 = arith.mulf %bitcast3A_898, %sub3A_906 : vector<16xf32>
      %mul3A_908 = arith.constant 5.000000e-01 : f32
      %mul3A_909 = vector.broadcast %mul3A_908 : f32 to vector<16xf32>
      %mul3A_910 = arith.mulf %mul3A_909, %get3A_890 : vector<16xf32>
      %mul3A_911 = arith.mulf %mul3A_910, %mul3A_907 : vector<16xf32>
      %mul3A_912 = arith.mulf %mul3A_911, %mul3A_907 : vector<16xf32>
      %sub3A_913 = arith.constant 1.500000e+00 : f32
      %sub3A_914 = vector.broadcast %sub3A_913 : f32 to vector<16xf32>
      %sub3A_915 = arith.subf %sub3A_914, %mul3A_912 : vector<16xf32>
      %mul3A_916 = arith.mulf %mul3A_907, %sub3A_915 : vector<16xf32>
      %mul3A_917 = arith.constant 5.000000e-01 : f32
      %mul3A_918 = vector.broadcast %mul3A_917 : f32 to vector<16xf32>
      %mul3A_919 = arith.mulf %mul3A_918, %get3A_890 : vector<16xf32>
      %mul3A_920 = arith.mulf %mul3A_919, %mul3A_916 : vector<16xf32>
      %mul3A_921 = arith.mulf %mul3A_920, %mul3A_916 : vector<16xf32>
      %sub3A_922 = arith.constant 1.500000e+00 : f32
      %sub3A_923 = vector.broadcast %sub3A_922 : f32 to vector<16xf32>
      %sub3A_924 = arith.subf %sub3A_923, %mul3A_921 : vector<16xf32>
      %mul3A_925 = arith.mulf %mul3A_916, %sub3A_924 : vector<16xf32>
      %mul3A_926 = arith.constant 5.000000e-01 : f32
      %mul3A_927 = vector.broadcast %mul3A_926 : f32 to vector<16xf32>
      %mul3A_928 = arith.mulf %mul3A_927, %get3A_890 : vector<16xf32>
      %mul3A_929 = arith.mulf %mul3A_928, %mul3A_925 : vector<16xf32>
      %mul3A_930 = arith.mulf %mul3A_929, %mul3A_925 : vector<16xf32>
      %sub3A_931 = arith.constant 1.500000e+00 : f32
      %sub3A_932 = vector.broadcast %sub3A_931 : f32 to vector<16xf32>
      %sub3A_933 = arith.subf %sub3A_932, %mul3A_930 : vector<16xf32>
      %mul3A_934 = arith.mulf %mul3A_925, %sub3A_933 : vector<16xf32>
      %gt3A_935 = arith.constant 5.000000e-01 : f32
      %gt3A_936 = vector.broadcast %gt3A_935 : f32 to vector<16xf32>
      %gt3A_937 = arith.cmpf ogt, %get3A_890, %gt3A_936 : vector<16xf32>
      %jit3A_938 = arith.constant 0.000000e+00 : f32
      %broadcast_in_dim3A_939 = vector.broadcast %jit3A_938 : f32 to vector<16xf32>
      %select_n3A_940 = arith.select %gt3A_937, %mul3A_934, %broadcast_in_dim3A_939 : vector<16xi1>, vector<16xf32>
      %swap3A_941 = arith.constant 240 : index
      %swap3A_942 = tpu.vector_load %arg6[%swap3A_941] {strides = array<i32>} : memref<320xf32, #tpu.memory_space<vmem>>, vector<16xf32>,
      tpu.vector_store %arg6[%swap3A_941], %select_n3A_940 {strides = array<i32>} : memref<320xf32, #tpu.memory_space<vmem>>, vector<16xf32>,
      %get3A_943 = arith.constant 256 : index
      %get3A_944 = tpu.vector_load %arg5[%get3A_943] {strides = array<i32>} : memref<320xf32, #tpu.memory_space<vmem>>, vector<16xf32>,
      %bitcast3A_945 = vector.bitcast %get3A_944 : vector<16xf32> to vector<16xi32>
      %shift_right_arithmetic3A_946 = arith.constant 1 : i32
      %shift_right_arithmetic3A_947 = vector.broadcast %shift_right_arithmetic3A_946 : i32 to vector<16xi32>
      %shift_right_arithmetic3A_948 = arith.shrsi %bitcast3A_945, %shift_right_arithmetic3A_947 : vector<16xi32>
      %sub3A_949 = arith.constant 1597463007 : i32
      %sub3A_950 = vector.broadcast %sub3A_949 : i32 to vector<16xi32>
      %sub3A_951 = arith.subi %sub3A_950, %shift_right_arithmetic3A_948 : vector<16xi32>
      %bitcast3A_952 = vector.bitcast %sub3A_951 : vector<16xi32> to vector<16xf32>
      %mul3A_953 = arith.constant 5.000000e-01 : f32
      %mul3A_954 = vector.broadcast %mul3A_953 : f32 to vector<16xf32>
      %mul3A_955 = arith.mulf %mul3A_954, %get3A_944 : vector<16xf32>
      %mul3A_956 = arith.mulf %mul3A_955, %bitcast3A_952 : vector<16xf32>
      %mul3A_957 = arith.mulf %mul3A_956, %bitcast3A_952 : vector<16xf32>
      %sub3A_958 = arith.constant 1.500000e+00 : f32
      %sub3A_959 = vector.broadcast %sub3A_958 : f32 to vector<16xf32>
      %sub3A_960 = arith.subf %sub3A_959, %mul3A_957 : vector<16xf32>
      %mul3A_961 = arith.mulf %bitcast3A_952, %sub3A_960 : vector<16xf32>
      %mul3A_962 = arith.constant 5.000000e-01 : f32
      %mul3A_963 = vector.broadcast %mul3A_962 : f32 to vector<16xf32>
      %mul3A_964 = arith.mulf %mul3A_963, %get3A_944 : vector<16xf32>
      %mul3A_965 = arith.mulf %mul3A_964, %mul3A_961 : vector<16xf32>
      %mul3A_966 = arith.mulf %mul3A_965, %mul3A_961 : vector<16xf32>
      %sub3A_967 = arith.constant 1.500000e+00 : f32
      %sub3A_968 = vector.broadcast %sub3A_967 : f32 to vector<16xf32>
      %sub3A_969 = arith.subf %sub3A_968, %mul3A_966 : vector<16xf32>
      %mul3A_970 = arith.mulf %mul3A_961, %sub3A_969 : vector<16xf32>
      %mul3A_971 = arith.constant 5.000000e-01 : f32
      %mul3A_972 = vector.broadcast %mul3A_971 : f32 to vector<16xf32>
      %mul3A_973 = arith.mulf %mul3A_972, %get3A_944 : vector<16xf32>
      %mul3A_974 = arith.mulf %mul3A_973, %mul3A_970 : vector<16xf32>
      %mul3A_975 = arith.mulf %mul3A_974, %mul3A_970 : vector<16xf32>
      %sub3A_976 = arith.constant 1.500000e+00 : f32
      %sub3A_977 = vector.broadcast %sub3A_976 : f32 to vector<16xf32>
      %sub3A_978 = arith.subf %sub3A_977, %mul3A_975 : vector<16xf32>
      %mul3A_979 = arith.mulf %mul3A_970, %sub3A_978 : vector<16xf32>
      %mul3A_980 = arith.constant 5.000000e-01 : f32
      %mul3A_981 = vector.broadcast %mul3A_980 : f32 to vector<16xf32>
      %mul3A_982 = arith.mulf %mul3A_981, %get3A_944 : vector<16xf32>
      %mul3A_983 = arith.mulf %mul3A_982, %mul3A_979 : vector<16xf32>
      %mul3A_984 = arith.mulf %mul3A_983, %mul3A_979 : vector<16xf32>
      %sub3A_985 = arith.constant 1.500000e+00 : f32
      %sub3A_986 = vector.broadcast %sub3A_985 : f32 to vector<16xf32>
      %sub3A_987 = arith.subf %sub3A_986, %mul3A_984 : vector<16xf32>
      %mul3A_988 = arith.mulf %mul3A_979, %sub3A_987 : vector<16xf32>
      %gt3A_989 = arith.constant 5.000000e-01 : f32
      %gt3A_990 = vector.broadcast %gt3A_989 : f32 to vector<16xf32>
      %gt3A_991 = arith.cmpf ogt, %get3A_944, %gt3A_990 : vector<16xf32>
      %jit3A_992 = arith.constant 0.000000e+00 : f32
      %broadcast_in_dim3A_993 = vector.broadcast %jit3A_992 : f32 to vector<16xf32>
      %select_n3A_994 = arith.select %gt3A_991, %mul3A_988, %broadcast_in_dim3A_993 : vector<16xi1>, vector<16xf32>
      %swap3A_995 = arith.constant 256 : index
      %swap3A_996 = tpu.vector_load %arg6[%swap3A_995] {strides = array<i32>} : memref<320xf32, #tpu.memory_space<vmem>>, vector<16xf32>,
      tpu.vector_store %arg6[%swap3A_995], %select_n3A_994 {strides = array<i32>} : memref<320xf32, #tpu.memory_space<vmem>>, vector<16xf32>,
      %get3A_997 = arith.constant 272 : index
      %get3A_998 = tpu.vector_load %arg5[%get3A_997] {strides = array<i32>} : memref<320xf32, #tpu.memory_space<vmem>>, vector<16xf32>,
      %bitcast3A_999 = vector.bitcast %get3A_998 : vector<16xf32> to vector<16xi32>
      %shift_right_arithmetic3A_1000 = arith.constant 1 : i32
      %shift_right_arithmetic3A_1001 = vector.broadcast %shift_right_arithmetic3A_1000 : i32 to vector<16xi32>
      %shift_right_arithmetic3A_1002 = arith.shrsi %bitcast3A_999, %shift_right_arithmetic3A_1001 : vector<16xi32>
      %sub3A_1003 = arith.constant 1597463007 : i32
      %sub3A_1004 = vector.broadcast %sub3A_1003 : i32 to vector<16xi32>
      %sub3A_1005 = arith.subi %sub3A_1004, %shift_right_arithmetic3A_1002 : vector<16xi32>
      %bitcast3A_1006 = vector.bitcast %sub3A_1005 : vector<16xi32> to vector<16xf32>
      %mul3A_1007 = arith.constant 5.000000e-01 : f32
      %mul3A_1008 = vector.broadcast %mul3A_1007 : f32 to vector<16xf32>
      %mul3A_1009 = arith.mulf %mul3A_1008, %get3A_998 : vector<16xf32>
      %mul3A_1010 = arith.mulf %mul3A_1009, %bitcast3A_1006 : vector<16xf32>
      %mul3A_1011 = arith.mulf %mul3A_1010, %bitcast3A_1006 : vector<16xf32>
      %sub3A_1012 = arith.constant 1.500000e+00 : f32
      %sub3A_1013 = vector.broadcast %sub3A_1012 : f32 to vector<16xf32>
      %sub3A_1014 = arith.subf %sub3A_1013, %mul3A_1011 : vector<16xf32>
      %mul3A_1015 = arith.mulf %bitcast3A_1006, %sub3A_1014 : vector<16xf32>
      %mul3A_1016 = arith.constant 5.000000e-01 : f32
      %mul3A_1017 = vector.broadcast %mul3A_1016 : f32 to vector<16xf32>
      %mul3A_1018 = arith.mulf %mul3A_1017, %get3A_998 : vector<16xf32>
      %mul3A_1019 = arith.mulf %mul3A_1018, %mul3A_1015 : vector<16xf32>
      %mul3A_1020 = arith.mulf %mul3A_1019, %mul3A_1015 : vector<16xf32>
      %sub3A_1021 = arith.constant 1.500000e+00 : f32
      %sub3A_1022 = vector.broadcast %sub3A_1021 : f32 to vector<16xf32>
      %sub3A_1023 = arith.subf %sub3A_1022, %mul3A_1020 : vector<16xf32>
      %mul3A_1024 = arith.mulf %mul3A_1015, %sub3A_1023 : vector<16xf32>
      %mul3A_1025 = arith.constant 5.000000e-01 : f32
      %mul3A_1026 = vector.broadcast %mul3A_1025 : f32 to vector<16xf32>
      %mul3A_1027 = arith.mulf %mul3A_1026, %get3A_998 : vector<16xf32>
      %mul3A_1028 = arith.mulf %mul3A_1027, %mul3A_1024 : vector<16xf32>
      %mul3A_1029 = arith.mulf %mul3A_1028, %mul3A_1024 : vector<16xf32>
      %sub3A_1030 = arith.constant 1.500000e+00 : f32
      %sub3A_1031 = vector.broadcast %sub3A_1030 : f32 to vector<16xf32>
      %sub3A_1032 = arith.subf %sub3A_1031, %mul3A_1029 : vector<16xf32>
      %mul3A_1033 = arith.mulf %mul3A_1024, %sub3A_1032 : vector<16xf32>
      %mul3A_1034 = arith.constant 5.000000e-01 : f32
      %mul3A_1035 = vector.broadcast %mul3A_1034 : f32 to vector<16xf32>
      %mul3A_1036 = arith.mulf %mul3A_1035, %get3A_998 : vector<16xf32>
      %mul3A_1037 = arith.mulf %mul3A_1036, %mul3A_1033 : vector<16xf32>
      %mul3A_1038 = arith.mulf %mul3A_1037, %mul3A_1033 : vector<16xf32>
      %sub3A_1039 = arith.constant 1.500000e+00 : f32
      %sub3A_1040 = vector.broadcast %sub3A_1039 : f32 to vector<16xf32>
      %sub3A_1041 = arith.subf %sub3A_1040, %mul3A_1038 : vector<16xf32>
      %mul3A_1042 = arith.mulf %mul3A_1033, %sub3A_1041 : vector<16xf32>
      %gt3A_1043 = arith.constant 5.000000e-01 : f32
      %gt3A_1044 = vector.broadcast %gt3A_1043 : f32 to vector<16xf32>
      %gt3A_1045 = arith.cmpf ogt, %get3A_998, %gt3A_1044 : vector<16xf32>
      %jit3A_1046 = arith.constant 0.000000e+00 : f32
      %broadcast_in_dim3A_1047 = vector.broadcast %jit3A_1046 : f32 to vector<16xf32>
      %select_n3A_1048 = arith.select %gt3A_1045, %mul3A_1042, %broadcast_in_dim3A_1047 : vector<16xi1>, vector<16xf32>
      %swap3A_1049 = arith.constant 272 : index
      %swap3A_1050 = tpu.vector_load %arg6[%swap3A_1049] {strides = array<i32>} : memref<320xf32, #tpu.memory_space<vmem>>, vector<16xf32>,
      tpu.vector_store %arg6[%swap3A_1049], %select_n3A_1048 {strides = array<i32>} : memref<320xf32, #tpu.memory_space<vmem>>, vector<16xf32>,
      %get3A_1051 = arith.constant 288 : index
      %get3A_1052 = tpu.vector_load %arg5[%get3A_1051] {strides = array<i32>} : memref<320xf32, #tpu.memory_space<vmem>>, vector<16xf32>,
      %bitcast3A_1053 = vector.bitcast %get3A_1052 : vector<16xf32> to vector<16xi32>
      %shift_right_arithmetic3A_1054 = arith.constant 1 : i32
      %shift_right_arithmetic3A_1055 = vector.broadcast %shift_right_arithmetic3A_1054 : i32 to vector<16xi32>
      %shift_right_arithmetic3A_1056 = arith.shrsi %bitcast3A_1053, %shift_right_arithmetic3A_1055 : vector<16xi32>
      %sub3A_1057 = arith.constant 1597463007 : i32
      %sub3A_1058 = vector.broadcast %sub3A_1057 : i32 to vector<16xi32>
      %sub3A_1059 = arith.subi %sub3A_1058, %shift_right_arithmetic3A_1056 : vector<16xi32>
      %bitcast3A_1060 = vector.bitcast %sub3A_1059 : vector<16xi32> to vector<16xf32>
      %mul3A_1061 = arith.constant 5.000000e-01 : f32
      %mul3A_1062 = vector.broadcast %mul3A_1061 : f32 to vector<16xf32>
      %mul3A_1063 = arith.mulf %mul3A_1062, %get3A_1052 : vector<16xf32>
      %mul3A_1064 = arith.mulf %mul3A_1063, %bitcast3A_1060 : vector<16xf32>
      %mul3A_1065 = arith.mulf %mul3A_1064, %bitcast3A_1060 : vector<16xf32>
      %sub3A_1066 = arith.constant 1.500000e+00 : f32
      %sub3A_1067 = vector.broadcast %sub3A_1066 : f32 to vector<16xf32>
      %sub3A_1068 = arith.subf %sub3A_1067, %mul3A_1065 : vector<16xf32>
      %mul3A_1069 = arith.mulf %bitcast3A_1060, %sub3A_1068 : vector<16xf32>
      %mul3A_1070 = arith.constant 5.000000e-01 : f32
      %mul3A_1071 = vector.broadcast %mul3A_1070 : f32 to vector<16xf32>
      %mul3A_1072 = arith.mulf %mul3A_1071, %get3A_1052 : vector<16xf32>
      %mul3A_1073 = arith.mulf %mul3A_1072, %mul3A_1069 : vector<16xf32>
      %mul3A_1074 = arith.mulf %mul3A_1073, %mul3A_1069 : vector<16xf32>
      %sub3A_1075 = arith.constant 1.500000e+00 : f32
      %sub3A_1076 = vector.broadcast %sub3A_1075 : f32 to vector<16xf32>
      %sub3A_1077 = arith.subf %sub3A_1076, %mul3A_1074 : vector<16xf32>
      %mul3A_1078 = arith.mulf %mul3A_1069, %sub3A_1077 : vector<16xf32>
      %mul3A_1079 = arith.constant 5.000000e-01 : f32
      %mul3A_1080 = vector.broadcast %mul3A_1079 : f32 to vector<16xf32>
      %mul3A_1081 = arith.mulf %mul3A_1080, %get3A_1052 : vector<16xf32>
      %mul3A_1082 = arith.mulf %mul3A_1081, %mul3A_1078 : vector<16xf32>
      %mul3A_1083 = arith.mulf %mul3A_1082, %mul3A_1078 : vector<16xf32>
      %sub3A_1084 = arith.constant 1.500000e+00 : f32
      %sub3A_1085 = vector.broadcast %sub3A_1084 : f32 to vector<16xf32>
      %sub3A_1086 = arith.subf %sub3A_1085, %mul3A_1083 : vector<16xf32>
      %mul3A_1087 = arith.mulf %mul3A_1078, %sub3A_1086 : vector<16xf32>
      %mul3A_1088 = arith.constant 5.000000e-01 : f32
      %mul3A_1089 = vector.broadcast %mul3A_1088 : f32 to vector<16xf32>
      %mul3A_1090 = arith.mulf %mul3A_1089, %get3A_1052 : vector<16xf32>
      %mul3A_1091 = arith.mulf %mul3A_1090, %mul3A_1087 : vector<16xf32>
      %mul3A_1092 = arith.mulf %mul3A_1091, %mul3A_1087 : vector<16xf32>
      %sub3A_1093 = arith.constant 1.500000e+00 : f32
      %sub3A_1094 = vector.broadcast %sub3A_1093 : f32 to vector<16xf32>
      %sub3A_1095 = arith.subf %sub3A_1094, %mul3A_1092 : vector<16xf32>
      %mul3A_1096 = arith.mulf %mul3A_1087, %sub3A_1095 : vector<16xf32>
      %gt3A_1097 = arith.constant 5.000000e-01 : f32
      %gt3A_1098 = vector.broadcast %gt3A_1097 : f32 to vector<16xf32>
      %gt3A_1099 = arith.cmpf ogt, %get3A_1052, %gt3A_1098 : vector<16xf32>
      %jit3A_1100 = arith.constant 0.000000e+00 : f32
      %broadcast_in_dim3A_1101 = vector.broadcast %jit3A_1100 : f32 to vector<16xf32>
      %select_n3A_1102 = arith.select %gt3A_1099, %mul3A_1096, %broadcast_in_dim3A_1101 : vector<16xi1>, vector<16xf32>
      %swap3A_1103 = arith.constant 288 : index
      %swap3A_1104 = tpu.vector_load %arg6[%swap3A_1103] {strides = array<i32>} : memref<320xf32, #tpu.memory_space<vmem>>, vector<16xf32>,
      tpu.vector_store %arg6[%swap3A_1103], %select_n3A_1102 {strides = array<i32>} : memref<320xf32, #tpu.memory_space<vmem>>, vector<16xf32>,
      %get3A_1105 = arith.constant 304 : index
      %get3A_1106 = tpu.vector_load %arg5[%get3A_1105] {strides = array<i32>} : memref<320xf32, #tpu.memory_space<vmem>>, vector<16xf32>,
      %bitcast3A_1107 = vector.bitcast %get3A_1106 : vector<16xf32> to vector<16xi32>
      %shift_right_arithmetic3A_1108 = arith.constant 1 : i32
      %shift_right_arithmetic3A_1109 = vector.broadcast %shift_right_arithmetic3A_1108 : i32 to vector<16xi32>
      %shift_right_arithmetic3A_1110 = arith.shrsi %bitcast3A_1107, %shift_right_arithmetic3A_1109 : vector<16xi32>
      %sub3A_1111 = arith.constant 1597463007 : i32
      %sub3A_1112 = vector.broadcast %sub3A_1111 : i32 to vector<16xi32>
      %sub3A_1113 = arith.subi %sub3A_1112, %shift_right_arithmetic3A_1110 : vector<16xi32>
      %bitcast3A_1114 = vector.bitcast %sub3A_1113 : vector<16xi32> to vector<16xf32>
      %mul3A_1115 = arith.constant 5.000000e-01 : f32
      %mul3A_1116 = vector.broadcast %mul3A_1115 : f32 to vector<16xf32>
      %mul3A_1117 = arith.mulf %mul3A_1116, %get3A_1106 : vector<16xf32>
      %mul3A_1118 = arith.mulf %mul3A_1117, %bitcast3A_1114 : vector<16xf32>
      %mul3A_1119 = arith.mulf %mul3A_1118, %bitcast3A_1114 : vector<16xf32>
      %sub3A_1120 = arith.constant 1.500000e+00 : f32
      %sub3A_1121 = vector.broadcast %sub3A_1120 : f32 to vector<16xf32>
      %sub3A_1122 = arith.subf %sub3A_1121, %mul3A_1119 : vector<16xf32>
      %mul3A_1123 = arith.mulf %bitcast3A_1114, %sub3A_1122 : vector<16xf32>
      %mul3A_1124 = arith.constant 5.000000e-01 : f32
      %mul3A_1125 = vector.broadcast %mul3A_1124 : f32 to vector<16xf32>
      %mul3A_1126 = arith.mulf %mul3A_1125, %get3A_1106 : vector<16xf32>
      %mul3A_1127 = arith.mulf %mul3A_1126, %mul3A_1123 : vector<16xf32>
      %mul3A_1128 = arith.mulf %mul3A_1127, %mul3A_1123 : vector<16xf32>
      %sub3A_1129 = arith.constant 1.500000e+00 : f32
      %sub3A_1130 = vector.broadcast %sub3A_1129 : f32 to vector<16xf32>
      %sub3A_1131 = arith.subf %sub3A_1130, %mul3A_1128 : vector<16xf32>
      %mul3A_1132 = arith.mulf %mul3A_1123, %sub3A_1131 : vector<16xf32>
      %mul3A_1133 = arith.constant 5.000000e-01 : f32
      %mul3A_1134 = vector.broadcast %mul3A_1133 : f32 to vector<16xf32>
      %mul3A_1135 = arith.mulf %mul3A_1134, %get3A_1106 : vector<16xf32>
      %mul3A_1136 = arith.mulf %mul3A_1135, %mul3A_1132 : vector<16xf32>
      %mul3A_1137 = arith.mulf %mul3A_1136, %mul3A_1132 : vector<16xf32>
      %sub3A_1138 = arith.constant 1.500000e+00 : f32
      %sub3A_1139 = vector.broadcast %sub3A_1138 : f32 to vector<16xf32>
      %sub3A_1140 = arith.subf %sub3A_1139, %mul3A_1137 : vector<16xf32>
      %mul3A_1141 = arith.mulf %mul3A_1132, %sub3A_1140 : vector<16xf32>
      %mul3A_1142 = arith.constant 5.000000e-01 : f32
      %mul3A_1143 = vector.broadcast %mul3A_1142 : f32 to vector<16xf32>
      %mul3A_1144 = arith.mulf %mul3A_1143, %get3A_1106 : vector<16xf32>
      %mul3A_1145 = arith.mulf %mul3A_1144, %mul3A_1141 : vector<16xf32>
      %mul3A_1146 = arith.mulf %mul3A_1145, %mul3A_1141 : vector<16xf32>
      %sub3A_1147 = arith.constant 1.500000e+00 : f32
      %sub3A_1148 = vector.broadcast %sub3A_1147 : f32 to vector<16xf32>
      %sub3A_1149 = arith.subf %sub3A_1148, %mul3A_1146 : vector<16xf32>
      %mul3A_1150 = arith.mulf %mul3A_1141, %sub3A_1149 : vector<16xf32>
      %gt3A_1151 = arith.constant 5.000000e-01 : f32
      %gt3A_1152 = vector.broadcast %gt3A_1151 : f32 to vector<16xf32>
      %gt3A_1153 = arith.cmpf ogt, %get3A_1106, %gt3A_1152 : vector<16xf32>
      %jit3A_1154 = arith.constant 0.000000e+00 : f32
      %broadcast_in_dim3A_1155 = vector.broadcast %jit3A_1154 : f32 to vector<16xf32>
      %select_n3A_1156 = arith.select %gt3A_1153, %mul3A_1150, %broadcast_in_dim3A_1155 : vector<16xi1>, vector<16xf32>
      %swap3A_1157 = arith.constant 304 : index
      %swap3A_1158 = tpu.vector_load %arg6[%swap3A_1157] {strides = array<i32>} : memref<320xf32, #tpu.memory_space<vmem>>, vector<16xf32>,
      tpu.vector_store %arg6[%swap3A_1157], %select_n3A_1156 {strides = array<i32>} : memref<320xf32, #tpu.memory_space<vmem>>, vector<16xf32>,
      %scan3A_1159 = arith.constant 0 : i32
      %scan3A_1160 = arith.constant 0 : i32
      %scan3A_1161 = arith.constant 7368 : i32
      %scan3A_1162 = arith.addi %scan3A_1160, %scan3A_1161 : i32
      %scan3A_1163 = arith.constant 1 : i32
      scf.for %scan3A_1171 = %scan3A_1160 to %scan3A_1162 step %scan3A_1163  : i32 {
        %broadcast_in_dim3A_1172 = arith.constant 0.000000e+00 : f32
        %broadcast_in_dim3A_1173 = vector.broadcast %broadcast_in_dim3A_1172 : f32 to vector<16xf32>
        %mul3A_1174 = arith.constant 16 : i32
        %mul3A_1175 = arith.muli %scan3A_1171, %mul3A_1174 : i32
        %swap3A_1176 = arith.index_cast %mul3A_1175 : i32 to index
        %swap3A_1177 = tpu.vector_load %arg7[%swap3A_1176] {strides = array<i32>} : memref<117888xf32, #tpu.memory_space<vmem>>, vector<16xf32>,
        tpu.vector_store %arg7[%swap3A_1176], %broadcast_in_dim3A_1173 {strides = array<i32>} : memref<117888xf32, #tpu.memory_space<vmem>>, vector<16xf32>,
      }
      %scan3A_1164 = arith.constant 7368 : i32
      %scan3A_1165 = arith.constant 0 : i32
      %scan3A_1166 = arith.constant 0 : i32
      %scan3A_1167 = arith.constant 307 : i32
      %scan3A_1168 = arith.addi %scan3A_1166, %scan3A_1167 : i32
      %scan3A_1169 = arith.constant 1 : i32
      scf.for %scan3A_1171 = %scan3A_1166 to %scan3A_1168 step %scan3A_1169  : i32 {
        %mul3A_1172 = arith.constant 16 : i32
        %mul3A_1173 = arith.muli %scan3A_1171, %mul3A_1172 : i32
        %get3A_1174 = arith.index_cast %mul3A_1173 : i32 to index
        %get3A_1175 = tpu.vector_load %arg4[%get3A_1174] {strides = array<i32>} : memref<9824xi32, #tpu.memory_space<vmem>>, vector<16xi32>,
        %mul3A_1176 = arith.constant 16 : i32
        %mul3A_1177 = arith.muli %scan3A_1171, %mul3A_1176 : i32
        %add3A_1178 = arith.constant 4912 : i32
        %add3A_1179 = arith.addi %add3A_1178, %mul3A_1177 : i32
        %get3A_1180 = arith.index_cast %add3A_1179 : i32 to index
        %get3A_1181 = tpu.vector_load %arg4[%get3A_1180] {strides = array<i32>} : memref<9824xi32, #tpu.memory_space<vmem>>, vector<16xi32>,
        %ne3A = arith.cmpi ne, %get3A_1175, %get3A_1181 : vector<16xi32>
        %jit3A_1182 = arith.constant -1.000000e+00 : f32
        %jit3A_1183 = arith.constant 0.000000e+00 : f32
        %broadcast_in_dim3A_1184 = vector.broadcast %jit3A_1182 : f32 to vector<16xf32>
        %broadcast_in_dim3A_1185 = vector.broadcast %jit3A_1183 : f32 to vector<16xf32>
        %select_n3A_1186 = arith.select %ne3A, %broadcast_in_dim3A_1184, %broadcast_in_dim3A_1185 : vector<16xi1>, vector<16xf32>
        %gather3A = tpu.vector_load_idx %arg6[%get3A_1175] : memref<320xf32, #tpu.memory_space<vmem>>[vector<16xi32>], vector<16xf32>,
        %gather3A_1187 = tpu.vector_load_idx %arg6[%get3A_1181] : memref<320xf32, #tpu.memory_space<vmem>>[vector<16xi32>], vector<16xf32>,
        %mul3A_1188 = arith.constant 384 : i32
        %mul3A_1189 = vector.broadcast %mul3A_1188 : i32 to vector<16xi32>
        %mul3A_1190 = arith.muli %get3A_1175, %mul3A_1189 : vector<16xi32>
        %add3A_1191 = arith.addi %mul3A_1190, %get3A_1181 : vector<16xi32>
        %mul3A_1192 = arith.mulf %gather3A, %gather3A_1187 : vector<16xf32>
        %mul3A_1193 = arith.mulf %mul3A_1192, %select_n3A_1186 : vector<16xf32>
        tpu.vector_store_idx %arg7[%add3A_1191], %mul3A_1193 {add = true} : memref<117888xf32, #tpu.memory_space<vmem>>[vector<16xi32>], vector<16xf32>,
      }
      %scan3A_1170 = arith.constant 307 : i32
      "tpu.region"() ({
        %run_scoped3A = tpu.sem_alloc : memref<!tpu.dma_semaphore, #tpu.memory_space<semaphore_mem>>
        tpu.enqueue_dma source(%arg7 : memref<117888xf32, #tpu.memory_space<vmem>>) target(%arg3 : memref<117888xf32, #tpu.memory_space<hbm>>) target_semaphore(%run_scoped3A : memref<!tpu.dma_semaphore, #tpu.memory_space<semaphore_mem>>)
        tpu.wait_dma2 semaphore(%run_scoped3A : memref<!tpu.dma_semaphore, #tpu.memory_space<semaphore_mem>>) src(%arg7 : memref<117888xf32, #tpu.memory_space<vmem>>) dst(%arg3 : memref<117888xf32, #tpu.memory_space<hbm>>)
        tpu.yield
      }) : () -> ()
    } else {
    }
    return
  }
}

module attributes {stable_mosaic.version = 14 : i64} {
  func.func @_block_kernel(%arg0: i32, %arg1: memref<1x4608x64xf32, #tpu.memory_space<vmem>>, %arg2: memref<1x384xf32, #tpu.memory_space<vmem>>, %arg3: memref<64x384xf32, #tpu.memory_space<vmem>>, %arg4: memref<1x64xf32, #tpu.memory_space<vmem>>, %arg5: memref<12x12xf32, #tpu.memory_space<vmem>>, %arg6: memref<12x12xf32, #tpu.memory_space<vmem>>, %arg7: memref<1x12xf32, #tpu.memory_space<vmem>>, %arg8: memref<64x12xf32, #tpu.memory_space<vmem>>, %arg9: memref<1x64xf32, #tpu.memory_space<vmem>>, %arg10: memref<384x384xf32, #tpu.memory_space<vmem>>, %arg11: memref<384x384xf32, #tpu.memory_space<vmem>>, %arg12: memref<192x64xf32, #tpu.memory_space<vmem>>, %arg13: memref<1x64xf32, #tpu.memory_space<vmem>>, %arg14: memref<192x64xf32, #tpu.memory_space<vmem>>, %arg15: memref<1x64xf32, #tpu.memory_space<vmem>>, %arg16: memref<64x64xf32, #tpu.memory_space<vmem>>, %arg17: memref<1x64xf32, #tpu.memory_space<vmem>>, %arg18: memref<1x64xf32, #tpu.memory_space<vmem>>, %arg19: memref<1x64xf32, #tpu.memory_space<vmem>>, %arg20: memref<384x384xf32, #tpu.memory_space<vmem>>, %arg21: memref<1x4608x64xf32, #tpu.memory_space<vmem>>) attributes {dimension_semantics = [#tpu.dimension_semantics<parallel>], iteration_bounds = array<i64: 32>, scalar_prefetch = 0 : i64, scratch_operands = 0 : i64, tpu.core_type = #tpu.core_type<tc>, window_params = [{transform_indices = @transform_0, window_bounds = array<i64: 1, 4608, 64>}, {pipeline_mode = #tpu.pipeline_mode<synchronous>, transform_indices = @transform_1, window_bounds = array<i64: 1, 384>}, {pipeline_mode = #tpu.pipeline_mode<synchronous>, transform_indices = @transform_2, window_bounds = array<i64: 64, 384>}, {pipeline_mode = #tpu.pipeline_mode<synchronous>, transform_indices = @transform_3, window_bounds = array<i64: 1, 64>}, {pipeline_mode = #tpu.pipeline_mode<synchronous>, transform_indices = @transform_4, window_bounds = array<i64: 12, 12>}, {pipeline_mode = #tpu.pipeline_mode<synchronous>, transform_indices = @transform_5, window_bounds = array<i64: 12, 12>}, {pipeline_mode = #tpu.pipeline_mode<synchronous>, transform_indices = @transform_6, window_bounds = array<i64: 1, 12>}, {pipeline_mode = #tpu.pipeline_mode<synchronous>, transform_indices = @transform_7, window_bounds = array<i64: 64, 12>}, {pipeline_mode = #tpu.pipeline_mode<synchronous>, transform_indices = @transform_8, window_bounds = array<i64: 1, 64>}, {pipeline_mode = #tpu.pipeline_mode<synchronous>, transform_indices = @transform_9, window_bounds = array<i64: 384, 384>}, {pipeline_mode = #tpu.pipeline_mode<synchronous>, transform_indices = @transform_10, window_bounds = array<i64: 384, 384>}, {pipeline_mode = #tpu.pipeline_mode<synchronous>, transform_indices = @transform_11, window_bounds = array<i64: 192, 64>}, {pipeline_mode = #tpu.pipeline_mode<synchronous>, transform_indices = @transform_12, window_bounds = array<i64: 1, 64>}, {pipeline_mode = #tpu.pipeline_mode<synchronous>, transform_indices = @transform_13, window_bounds = array<i64: 192, 64>}, {pipeline_mode = #tpu.pipeline_mode<synchronous>, transform_indices = @transform_14, window_bounds = array<i64: 1, 64>}, {pipeline_mode = #tpu.pipeline_mode<synchronous>, transform_indices = @transform_15, window_bounds = array<i64: 64, 64>}, {pipeline_mode = #tpu.pipeline_mode<synchronous>, transform_indices = @transform_16, window_bounds = array<i64: 1, 64>}, {pipeline_mode = #tpu.pipeline_mode<synchronous>, transform_indices = @transform_17, window_bounds = array<i64: 1, 64>}, {pipeline_mode = #tpu.pipeline_mode<synchronous>, transform_indices = @transform_18, window_bounds = array<i64: 1, 64>}, {pipeline_mode = #tpu.pipeline_mode<synchronous>, transform_indices = @transform_19, window_bounds = array<i64: 384, 384>}, {transform_indices = @transform_20, window_bounds = array<i64: 1, 4608, 64>}]} {
    %get3A = arith.constant 0 : index
    %get3A_0 = arith.constant 0 : index
    %get3A_1 = arith.constant 0 : index
    %get3A_2 = vector.load %arg1[%get3A, %get3A_0, %get3A_1] : memref<1x4608x64xf32, #tpu.memory_space<vmem>>, vector<1x4608x64xf32>
    %get3A_3 = vector.shape_cast %get3A_2 : vector<1x4608x64xf32> to vector<4608x64xf32>
    %get3A_4 = arith.constant 0 : index
    %get3A_5 = arith.constant 0 : index
    %get3A_6 = vector.load %arg2[%get3A_4, %get3A_5] : memref<1x384xf32, #tpu.memory_space<vmem>>, vector<1x384xf32>
    %get3A_7 = arith.constant 0 : index
    %get3A_8 = arith.constant 0 : index
    %get3A_9 = vector.load %arg3[%get3A_7, %get3A_8] : memref<64x384xf32, #tpu.memory_space<vmem>>, vector<64x384xf32>
    %get3A_10 = arith.constant 0 : index
    %get3A_11 = arith.constant 0 : index
    %get3A_12 = vector.load %arg4[%get3A_10, %get3A_11] : memref<1x64xf32, #tpu.memory_space<vmem>>, vector<1x64xf32>
    %get3A_13 = arith.constant 0 : index
    %get3A_14 = arith.constant 0 : index
    %get3A_15 = vector.load %arg5[%get3A_13, %get3A_14] : memref<12x12xf32, #tpu.memory_space<vmem>>, vector<12x12xf32>
    %get3A_16 = arith.constant 0 : index
    %get3A_17 = arith.constant 0 : index
    %get3A_18 = vector.load %arg6[%get3A_16, %get3A_17] : memref<12x12xf32, #tpu.memory_space<vmem>>, vector<12x12xf32>
    %get3A_19 = arith.constant 0 : index
    %get3A_20 = arith.constant 0 : index
    %get3A_21 = vector.load %arg7[%get3A_19, %get3A_20] : memref<1x12xf32, #tpu.memory_space<vmem>>, vector<1x12xf32>
    %get3A_22 = arith.constant 0 : index
    %get3A_23 = arith.constant 0 : index
    %get3A_24 = vector.load %arg8[%get3A_22, %get3A_23] : memref<64x12xf32, #tpu.memory_space<vmem>>, vector<64x12xf32>
    %get3A_25 = arith.constant 0 : index
    %get3A_26 = arith.constant 0 : index
    %get3A_27 = vector.load %arg9[%get3A_25, %get3A_26] : memref<1x64xf32, #tpu.memory_space<vmem>>, vector<1x64xf32>
    %get3A_28 = arith.constant 0 : index
    %get3A_29 = arith.constant 0 : index
    %get3A_30 = vector.load %arg10[%get3A_28, %get3A_29] : memref<384x384xf32, #tpu.memory_space<vmem>>, vector<384x384xf32>
    %get3A_31 = arith.constant 0 : index
    %get3A_32 = arith.constant 0 : index
    %get3A_33 = vector.load %arg11[%get3A_31, %get3A_32] : memref<384x384xf32, #tpu.memory_space<vmem>>, vector<384x384xf32>
    %get3A_34 = arith.constant 0 : index
    %get3A_35 = arith.constant 0 : index
    %get3A_36 = vector.load %arg12[%get3A_34, %get3A_35] : memref<192x64xf32, #tpu.memory_space<vmem>>, vector<192x64xf32>
    %get3A_37 = arith.constant 0 : index
    %get3A_38 = arith.constant 0 : index
    %get3A_39 = vector.load %arg13[%get3A_37, %get3A_38] : memref<1x64xf32, #tpu.memory_space<vmem>>, vector<1x64xf32>
    %get3A_40 = arith.constant 0 : index
    %get3A_41 = arith.constant 0 : index
    %get3A_42 = vector.load %arg14[%get3A_40, %get3A_41] : memref<192x64xf32, #tpu.memory_space<vmem>>, vector<192x64xf32>
    %get3A_43 = arith.constant 0 : index
    %get3A_44 = arith.constant 0 : index
    %get3A_45 = vector.load %arg15[%get3A_43, %get3A_44] : memref<1x64xf32, #tpu.memory_space<vmem>>, vector<1x64xf32>
    %get3A_46 = arith.constant 0 : index
    %get3A_47 = arith.constant 0 : index
    %get3A_48 = vector.load %arg16[%get3A_46, %get3A_47] : memref<64x64xf32, #tpu.memory_space<vmem>>, vector<64x64xf32>
    %get3A_49 = arith.constant 0 : index
    %get3A_50 = arith.constant 0 : index
    %get3A_51 = vector.load %arg17[%get3A_49, %get3A_50] : memref<1x64xf32, #tpu.memory_space<vmem>>, vector<1x64xf32>
    %get3A_52 = arith.constant 0 : index
    %get3A_53 = arith.constant 0 : index
    %get3A_54 = vector.load %arg18[%get3A_52, %get3A_53] : memref<1x64xf32, #tpu.memory_space<vmem>>, vector<1x64xf32>
    %get3A_55 = arith.constant 0 : index
    %get3A_56 = arith.constant 0 : index
    %get3A_57 = vector.load %arg19[%get3A_55, %get3A_56] : memref<1x64xf32, #tpu.memory_space<vmem>>, vector<1x64xf32>
    %get3A_58 = arith.constant 0 : index
    %get3A_59 = arith.constant 0 : index
    %get3A_60 = vector.load %arg20[%get3A_58, %get3A_59] : memref<384x384xf32, #tpu.memory_space<vmem>>, vector<384x384xf32>
    %slice3A = vector.extract_strided_slice %get3A_3 {offsets = [0, 0], sizes = [384, 64], strides = [1, 1]} : vector<4608x64xf32> to vector<384x64xf32>
    %slice3A_61 = vector.extract_strided_slice %get3A_3 {offsets = [384, 0], sizes = [384, 64], strides = [1, 1]} : vector<4608x64xf32> to vector<384x64xf32>
    %slice3A_62 = vector.extract_strided_slice %get3A_3 {offsets = [768, 0], sizes = [384, 64], strides = [1, 1]} : vector<4608x64xf32> to vector<384x64xf32>
    %slice3A_63 = vector.extract_strided_slice %get3A_3 {offsets = [1152, 0], sizes = [384, 64], strides = [1, 1]} : vector<4608x64xf32> to vector<384x64xf32>
    %slice3A_64 = vector.extract_strided_slice %get3A_3 {offsets = [1536, 0], sizes = [384, 64], strides = [1, 1]} : vector<4608x64xf32> to vector<384x64xf32>
    %slice3A_65 = vector.extract_strided_slice %get3A_3 {offsets = [1920, 0], sizes = [384, 64], strides = [1, 1]} : vector<4608x64xf32> to vector<384x64xf32>
    %slice3A_66 = vector.extract_strided_slice %get3A_3 {offsets = [2304, 0], sizes = [384, 64], strides = [1, 1]} : vector<4608x64xf32> to vector<384x64xf32>
    %slice3A_67 = vector.extract_strided_slice %get3A_3 {offsets = [2688, 0], sizes = [384, 64], strides = [1, 1]} : vector<4608x64xf32> to vector<384x64xf32>
    %slice3A_68 = vector.extract_strided_slice %get3A_3 {offsets = [3072, 0], sizes = [384, 64], strides = [1, 1]} : vector<4608x64xf32> to vector<384x64xf32>
    %slice3A_69 = vector.extract_strided_slice %get3A_3 {offsets = [3456, 0], sizes = [384, 64], strides = [1, 1]} : vector<4608x64xf32> to vector<384x64xf32>
    %slice3A_70 = vector.extract_strided_slice %get3A_3 {offsets = [3840, 0], sizes = [384, 64], strides = [1, 1]} : vector<4608x64xf32> to vector<384x64xf32>
    %slice3A_71 = vector.extract_strided_slice %get3A_3 {offsets = [4224, 0], sizes = [384, 64], strides = [1, 1]} : vector<4608x64xf32> to vector<384x64xf32>
    %dot_general3A = arith.constant dense<0.000000e+00> : vector<1x64xf32>
    %dot_general3A_72 = tpu.matmul %get3A_6, %slice3A, %dot_general3A {dimension_numbers = #tpu.dot_dimension_numbers<[1], [0], [0], [1], [0, 0, 1, 1], [], []>, transpose_lhs_hint = false} : vector<1x384xf32>, vector<384x64xf32>, vector<1x64xf32> -> vector<1x64xf32>
    %dot_general3A_73 = arith.constant dense<0.000000e+00> : vector<1x64xf32>
    %dot_general3A_74 = tpu.matmul %get3A_6, %slice3A_61, %dot_general3A_73 {dimension_numbers = #tpu.dot_dimension_numbers<[1], [0], [0], [1], [0, 0, 1, 1], [], []>, transpose_lhs_hint = false} : vector<1x384xf32>, vector<384x64xf32>, vector<1x64xf32> -> vector<1x64xf32>
    %dot_general3A_75 = arith.constant dense<0.000000e+00> : vector<1x64xf32>
    %dot_general3A_76 = tpu.matmul %get3A_6, %slice3A_62, %dot_general3A_75 {dimension_numbers = #tpu.dot_dimension_numbers<[1], [0], [0], [1], [0, 0, 1, 1], [], []>, transpose_lhs_hint = false} : vector<1x384xf32>, vector<384x64xf32>, vector<1x64xf32> -> vector<1x64xf32>
    %dot_general3A_77 = arith.constant dense<0.000000e+00> : vector<1x64xf32>
    %dot_general3A_78 = tpu.matmul %get3A_6, %slice3A_63, %dot_general3A_77 {dimension_numbers = #tpu.dot_dimension_numbers<[1], [0], [0], [1], [0, 0, 1, 1], [], []>, transpose_lhs_hint = false} : vector<1x384xf32>, vector<384x64xf32>, vector<1x64xf32> -> vector<1x64xf32>
    %dot_general3A_79 = arith.constant dense<0.000000e+00> : vector<1x64xf32>
    %dot_general3A_80 = tpu.matmul %get3A_6, %slice3A_64, %dot_general3A_79 {dimension_numbers = #tpu.dot_dimension_numbers<[1], [0], [0], [1], [0, 0, 1, 1], [], []>, transpose_lhs_hint = false} : vector<1x384xf32>, vector<384x64xf32>, vector<1x64xf32> -> vector<1x64xf32>
    %dot_general3A_81 = arith.constant dense<0.000000e+00> : vector<1x64xf32>
    %dot_general3A_82 = tpu.matmul %get3A_6, %slice3A_65, %dot_general3A_81 {dimension_numbers = #tpu.dot_dimension_numbers<[1], [0], [0], [1], [0, 0, 1, 1], [], []>, transpose_lhs_hint = false} : vector<1x384xf32>, vector<384x64xf32>, vector<1x64xf32> -> vector<1x64xf32>
    %dot_general3A_83 = arith.constant dense<0.000000e+00> : vector<1x64xf32>
    %dot_general3A_84 = tpu.matmul %get3A_6, %slice3A_66, %dot_general3A_83 {dimension_numbers = #tpu.dot_dimension_numbers<[1], [0], [0], [1], [0, 0, 1, 1], [], []>, transpose_lhs_hint = false} : vector<1x384xf32>, vector<384x64xf32>, vector<1x64xf32> -> vector<1x64xf32>
    %dot_general3A_85 = arith.constant dense<0.000000e+00> : vector<1x64xf32>
    %dot_general3A_86 = tpu.matmul %get3A_6, %slice3A_67, %dot_general3A_85 {dimension_numbers = #tpu.dot_dimension_numbers<[1], [0], [0], [1], [0, 0, 1, 1], [], []>, transpose_lhs_hint = false} : vector<1x384xf32>, vector<384x64xf32>, vector<1x64xf32> -> vector<1x64xf32>
    %dot_general3A_87 = arith.constant dense<0.000000e+00> : vector<1x64xf32>
    %dot_general3A_88 = tpu.matmul %get3A_6, %slice3A_68, %dot_general3A_87 {dimension_numbers = #tpu.dot_dimension_numbers<[1], [0], [0], [1], [0, 0, 1, 1], [], []>, transpose_lhs_hint = false} : vector<1x384xf32>, vector<384x64xf32>, vector<1x64xf32> -> vector<1x64xf32>
    %dot_general3A_89 = arith.constant dense<0.000000e+00> : vector<1x64xf32>
    %dot_general3A_90 = tpu.matmul %get3A_6, %slice3A_69, %dot_general3A_89 {dimension_numbers = #tpu.dot_dimension_numbers<[1], [0], [0], [1], [0, 0, 1, 1], [], []>, transpose_lhs_hint = false} : vector<1x384xf32>, vector<384x64xf32>, vector<1x64xf32> -> vector<1x64xf32>
    %dot_general3A_91 = arith.constant dense<0.000000e+00> : vector<1x64xf32>
    %dot_general3A_92 = tpu.matmul %get3A_6, %slice3A_70, %dot_general3A_91 {dimension_numbers = #tpu.dot_dimension_numbers<[1], [0], [0], [1], [0, 0, 1, 1], [], []>, transpose_lhs_hint = false} : vector<1x384xf32>, vector<384x64xf32>, vector<1x64xf32> -> vector<1x64xf32>
    %dot_general3A_93 = arith.constant dense<0.000000e+00> : vector<1x64xf32>
    %dot_general3A_94 = tpu.matmul %get3A_6, %slice3A_71, %dot_general3A_93 {dimension_numbers = #tpu.dot_dimension_numbers<[1], [0], [0], [1], [0, 0, 1, 1], [], []>, transpose_lhs_hint = false} : vector<1x384xf32>, vector<384x64xf32>, vector<1x64xf32> -> vector<1x64xf32>
    %concatenate3A = tpu.concatenate %dot_general3A_72, %dot_general3A_74, %dot_general3A_76, %dot_general3A_78, %dot_general3A_80, %dot_general3A_82, %dot_general3A_84, %dot_general3A_86, %dot_general3A_88, %dot_general3A_90, %dot_general3A_92, %dot_general3A_94 in 0 : vector<1x64xf32>, vector<1x64xf32>, vector<1x64xf32>, vector<1x64xf32>, vector<1x64xf32>, vector<1x64xf32>, vector<1x64xf32>, vector<1x64xf32>, vector<1x64xf32>, vector<1x64xf32>, vector<1x64xf32>, vector<1x64xf32> -> vector<12x64xf32>
    %dot_general3A_95 = arith.constant dense<0.000000e+00> : vector<12x384xf32>
    %dot_general3A_96 = tpu.matmul %concatenate3A, %get3A_9, %dot_general3A_95 {dimension_numbers = #tpu.dot_dimension_numbers<[1], [0], [0], [1], [0, 0, 1, 1], [], []>, transpose_lhs_hint = false} : vector<12x64xf32>, vector<64x384xf32>, vector<12x384xf32> -> vector<12x384xf32>
    %dot_general3A_97 = arith.constant dense<0.000000e+00> : vector<384x1xf32>
    %dot_general3A_98 = tpu.matmul %slice3A, %get3A_12, %dot_general3A_97 {dimension_numbers = #tpu.dot_dimension_numbers<[1], [1], [0], [0], [0, 0, 1, 0], [], []>, transpose_lhs_hint = false} : vector<384x64xf32>, vector<1x64xf32>, vector<384x1xf32> -> vector<384x1xf32>
    %dot_general3A_99 = arith.constant dense<0.000000e+00> : vector<384x1xf32>
    %dot_general3A_100 = tpu.matmul %slice3A_61, %get3A_12, %dot_general3A_99 {dimension_numbers = #tpu.dot_dimension_numbers<[1], [1], [0], [0], [0, 0, 1, 0], [], []>, transpose_lhs_hint = false} : vector<384x64xf32>, vector<1x64xf32>, vector<384x1xf32> -> vector<384x1xf32>
    %dot_general3A_101 = arith.constant dense<0.000000e+00> : vector<384x1xf32>
    %dot_general3A_102 = tpu.matmul %slice3A_62, %get3A_12, %dot_general3A_101 {dimension_numbers = #tpu.dot_dimension_numbers<[1], [1], [0], [0], [0, 0, 1, 0], [], []>, transpose_lhs_hint = false} : vector<384x64xf32>, vector<1x64xf32>, vector<384x1xf32> -> vector<384x1xf32>
    %dot_general3A_103 = arith.constant dense<0.000000e+00> : vector<384x1xf32>
    %dot_general3A_104 = tpu.matmul %slice3A_63, %get3A_12, %dot_general3A_103 {dimension_numbers = #tpu.dot_dimension_numbers<[1], [1], [0], [0], [0, 0, 1, 0], [], []>, transpose_lhs_hint = false} : vector<384x64xf32>, vector<1x64xf32>, vector<384x1xf32> -> vector<384x1xf32>
    %dot_general3A_105 = arith.constant dense<0.000000e+00> : vector<384x1xf32>
    %dot_general3A_106 = tpu.matmul %slice3A_64, %get3A_12, %dot_general3A_105 {dimension_numbers = #tpu.dot_dimension_numbers<[1], [1], [0], [0], [0, 0, 1, 0], [], []>, transpose_lhs_hint = false} : vector<384x64xf32>, vector<1x64xf32>, vector<384x1xf32> -> vector<384x1xf32>
    %dot_general3A_107 = arith.constant dense<0.000000e+00> : vector<384x1xf32>
    %dot_general3A_108 = tpu.matmul %slice3A_65, %get3A_12, %dot_general3A_107 {dimension_numbers = #tpu.dot_dimension_numbers<[1], [1], [0], [0], [0, 0, 1, 0], [], []>, transpose_lhs_hint = false} : vector<384x64xf32>, vector<1x64xf32>, vector<384x1xf32> -> vector<384x1xf32>
    %dot_general3A_109 = arith.constant dense<0.000000e+00> : vector<384x1xf32>
    %dot_general3A_110 = tpu.matmul %slice3A_66, %get3A_12, %dot_general3A_109 {dimension_numbers = #tpu.dot_dimension_numbers<[1], [1], [0], [0], [0, 0, 1, 0], [], []>, transpose_lhs_hint = false} : vector<384x64xf32>, vector<1x64xf32>, vector<384x1xf32> -> vector<384x1xf32>
    %dot_general3A_111 = arith.constant dense<0.000000e+00> : vector<384x1xf32>
    %dot_general3A_112 = tpu.matmul %slice3A_67, %get3A_12, %dot_general3A_111 {dimension_numbers = #tpu.dot_dimension_numbers<[1], [1], [0], [0], [0, 0, 1, 0], [], []>, transpose_lhs_hint = false} : vector<384x64xf32>, vector<1x64xf32>, vector<384x1xf32> -> vector<384x1xf32>
    %dot_general3A_113 = arith.constant dense<0.000000e+00> : vector<384x1xf32>
    %dot_general3A_114 = tpu.matmul %slice3A_68, %get3A_12, %dot_general3A_113 {dimension_numbers = #tpu.dot_dimension_numbers<[1], [1], [0], [0], [0, 0, 1, 0], [], []>, transpose_lhs_hint = false} : vector<384x64xf32>, vector<1x64xf32>, vector<384x1xf32> -> vector<384x1xf32>
    %dot_general3A_115 = arith.constant dense<0.000000e+00> : vector<384x1xf32>
    %dot_general3A_116 = tpu.matmul %slice3A_69, %get3A_12, %dot_general3A_115 {dimension_numbers = #tpu.dot_dimension_numbers<[1], [1], [0], [0], [0, 0, 1, 0], [], []>, transpose_lhs_hint = false} : vector<384x64xf32>, vector<1x64xf32>, vector<384x1xf32> -> vector<384x1xf32>
    %dot_general3A_117 = arith.constant dense<0.000000e+00> : vector<384x1xf32>
    %dot_general3A_118 = tpu.matmul %slice3A_70, %get3A_12, %dot_general3A_117 {dimension_numbers = #tpu.dot_dimension_numbers<[1], [1], [0], [0], [0, 0, 1, 0], [], []>, transpose_lhs_hint = false} : vector<384x64xf32>, vector<1x64xf32>, vector<384x1xf32> -> vector<384x1xf32>
    %dot_general3A_119 = arith.constant dense<0.000000e+00> : vector<384x1xf32>
    %dot_general3A_120 = tpu.matmul %slice3A_71, %get3A_12, %dot_general3A_119 {dimension_numbers = #tpu.dot_dimension_numbers<[1], [1], [0], [0], [0, 0, 1, 0], [], []>, transpose_lhs_hint = false} : vector<384x64xf32>, vector<1x64xf32>, vector<384x1xf32> -> vector<384x1xf32>
    %concatenate3A_121 = tpu.concatenate %dot_general3A_98, %dot_general3A_100, %dot_general3A_102, %dot_general3A_104, %dot_general3A_106, %dot_general3A_108, %dot_general3A_110, %dot_general3A_112, %dot_general3A_114, %dot_general3A_116, %dot_general3A_118, %dot_general3A_120 in 1 : vector<384x1xf32>, vector<384x1xf32>, vector<384x1xf32>, vector<384x1xf32>, vector<384x1xf32>, vector<384x1xf32>, vector<384x1xf32>, vector<384x1xf32>, vector<384x1xf32>, vector<384x1xf32>, vector<384x1xf32>, vector<384x1xf32> -> vector<384x12xf32>
    %dot_general3A_122 = arith.constant dense<0.000000e+00> : vector<12x12xf32>
    %dot_general3A_123 = tpu.matmul %dot_general3A_96, %concatenate3A_121, %dot_general3A_122 {dimension_numbers = #tpu.dot_dimension_numbers<[1], [0], [0], [1], [0, 0, 1, 1], [], []>, transpose_lhs_hint = false} : vector<12x384xf32>, vector<384x12xf32>, vector<12x12xf32> -> vector<12x12xf32>
    %add3A = arith.addf %dot_general3A_123, %get3A_15 : vector<12x12xf32>
    %logistic3A = arith.negf %add3A : vector<12x12xf32>
    %logistic3A_124 = math.exp %logistic3A : vector<12x12xf32>
    %logistic3A_125 = arith.constant 1.000000e+00 : f32
    %logistic3A_126 = vector.broadcast %logistic3A_125 : f32 to vector<12x12xf32>
    %logistic3A_127 = arith.addf %logistic3A_126, %logistic3A_124 : vector<12x12xf32>
    %logistic3A_128 = arith.divf %logistic3A_126, %logistic3A_127 : vector<12x12xf32>
    %dot_general3A_129 = arith.constant dense<0.000000e+00> : vector<12x12xf32>
    %dot_general3A_130 = tpu.matmul %get3A_18, %logistic3A_128, %dot_general3A_129 {dimension_numbers = #tpu.dot_dimension_numbers<[1], [0], [0], [1], [0, 0, 1, 1], [], []>, transpose_lhs_hint = false} : vector<12x12xf32>, vector<12x12xf32>, vector<12x12xf32> -> vector<12x12xf32>
    %reduce_max3A = arith.constant dense<0xFF800000> : vector<12xf32>
    %reduce_max3A_131 = vector.multi_reduction <maximumf>, %dot_general3A_130, %reduce_max3A [0] : vector<12x12xf32> to vector<12xf32>
    %broadcast_in_dim3A = vector.shape_cast %reduce_max3A_131 : vector<12xf32> to vector<1x12xf32>
    %sub3A = vector.broadcast %broadcast_in_dim3A : vector<1x12xf32> to vector<12x12xf32>
    %sub3A_132 = arith.subf %dot_general3A_130, %sub3A : vector<12x12xf32>
    %exp3A = math.exp %sub3A_132 : vector<12x12xf32>
    %reduce_sum3A = arith.constant dense<0.000000e+00> : vector<12xf32>
    %reduce_sum3A_133 = vector.multi_reduction <add>, %exp3A, %reduce_sum3A [0] : vector<12x12xf32> to vector<12xf32>
    %broadcast_in_dim3A_134 = vector.shape_cast %reduce_sum3A_133 : vector<12xf32> to vector<1x12xf32>
    %div3A = vector.broadcast %broadcast_in_dim3A_134 : vector<1x12xf32> to vector<12x12xf32>
    %div3A_135 = arith.divf %exp3A, %div3A : vector<12x12xf32>
    %dot_general3A_136 = arith.constant dense<0.000000e+00> : vector<12x1xf32>
    %dot_general3A_137 = tpu.matmul %div3A_135, %get3A_21, %dot_general3A_136 {dimension_numbers = #tpu.dot_dimension_numbers<[1], [1], [0], [0], [0, 0, 1, 0], [], []>, transpose_lhs_hint = false} : vector<12x12xf32>, vector<1x12xf32>, vector<12x1xf32> -> vector<12x1xf32>
    %slice3A_138 = vector.extract_strided_slice %dot_general3A_137 {offsets = [0, 0], sizes = [1, 1], strides = [1, 1]} : vector<12x1xf32> to vector<1x1xf32>
    %mul3A = vector.broadcast %slice3A_138 : vector<1x1xf32> to vector<384x64xf32>
    %mul3A_139 = arith.mulf %mul3A, %slice3A : vector<384x64xf32>
    %slice3A_140 = vector.extract_strided_slice %dot_general3A_137 {offsets = [1, 0], sizes = [1, 1], strides = [1, 1]} : vector<12x1xf32> to vector<1x1xf32>
    %mul3A_141 = vector.broadcast %slice3A_140 : vector<1x1xf32> to vector<384x64xf32>
    %mul3A_142 = arith.mulf %mul3A_141, %slice3A_61 : vector<384x64xf32>
    %add3A_143 = arith.addf %mul3A_139, %mul3A_142 : vector<384x64xf32>
    %slice3A_144 = vector.extract_strided_slice %dot_general3A_137 {offsets = [2, 0], sizes = [1, 1], strides = [1, 1]} : vector<12x1xf32> to vector<1x1xf32>
    %mul3A_145 = vector.broadcast %slice3A_144 : vector<1x1xf32> to vector<384x64xf32>
    %mul3A_146 = arith.mulf %mul3A_145, %slice3A_62 : vector<384x64xf32>
    %add3A_147 = arith.addf %add3A_143, %mul3A_146 : vector<384x64xf32>
    %slice3A_148 = vector.extract_strided_slice %dot_general3A_137 {offsets = [3, 0], sizes = [1, 1], strides = [1, 1]} : vector<12x1xf32> to vector<1x1xf32>
    %mul3A_149 = vector.broadcast %slice3A_148 : vector<1x1xf32> to vector<384x64xf32>
    %mul3A_150 = arith.mulf %mul3A_149, %slice3A_63 : vector<384x64xf32>
    %add3A_151 = arith.addf %add3A_147, %mul3A_150 : vector<384x64xf32>
    %slice3A_152 = vector.extract_strided_slice %dot_general3A_137 {offsets = [4, 0], sizes = [1, 1], strides = [1, 1]} : vector<12x1xf32> to vector<1x1xf32>
    %mul3A_153 = vector.broadcast %slice3A_152 : vector<1x1xf32> to vector<384x64xf32>
    %mul3A_154 = arith.mulf %mul3A_153, %slice3A_64 : vector<384x64xf32>
    %add3A_155 = arith.addf %add3A_151, %mul3A_154 : vector<384x64xf32>
    %slice3A_156 = vector.extract_strided_slice %dot_general3A_137 {offsets = [5, 0], sizes = [1, 1], strides = [1, 1]} : vector<12x1xf32> to vector<1x1xf32>
    %mul3A_157 = vector.broadcast %slice3A_156 : vector<1x1xf32> to vector<384x64xf32>
    %mul3A_158 = arith.mulf %mul3A_157, %slice3A_65 : vector<384x64xf32>
    %add3A_159 = arith.addf %add3A_155, %mul3A_158 : vector<384x64xf32>
    %slice3A_160 = vector.extract_strided_slice %dot_general3A_137 {offsets = [6, 0], sizes = [1, 1], strides = [1, 1]} : vector<12x1xf32> to vector<1x1xf32>
    %mul3A_161 = vector.broadcast %slice3A_160 : vector<1x1xf32> to vector<384x64xf32>
    %mul3A_162 = arith.mulf %mul3A_161, %slice3A_66 : vector<384x64xf32>
    %add3A_163 = arith.addf %add3A_159, %mul3A_162 : vector<384x64xf32>
    %slice3A_164 = vector.extract_strided_slice %dot_general3A_137 {offsets = [7, 0], sizes = [1, 1], strides = [1, 1]} : vector<12x1xf32> to vector<1x1xf32>
    %mul3A_165 = vector.broadcast %slice3A_164 : vector<1x1xf32> to vector<384x64xf32>
    %mul3A_166 = arith.mulf %mul3A_165, %slice3A_67 : vector<384x64xf32>
    %add3A_167 = arith.addf %add3A_163, %mul3A_166 : vector<384x64xf32>
    %slice3A_168 = vector.extract_strided_slice %dot_general3A_137 {offsets = [8, 0], sizes = [1, 1], strides = [1, 1]} : vector<12x1xf32> to vector<1x1xf32>
    %mul3A_169 = vector.broadcast %slice3A_168 : vector<1x1xf32> to vector<384x64xf32>
    %mul3A_170 = arith.mulf %mul3A_169, %slice3A_68 : vector<384x64xf32>
    %add3A_171 = arith.addf %add3A_167, %mul3A_170 : vector<384x64xf32>
    %slice3A_172 = vector.extract_strided_slice %dot_general3A_137 {offsets = [9, 0], sizes = [1, 1], strides = [1, 1]} : vector<12x1xf32> to vector<1x1xf32>
    %mul3A_173 = vector.broadcast %slice3A_172 : vector<1x1xf32> to vector<384x64xf32>
    %mul3A_174 = arith.mulf %mul3A_173, %slice3A_69 : vector<384x64xf32>
    %add3A_175 = arith.addf %add3A_171, %mul3A_174 : vector<384x64xf32>
    %slice3A_176 = vector.extract_strided_slice %dot_general3A_137 {offsets = [10, 0], sizes = [1, 1], strides = [1, 1]} : vector<12x1xf32> to vector<1x1xf32>
    %mul3A_177 = vector.broadcast %slice3A_176 : vector<1x1xf32> to vector<384x64xf32>
    %mul3A_178 = arith.mulf %mul3A_177, %slice3A_70 : vector<384x64xf32>
    %add3A_179 = arith.addf %add3A_175, %mul3A_178 : vector<384x64xf32>
    %slice3A_180 = vector.extract_strided_slice %dot_general3A_137 {offsets = [11, 0], sizes = [1, 1], strides = [1, 1]} : vector<12x1xf32> to vector<1x1xf32>
    %mul3A_181 = vector.broadcast %slice3A_180 : vector<1x1xf32> to vector<384x64xf32>
    %mul3A_182 = arith.mulf %mul3A_181, %slice3A_71 : vector<384x64xf32>
    %add3A_183 = arith.addf %add3A_179, %mul3A_182 : vector<384x64xf32>
    %dot_general3A_184 = arith.constant dense<0.000000e+00> : vector<384x12xf32>
    %dot_general3A_185 = tpu.matmul %add3A_183, %get3A_24, %dot_general3A_184 {dimension_numbers = #tpu.dot_dimension_numbers<[1], [0], [0], [1], [0, 0, 1, 1], [], []>, transpose_lhs_hint = false} : vector<384x64xf32>, vector<64x12xf32>, vector<384x12xf32> -> vector<384x12xf32>
    %dot_general3A_186 = arith.constant dense<0.000000e+00> : vector<384x1xf32>
    %dot_general3A_187 = tpu.matmul %slice3A, %get3A_27, %dot_general3A_186 {dimension_numbers = #tpu.dot_dimension_numbers<[1], [1], [0], [0], [0, 0, 1, 0], [], []>, transpose_lhs_hint = false} : vector<384x64xf32>, vector<1x64xf32>, vector<384x1xf32> -> vector<384x1xf32>
    %dot_general3A_188 = arith.constant dense<0.000000e+00> : vector<384x1xf32>
    %dot_general3A_189 = tpu.matmul %slice3A_61, %get3A_27, %dot_general3A_188 {dimension_numbers = #tpu.dot_dimension_numbers<[1], [1], [0], [0], [0, 0, 1, 0], [], []>, transpose_lhs_hint = false} : vector<384x64xf32>, vector<1x64xf32>, vector<384x1xf32> -> vector<384x1xf32>
    %dot_general3A_190 = arith.constant dense<0.000000e+00> : vector<384x1xf32>
    %dot_general3A_191 = tpu.matmul %slice3A_62, %get3A_27, %dot_general3A_190 {dimension_numbers = #tpu.dot_dimension_numbers<[1], [1], [0], [0], [0, 0, 1, 0], [], []>, transpose_lhs_hint = false} : vector<384x64xf32>, vector<1x64xf32>, vector<384x1xf32> -> vector<384x1xf32>
    %dot_general3A_192 = arith.constant dense<0.000000e+00> : vector<384x1xf32>
    %dot_general3A_193 = tpu.matmul %slice3A_63, %get3A_27, %dot_general3A_192 {dimension_numbers = #tpu.dot_dimension_numbers<[1], [1], [0], [0], [0, 0, 1, 0], [], []>, transpose_lhs_hint = false} : vector<384x64xf32>, vector<1x64xf32>, vector<384x1xf32> -> vector<384x1xf32>
    %dot_general3A_194 = arith.constant dense<0.000000e+00> : vector<384x1xf32>
    %dot_general3A_195 = tpu.matmul %slice3A_64, %get3A_27, %dot_general3A_194 {dimension_numbers = #tpu.dot_dimension_numbers<[1], [1], [0], [0], [0, 0, 1, 0], [], []>, transpose_lhs_hint = false} : vector<384x64xf32>, vector<1x64xf32>, vector<384x1xf32> -> vector<384x1xf32>
    %dot_general3A_196 = arith.constant dense<0.000000e+00> : vector<384x1xf32>
    %dot_general3A_197 = tpu.matmul %slice3A_65, %get3A_27, %dot_general3A_196 {dimension_numbers = #tpu.dot_dimension_numbers<[1], [1], [0], [0], [0, 0, 1, 0], [], []>, transpose_lhs_hint = false} : vector<384x64xf32>, vector<1x64xf32>, vector<384x1xf32> -> vector<384x1xf32>
    %dot_general3A_198 = arith.constant dense<0.000000e+00> : vector<384x1xf32>
    %dot_general3A_199 = tpu.matmul %slice3A_66, %get3A_27, %dot_general3A_198 {dimension_numbers = #tpu.dot_dimension_numbers<[1], [1], [0], [0], [0, 0, 1, 0], [], []>, transpose_lhs_hint = false} : vector<384x64xf32>, vector<1x64xf32>, vector<384x1xf32> -> vector<384x1xf32>
    %dot_general3A_200 = arith.constant dense<0.000000e+00> : vector<384x1xf32>
    %dot_general3A_201 = tpu.matmul %slice3A_67, %get3A_27, %dot_general3A_200 {dimension_numbers = #tpu.dot_dimension_numbers<[1], [1], [0], [0], [0, 0, 1, 0], [], []>, transpose_lhs_hint = false} : vector<384x64xf32>, vector<1x64xf32>, vector<384x1xf32> -> vector<384x1xf32>
    %dot_general3A_202 = arith.constant dense<0.000000e+00> : vector<384x1xf32>
    %dot_general3A_203 = tpu.matmul %slice3A_68, %get3A_27, %dot_general3A_202 {dimension_numbers = #tpu.dot_dimension_numbers<[1], [1], [0], [0], [0, 0, 1, 0], [], []>, transpose_lhs_hint = false} : vector<384x64xf32>, vector<1x64xf32>, vector<384x1xf32> -> vector<384x1xf32>
    %dot_general3A_204 = arith.constant dense<0.000000e+00> : vector<384x1xf32>
    %dot_general3A_205 = tpu.matmul %slice3A_69, %get3A_27, %dot_general3A_204 {dimension_numbers = #tpu.dot_dimension_numbers<[1], [1], [0], [0], [0, 0, 1, 0], [], []>, transpose_lhs_hint = false} : vector<384x64xf32>, vector<1x64xf32>, vector<384x1xf32> -> vector<384x1xf32>
    %dot_general3A_206 = arith.constant dense<0.000000e+00> : vector<384x1xf32>
    %dot_general3A_207 = tpu.matmul %slice3A_70, %get3A_27, %dot_general3A_206 {dimension_numbers = #tpu.dot_dimension_numbers<[1], [1], [0], [0], [0, 0, 1, 0], [], []>, transpose_lhs_hint = false} : vector<384x64xf32>, vector<1x64xf32>, vector<384x1xf32> -> vector<384x1xf32>
    %dot_general3A_208 = arith.constant dense<0.000000e+00> : vector<384x1xf32>
    %dot_general3A_209 = tpu.matmul %slice3A_71, %get3A_27, %dot_general3A_208 {dimension_numbers = #tpu.dot_dimension_numbers<[1], [1], [0], [0], [0, 0, 1, 0], [], []>, transpose_lhs_hint = false} : vector<384x64xf32>, vector<1x64xf32>, vector<384x1xf32> -> vector<384x1xf32>
    %concatenate3A_210 = tpu.concatenate %dot_general3A_187, %dot_general3A_189, %dot_general3A_191, %dot_general3A_193, %dot_general3A_195, %dot_general3A_197, %dot_general3A_199, %dot_general3A_201, %dot_general3A_203, %dot_general3A_205, %dot_general3A_207, %dot_general3A_209 in 1 : vector<384x1xf32>, vector<384x1xf32>, vector<384x1xf32>, vector<384x1xf32>, vector<384x1xf32>, vector<384x1xf32>, vector<384x1xf32>, vector<384x1xf32>, vector<384x1xf32>, vector<384x1xf32>, vector<384x1xf32>, vector<384x1xf32> -> vector<384x12xf32>
    %dot_general3A_211 = arith.constant dense<0.000000e+00> : vector<384x12xf32>
    %dot_general3A_212 = tpu.matmul %concatenate3A_210, %div3A_135, %dot_general3A_211 {dimension_numbers = #tpu.dot_dimension_numbers<[1], [0], [0], [1], [0, 0, 1, 1], [], []>, transpose_lhs_hint = false} : vector<384x12xf32>, vector<12x12xf32>, vector<384x12xf32> -> vector<384x12xf32>
    %dot_general3A_213 = arith.constant dense<0.000000e+00> : vector<384x384xf32>
    %dot_general3A_214 = tpu.matmul %dot_general3A_185, %dot_general3A_212, %dot_general3A_213 {dimension_numbers = #tpu.dot_dimension_numbers<[1], [1], [0], [0], [0, 0, 1, 0], [], []>, transpose_lhs_hint = false} : vector<384x12xf32>, vector<384x12xf32>, vector<384x384xf32> -> vector<384x384xf32>
    %add3A_215 = arith.addf %dot_general3A_214, %get3A_30 : vector<384x384xf32>
    %logistic3A_216 = arith.negf %add3A_215 : vector<384x384xf32>
    %logistic3A_217 = math.exp %logistic3A_216 : vector<384x384xf32>
    %logistic3A_218 = arith.constant 1.000000e+00 : f32
    %logistic3A_219 = vector.broadcast %logistic3A_218 : f32 to vector<384x384xf32>
    %logistic3A_220 = arith.addf %logistic3A_219, %logistic3A_217 : vector<384x384xf32>
    %logistic3A_221 = arith.divf %logistic3A_219, %logistic3A_220 : vector<384x384xf32>
    %dot_general3A_222 = arith.constant dense<0.000000e+00> : vector<384x384xf32>
    %dot_general3A_223 = tpu.matmul %get3A_33, %logistic3A_221, %dot_general3A_222 {dimension_numbers = #tpu.dot_dimension_numbers<[1], [0], [0], [1], [0, 0, 1, 1], [], []>, transpose_lhs_hint = false} : vector<384x384xf32>, vector<384x384xf32>, vector<384x384xf32> -> vector<384x384xf32>
    %iota3A = tpu.iota {dimensions = array<i32: 0>} : vector<384x384xi32>
    %lt3A = arith.constant 307 : i32
    %lt3A_224 = vector.broadcast %lt3A : i32 to vector<384x384xi32>
    %lt3A_225 = arith.cmpi slt, %iota3A, %lt3A_224 : vector<384x384xi32>
    %jit3A = arith.constant -1.000000e+30 : f32
    %broadcast_in_dim3A_226 = vector.broadcast %jit3A : f32 to vector<384x384xf32>
    %select_n3A = arith.select %lt3A_225, %dot_general3A_223, %broadcast_in_dim3A_226 : vector<384x384xi1>, vector<384x384xf32>
    %reduce_max3A_227 = arith.constant dense<0xFF800000> : vector<384xf32>
    %reduce_max3A_228 = vector.multi_reduction <maximumf>, %select_n3A, %reduce_max3A_227 [0] : vector<384x384xf32> to vector<384xf32>
    %broadcast_in_dim3A_229 = vector.shape_cast %reduce_max3A_228 : vector<384xf32> to vector<1x384xf32>
    %sub3A_230 = vector.broadcast %broadcast_in_dim3A_229 : vector<1x384xf32> to vector<384x384xf32>
    %sub3A_231 = arith.subf %select_n3A, %sub3A_230 : vector<384x384xf32>
    %exp3A_232 = math.exp %sub3A_231 : vector<384x384xf32>
    %reduce_sum3A_233 = arith.constant dense<0.000000e+00> : vector<384xf32>
    %reduce_sum3A_234 = vector.multi_reduction <add>, %exp3A_232, %reduce_sum3A_233 [0] : vector<384x384xf32> to vector<384xf32>
    %broadcast_in_dim3A_235 = vector.shape_cast %reduce_sum3A_234 : vector<384xf32> to vector<1x384xf32>
    %div3A_236 = vector.broadcast %broadcast_in_dim3A_235 : vector<1x384xf32> to vector<384x384xf32>
    %div3A_237 = arith.divf %exp3A_232, %div3A_236 : vector<384x384xf32>
    %iota3A_238 = tpu.iota {dimensions = array<i32: 1>} : vector<384x384xi32>
    %eq3A = arith.cmpi eq, %iota3A, %iota3A_238 : vector<384x384xi32>
    %jit3A_239 = arith.constant 0.000000e+00 : f32
    %broadcast_in_dim3A_240 = vector.broadcast %jit3A_239 : f32 to vector<384x384xf32>
    %select_n3A_241 = arith.select %eq3A, %div3A_237, %broadcast_in_dim3A_240 : vector<384x384xi1>, vector<384x384xf32>
    %reduce_sum3A_242 = arith.constant dense<0.000000e+00> : vector<384xf32>
    %reduce_sum3A_243 = vector.multi_reduction <add>, %select_n3A_241, %reduce_sum3A_242 [1] : vector<384x384xf32> to vector<384xf32>
    %broadcast_in_dim3A_244 = vector.shape_cast %reduce_sum3A_243 : vector<384xf32> to vector<384x1xf32>
    %mul3A_245 = arith.mulf %get3A_60, %div3A_237 : vector<384x384xf32>
    %mul3A_246 = vector.broadcast %broadcast_in_dim3A_244 : vector<384x1xf32> to vector<384x64xf32>
    %mul3A_247 = arith.mulf %mul3A_246, %slice3A : vector<384x64xf32>
    %mul3A_248 = vector.broadcast %broadcast_in_dim3A_244 : vector<384x1xf32> to vector<384x64xf32>
    %mul3A_249 = arith.mulf %mul3A_248, %slice3A_61 : vector<384x64xf32>
    %mul3A_250 = vector.broadcast %broadcast_in_dim3A_244 : vector<384x1xf32> to vector<384x64xf32>
    %mul3A_251 = arith.mulf %mul3A_250, %slice3A_62 : vector<384x64xf32>
    %mul3A_252 = vector.broadcast %broadcast_in_dim3A_244 : vector<384x1xf32> to vector<384x64xf32>
    %mul3A_253 = arith.mulf %mul3A_252, %slice3A_63 : vector<384x64xf32>
    %mul3A_254 = vector.broadcast %broadcast_in_dim3A_244 : vector<384x1xf32> to vector<384x64xf32>
    %mul3A_255 = arith.mulf %mul3A_254, %slice3A_64 : vector<384x64xf32>
    %mul3A_256 = vector.broadcast %broadcast_in_dim3A_244 : vector<384x1xf32> to vector<384x64xf32>
    %mul3A_257 = arith.mulf %mul3A_256, %slice3A_65 : vector<384x64xf32>
    %mul3A_258 = vector.broadcast %broadcast_in_dim3A_244 : vector<384x1xf32> to vector<384x64xf32>
    %mul3A_259 = arith.mulf %mul3A_258, %slice3A_66 : vector<384x64xf32>
    %mul3A_260 = vector.broadcast %broadcast_in_dim3A_244 : vector<384x1xf32> to vector<384x64xf32>
    %mul3A_261 = arith.mulf %mul3A_260, %slice3A_67 : vector<384x64xf32>
    %mul3A_262 = vector.broadcast %broadcast_in_dim3A_244 : vector<384x1xf32> to vector<384x64xf32>
    %mul3A_263 = arith.mulf %mul3A_262, %slice3A_68 : vector<384x64xf32>
    %mul3A_264 = vector.broadcast %broadcast_in_dim3A_244 : vector<384x1xf32> to vector<384x64xf32>
    %mul3A_265 = arith.mulf %mul3A_264, %slice3A_69 : vector<384x64xf32>
    %mul3A_266 = vector.broadcast %broadcast_in_dim3A_244 : vector<384x1xf32> to vector<384x64xf32>
    %mul3A_267 = arith.mulf %mul3A_266, %slice3A_70 : vector<384x64xf32>
    %mul3A_268 = vector.broadcast %broadcast_in_dim3A_244 : vector<384x1xf32> to vector<384x64xf32>
    %mul3A_269 = arith.mulf %mul3A_268, %slice3A_71 : vector<384x64xf32>
    %concatenate3A_270 = tpu.concatenate %mul3A_247, %mul3A_249, %mul3A_251, %mul3A_253, %mul3A_255, %mul3A_257, %mul3A_259, %mul3A_261, %mul3A_263, %mul3A_265, %mul3A_267, %mul3A_269 in 1 : vector<384x64xf32>, vector<384x64xf32>, vector<384x64xf32>, vector<384x64xf32>, vector<384x64xf32>, vector<384x64xf32>, vector<384x64xf32>, vector<384x64xf32>, vector<384x64xf32>, vector<384x64xf32>, vector<384x64xf32>, vector<384x64xf32> -> vector<384x768xf32>
    %dot_general3A_271 = arith.constant dense<0.000000e+00> : vector<384x768xf32>
    %dot_general3A_272 = tpu.matmul %mul3A_245, %concatenate3A_270, %dot_general3A_271 {dimension_numbers = #tpu.dot_dimension_numbers<[0], [0], [1], [1], [0, 1, 1, 1], [], []>, transpose_lhs_hint = false} : vector<384x384xf32>, vector<384x768xf32>, vector<384x768xf32> -> vector<384x768xf32>
    %dot_general3A_273 = arith.constant dense<0.000000e+00> : vector<384x768xf32>
    %dot_general3A_274 = tpu.matmul %mul3A_245, %dot_general3A_272, %dot_general3A_273 {dimension_numbers = #tpu.dot_dimension_numbers<[0], [0], [1], [1], [0, 1, 1, 1], [], []>, transpose_lhs_hint = false} : vector<384x384xf32>, vector<384x768xf32>, vector<384x768xf32> -> vector<384x768xf32>
    %mul3A_275 = arith.constant 2.000000e+00 : f32
    %mul3A_276 = vector.broadcast %mul3A_275 : f32 to vector<384x768xf32>
    %mul3A_277 = arith.mulf %mul3A_276, %dot_general3A_274 : vector<384x768xf32>
    %sub3A_278 = arith.subf %mul3A_277, %concatenate3A_270 : vector<384x768xf32>
    %slice3A_279 = vector.extract_strided_slice %concatenate3A_270 {offsets = [0, 0], sizes = [384, 64], strides = [1, 1]} : vector<384x768xf32> to vector<384x64xf32>
    %slice3A_280 = vector.extract_strided_slice %get3A_36 {offsets = [0, 0], sizes = [64, 64], strides = [1, 1]} : vector<192x64xf32> to vector<64x64xf32>
    %dot_general3A_281 = arith.constant dense<0.000000e+00> : vector<384x64xf32>
    %dot_general3A_282 = tpu.matmul %slice3A_279, %slice3A_280, %dot_general3A_281 {dimension_numbers = #tpu.dot_dimension_numbers<[1], [0], [0], [1], [0, 0, 1, 1], [], []>, transpose_lhs_hint = false} : vector<384x64xf32>, vector<64x64xf32>, vector<384x64xf32> -> vector<384x64xf32>
    %slice3A_283 = vector.extract_strided_slice %dot_general3A_272 {offsets = [0, 0], sizes = [384, 64], strides = [1, 1]} : vector<384x768xf32> to vector<384x64xf32>
    %slice3A_284 = vector.extract_strided_slice %get3A_36 {offsets = [64, 0], sizes = [64, 64], strides = [1, 1]} : vector<192x64xf32> to vector<64x64xf32>
    %dot_general3A_285 = arith.constant dense<0.000000e+00> : vector<384x64xf32>
    %dot_general3A_286 = tpu.matmul %slice3A_283, %slice3A_284, %dot_general3A_285 {dimension_numbers = #tpu.dot_dimension_numbers<[1], [0], [0], [1], [0, 0, 1, 1], [], []>, transpose_lhs_hint = false} : vector<384x64xf32>, vector<64x64xf32>, vector<384x64xf32> -> vector<384x64xf32>
    %add3A_287 = arith.addf %dot_general3A_282, %dot_general3A_286 : vector<384x64xf32>
    %slice3A_288 = vector.extract_strided_slice %sub3A_278 {offsets = [0, 0], sizes = [384, 64], strides = [1, 1]} : vector<384x768xf32> to vector<384x64xf32>
    %slice3A_289 = vector.extract_strided_slice %get3A_36 {offsets = [128, 0], sizes = [64, 64], strides = [1, 1]} : vector<192x64xf32> to vector<64x64xf32>
    %dot_general3A_290 = arith.constant dense<0.000000e+00> : vector<384x64xf32>
    %dot_general3A_291 = tpu.matmul %slice3A_288, %slice3A_289, %dot_general3A_290 {dimension_numbers = #tpu.dot_dimension_numbers<[1], [0], [0], [1], [0, 0, 1, 1], [], []>, transpose_lhs_hint = false} : vector<384x64xf32>, vector<64x64xf32>, vector<384x64xf32> -> vector<384x64xf32>
    %add3A_292 = arith.addf %add3A_287, %dot_general3A_291 : vector<384x64xf32>
    %add3A_293 = vector.broadcast %get3A_39 : vector<1x64xf32> to vector<384x64xf32>
    %add3A_294 = arith.addf %add3A_292, %add3A_293 : vector<384x64xf32>
    %max3A = arith.constant 0.000000e+00 : f32
    %max3A_295 = vector.broadcast %max3A : f32 to vector<384x64xf32>
    %max3A_296 = arith.maximumf %add3A_294, %max3A_295 : vector<384x64xf32>
    %slice3A_297 = vector.extract_strided_slice %concatenate3A_270 {offsets = [0, 64], sizes = [384, 64], strides = [1, 1]} : vector<384x768xf32> to vector<384x64xf32>
    %slice3A_298 = vector.extract_strided_slice %get3A_36 {offsets = [0, 0], sizes = [64, 64], strides = [1, 1]} : vector<192x64xf32> to vector<64x64xf32>
    %dot_general3A_299 = arith.constant dense<0.000000e+00> : vector<384x64xf32>
    %dot_general3A_300 = tpu.matmul %slice3A_297, %slice3A_298, %dot_general3A_299 {dimension_numbers = #tpu.dot_dimension_numbers<[1], [0], [0], [1], [0, 0, 1, 1], [], []>, transpose_lhs_hint = false} : vector<384x64xf32>, vector<64x64xf32>, vector<384x64xf32> -> vector<384x64xf32>
    %slice3A_301 = vector.extract_strided_slice %dot_general3A_272 {offsets = [0, 64], sizes = [384, 64], strides = [1, 1]} : vector<384x768xf32> to vector<384x64xf32>
    %slice3A_302 = vector.extract_strided_slice %get3A_36 {offsets = [64, 0], sizes = [64, 64], strides = [1, 1]} : vector<192x64xf32> to vector<64x64xf32>
    %dot_general3A_303 = arith.constant dense<0.000000e+00> : vector<384x64xf32>
    %dot_general3A_304 = tpu.matmul %slice3A_301, %slice3A_302, %dot_general3A_303 {dimension_numbers = #tpu.dot_dimension_numbers<[1], [0], [0], [1], [0, 0, 1, 1], [], []>, transpose_lhs_hint = false} : vector<384x64xf32>, vector<64x64xf32>, vector<384x64xf32> -> vector<384x64xf32>
    %add3A_305 = arith.addf %dot_general3A_300, %dot_general3A_304 : vector<384x64xf32>
    %slice3A_306 = vector.extract_strided_slice %sub3A_278 {offsets = [0, 64], sizes = [384, 64], strides = [1, 1]} : vector<384x768xf32> to vector<384x64xf32>
    %slice3A_307 = vector.extract_strided_slice %get3A_36 {offsets = [128, 0], sizes = [64, 64], strides = [1, 1]} : vector<192x64xf32> to vector<64x64xf32>
    %dot_general3A_308 = arith.constant dense<0.000000e+00> : vector<384x64xf32>
    %dot_general3A_309 = tpu.matmul %slice3A_306, %slice3A_307, %dot_general3A_308 {dimension_numbers = #tpu.dot_dimension_numbers<[1], [0], [0], [1], [0, 0, 1, 1], [], []>, transpose_lhs_hint = false} : vector<384x64xf32>, vector<64x64xf32>, vector<384x64xf32> -> vector<384x64xf32>
    %add3A_310 = arith.addf %add3A_305, %dot_general3A_309 : vector<384x64xf32>
    %add3A_311 = vector.broadcast %get3A_39 : vector<1x64xf32> to vector<384x64xf32>
    %add3A_312 = arith.addf %add3A_310, %add3A_311 : vector<384x64xf32>
    %max3A_313 = arith.constant 0.000000e+00 : f32
    %max3A_314 = vector.broadcast %max3A_313 : f32 to vector<384x64xf32>
    %max3A_315 = arith.maximumf %add3A_312, %max3A_314 : vector<384x64xf32>
    %slice3A_316 = vector.extract_strided_slice %concatenate3A_270 {offsets = [0, 128], sizes = [384, 64], strides = [1, 1]} : vector<384x768xf32> to vector<384x64xf32>
    %slice3A_317 = vector.extract_strided_slice %get3A_36 {offsets = [0, 0], sizes = [64, 64], strides = [1, 1]} : vector<192x64xf32> to vector<64x64xf32>
    %dot_general3A_318 = arith.constant dense<0.000000e+00> : vector<384x64xf32>
    %dot_general3A_319 = tpu.matmul %slice3A_316, %slice3A_317, %dot_general3A_318 {dimension_numbers = #tpu.dot_dimension_numbers<[1], [0], [0], [1], [0, 0, 1, 1], [], []>, transpose_lhs_hint = false} : vector<384x64xf32>, vector<64x64xf32>, vector<384x64xf32> -> vector<384x64xf32>
    %slice3A_320 = vector.extract_strided_slice %dot_general3A_272 {offsets = [0, 128], sizes = [384, 64], strides = [1, 1]} : vector<384x768xf32> to vector<384x64xf32>
    %slice3A_321 = vector.extract_strided_slice %get3A_36 {offsets = [64, 0], sizes = [64, 64], strides = [1, 1]} : vector<192x64xf32> to vector<64x64xf32>
    %dot_general3A_322 = arith.constant dense<0.000000e+00> : vector<384x64xf32>
    %dot_general3A_323 = tpu.matmul %slice3A_320, %slice3A_321, %dot_general3A_322 {dimension_numbers = #tpu.dot_dimension_numbers<[1], [0], [0], [1], [0, 0, 1, 1], [], []>, transpose_lhs_hint = false} : vector<384x64xf32>, vector<64x64xf32>, vector<384x64xf32> -> vector<384x64xf32>
    %add3A_324 = arith.addf %dot_general3A_319, %dot_general3A_323 : vector<384x64xf32>
    %slice3A_325 = vector.extract_strided_slice %sub3A_278 {offsets = [0, 128], sizes = [384, 64], strides = [1, 1]} : vector<384x768xf32> to vector<384x64xf32>
    %slice3A_326 = vector.extract_strided_slice %get3A_36 {offsets = [128, 0], sizes = [64, 64], strides = [1, 1]} : vector<192x64xf32> to vector<64x64xf32>
    %dot_general3A_327 = arith.constant dense<0.000000e+00> : vector<384x64xf32>
    %dot_general3A_328 = tpu.matmul %slice3A_325, %slice3A_326, %dot_general3A_327 {dimension_numbers = #tpu.dot_dimension_numbers<[1], [0], [0], [1], [0, 0, 1, 1], [], []>, transpose_lhs_hint = false} : vector<384x64xf32>, vector<64x64xf32>, vector<384x64xf32> -> vector<384x64xf32>
    %add3A_329 = arith.addf %add3A_324, %dot_general3A_328 : vector<384x64xf32>
    %add3A_330 = vector.broadcast %get3A_39 : vector<1x64xf32> to vector<384x64xf32>
    %add3A_331 = arith.addf %add3A_329, %add3A_330 : vector<384x64xf32>
    %max3A_332 = arith.constant 0.000000e+00 : f32
    %max3A_333 = vector.broadcast %max3A_332 : f32 to vector<384x64xf32>
    %max3A_334 = arith.maximumf %add3A_331, %max3A_333 : vector<384x64xf32>
    %slice3A_335 = vector.extract_strided_slice %concatenate3A_270 {offsets = [0, 192], sizes = [384, 64], strides = [1, 1]} : vector<384x768xf32> to vector<384x64xf32>
    %slice3A_336 = vector.extract_strided_slice %get3A_36 {offsets = [0, 0], sizes = [64, 64], strides = [1, 1]} : vector<192x64xf32> to vector<64x64xf32>
    %dot_general3A_337 = arith.constant dense<0.000000e+00> : vector<384x64xf32>
    %dot_general3A_338 = tpu.matmul %slice3A_335, %slice3A_336, %dot_general3A_337 {dimension_numbers = #tpu.dot_dimension_numbers<[1], [0], [0], [1], [0, 0, 1, 1], [], []>, transpose_lhs_hint = false} : vector<384x64xf32>, vector<64x64xf32>, vector<384x64xf32> -> vector<384x64xf32>
    %slice3A_339 = vector.extract_strided_slice %dot_general3A_272 {offsets = [0, 192], sizes = [384, 64], strides = [1, 1]} : vector<384x768xf32> to vector<384x64xf32>
    %slice3A_340 = vector.extract_strided_slice %get3A_36 {offsets = [64, 0], sizes = [64, 64], strides = [1, 1]} : vector<192x64xf32> to vector<64x64xf32>
    %dot_general3A_341 = arith.constant dense<0.000000e+00> : vector<384x64xf32>
    %dot_general3A_342 = tpu.matmul %slice3A_339, %slice3A_340, %dot_general3A_341 {dimension_numbers = #tpu.dot_dimension_numbers<[1], [0], [0], [1], [0, 0, 1, 1], [], []>, transpose_lhs_hint = false} : vector<384x64xf32>, vector<64x64xf32>, vector<384x64xf32> -> vector<384x64xf32>
    %add3A_343 = arith.addf %dot_general3A_338, %dot_general3A_342 : vector<384x64xf32>
    %slice3A_344 = vector.extract_strided_slice %sub3A_278 {offsets = [0, 192], sizes = [384, 64], strides = [1, 1]} : vector<384x768xf32> to vector<384x64xf32>
    %slice3A_345 = vector.extract_strided_slice %get3A_36 {offsets = [128, 0], sizes = [64, 64], strides = [1, 1]} : vector<192x64xf32> to vector<64x64xf32>
    %dot_general3A_346 = arith.constant dense<0.000000e+00> : vector<384x64xf32>
    %dot_general3A_347 = tpu.matmul %slice3A_344, %slice3A_345, %dot_general3A_346 {dimension_numbers = #tpu.dot_dimension_numbers<[1], [0], [0], [1], [0, 0, 1, 1], [], []>, transpose_lhs_hint = false} : vector<384x64xf32>, vector<64x64xf32>, vector<384x64xf32> -> vector<384x64xf32>
    %add3A_348 = arith.addf %add3A_343, %dot_general3A_347 : vector<384x64xf32>
    %add3A_349 = vector.broadcast %get3A_39 : vector<1x64xf32> to vector<384x64xf32>
    %add3A_350 = arith.addf %add3A_348, %add3A_349 : vector<384x64xf32>
    %max3A_351 = arith.constant 0.000000e+00 : f32
    %max3A_352 = vector.broadcast %max3A_351 : f32 to vector<384x64xf32>
    %max3A_353 = arith.maximumf %add3A_350, %max3A_352 : vector<384x64xf32>
    %slice3A_354 = vector.extract_strided_slice %concatenate3A_270 {offsets = [0, 256], sizes = [384, 64], strides = [1, 1]} : vector<384x768xf32> to vector<384x64xf32>
    %slice3A_355 = vector.extract_strided_slice %get3A_36 {offsets = [0, 0], sizes = [64, 64], strides = [1, 1]} : vector<192x64xf32> to vector<64x64xf32>
    %dot_general3A_356 = arith.constant dense<0.000000e+00> : vector<384x64xf32>
    %dot_general3A_357 = tpu.matmul %slice3A_354, %slice3A_355, %dot_general3A_356 {dimension_numbers = #tpu.dot_dimension_numbers<[1], [0], [0], [1], [0, 0, 1, 1], [], []>, transpose_lhs_hint = false} : vector<384x64xf32>, vector<64x64xf32>, vector<384x64xf32> -> vector<384x64xf32>
    %slice3A_358 = vector.extract_strided_slice %dot_general3A_272 {offsets = [0, 256], sizes = [384, 64], strides = [1, 1]} : vector<384x768xf32> to vector<384x64xf32>
    %slice3A_359 = vector.extract_strided_slice %get3A_36 {offsets = [64, 0], sizes = [64, 64], strides = [1, 1]} : vector<192x64xf32> to vector<64x64xf32>
    %dot_general3A_360 = arith.constant dense<0.000000e+00> : vector<384x64xf32>
    %dot_general3A_361 = tpu.matmul %slice3A_358, %slice3A_359, %dot_general3A_360 {dimension_numbers = #tpu.dot_dimension_numbers<[1], [0], [0], [1], [0, 0, 1, 1], [], []>, transpose_lhs_hint = false} : vector<384x64xf32>, vector<64x64xf32>, vector<384x64xf32> -> vector<384x64xf32>
    %add3A_362 = arith.addf %dot_general3A_357, %dot_general3A_361 : vector<384x64xf32>
    %slice3A_363 = vector.extract_strided_slice %sub3A_278 {offsets = [0, 256], sizes = [384, 64], strides = [1, 1]} : vector<384x768xf32> to vector<384x64xf32>
    %slice3A_364 = vector.extract_strided_slice %get3A_36 {offsets = [128, 0], sizes = [64, 64], strides = [1, 1]} : vector<192x64xf32> to vector<64x64xf32>
    %dot_general3A_365 = arith.constant dense<0.000000e+00> : vector<384x64xf32>
    %dot_general3A_366 = tpu.matmul %slice3A_363, %slice3A_364, %dot_general3A_365 {dimension_numbers = #tpu.dot_dimension_numbers<[1], [0], [0], [1], [0, 0, 1, 1], [], []>, transpose_lhs_hint = false} : vector<384x64xf32>, vector<64x64xf32>, vector<384x64xf32> -> vector<384x64xf32>
    %add3A_367 = arith.addf %add3A_362, %dot_general3A_366 : vector<384x64xf32>
    %add3A_368 = vector.broadcast %get3A_39 : vector<1x64xf32> to vector<384x64xf32>
    %add3A_369 = arith.addf %add3A_367, %add3A_368 : vector<384x64xf32>
    %max3A_370 = arith.constant 0.000000e+00 : f32
    %max3A_371 = vector.broadcast %max3A_370 : f32 to vector<384x64xf32>
    %max3A_372 = arith.maximumf %add3A_369, %max3A_371 : vector<384x64xf32>
    %slice3A_373 = vector.extract_strided_slice %concatenate3A_270 {offsets = [0, 320], sizes = [384, 64], strides = [1, 1]} : vector<384x768xf32> to vector<384x64xf32>
    %slice3A_374 = vector.extract_strided_slice %get3A_36 {offsets = [0, 0], sizes = [64, 64], strides = [1, 1]} : vector<192x64xf32> to vector<64x64xf32>
    %dot_general3A_375 = arith.constant dense<0.000000e+00> : vector<384x64xf32>
    %dot_general3A_376 = tpu.matmul %slice3A_373, %slice3A_374, %dot_general3A_375 {dimension_numbers = #tpu.dot_dimension_numbers<[1], [0], [0], [1], [0, 0, 1, 1], [], []>, transpose_lhs_hint = false} : vector<384x64xf32>, vector<64x64xf32>, vector<384x64xf32> -> vector<384x64xf32>
    %slice3A_377 = vector.extract_strided_slice %dot_general3A_272 {offsets = [0, 320], sizes = [384, 64], strides = [1, 1]} : vector<384x768xf32> to vector<384x64xf32>
    %slice3A_378 = vector.extract_strided_slice %get3A_36 {offsets = [64, 0], sizes = [64, 64], strides = [1, 1]} : vector<192x64xf32> to vector<64x64xf32>
    %dot_general3A_379 = arith.constant dense<0.000000e+00> : vector<384x64xf32>
    %dot_general3A_380 = tpu.matmul %slice3A_377, %slice3A_378, %dot_general3A_379 {dimension_numbers = #tpu.dot_dimension_numbers<[1], [0], [0], [1], [0, 0, 1, 1], [], []>, transpose_lhs_hint = false} : vector<384x64xf32>, vector<64x64xf32>, vector<384x64xf32> -> vector<384x64xf32>
    %add3A_381 = arith.addf %dot_general3A_376, %dot_general3A_380 : vector<384x64xf32>
    %slice3A_382 = vector.extract_strided_slice %sub3A_278 {offsets = [0, 320], sizes = [384, 64], strides = [1, 1]} : vector<384x768xf32> to vector<384x64xf32>
    %slice3A_383 = vector.extract_strided_slice %get3A_36 {offsets = [128, 0], sizes = [64, 64], strides = [1, 1]} : vector<192x64xf32> to vector<64x64xf32>
    %dot_general3A_384 = arith.constant dense<0.000000e+00> : vector<384x64xf32>
    %dot_general3A_385 = tpu.matmul %slice3A_382, %slice3A_383, %dot_general3A_384 {dimension_numbers = #tpu.dot_dimension_numbers<[1], [0], [0], [1], [0, 0, 1, 1], [], []>, transpose_lhs_hint = false} : vector<384x64xf32>, vector<64x64xf32>, vector<384x64xf32> -> vector<384x64xf32>
    %add3A_386 = arith.addf %add3A_381, %dot_general3A_385 : vector<384x64xf32>
    %add3A_387 = vector.broadcast %get3A_39 : vector<1x64xf32> to vector<384x64xf32>
    %add3A_388 = arith.addf %add3A_386, %add3A_387 : vector<384x64xf32>
    %max3A_389 = arith.constant 0.000000e+00 : f32
    %max3A_390 = vector.broadcast %max3A_389 : f32 to vector<384x64xf32>
    %max3A_391 = arith.maximumf %add3A_388, %max3A_390 : vector<384x64xf32>
    %slice3A_392 = vector.extract_strided_slice %concatenate3A_270 {offsets = [0, 384], sizes = [384, 64], strides = [1, 1]} : vector<384x768xf32> to vector<384x64xf32>
    %slice3A_393 = vector.extract_strided_slice %get3A_36 {offsets = [0, 0], sizes = [64, 64], strides = [1, 1]} : vector<192x64xf32> to vector<64x64xf32>
    %dot_general3A_394 = arith.constant dense<0.000000e+00> : vector<384x64xf32>
    %dot_general3A_395 = tpu.matmul %slice3A_392, %slice3A_393, %dot_general3A_394 {dimension_numbers = #tpu.dot_dimension_numbers<[1], [0], [0], [1], [0, 0, 1, 1], [], []>, transpose_lhs_hint = false} : vector<384x64xf32>, vector<64x64xf32>, vector<384x64xf32> -> vector<384x64xf32>
    %slice3A_396 = vector.extract_strided_slice %dot_general3A_272 {offsets = [0, 384], sizes = [384, 64], strides = [1, 1]} : vector<384x768xf32> to vector<384x64xf32>
    %slice3A_397 = vector.extract_strided_slice %get3A_36 {offsets = [64, 0], sizes = [64, 64], strides = [1, 1]} : vector<192x64xf32> to vector<64x64xf32>
    %dot_general3A_398 = arith.constant dense<0.000000e+00> : vector<384x64xf32>
    %dot_general3A_399 = tpu.matmul %slice3A_396, %slice3A_397, %dot_general3A_398 {dimension_numbers = #tpu.dot_dimension_numbers<[1], [0], [0], [1], [0, 0, 1, 1], [], []>, transpose_lhs_hint = false} : vector<384x64xf32>, vector<64x64xf32>, vector<384x64xf32> -> vector<384x64xf32>
    %add3A_400 = arith.addf %dot_general3A_395, %dot_general3A_399 : vector<384x64xf32>
    %slice3A_401 = vector.extract_strided_slice %sub3A_278 {offsets = [0, 384], sizes = [384, 64], strides = [1, 1]} : vector<384x768xf32> to vector<384x64xf32>
    %slice3A_402 = vector.extract_strided_slice %get3A_36 {offsets = [128, 0], sizes = [64, 64], strides = [1, 1]} : vector<192x64xf32> to vector<64x64xf32>
    %dot_general3A_403 = arith.constant dense<0.000000e+00> : vector<384x64xf32>
    %dot_general3A_404 = tpu.matmul %slice3A_401, %slice3A_402, %dot_general3A_403 {dimension_numbers = #tpu.dot_dimension_numbers<[1], [0], [0], [1], [0, 0, 1, 1], [], []>, transpose_lhs_hint = false} : vector<384x64xf32>, vector<64x64xf32>, vector<384x64xf32> -> vector<384x64xf32>
    %add3A_405 = arith.addf %add3A_400, %dot_general3A_404 : vector<384x64xf32>
    %add3A_406 = vector.broadcast %get3A_39 : vector<1x64xf32> to vector<384x64xf32>
    %add3A_407 = arith.addf %add3A_405, %add3A_406 : vector<384x64xf32>
    %max3A_408 = arith.constant 0.000000e+00 : f32
    %max3A_409 = vector.broadcast %max3A_408 : f32 to vector<384x64xf32>
    %max3A_410 = arith.maximumf %add3A_407, %max3A_409 : vector<384x64xf32>
    %slice3A_411 = vector.extract_strided_slice %concatenate3A_270 {offsets = [0, 448], sizes = [384, 64], strides = [1, 1]} : vector<384x768xf32> to vector<384x64xf32>
    %slice3A_412 = vector.extract_strided_slice %get3A_36 {offsets = [0, 0], sizes = [64, 64], strides = [1, 1]} : vector<192x64xf32> to vector<64x64xf32>
    %dot_general3A_413 = arith.constant dense<0.000000e+00> : vector<384x64xf32>
    %dot_general3A_414 = tpu.matmul %slice3A_411, %slice3A_412, %dot_general3A_413 {dimension_numbers = #tpu.dot_dimension_numbers<[1], [0], [0], [1], [0, 0, 1, 1], [], []>, transpose_lhs_hint = false} : vector<384x64xf32>, vector<64x64xf32>, vector<384x64xf32> -> vector<384x64xf32>
    %slice3A_415 = vector.extract_strided_slice %dot_general3A_272 {offsets = [0, 448], sizes = [384, 64], strides = [1, 1]} : vector<384x768xf32> to vector<384x64xf32>
    %slice3A_416 = vector.extract_strided_slice %get3A_36 {offsets = [64, 0], sizes = [64, 64], strides = [1, 1]} : vector<192x64xf32> to vector<64x64xf32>
    %dot_general3A_417 = arith.constant dense<0.000000e+00> : vector<384x64xf32>
    %dot_general3A_418 = tpu.matmul %slice3A_415, %slice3A_416, %dot_general3A_417 {dimension_numbers = #tpu.dot_dimension_numbers<[1], [0], [0], [1], [0, 0, 1, 1], [], []>, transpose_lhs_hint = false} : vector<384x64xf32>, vector<64x64xf32>, vector<384x64xf32> -> vector<384x64xf32>
    %add3A_419 = arith.addf %dot_general3A_414, %dot_general3A_418 : vector<384x64xf32>
    %slice3A_420 = vector.extract_strided_slice %sub3A_278 {offsets = [0, 448], sizes = [384, 64], strides = [1, 1]} : vector<384x768xf32> to vector<384x64xf32>
    %slice3A_421 = vector.extract_strided_slice %get3A_36 {offsets = [128, 0], sizes = [64, 64], strides = [1, 1]} : vector<192x64xf32> to vector<64x64xf32>
    %dot_general3A_422 = arith.constant dense<0.000000e+00> : vector<384x64xf32>
    %dot_general3A_423 = tpu.matmul %slice3A_420, %slice3A_421, %dot_general3A_422 {dimension_numbers = #tpu.dot_dimension_numbers<[1], [0], [0], [1], [0, 0, 1, 1], [], []>, transpose_lhs_hint = false} : vector<384x64xf32>, vector<64x64xf32>, vector<384x64xf32> -> vector<384x64xf32>
    %add3A_424 = arith.addf %add3A_419, %dot_general3A_423 : vector<384x64xf32>
    %add3A_425 = vector.broadcast %get3A_39 : vector<1x64xf32> to vector<384x64xf32>
    %add3A_426 = arith.addf %add3A_424, %add3A_425 : vector<384x64xf32>
    %max3A_427 = arith.constant 0.000000e+00 : f32
    %max3A_428 = vector.broadcast %max3A_427 : f32 to vector<384x64xf32>
    %max3A_429 = arith.maximumf %add3A_426, %max3A_428 : vector<384x64xf32>
    %slice3A_430 = vector.extract_strided_slice %concatenate3A_270 {offsets = [0, 512], sizes = [384, 64], strides = [1, 1]} : vector<384x768xf32> to vector<384x64xf32>
    %slice3A_431 = vector.extract_strided_slice %get3A_36 {offsets = [0, 0], sizes = [64, 64], strides = [1, 1]} : vector<192x64xf32> to vector<64x64xf32>
    %dot_general3A_432 = arith.constant dense<0.000000e+00> : vector<384x64xf32>
    %dot_general3A_433 = tpu.matmul %slice3A_430, %slice3A_431, %dot_general3A_432 {dimension_numbers = #tpu.dot_dimension_numbers<[1], [0], [0], [1], [0, 0, 1, 1], [], []>, transpose_lhs_hint = false} : vector<384x64xf32>, vector<64x64xf32>, vector<384x64xf32> -> vector<384x64xf32>
    %slice3A_434 = vector.extract_strided_slice %dot_general3A_272 {offsets = [0, 512], sizes = [384, 64], strides = [1, 1]} : vector<384x768xf32> to vector<384x64xf32>
    %slice3A_435 = vector.extract_strided_slice %get3A_36 {offsets = [64, 0], sizes = [64, 64], strides = [1, 1]} : vector<192x64xf32> to vector<64x64xf32>
    %dot_general3A_436 = arith.constant dense<0.000000e+00> : vector<384x64xf32>
    %dot_general3A_437 = tpu.matmul %slice3A_434, %slice3A_435, %dot_general3A_436 {dimension_numbers = #tpu.dot_dimension_numbers<[1], [0], [0], [1], [0, 0, 1, 1], [], []>, transpose_lhs_hint = false} : vector<384x64xf32>, vector<64x64xf32>, vector<384x64xf32> -> vector<384x64xf32>
    %add3A_438 = arith.addf %dot_general3A_433, %dot_general3A_437 : vector<384x64xf32>
    %slice3A_439 = vector.extract_strided_slice %sub3A_278 {offsets = [0, 512], sizes = [384, 64], strides = [1, 1]} : vector<384x768xf32> to vector<384x64xf32>
    %slice3A_440 = vector.extract_strided_slice %get3A_36 {offsets = [128, 0], sizes = [64, 64], strides = [1, 1]} : vector<192x64xf32> to vector<64x64xf32>
    %dot_general3A_441 = arith.constant dense<0.000000e+00> : vector<384x64xf32>
    %dot_general3A_442 = tpu.matmul %slice3A_439, %slice3A_440, %dot_general3A_441 {dimension_numbers = #tpu.dot_dimension_numbers<[1], [0], [0], [1], [0, 0, 1, 1], [], []>, transpose_lhs_hint = false} : vector<384x64xf32>, vector<64x64xf32>, vector<384x64xf32> -> vector<384x64xf32>
    %add3A_443 = arith.addf %add3A_438, %dot_general3A_442 : vector<384x64xf32>
    %add3A_444 = vector.broadcast %get3A_39 : vector<1x64xf32> to vector<384x64xf32>
    %add3A_445 = arith.addf %add3A_443, %add3A_444 : vector<384x64xf32>
    %max3A_446 = arith.constant 0.000000e+00 : f32
    %max3A_447 = vector.broadcast %max3A_446 : f32 to vector<384x64xf32>
    %max3A_448 = arith.maximumf %add3A_445, %max3A_447 : vector<384x64xf32>
    %slice3A_449 = vector.extract_strided_slice %concatenate3A_270 {offsets = [0, 576], sizes = [384, 64], strides = [1, 1]} : vector<384x768xf32> to vector<384x64xf32>
    %slice3A_450 = vector.extract_strided_slice %get3A_36 {offsets = [0, 0], sizes = [64, 64], strides = [1, 1]} : vector<192x64xf32> to vector<64x64xf32>
    %dot_general3A_451 = arith.constant dense<0.000000e+00> : vector<384x64xf32>
    %dot_general3A_452 = tpu.matmul %slice3A_449, %slice3A_450, %dot_general3A_451 {dimension_numbers = #tpu.dot_dimension_numbers<[1], [0], [0], [1], [0, 0, 1, 1], [], []>, transpose_lhs_hint = false} : vector<384x64xf32>, vector<64x64xf32>, vector<384x64xf32> -> vector<384x64xf32>
    %slice3A_453 = vector.extract_strided_slice %dot_general3A_272 {offsets = [0, 576], sizes = [384, 64], strides = [1, 1]} : vector<384x768xf32> to vector<384x64xf32>
    %slice3A_454 = vector.extract_strided_slice %get3A_36 {offsets = [64, 0], sizes = [64, 64], strides = [1, 1]} : vector<192x64xf32> to vector<64x64xf32>
    %dot_general3A_455 = arith.constant dense<0.000000e+00> : vector<384x64xf32>
    %dot_general3A_456 = tpu.matmul %slice3A_453, %slice3A_454, %dot_general3A_455 {dimension_numbers = #tpu.dot_dimension_numbers<[1], [0], [0], [1], [0, 0, 1, 1], [], []>, transpose_lhs_hint = false} : vector<384x64xf32>, vector<64x64xf32>, vector<384x64xf32> -> vector<384x64xf32>
    %add3A_457 = arith.addf %dot_general3A_452, %dot_general3A_456 : vector<384x64xf32>
    %slice3A_458 = vector.extract_strided_slice %sub3A_278 {offsets = [0, 576], sizes = [384, 64], strides = [1, 1]} : vector<384x768xf32> to vector<384x64xf32>
    %slice3A_459 = vector.extract_strided_slice %get3A_36 {offsets = [128, 0], sizes = [64, 64], strides = [1, 1]} : vector<192x64xf32> to vector<64x64xf32>
    %dot_general3A_460 = arith.constant dense<0.000000e+00> : vector<384x64xf32>
    %dot_general3A_461 = tpu.matmul %slice3A_458, %slice3A_459, %dot_general3A_460 {dimension_numbers = #tpu.dot_dimension_numbers<[1], [0], [0], [1], [0, 0, 1, 1], [], []>, transpose_lhs_hint = false} : vector<384x64xf32>, vector<64x64xf32>, vector<384x64xf32> -> vector<384x64xf32>
    %add3A_462 = arith.addf %add3A_457, %dot_general3A_461 : vector<384x64xf32>
    %add3A_463 = vector.broadcast %get3A_39 : vector<1x64xf32> to vector<384x64xf32>
    %add3A_464 = arith.addf %add3A_462, %add3A_463 : vector<384x64xf32>
    %max3A_465 = arith.constant 0.000000e+00 : f32
    %max3A_466 = vector.broadcast %max3A_465 : f32 to vector<384x64xf32>
    %max3A_467 = arith.maximumf %add3A_464, %max3A_466 : vector<384x64xf32>
    %slice3A_468 = vector.extract_strided_slice %concatenate3A_270 {offsets = [0, 640], sizes = [384, 64], strides = [1, 1]} : vector<384x768xf32> to vector<384x64xf32>
    %slice3A_469 = vector.extract_strided_slice %get3A_36 {offsets = [0, 0], sizes = [64, 64], strides = [1, 1]} : vector<192x64xf32> to vector<64x64xf32>
    %dot_general3A_470 = arith.constant dense<0.000000e+00> : vector<384x64xf32>
    %dot_general3A_471 = tpu.matmul %slice3A_468, %slice3A_469, %dot_general3A_470 {dimension_numbers = #tpu.dot_dimension_numbers<[1], [0], [0], [1], [0, 0, 1, 1], [], []>, transpose_lhs_hint = false} : vector<384x64xf32>, vector<64x64xf32>, vector<384x64xf32> -> vector<384x64xf32>
    %slice3A_472 = vector.extract_strided_slice %dot_general3A_272 {offsets = [0, 640], sizes = [384, 64], strides = [1, 1]} : vector<384x768xf32> to vector<384x64xf32>
    %slice3A_473 = vector.extract_strided_slice %get3A_36 {offsets = [64, 0], sizes = [64, 64], strides = [1, 1]} : vector<192x64xf32> to vector<64x64xf32>
    %dot_general3A_474 = arith.constant dense<0.000000e+00> : vector<384x64xf32>
    %dot_general3A_475 = tpu.matmul %slice3A_472, %slice3A_473, %dot_general3A_474 {dimension_numbers = #tpu.dot_dimension_numbers<[1], [0], [0], [1], [0, 0, 1, 1], [], []>, transpose_lhs_hint = false} : vector<384x64xf32>, vector<64x64xf32>, vector<384x64xf32> -> vector<384x64xf32>
    %add3A_476 = arith.addf %dot_general3A_471, %dot_general3A_475 : vector<384x64xf32>
    %slice3A_477 = vector.extract_strided_slice %sub3A_278 {offsets = [0, 640], sizes = [384, 64], strides = [1, 1]} : vector<384x768xf32> to vector<384x64xf32>
    %slice3A_478 = vector.extract_strided_slice %get3A_36 {offsets = [128, 0], sizes = [64, 64], strides = [1, 1]} : vector<192x64xf32> to vector<64x64xf32>
    %dot_general3A_479 = arith.constant dense<0.000000e+00> : vector<384x64xf32>
    %dot_general3A_480 = tpu.matmul %slice3A_477, %slice3A_478, %dot_general3A_479 {dimension_numbers = #tpu.dot_dimension_numbers<[1], [0], [0], [1], [0, 0, 1, 1], [], []>, transpose_lhs_hint = false} : vector<384x64xf32>, vector<64x64xf32>, vector<384x64xf32> -> vector<384x64xf32>
    %add3A_481 = arith.addf %add3A_476, %dot_general3A_480 : vector<384x64xf32>
    %add3A_482 = vector.broadcast %get3A_39 : vector<1x64xf32> to vector<384x64xf32>
    %add3A_483 = arith.addf %add3A_481, %add3A_482 : vector<384x64xf32>
    %max3A_484 = arith.constant 0.000000e+00 : f32
    %max3A_485 = vector.broadcast %max3A_484 : f32 to vector<384x64xf32>
    %max3A_486 = arith.maximumf %add3A_483, %max3A_485 : vector<384x64xf32>
    %slice3A_487 = vector.extract_strided_slice %concatenate3A_270 {offsets = [0, 704], sizes = [384, 64], strides = [1, 1]} : vector<384x768xf32> to vector<384x64xf32>
    %slice3A_488 = vector.extract_strided_slice %get3A_36 {offsets = [0, 0], sizes = [64, 64], strides = [1, 1]} : vector<192x64xf32> to vector<64x64xf32>
    %dot_general3A_489 = arith.constant dense<0.000000e+00> : vector<384x64xf32>
    %dot_general3A_490 = tpu.matmul %slice3A_487, %slice3A_488, %dot_general3A_489 {dimension_numbers = #tpu.dot_dimension_numbers<[1], [0], [0], [1], [0, 0, 1, 1], [], []>, transpose_lhs_hint = false} : vector<384x64xf32>, vector<64x64xf32>, vector<384x64xf32> -> vector<384x64xf32>
    %slice3A_491 = vector.extract_strided_slice %dot_general3A_272 {offsets = [0, 704], sizes = [384, 64], strides = [1, 1]} : vector<384x768xf32> to vector<384x64xf32>
    %slice3A_492 = vector.extract_strided_slice %get3A_36 {offsets = [64, 0], sizes = [64, 64], strides = [1, 1]} : vector<192x64xf32> to vector<64x64xf32>
    %dot_general3A_493 = arith.constant dense<0.000000e+00> : vector<384x64xf32>
    %dot_general3A_494 = tpu.matmul %slice3A_491, %slice3A_492, %dot_general3A_493 {dimension_numbers = #tpu.dot_dimension_numbers<[1], [0], [0], [1], [0, 0, 1, 1], [], []>, transpose_lhs_hint = false} : vector<384x64xf32>, vector<64x64xf32>, vector<384x64xf32> -> vector<384x64xf32>
    %add3A_495 = arith.addf %dot_general3A_490, %dot_general3A_494 : vector<384x64xf32>
    %slice3A_496 = vector.extract_strided_slice %sub3A_278 {offsets = [0, 704], sizes = [384, 64], strides = [1, 1]} : vector<384x768xf32> to vector<384x64xf32>
    %slice3A_497 = vector.extract_strided_slice %get3A_36 {offsets = [128, 0], sizes = [64, 64], strides = [1, 1]} : vector<192x64xf32> to vector<64x64xf32>
    %dot_general3A_498 = arith.constant dense<0.000000e+00> : vector<384x64xf32>
    %dot_general3A_499 = tpu.matmul %slice3A_496, %slice3A_497, %dot_general3A_498 {dimension_numbers = #tpu.dot_dimension_numbers<[1], [0], [0], [1], [0, 0, 1, 1], [], []>, transpose_lhs_hint = false} : vector<384x64xf32>, vector<64x64xf32>, vector<384x64xf32> -> vector<384x64xf32>
    %add3A_500 = arith.addf %add3A_495, %dot_general3A_499 : vector<384x64xf32>
    %add3A_501 = vector.broadcast %get3A_39 : vector<1x64xf32> to vector<384x64xf32>
    %add3A_502 = arith.addf %add3A_500, %add3A_501 : vector<384x64xf32>
    %max3A_503 = arith.constant 0.000000e+00 : f32
    %max3A_504 = vector.broadcast %max3A_503 : f32 to vector<384x64xf32>
    %max3A_505 = arith.maximumf %add3A_502, %max3A_504 : vector<384x64xf32>
    %slice3A_506 = vector.extract_strided_slice %get3A_42 {offsets = [0, 0], sizes = [64, 64], strides = [1, 1]} : vector<192x64xf32> to vector<64x64xf32>
    %slice3A_507 = vector.extract_strided_slice %get3A_42 {offsets = [64, 0], sizes = [64, 64], strides = [1, 1]} : vector<192x64xf32> to vector<64x64xf32>
    %slice3A_508 = vector.extract_strided_slice %get3A_42 {offsets = [128, 0], sizes = [64, 64], strides = [1, 1]} : vector<192x64xf32> to vector<64x64xf32>
    %dot_general3A_509 = arith.constant dense<0.000000e+00> : vector<384x64xf32>
    %dot_general3A_510 = tpu.matmul %slice3A, %get3A_48, %dot_general3A_509 {dimension_numbers = #tpu.dot_dimension_numbers<[1], [0], [0], [1], [0, 0, 1, 1], [], []>, transpose_lhs_hint = false} : vector<384x64xf32>, vector<64x64xf32>, vector<384x64xf32> -> vector<384x64xf32>
    %add3A_511 = vector.broadcast %get3A_45 : vector<1x64xf32> to vector<384x64xf32>
    %add3A_512 = arith.addf %add3A_511, %dot_general3A_510 : vector<384x64xf32>
    %add3A_513 = vector.broadcast %get3A_51 : vector<1x64xf32> to vector<384x64xf32>
    %add3A_514 = arith.addf %add3A_512, %add3A_513 : vector<384x64xf32>
    %dot_general3A_515 = arith.constant dense<0.000000e+00> : vector<384x64xf32>
    %dot_general3A_516 = tpu.matmul %max3A_296, %slice3A_507, %dot_general3A_515 {dimension_numbers = #tpu.dot_dimension_numbers<[1], [0], [0], [1], [0, 0, 1, 1], [], []>, transpose_lhs_hint = false} : vector<384x64xf32>, vector<64x64xf32>, vector<384x64xf32> -> vector<384x64xf32>
    %add3A_517 = arith.addf %add3A_514, %dot_general3A_516 : vector<384x64xf32>
    %dot_general3A_518 = arith.constant dense<0.000000e+00> : vector<384x64xf32>
    %dot_general3A_519 = tpu.matmul %max3A_315, %slice3A_508, %dot_general3A_518 {dimension_numbers = #tpu.dot_dimension_numbers<[1], [0], [0], [1], [0, 0, 1, 1], [], []>, transpose_lhs_hint = false} : vector<384x64xf32>, vector<64x64xf32>, vector<384x64xf32> -> vector<384x64xf32>
    %add3A_520 = arith.addf %add3A_517, %dot_general3A_519 : vector<384x64xf32>
    %max3A_521 = arith.constant 0.000000e+00 : f32
    %max3A_522 = vector.broadcast %max3A_521 : f32 to vector<384x64xf32>
    %max3A_523 = arith.maximumf %add3A_520, %max3A_522 : vector<384x64xf32>
    %reduce_sum3A_524 = arith.constant dense<0.000000e+00> : vector<384xf32>
    %reduce_sum3A_525 = vector.multi_reduction <add>, %max3A_523, %reduce_sum3A_524 [1] : vector<384x64xf32> to vector<384xf32>
    %broadcast_in_dim3A_526 = vector.shape_cast %reduce_sum3A_525 : vector<384xf32> to vector<384x1xf32>
    %div3A_527 = arith.constant 6.400000e+01 : f32
    %div3A_528 = vector.broadcast %div3A_527 : f32 to vector<384x1xf32>
    %div3A_529 = arith.divf %broadcast_in_dim3A_526, %div3A_528 : vector<384x1xf32>
    %mul3A_530 = arith.mulf %max3A_523, %max3A_523 : vector<384x64xf32>
    %reduce_sum3A_531 = arith.constant dense<0.000000e+00> : vector<384xf32>
    %reduce_sum3A_532 = vector.multi_reduction <add>, %mul3A_530, %reduce_sum3A_531 [1] : vector<384x64xf32> to vector<384xf32>
    %broadcast_in_dim3A_533 = vector.shape_cast %reduce_sum3A_532 : vector<384xf32> to vector<384x1xf32>
    %div3A_534 = arith.constant 6.400000e+01 : f32
    %div3A_535 = vector.broadcast %div3A_534 : f32 to vector<384x1xf32>
    %div3A_536 = arith.divf %broadcast_in_dim3A_533, %div3A_535 : vector<384x1xf32>
    %mul3A_537 = arith.mulf %div3A_529, %div3A_529 : vector<384x1xf32>
    %sub3A_538 = arith.subf %div3A_536, %mul3A_537 : vector<384x1xf32>
    %sub3A_539 = vector.broadcast %div3A_529 : vector<384x1xf32> to vector<384x64xf32>
    %sub3A_540 = arith.subf %max3A_523, %sub3A_539 : vector<384x64xf32>
    %add3A_541 = arith.constant 9.99999974E-6 : f32
    %add3A_542 = vector.broadcast %add3A_541 : f32 to vector<384x1xf32>
    %add3A_543 = arith.addf %sub3A_538, %add3A_542 : vector<384x1xf32>
    %rsqrt3A = math.rsqrt %add3A_543 : vector<384x1xf32>
    %mul3A_544 = vector.broadcast %rsqrt3A : vector<384x1xf32> to vector<384x64xf32>
    %mul3A_545 = arith.mulf %sub3A_540, %mul3A_544 : vector<384x64xf32>
    %mul3A_546 = vector.broadcast %get3A_54 : vector<1x64xf32> to vector<384x64xf32>
    %mul3A_547 = arith.mulf %mul3A_545, %mul3A_546 : vector<384x64xf32>
    %add3A_548 = vector.broadcast %get3A_57 : vector<1x64xf32> to vector<384x64xf32>
    %add3A_549 = arith.addf %mul3A_547, %add3A_548 : vector<384x64xf32>
    %dot_general3A_550 = arith.constant dense<0.000000e+00> : vector<384x64xf32>
    %dot_general3A_551 = tpu.matmul %slice3A_61, %get3A_48, %dot_general3A_550 {dimension_numbers = #tpu.dot_dimension_numbers<[1], [0], [0], [1], [0, 0, 1, 1], [], []>, transpose_lhs_hint = false} : vector<384x64xf32>, vector<64x64xf32>, vector<384x64xf32> -> vector<384x64xf32>
    %add3A_552 = vector.broadcast %get3A_45 : vector<1x64xf32> to vector<384x64xf32>
    %add3A_553 = arith.addf %add3A_552, %dot_general3A_551 : vector<384x64xf32>
    %add3A_554 = vector.broadcast %get3A_51 : vector<1x64xf32> to vector<384x64xf32>
    %add3A_555 = arith.addf %add3A_553, %add3A_554 : vector<384x64xf32>
    %dot_general3A_556 = arith.constant dense<0.000000e+00> : vector<384x64xf32>
    %dot_general3A_557 = tpu.matmul %max3A_296, %slice3A_506, %dot_general3A_556 {dimension_numbers = #tpu.dot_dimension_numbers<[1], [0], [0], [1], [0, 0, 1, 1], [], []>, transpose_lhs_hint = false} : vector<384x64xf32>, vector<64x64xf32>, vector<384x64xf32> -> vector<384x64xf32>
    %add3A_558 = arith.addf %add3A_555, %dot_general3A_557 : vector<384x64xf32>
    %dot_general3A_559 = arith.constant dense<0.000000e+00> : vector<384x64xf32>
    %dot_general3A_560 = tpu.matmul %max3A_315, %slice3A_507, %dot_general3A_559 {dimension_numbers = #tpu.dot_dimension_numbers<[1], [0], [0], [1], [0, 0, 1, 1], [], []>, transpose_lhs_hint = false} : vector<384x64xf32>, vector<64x64xf32>, vector<384x64xf32> -> vector<384x64xf32>
    %add3A_561 = arith.addf %add3A_558, %dot_general3A_560 : vector<384x64xf32>
    %dot_general3A_562 = arith.constant dense<0.000000e+00> : vector<384x64xf32>
    %dot_general3A_563 = tpu.matmul %max3A_334, %slice3A_508, %dot_general3A_562 {dimension_numbers = #tpu.dot_dimension_numbers<[1], [0], [0], [1], [0, 0, 1, 1], [], []>, transpose_lhs_hint = false} : vector<384x64xf32>, vector<64x64xf32>, vector<384x64xf32> -> vector<384x64xf32>
    %add3A_564 = arith.addf %add3A_561, %dot_general3A_563 : vector<384x64xf32>
    %max3A_565 = arith.constant 0.000000e+00 : f32
    %max3A_566 = vector.broadcast %max3A_565 : f32 to vector<384x64xf32>
    %max3A_567 = arith.maximumf %add3A_564, %max3A_566 : vector<384x64xf32>
    %reduce_sum3A_568 = arith.constant dense<0.000000e+00> : vector<384xf32>
    %reduce_sum3A_569 = vector.multi_reduction <add>, %max3A_567, %reduce_sum3A_568 [1] : vector<384x64xf32> to vector<384xf32>
    %broadcast_in_dim3A_570 = vector.shape_cast %reduce_sum3A_569 : vector<384xf32> to vector<384x1xf32>
    %div3A_571 = arith.constant 6.400000e+01 : f32
    %div3A_572 = vector.broadcast %div3A_571 : f32 to vector<384x1xf32>
    %div3A_573 = arith.divf %broadcast_in_dim3A_570, %div3A_572 : vector<384x1xf32>
    %mul3A_574 = arith.mulf %max3A_567, %max3A_567 : vector<384x64xf32>
    %reduce_sum3A_575 = arith.constant dense<0.000000e+00> : vector<384xf32>
    %reduce_sum3A_576 = vector.multi_reduction <add>, %mul3A_574, %reduce_sum3A_575 [1] : vector<384x64xf32> to vector<384xf32>
    %broadcast_in_dim3A_577 = vector.shape_cast %reduce_sum3A_576 : vector<384xf32> to vector<384x1xf32>
    %div3A_578 = arith.constant 6.400000e+01 : f32
    %div3A_579 = vector.broadcast %div3A_578 : f32 to vector<384x1xf32>
    %div3A_580 = arith.divf %broadcast_in_dim3A_577, %div3A_579 : vector<384x1xf32>
    %mul3A_581 = arith.mulf %div3A_573, %div3A_573 : vector<384x1xf32>
    %sub3A_582 = arith.subf %div3A_580, %mul3A_581 : vector<384x1xf32>
    %sub3A_583 = vector.broadcast %div3A_573 : vector<384x1xf32> to vector<384x64xf32>
    %sub3A_584 = arith.subf %max3A_567, %sub3A_583 : vector<384x64xf32>
    %add3A_585 = arith.constant 9.99999974E-6 : f32
    %add3A_586 = vector.broadcast %add3A_585 : f32 to vector<384x1xf32>
    %add3A_587 = arith.addf %sub3A_582, %add3A_586 : vector<384x1xf32>
    %rsqrt3A_588 = math.rsqrt %add3A_587 : vector<384x1xf32>
    %mul3A_589 = vector.broadcast %rsqrt3A_588 : vector<384x1xf32> to vector<384x64xf32>
    %mul3A_590 = arith.mulf %sub3A_584, %mul3A_589 : vector<384x64xf32>
    %mul3A_591 = vector.broadcast %get3A_54 : vector<1x64xf32> to vector<384x64xf32>
    %mul3A_592 = arith.mulf %mul3A_590, %mul3A_591 : vector<384x64xf32>
    %add3A_593 = vector.broadcast %get3A_57 : vector<1x64xf32> to vector<384x64xf32>
    %add3A_594 = arith.addf %mul3A_592, %add3A_593 : vector<384x64xf32>
    %dot_general3A_595 = arith.constant dense<0.000000e+00> : vector<384x64xf32>
    %dot_general3A_596 = tpu.matmul %slice3A_62, %get3A_48, %dot_general3A_595 {dimension_numbers = #tpu.dot_dimension_numbers<[1], [0], [0], [1], [0, 0, 1, 1], [], []>, transpose_lhs_hint = false} : vector<384x64xf32>, vector<64x64xf32>, vector<384x64xf32> -> vector<384x64xf32>
    %add3A_597 = vector.broadcast %get3A_45 : vector<1x64xf32> to vector<384x64xf32>
    %add3A_598 = arith.addf %add3A_597, %dot_general3A_596 : vector<384x64xf32>
    %add3A_599 = vector.broadcast %get3A_51 : vector<1x64xf32> to vector<384x64xf32>
    %add3A_600 = arith.addf %add3A_598, %add3A_599 : vector<384x64xf32>
    %dot_general3A_601 = arith.constant dense<0.000000e+00> : vector<384x64xf32>
    %dot_general3A_602 = tpu.matmul %max3A_315, %slice3A_506, %dot_general3A_601 {dimension_numbers = #tpu.dot_dimension_numbers<[1], [0], [0], [1], [0, 0, 1, 1], [], []>, transpose_lhs_hint = false} : vector<384x64xf32>, vector<64x64xf32>, vector<384x64xf32> -> vector<384x64xf32>
    %add3A_603 = arith.addf %add3A_600, %dot_general3A_602 : vector<384x64xf32>
    %dot_general3A_604 = arith.constant dense<0.000000e+00> : vector<384x64xf32>
    %dot_general3A_605 = tpu.matmul %max3A_334, %slice3A_507, %dot_general3A_604 {dimension_numbers = #tpu.dot_dimension_numbers<[1], [0], [0], [1], [0, 0, 1, 1], [], []>, transpose_lhs_hint = false} : vector<384x64xf32>, vector<64x64xf32>, vector<384x64xf32> -> vector<384x64xf32>
    %add3A_606 = arith.addf %add3A_603, %dot_general3A_605 : vector<384x64xf32>
    %dot_general3A_607 = arith.constant dense<0.000000e+00> : vector<384x64xf32>
    %dot_general3A_608 = tpu.matmul %max3A_353, %slice3A_508, %dot_general3A_607 {dimension_numbers = #tpu.dot_dimension_numbers<[1], [0], [0], [1], [0, 0, 1, 1], [], []>, transpose_lhs_hint = false} : vector<384x64xf32>, vector<64x64xf32>, vector<384x64xf32> -> vector<384x64xf32>
    %add3A_609 = arith.addf %add3A_606, %dot_general3A_608 : vector<384x64xf32>
    %max3A_610 = arith.constant 0.000000e+00 : f32
    %max3A_611 = vector.broadcast %max3A_610 : f32 to vector<384x64xf32>
    %max3A_612 = arith.maximumf %add3A_609, %max3A_611 : vector<384x64xf32>
    %reduce_sum3A_613 = arith.constant dense<0.000000e+00> : vector<384xf32>
    %reduce_sum3A_614 = vector.multi_reduction <add>, %max3A_612, %reduce_sum3A_613 [1] : vector<384x64xf32> to vector<384xf32>
    %broadcast_in_dim3A_615 = vector.shape_cast %reduce_sum3A_614 : vector<384xf32> to vector<384x1xf32>
    %div3A_616 = arith.constant 6.400000e+01 : f32
    %div3A_617 = vector.broadcast %div3A_616 : f32 to vector<384x1xf32>
    %div3A_618 = arith.divf %broadcast_in_dim3A_615, %div3A_617 : vector<384x1xf32>
    %mul3A_619 = arith.mulf %max3A_612, %max3A_612 : vector<384x64xf32>
    %reduce_sum3A_620 = arith.constant dense<0.000000e+00> : vector<384xf32>
    %reduce_sum3A_621 = vector.multi_reduction <add>, %mul3A_619, %reduce_sum3A_620 [1] : vector<384x64xf32> to vector<384xf32>
    %broadcast_in_dim3A_622 = vector.shape_cast %reduce_sum3A_621 : vector<384xf32> to vector<384x1xf32>
    %div3A_623 = arith.constant 6.400000e+01 : f32
    %div3A_624 = vector.broadcast %div3A_623 : f32 to vector<384x1xf32>
    %div3A_625 = arith.divf %broadcast_in_dim3A_622, %div3A_624 : vector<384x1xf32>
    %mul3A_626 = arith.mulf %div3A_618, %div3A_618 : vector<384x1xf32>
    %sub3A_627 = arith.subf %div3A_625, %mul3A_626 : vector<384x1xf32>
    %sub3A_628 = vector.broadcast %div3A_618 : vector<384x1xf32> to vector<384x64xf32>
    %sub3A_629 = arith.subf %max3A_612, %sub3A_628 : vector<384x64xf32>
    %add3A_630 = arith.constant 9.99999974E-6 : f32
    %add3A_631 = vector.broadcast %add3A_630 : f32 to vector<384x1xf32>
    %add3A_632 = arith.addf %sub3A_627, %add3A_631 : vector<384x1xf32>
    %rsqrt3A_633 = math.rsqrt %add3A_632 : vector<384x1xf32>
    %mul3A_634 = vector.broadcast %rsqrt3A_633 : vector<384x1xf32> to vector<384x64xf32>
    %mul3A_635 = arith.mulf %sub3A_629, %mul3A_634 : vector<384x64xf32>
    %mul3A_636 = vector.broadcast %get3A_54 : vector<1x64xf32> to vector<384x64xf32>
    %mul3A_637 = arith.mulf %mul3A_635, %mul3A_636 : vector<384x64xf32>
    %add3A_638 = vector.broadcast %get3A_57 : vector<1x64xf32> to vector<384x64xf32>
    %add3A_639 = arith.addf %mul3A_637, %add3A_638 : vector<384x64xf32>
    %dot_general3A_640 = arith.constant dense<0.000000e+00> : vector<384x64xf32>
    %dot_general3A_641 = tpu.matmul %slice3A_63, %get3A_48, %dot_general3A_640 {dimension_numbers = #tpu.dot_dimension_numbers<[1], [0], [0], [1], [0, 0, 1, 1], [], []>, transpose_lhs_hint = false} : vector<384x64xf32>, vector<64x64xf32>, vector<384x64xf32> -> vector<384x64xf32>
    %add3A_642 = vector.broadcast %get3A_45 : vector<1x64xf32> to vector<384x64xf32>
    %add3A_643 = arith.addf %add3A_642, %dot_general3A_641 : vector<384x64xf32>
    %add3A_644 = vector.broadcast %get3A_51 : vector<1x64xf32> to vector<384x64xf32>
    %add3A_645 = arith.addf %add3A_643, %add3A_644 : vector<384x64xf32>
    %dot_general3A_646 = arith.constant dense<0.000000e+00> : vector<384x64xf32>
    %dot_general3A_647 = tpu.matmul %max3A_334, %slice3A_506, %dot_general3A_646 {dimension_numbers = #tpu.dot_dimension_numbers<[1], [0], [0], [1], [0, 0, 1, 1], [], []>, transpose_lhs_hint = false} : vector<384x64xf32>, vector<64x64xf32>, vector<384x64xf32> -> vector<384x64xf32>
    %add3A_648 = arith.addf %add3A_645, %dot_general3A_647 : vector<384x64xf32>
    %dot_general3A_649 = arith.constant dense<0.000000e+00> : vector<384x64xf32>
    %dot_general3A_650 = tpu.matmul %max3A_353, %slice3A_507, %dot_general3A_649 {dimension_numbers = #tpu.dot_dimension_numbers<[1], [0], [0], [1], [0, 0, 1, 1], [], []>, transpose_lhs_hint = false} : vector<384x64xf32>, vector<64x64xf32>, vector<384x64xf32> -> vector<384x64xf32>
    %add3A_651 = arith.addf %add3A_648, %dot_general3A_650 : vector<384x64xf32>
    %dot_general3A_652 = arith.constant dense<0.000000e+00> : vector<384x64xf32>
    %dot_general3A_653 = tpu.matmul %max3A_372, %slice3A_508, %dot_general3A_652 {dimension_numbers = #tpu.dot_dimension_numbers<[1], [0], [0], [1], [0, 0, 1, 1], [], []>, transpose_lhs_hint = false} : vector<384x64xf32>, vector<64x64xf32>, vector<384x64xf32> -> vector<384x64xf32>
    %add3A_654 = arith.addf %add3A_651, %dot_general3A_653 : vector<384x64xf32>
    %max3A_655 = arith.constant 0.000000e+00 : f32
    %max3A_656 = vector.broadcast %max3A_655 : f32 to vector<384x64xf32>
    %max3A_657 = arith.maximumf %add3A_654, %max3A_656 : vector<384x64xf32>
    %reduce_sum3A_658 = arith.constant dense<0.000000e+00> : vector<384xf32>
    %reduce_sum3A_659 = vector.multi_reduction <add>, %max3A_657, %reduce_sum3A_658 [1] : vector<384x64xf32> to vector<384xf32>
    %broadcast_in_dim3A_660 = vector.shape_cast %reduce_sum3A_659 : vector<384xf32> to vector<384x1xf32>
    %div3A_661 = arith.constant 6.400000e+01 : f32
    %div3A_662 = vector.broadcast %div3A_661 : f32 to vector<384x1xf32>
    %div3A_663 = arith.divf %broadcast_in_dim3A_660, %div3A_662 : vector<384x1xf32>
    %mul3A_664 = arith.mulf %max3A_657, %max3A_657 : vector<384x64xf32>
    %reduce_sum3A_665 = arith.constant dense<0.000000e+00> : vector<384xf32>
    %reduce_sum3A_666 = vector.multi_reduction <add>, %mul3A_664, %reduce_sum3A_665 [1] : vector<384x64xf32> to vector<384xf32>
    %broadcast_in_dim3A_667 = vector.shape_cast %reduce_sum3A_666 : vector<384xf32> to vector<384x1xf32>
    %div3A_668 = arith.constant 6.400000e+01 : f32
    %div3A_669 = vector.broadcast %div3A_668 : f32 to vector<384x1xf32>
    %div3A_670 = arith.divf %broadcast_in_dim3A_667, %div3A_669 : vector<384x1xf32>
    %mul3A_671 = arith.mulf %div3A_663, %div3A_663 : vector<384x1xf32>
    %sub3A_672 = arith.subf %div3A_670, %mul3A_671 : vector<384x1xf32>
    %sub3A_673 = vector.broadcast %div3A_663 : vector<384x1xf32> to vector<384x64xf32>
    %sub3A_674 = arith.subf %max3A_657, %sub3A_673 : vector<384x64xf32>
    %add3A_675 = arith.constant 9.99999974E-6 : f32
    %add3A_676 = vector.broadcast %add3A_675 : f32 to vector<384x1xf32>
    %add3A_677 = arith.addf %sub3A_672, %add3A_676 : vector<384x1xf32>
    %rsqrt3A_678 = math.rsqrt %add3A_677 : vector<384x1xf32>
    %mul3A_679 = vector.broadcast %rsqrt3A_678 : vector<384x1xf32> to vector<384x64xf32>
    %mul3A_680 = arith.mulf %sub3A_674, %mul3A_679 : vector<384x64xf32>
    %mul3A_681 = vector.broadcast %get3A_54 : vector<1x64xf32> to vector<384x64xf32>
    %mul3A_682 = arith.mulf %mul3A_680, %mul3A_681 : vector<384x64xf32>
    %add3A_683 = vector.broadcast %get3A_57 : vector<1x64xf32> to vector<384x64xf32>
    %add3A_684 = arith.addf %mul3A_682, %add3A_683 : vector<384x64xf32>
    %dot_general3A_685 = arith.constant dense<0.000000e+00> : vector<384x64xf32>
    %dot_general3A_686 = tpu.matmul %slice3A_64, %get3A_48, %dot_general3A_685 {dimension_numbers = #tpu.dot_dimension_numbers<[1], [0], [0], [1], [0, 0, 1, 1], [], []>, transpose_lhs_hint = false} : vector<384x64xf32>, vector<64x64xf32>, vector<384x64xf32> -> vector<384x64xf32>
    %add3A_687 = vector.broadcast %get3A_45 : vector<1x64xf32> to vector<384x64xf32>
    %add3A_688 = arith.addf %add3A_687, %dot_general3A_686 : vector<384x64xf32>
    %add3A_689 = vector.broadcast %get3A_51 : vector<1x64xf32> to vector<384x64xf32>
    %add3A_690 = arith.addf %add3A_688, %add3A_689 : vector<384x64xf32>
    %dot_general3A_691 = arith.constant dense<0.000000e+00> : vector<384x64xf32>
    %dot_general3A_692 = tpu.matmul %max3A_353, %slice3A_506, %dot_general3A_691 {dimension_numbers = #tpu.dot_dimension_numbers<[1], [0], [0], [1], [0, 0, 1, 1], [], []>, transpose_lhs_hint = false} : vector<384x64xf32>, vector<64x64xf32>, vector<384x64xf32> -> vector<384x64xf32>
    %add3A_693 = arith.addf %add3A_690, %dot_general3A_692 : vector<384x64xf32>
    %dot_general3A_694 = arith.constant dense<0.000000e+00> : vector<384x64xf32>
    %dot_general3A_695 = tpu.matmul %max3A_372, %slice3A_507, %dot_general3A_694 {dimension_numbers = #tpu.dot_dimension_numbers<[1], [0], [0], [1], [0, 0, 1, 1], [], []>, transpose_lhs_hint = false} : vector<384x64xf32>, vector<64x64xf32>, vector<384x64xf32> -> vector<384x64xf32>
    %add3A_696 = arith.addf %add3A_693, %dot_general3A_695 : vector<384x64xf32>
    %dot_general3A_697 = arith.constant dense<0.000000e+00> : vector<384x64xf32>
    %dot_general3A_698 = tpu.matmul %max3A_391, %slice3A_508, %dot_general3A_697 {dimension_numbers = #tpu.dot_dimension_numbers<[1], [0], [0], [1], [0, 0, 1, 1], [], []>, transpose_lhs_hint = false} : vector<384x64xf32>, vector<64x64xf32>, vector<384x64xf32> -> vector<384x64xf32>
    %add3A_699 = arith.addf %add3A_696, %dot_general3A_698 : vector<384x64xf32>
    %max3A_700 = arith.constant 0.000000e+00 : f32
    %max3A_701 = vector.broadcast %max3A_700 : f32 to vector<384x64xf32>
    %max3A_702 = arith.maximumf %add3A_699, %max3A_701 : vector<384x64xf32>
    %reduce_sum3A_703 = arith.constant dense<0.000000e+00> : vector<384xf32>
    %reduce_sum3A_704 = vector.multi_reduction <add>, %max3A_702, %reduce_sum3A_703 [1] : vector<384x64xf32> to vector<384xf32>
    %broadcast_in_dim3A_705 = vector.shape_cast %reduce_sum3A_704 : vector<384xf32> to vector<384x1xf32>
    %div3A_706 = arith.constant 6.400000e+01 : f32
    %div3A_707 = vector.broadcast %div3A_706 : f32 to vector<384x1xf32>
    %div3A_708 = arith.divf %broadcast_in_dim3A_705, %div3A_707 : vector<384x1xf32>
    %mul3A_709 = arith.mulf %max3A_702, %max3A_702 : vector<384x64xf32>
    %reduce_sum3A_710 = arith.constant dense<0.000000e+00> : vector<384xf32>
    %reduce_sum3A_711 = vector.multi_reduction <add>, %mul3A_709, %reduce_sum3A_710 [1] : vector<384x64xf32> to vector<384xf32>
    %broadcast_in_dim3A_712 = vector.shape_cast %reduce_sum3A_711 : vector<384xf32> to vector<384x1xf32>
    %div3A_713 = arith.constant 6.400000e+01 : f32
    %div3A_714 = vector.broadcast %div3A_713 : f32 to vector<384x1xf32>
    %div3A_715 = arith.divf %broadcast_in_dim3A_712, %div3A_714 : vector<384x1xf32>
    %mul3A_716 = arith.mulf %div3A_708, %div3A_708 : vector<384x1xf32>
    %sub3A_717 = arith.subf %div3A_715, %mul3A_716 : vector<384x1xf32>
    %sub3A_718 = vector.broadcast %div3A_708 : vector<384x1xf32> to vector<384x64xf32>
    %sub3A_719 = arith.subf %max3A_702, %sub3A_718 : vector<384x64xf32>
    %add3A_720 = arith.constant 9.99999974E-6 : f32
    %add3A_721 = vector.broadcast %add3A_720 : f32 to vector<384x1xf32>
    %add3A_722 = arith.addf %sub3A_717, %add3A_721 : vector<384x1xf32>
    %rsqrt3A_723 = math.rsqrt %add3A_722 : vector<384x1xf32>
    %mul3A_724 = vector.broadcast %rsqrt3A_723 : vector<384x1xf32> to vector<384x64xf32>
    %mul3A_725 = arith.mulf %sub3A_719, %mul3A_724 : vector<384x64xf32>
    %mul3A_726 = vector.broadcast %get3A_54 : vector<1x64xf32> to vector<384x64xf32>
    %mul3A_727 = arith.mulf %mul3A_725, %mul3A_726 : vector<384x64xf32>
    %add3A_728 = vector.broadcast %get3A_57 : vector<1x64xf32> to vector<384x64xf32>
    %add3A_729 = arith.addf %mul3A_727, %add3A_728 : vector<384x64xf32>
    %dot_general3A_730 = arith.constant dense<0.000000e+00> : vector<384x64xf32>
    %dot_general3A_731 = tpu.matmul %slice3A_65, %get3A_48, %dot_general3A_730 {dimension_numbers = #tpu.dot_dimension_numbers<[1], [0], [0], [1], [0, 0, 1, 1], [], []>, transpose_lhs_hint = false} : vector<384x64xf32>, vector<64x64xf32>, vector<384x64xf32> -> vector<384x64xf32>
    %add3A_732 = vector.broadcast %get3A_45 : vector<1x64xf32> to vector<384x64xf32>
    %add3A_733 = arith.addf %add3A_732, %dot_general3A_731 : vector<384x64xf32>
    %add3A_734 = vector.broadcast %get3A_51 : vector<1x64xf32> to vector<384x64xf32>
    %add3A_735 = arith.addf %add3A_733, %add3A_734 : vector<384x64xf32>
    %dot_general3A_736 = arith.constant dense<0.000000e+00> : vector<384x64xf32>
    %dot_general3A_737 = tpu.matmul %max3A_372, %slice3A_506, %dot_general3A_736 {dimension_numbers = #tpu.dot_dimension_numbers<[1], [0], [0], [1], [0, 0, 1, 1], [], []>, transpose_lhs_hint = false} : vector<384x64xf32>, vector<64x64xf32>, vector<384x64xf32> -> vector<384x64xf32>
    %add3A_738 = arith.addf %add3A_735, %dot_general3A_737 : vector<384x64xf32>
    %dot_general3A_739 = arith.constant dense<0.000000e+00> : vector<384x64xf32>
    %dot_general3A_740 = tpu.matmul %max3A_391, %slice3A_507, %dot_general3A_739 {dimension_numbers = #tpu.dot_dimension_numbers<[1], [0], [0], [1], [0, 0, 1, 1], [], []>, transpose_lhs_hint = false} : vector<384x64xf32>, vector<64x64xf32>, vector<384x64xf32> -> vector<384x64xf32>
    %add3A_741 = arith.addf %add3A_738, %dot_general3A_740 : vector<384x64xf32>
    %dot_general3A_742 = arith.constant dense<0.000000e+00> : vector<384x64xf32>
    %dot_general3A_743 = tpu.matmul %max3A_410, %slice3A_508, %dot_general3A_742 {dimension_numbers = #tpu.dot_dimension_numbers<[1], [0], [0], [1], [0, 0, 1, 1], [], []>, transpose_lhs_hint = false} : vector<384x64xf32>, vector<64x64xf32>, vector<384x64xf32> -> vector<384x64xf32>
    %add3A_744 = arith.addf %add3A_741, %dot_general3A_743 : vector<384x64xf32>
    %max3A_745 = arith.constant 0.000000e+00 : f32
    %max3A_746 = vector.broadcast %max3A_745 : f32 to vector<384x64xf32>
    %max3A_747 = arith.maximumf %add3A_744, %max3A_746 : vector<384x64xf32>
    %reduce_sum3A_748 = arith.constant dense<0.000000e+00> : vector<384xf32>
    %reduce_sum3A_749 = vector.multi_reduction <add>, %max3A_747, %reduce_sum3A_748 [1] : vector<384x64xf32> to vector<384xf32>
    %broadcast_in_dim3A_750 = vector.shape_cast %reduce_sum3A_749 : vector<384xf32> to vector<384x1xf32>
    %div3A_751 = arith.constant 6.400000e+01 : f32
    %div3A_752 = vector.broadcast %div3A_751 : f32 to vector<384x1xf32>
    %div3A_753 = arith.divf %broadcast_in_dim3A_750, %div3A_752 : vector<384x1xf32>
    %mul3A_754 = arith.mulf %max3A_747, %max3A_747 : vector<384x64xf32>
    %reduce_sum3A_755 = arith.constant dense<0.000000e+00> : vector<384xf32>
    %reduce_sum3A_756 = vector.multi_reduction <add>, %mul3A_754, %reduce_sum3A_755 [1] : vector<384x64xf32> to vector<384xf32>
    %broadcast_in_dim3A_757 = vector.shape_cast %reduce_sum3A_756 : vector<384xf32> to vector<384x1xf32>
    %div3A_758 = arith.constant 6.400000e+01 : f32
    %div3A_759 = vector.broadcast %div3A_758 : f32 to vector<384x1xf32>
    %div3A_760 = arith.divf %broadcast_in_dim3A_757, %div3A_759 : vector<384x1xf32>
    %mul3A_761 = arith.mulf %div3A_753, %div3A_753 : vector<384x1xf32>
    %sub3A_762 = arith.subf %div3A_760, %mul3A_761 : vector<384x1xf32>
    %sub3A_763 = vector.broadcast %div3A_753 : vector<384x1xf32> to vector<384x64xf32>
    %sub3A_764 = arith.subf %max3A_747, %sub3A_763 : vector<384x64xf32>
    %add3A_765 = arith.constant 9.99999974E-6 : f32
    %add3A_766 = vector.broadcast %add3A_765 : f32 to vector<384x1xf32>
    %add3A_767 = arith.addf %sub3A_762, %add3A_766 : vector<384x1xf32>
    %rsqrt3A_768 = math.rsqrt %add3A_767 : vector<384x1xf32>
    %mul3A_769 = vector.broadcast %rsqrt3A_768 : vector<384x1xf32> to vector<384x64xf32>
    %mul3A_770 = arith.mulf %sub3A_764, %mul3A_769 : vector<384x64xf32>
    %mul3A_771 = vector.broadcast %get3A_54 : vector<1x64xf32> to vector<384x64xf32>
    %mul3A_772 = arith.mulf %mul3A_770, %mul3A_771 : vector<384x64xf32>
    %add3A_773 = vector.broadcast %get3A_57 : vector<1x64xf32> to vector<384x64xf32>
    %add3A_774 = arith.addf %mul3A_772, %add3A_773 : vector<384x64xf32>
    %dot_general3A_775 = arith.constant dense<0.000000e+00> : vector<384x64xf32>
    %dot_general3A_776 = tpu.matmul %slice3A_66, %get3A_48, %dot_general3A_775 {dimension_numbers = #tpu.dot_dimension_numbers<[1], [0], [0], [1], [0, 0, 1, 1], [], []>, transpose_lhs_hint = false} : vector<384x64xf32>, vector<64x64xf32>, vector<384x64xf32> -> vector<384x64xf32>
    %add3A_777 = vector.broadcast %get3A_45 : vector<1x64xf32> to vector<384x64xf32>
    %add3A_778 = arith.addf %add3A_777, %dot_general3A_776 : vector<384x64xf32>
    %add3A_779 = vector.broadcast %get3A_51 : vector<1x64xf32> to vector<384x64xf32>
    %add3A_780 = arith.addf %add3A_778, %add3A_779 : vector<384x64xf32>
    %dot_general3A_781 = arith.constant dense<0.000000e+00> : vector<384x64xf32>
    %dot_general3A_782 = tpu.matmul %max3A_391, %slice3A_506, %dot_general3A_781 {dimension_numbers = #tpu.dot_dimension_numbers<[1], [0], [0], [1], [0, 0, 1, 1], [], []>, transpose_lhs_hint = false} : vector<384x64xf32>, vector<64x64xf32>, vector<384x64xf32> -> vector<384x64xf32>
    %add3A_783 = arith.addf %add3A_780, %dot_general3A_782 : vector<384x64xf32>
    %dot_general3A_784 = arith.constant dense<0.000000e+00> : vector<384x64xf32>
    %dot_general3A_785 = tpu.matmul %max3A_410, %slice3A_507, %dot_general3A_784 {dimension_numbers = #tpu.dot_dimension_numbers<[1], [0], [0], [1], [0, 0, 1, 1], [], []>, transpose_lhs_hint = false} : vector<384x64xf32>, vector<64x64xf32>, vector<384x64xf32> -> vector<384x64xf32>
    %add3A_786 = arith.addf %add3A_783, %dot_general3A_785 : vector<384x64xf32>
    %dot_general3A_787 = arith.constant dense<0.000000e+00> : vector<384x64xf32>
    %dot_general3A_788 = tpu.matmul %max3A_429, %slice3A_508, %dot_general3A_787 {dimension_numbers = #tpu.dot_dimension_numbers<[1], [0], [0], [1], [0, 0, 1, 1], [], []>, transpose_lhs_hint = false} : vector<384x64xf32>, vector<64x64xf32>, vector<384x64xf32> -> vector<384x64xf32>
    %add3A_789 = arith.addf %add3A_786, %dot_general3A_788 : vector<384x64xf32>
    %max3A_790 = arith.constant 0.000000e+00 : f32
    %max3A_791 = vector.broadcast %max3A_790 : f32 to vector<384x64xf32>
    %max3A_792 = arith.maximumf %add3A_789, %max3A_791 : vector<384x64xf32>
    %reduce_sum3A_793 = arith.constant dense<0.000000e+00> : vector<384xf32>
    %reduce_sum3A_794 = vector.multi_reduction <add>, %max3A_792, %reduce_sum3A_793 [1] : vector<384x64xf32> to vector<384xf32>
    %broadcast_in_dim3A_795 = vector.shape_cast %reduce_sum3A_794 : vector<384xf32> to vector<384x1xf32>
    %div3A_796 = arith.constant 6.400000e+01 : f32
    %div3A_797 = vector.broadcast %div3A_796 : f32 to vector<384x1xf32>
    %div3A_798 = arith.divf %broadcast_in_dim3A_795, %div3A_797 : vector<384x1xf32>
    %mul3A_799 = arith.mulf %max3A_792, %max3A_792 : vector<384x64xf32>
    %reduce_sum3A_800 = arith.constant dense<0.000000e+00> : vector<384xf32>
    %reduce_sum3A_801 = vector.multi_reduction <add>, %mul3A_799, %reduce_sum3A_800 [1] : vector<384x64xf32> to vector<384xf32>
    %broadcast_in_dim3A_802 = vector.shape_cast %reduce_sum3A_801 : vector<384xf32> to vector<384x1xf32>
    %div3A_803 = arith.constant 6.400000e+01 : f32
    %div3A_804 = vector.broadcast %div3A_803 : f32 to vector<384x1xf32>
    %div3A_805 = arith.divf %broadcast_in_dim3A_802, %div3A_804 : vector<384x1xf32>
    %mul3A_806 = arith.mulf %div3A_798, %div3A_798 : vector<384x1xf32>
    %sub3A_807 = arith.subf %div3A_805, %mul3A_806 : vector<384x1xf32>
    %sub3A_808 = vector.broadcast %div3A_798 : vector<384x1xf32> to vector<384x64xf32>
    %sub3A_809 = arith.subf %max3A_792, %sub3A_808 : vector<384x64xf32>
    %add3A_810 = arith.constant 9.99999974E-6 : f32
    %add3A_811 = vector.broadcast %add3A_810 : f32 to vector<384x1xf32>
    %add3A_812 = arith.addf %sub3A_807, %add3A_811 : vector<384x1xf32>
    %rsqrt3A_813 = math.rsqrt %add3A_812 : vector<384x1xf32>
    %mul3A_814 = vector.broadcast %rsqrt3A_813 : vector<384x1xf32> to vector<384x64xf32>
    %mul3A_815 = arith.mulf %sub3A_809, %mul3A_814 : vector<384x64xf32>
    %mul3A_816 = vector.broadcast %get3A_54 : vector<1x64xf32> to vector<384x64xf32>
    %mul3A_817 = arith.mulf %mul3A_815, %mul3A_816 : vector<384x64xf32>
    %add3A_818 = vector.broadcast %get3A_57 : vector<1x64xf32> to vector<384x64xf32>
    %add3A_819 = arith.addf %mul3A_817, %add3A_818 : vector<384x64xf32>
    %dot_general3A_820 = arith.constant dense<0.000000e+00> : vector<384x64xf32>
    %dot_general3A_821 = tpu.matmul %slice3A_67, %get3A_48, %dot_general3A_820 {dimension_numbers = #tpu.dot_dimension_numbers<[1], [0], [0], [1], [0, 0, 1, 1], [], []>, transpose_lhs_hint = false} : vector<384x64xf32>, vector<64x64xf32>, vector<384x64xf32> -> vector<384x64xf32>
    %add3A_822 = vector.broadcast %get3A_45 : vector<1x64xf32> to vector<384x64xf32>
    %add3A_823 = arith.addf %add3A_822, %dot_general3A_821 : vector<384x64xf32>
    %add3A_824 = vector.broadcast %get3A_51 : vector<1x64xf32> to vector<384x64xf32>
    %add3A_825 = arith.addf %add3A_823, %add3A_824 : vector<384x64xf32>
    %dot_general3A_826 = arith.constant dense<0.000000e+00> : vector<384x64xf32>
    %dot_general3A_827 = tpu.matmul %max3A_410, %slice3A_506, %dot_general3A_826 {dimension_numbers = #tpu.dot_dimension_numbers<[1], [0], [0], [1], [0, 0, 1, 1], [], []>, transpose_lhs_hint = false} : vector<384x64xf32>, vector<64x64xf32>, vector<384x64xf32> -> vector<384x64xf32>
    %add3A_828 = arith.addf %add3A_825, %dot_general3A_827 : vector<384x64xf32>
    %dot_general3A_829 = arith.constant dense<0.000000e+00> : vector<384x64xf32>
    %dot_general3A_830 = tpu.matmul %max3A_429, %slice3A_507, %dot_general3A_829 {dimension_numbers = #tpu.dot_dimension_numbers<[1], [0], [0], [1], [0, 0, 1, 1], [], []>, transpose_lhs_hint = false} : vector<384x64xf32>, vector<64x64xf32>, vector<384x64xf32> -> vector<384x64xf32>
    %add3A_831 = arith.addf %add3A_828, %dot_general3A_830 : vector<384x64xf32>
    %dot_general3A_832 = arith.constant dense<0.000000e+00> : vector<384x64xf32>
    %dot_general3A_833 = tpu.matmul %max3A_448, %slice3A_508, %dot_general3A_832 {dimension_numbers = #tpu.dot_dimension_numbers<[1], [0], [0], [1], [0, 0, 1, 1], [], []>, transpose_lhs_hint = false} : vector<384x64xf32>, vector<64x64xf32>, vector<384x64xf32> -> vector<384x64xf32>
    %add3A_834 = arith.addf %add3A_831, %dot_general3A_833 : vector<384x64xf32>
    %max3A_835 = arith.constant 0.000000e+00 : f32
    %max3A_836 = vector.broadcast %max3A_835 : f32 to vector<384x64xf32>
    %max3A_837 = arith.maximumf %add3A_834, %max3A_836 : vector<384x64xf32>
    %reduce_sum3A_838 = arith.constant dense<0.000000e+00> : vector<384xf32>
    %reduce_sum3A_839 = vector.multi_reduction <add>, %max3A_837, %reduce_sum3A_838 [1] : vector<384x64xf32> to vector<384xf32>
    %broadcast_in_dim3A_840 = vector.shape_cast %reduce_sum3A_839 : vector<384xf32> to vector<384x1xf32>
    %div3A_841 = arith.constant 6.400000e+01 : f32
    %div3A_842 = vector.broadcast %div3A_841 : f32 to vector<384x1xf32>
    %div3A_843 = arith.divf %broadcast_in_dim3A_840, %div3A_842 : vector<384x1xf32>
    %mul3A_844 = arith.mulf %max3A_837, %max3A_837 : vector<384x64xf32>
    %reduce_sum3A_845 = arith.constant dense<0.000000e+00> : vector<384xf32>
    %reduce_sum3A_846 = vector.multi_reduction <add>, %mul3A_844, %reduce_sum3A_845 [1] : vector<384x64xf32> to vector<384xf32>
    %broadcast_in_dim3A_847 = vector.shape_cast %reduce_sum3A_846 : vector<384xf32> to vector<384x1xf32>
    %div3A_848 = arith.constant 6.400000e+01 : f32
    %div3A_849 = vector.broadcast %div3A_848 : f32 to vector<384x1xf32>
    %div3A_850 = arith.divf %broadcast_in_dim3A_847, %div3A_849 : vector<384x1xf32>
    %mul3A_851 = arith.mulf %div3A_843, %div3A_843 : vector<384x1xf32>
    %sub3A_852 = arith.subf %div3A_850, %mul3A_851 : vector<384x1xf32>
    %sub3A_853 = vector.broadcast %div3A_843 : vector<384x1xf32> to vector<384x64xf32>
    %sub3A_854 = arith.subf %max3A_837, %sub3A_853 : vector<384x64xf32>
    %add3A_855 = arith.constant 9.99999974E-6 : f32
    %add3A_856 = vector.broadcast %add3A_855 : f32 to vector<384x1xf32>
    %add3A_857 = arith.addf %sub3A_852, %add3A_856 : vector<384x1xf32>
    %rsqrt3A_858 = math.rsqrt %add3A_857 : vector<384x1xf32>
    %mul3A_859 = vector.broadcast %rsqrt3A_858 : vector<384x1xf32> to vector<384x64xf32>
    %mul3A_860 = arith.mulf %sub3A_854, %mul3A_859 : vector<384x64xf32>
    %mul3A_861 = vector.broadcast %get3A_54 : vector<1x64xf32> to vector<384x64xf32>
    %mul3A_862 = arith.mulf %mul3A_860, %mul3A_861 : vector<384x64xf32>
    %add3A_863 = vector.broadcast %get3A_57 : vector<1x64xf32> to vector<384x64xf32>
    %add3A_864 = arith.addf %mul3A_862, %add3A_863 : vector<384x64xf32>
    %dot_general3A_865 = arith.constant dense<0.000000e+00> : vector<384x64xf32>
    %dot_general3A_866 = tpu.matmul %slice3A_68, %get3A_48, %dot_general3A_865 {dimension_numbers = #tpu.dot_dimension_numbers<[1], [0], [0], [1], [0, 0, 1, 1], [], []>, transpose_lhs_hint = false} : vector<384x64xf32>, vector<64x64xf32>, vector<384x64xf32> -> vector<384x64xf32>
    %add3A_867 = vector.broadcast %get3A_45 : vector<1x64xf32> to vector<384x64xf32>
    %add3A_868 = arith.addf %add3A_867, %dot_general3A_866 : vector<384x64xf32>
    %add3A_869 = vector.broadcast %get3A_51 : vector<1x64xf32> to vector<384x64xf32>
    %add3A_870 = arith.addf %add3A_868, %add3A_869 : vector<384x64xf32>
    %dot_general3A_871 = arith.constant dense<0.000000e+00> : vector<384x64xf32>
    %dot_general3A_872 = tpu.matmul %max3A_429, %slice3A_506, %dot_general3A_871 {dimension_numbers = #tpu.dot_dimension_numbers<[1], [0], [0], [1], [0, 0, 1, 1], [], []>, transpose_lhs_hint = false} : vector<384x64xf32>, vector<64x64xf32>, vector<384x64xf32> -> vector<384x64xf32>
    %add3A_873 = arith.addf %add3A_870, %dot_general3A_872 : vector<384x64xf32>
    %dot_general3A_874 = arith.constant dense<0.000000e+00> : vector<384x64xf32>
    %dot_general3A_875 = tpu.matmul %max3A_448, %slice3A_507, %dot_general3A_874 {dimension_numbers = #tpu.dot_dimension_numbers<[1], [0], [0], [1], [0, 0, 1, 1], [], []>, transpose_lhs_hint = false} : vector<384x64xf32>, vector<64x64xf32>, vector<384x64xf32> -> vector<384x64xf32>
    %add3A_876 = arith.addf %add3A_873, %dot_general3A_875 : vector<384x64xf32>
    %dot_general3A_877 = arith.constant dense<0.000000e+00> : vector<384x64xf32>
    %dot_general3A_878 = tpu.matmul %max3A_467, %slice3A_508, %dot_general3A_877 {dimension_numbers = #tpu.dot_dimension_numbers<[1], [0], [0], [1], [0, 0, 1, 1], [], []>, transpose_lhs_hint = false} : vector<384x64xf32>, vector<64x64xf32>, vector<384x64xf32> -> vector<384x64xf32>
    %add3A_879 = arith.addf %add3A_876, %dot_general3A_878 : vector<384x64xf32>
    %max3A_880 = arith.constant 0.000000e+00 : f32
    %max3A_881 = vector.broadcast %max3A_880 : f32 to vector<384x64xf32>
    %max3A_882 = arith.maximumf %add3A_879, %max3A_881 : vector<384x64xf32>
    %reduce_sum3A_883 = arith.constant dense<0.000000e+00> : vector<384xf32>
    %reduce_sum3A_884 = vector.multi_reduction <add>, %max3A_882, %reduce_sum3A_883 [1] : vector<384x64xf32> to vector<384xf32>
    %broadcast_in_dim3A_885 = vector.shape_cast %reduce_sum3A_884 : vector<384xf32> to vector<384x1xf32>
    %div3A_886 = arith.constant 6.400000e+01 : f32
    %div3A_887 = vector.broadcast %div3A_886 : f32 to vector<384x1xf32>
    %div3A_888 = arith.divf %broadcast_in_dim3A_885, %div3A_887 : vector<384x1xf32>
    %mul3A_889 = arith.mulf %max3A_882, %max3A_882 : vector<384x64xf32>
    %reduce_sum3A_890 = arith.constant dense<0.000000e+00> : vector<384xf32>
    %reduce_sum3A_891 = vector.multi_reduction <add>, %mul3A_889, %reduce_sum3A_890 [1] : vector<384x64xf32> to vector<384xf32>
    %broadcast_in_dim3A_892 = vector.shape_cast %reduce_sum3A_891 : vector<384xf32> to vector<384x1xf32>
    %div3A_893 = arith.constant 6.400000e+01 : f32
    %div3A_894 = vector.broadcast %div3A_893 : f32 to vector<384x1xf32>
    %div3A_895 = arith.divf %broadcast_in_dim3A_892, %div3A_894 : vector<384x1xf32>
    %mul3A_896 = arith.mulf %div3A_888, %div3A_888 : vector<384x1xf32>
    %sub3A_897 = arith.subf %div3A_895, %mul3A_896 : vector<384x1xf32>
    %sub3A_898 = vector.broadcast %div3A_888 : vector<384x1xf32> to vector<384x64xf32>
    %sub3A_899 = arith.subf %max3A_882, %sub3A_898 : vector<384x64xf32>
    %add3A_900 = arith.constant 9.99999974E-6 : f32
    %add3A_901 = vector.broadcast %add3A_900 : f32 to vector<384x1xf32>
    %add3A_902 = arith.addf %sub3A_897, %add3A_901 : vector<384x1xf32>
    %rsqrt3A_903 = math.rsqrt %add3A_902 : vector<384x1xf32>
    %mul3A_904 = vector.broadcast %rsqrt3A_903 : vector<384x1xf32> to vector<384x64xf32>
    %mul3A_905 = arith.mulf %sub3A_899, %mul3A_904 : vector<384x64xf32>
    %mul3A_906 = vector.broadcast %get3A_54 : vector<1x64xf32> to vector<384x64xf32>
    %mul3A_907 = arith.mulf %mul3A_905, %mul3A_906 : vector<384x64xf32>
    %add3A_908 = vector.broadcast %get3A_57 : vector<1x64xf32> to vector<384x64xf32>
    %add3A_909 = arith.addf %mul3A_907, %add3A_908 : vector<384x64xf32>
    %dot_general3A_910 = arith.constant dense<0.000000e+00> : vector<384x64xf32>
    %dot_general3A_911 = tpu.matmul %slice3A_69, %get3A_48, %dot_general3A_910 {dimension_numbers = #tpu.dot_dimension_numbers<[1], [0], [0], [1], [0, 0, 1, 1], [], []>, transpose_lhs_hint = false} : vector<384x64xf32>, vector<64x64xf32>, vector<384x64xf32> -> vector<384x64xf32>
    %add3A_912 = vector.broadcast %get3A_45 : vector<1x64xf32> to vector<384x64xf32>
    %add3A_913 = arith.addf %add3A_912, %dot_general3A_911 : vector<384x64xf32>
    %add3A_914 = vector.broadcast %get3A_51 : vector<1x64xf32> to vector<384x64xf32>
    %add3A_915 = arith.addf %add3A_913, %add3A_914 : vector<384x64xf32>
    %dot_general3A_916 = arith.constant dense<0.000000e+00> : vector<384x64xf32>
    %dot_general3A_917 = tpu.matmul %max3A_448, %slice3A_506, %dot_general3A_916 {dimension_numbers = #tpu.dot_dimension_numbers<[1], [0], [0], [1], [0, 0, 1, 1], [], []>, transpose_lhs_hint = false} : vector<384x64xf32>, vector<64x64xf32>, vector<384x64xf32> -> vector<384x64xf32>
    %add3A_918 = arith.addf %add3A_915, %dot_general3A_917 : vector<384x64xf32>
    %dot_general3A_919 = arith.constant dense<0.000000e+00> : vector<384x64xf32>
    %dot_general3A_920 = tpu.matmul %max3A_467, %slice3A_507, %dot_general3A_919 {dimension_numbers = #tpu.dot_dimension_numbers<[1], [0], [0], [1], [0, 0, 1, 1], [], []>, transpose_lhs_hint = false} : vector<384x64xf32>, vector<64x64xf32>, vector<384x64xf32> -> vector<384x64xf32>
    %add3A_921 = arith.addf %add3A_918, %dot_general3A_920 : vector<384x64xf32>
    %dot_general3A_922 = arith.constant dense<0.000000e+00> : vector<384x64xf32>
    %dot_general3A_923 = tpu.matmul %max3A_486, %slice3A_508, %dot_general3A_922 {dimension_numbers = #tpu.dot_dimension_numbers<[1], [0], [0], [1], [0, 0, 1, 1], [], []>, transpose_lhs_hint = false} : vector<384x64xf32>, vector<64x64xf32>, vector<384x64xf32> -> vector<384x64xf32>
    %add3A_924 = arith.addf %add3A_921, %dot_general3A_923 : vector<384x64xf32>
    %max3A_925 = arith.constant 0.000000e+00 : f32
    %max3A_926 = vector.broadcast %max3A_925 : f32 to vector<384x64xf32>
    %max3A_927 = arith.maximumf %add3A_924, %max3A_926 : vector<384x64xf32>
    %reduce_sum3A_928 = arith.constant dense<0.000000e+00> : vector<384xf32>
    %reduce_sum3A_929 = vector.multi_reduction <add>, %max3A_927, %reduce_sum3A_928 [1] : vector<384x64xf32> to vector<384xf32>
    %broadcast_in_dim3A_930 = vector.shape_cast %reduce_sum3A_929 : vector<384xf32> to vector<384x1xf32>
    %div3A_931 = arith.constant 6.400000e+01 : f32
    %div3A_932 = vector.broadcast %div3A_931 : f32 to vector<384x1xf32>
    %div3A_933 = arith.divf %broadcast_in_dim3A_930, %div3A_932 : vector<384x1xf32>
    %mul3A_934 = arith.mulf %max3A_927, %max3A_927 : vector<384x64xf32>
    %reduce_sum3A_935 = arith.constant dense<0.000000e+00> : vector<384xf32>
    %reduce_sum3A_936 = vector.multi_reduction <add>, %mul3A_934, %reduce_sum3A_935 [1] : vector<384x64xf32> to vector<384xf32>
    %broadcast_in_dim3A_937 = vector.shape_cast %reduce_sum3A_936 : vector<384xf32> to vector<384x1xf32>
    %div3A_938 = arith.constant 6.400000e+01 : f32
    %div3A_939 = vector.broadcast %div3A_938 : f32 to vector<384x1xf32>
    %div3A_940 = arith.divf %broadcast_in_dim3A_937, %div3A_939 : vector<384x1xf32>
    %mul3A_941 = arith.mulf %div3A_933, %div3A_933 : vector<384x1xf32>
    %sub3A_942 = arith.subf %div3A_940, %mul3A_941 : vector<384x1xf32>
    %sub3A_943 = vector.broadcast %div3A_933 : vector<384x1xf32> to vector<384x64xf32>
    %sub3A_944 = arith.subf %max3A_927, %sub3A_943 : vector<384x64xf32>
    %add3A_945 = arith.constant 9.99999974E-6 : f32
    %add3A_946 = vector.broadcast %add3A_945 : f32 to vector<384x1xf32>
    %add3A_947 = arith.addf %sub3A_942, %add3A_946 : vector<384x1xf32>
    %rsqrt3A_948 = math.rsqrt %add3A_947 : vector<384x1xf32>
    %mul3A_949 = vector.broadcast %rsqrt3A_948 : vector<384x1xf32> to vector<384x64xf32>
    %mul3A_950 = arith.mulf %sub3A_944, %mul3A_949 : vector<384x64xf32>
    %mul3A_951 = vector.broadcast %get3A_54 : vector<1x64xf32> to vector<384x64xf32>
    %mul3A_952 = arith.mulf %mul3A_950, %mul3A_951 : vector<384x64xf32>
    %add3A_953 = vector.broadcast %get3A_57 : vector<1x64xf32> to vector<384x64xf32>
    %add3A_954 = arith.addf %mul3A_952, %add3A_953 : vector<384x64xf32>
    %dot_general3A_955 = arith.constant dense<0.000000e+00> : vector<384x64xf32>
    %dot_general3A_956 = tpu.matmul %slice3A_70, %get3A_48, %dot_general3A_955 {dimension_numbers = #tpu.dot_dimension_numbers<[1], [0], [0], [1], [0, 0, 1, 1], [], []>, transpose_lhs_hint = false} : vector<384x64xf32>, vector<64x64xf32>, vector<384x64xf32> -> vector<384x64xf32>
    %add3A_957 = vector.broadcast %get3A_45 : vector<1x64xf32> to vector<384x64xf32>
    %add3A_958 = arith.addf %add3A_957, %dot_general3A_956 : vector<384x64xf32>
    %add3A_959 = vector.broadcast %get3A_51 : vector<1x64xf32> to vector<384x64xf32>
    %add3A_960 = arith.addf %add3A_958, %add3A_959 : vector<384x64xf32>
    %dot_general3A_961 = arith.constant dense<0.000000e+00> : vector<384x64xf32>
    %dot_general3A_962 = tpu.matmul %max3A_467, %slice3A_506, %dot_general3A_961 {dimension_numbers = #tpu.dot_dimension_numbers<[1], [0], [0], [1], [0, 0, 1, 1], [], []>, transpose_lhs_hint = false} : vector<384x64xf32>, vector<64x64xf32>, vector<384x64xf32> -> vector<384x64xf32>
    %add3A_963 = arith.addf %add3A_960, %dot_general3A_962 : vector<384x64xf32>
    %dot_general3A_964 = arith.constant dense<0.000000e+00> : vector<384x64xf32>
    %dot_general3A_965 = tpu.matmul %max3A_486, %slice3A_507, %dot_general3A_964 {dimension_numbers = #tpu.dot_dimension_numbers<[1], [0], [0], [1], [0, 0, 1, 1], [], []>, transpose_lhs_hint = false} : vector<384x64xf32>, vector<64x64xf32>, vector<384x64xf32> -> vector<384x64xf32>
    %add3A_966 = arith.addf %add3A_963, %dot_general3A_965 : vector<384x64xf32>
    %dot_general3A_967 = arith.constant dense<0.000000e+00> : vector<384x64xf32>
    %dot_general3A_968 = tpu.matmul %max3A_505, %slice3A_508, %dot_general3A_967 {dimension_numbers = #tpu.dot_dimension_numbers<[1], [0], [0], [1], [0, 0, 1, 1], [], []>, transpose_lhs_hint = false} : vector<384x64xf32>, vector<64x64xf32>, vector<384x64xf32> -> vector<384x64xf32>
    %add3A_969 = arith.addf %add3A_966, %dot_general3A_968 : vector<384x64xf32>
    %max3A_970 = arith.constant 0.000000e+00 : f32
    %max3A_971 = vector.broadcast %max3A_970 : f32 to vector<384x64xf32>
    %max3A_972 = arith.maximumf %add3A_969, %max3A_971 : vector<384x64xf32>
    %reduce_sum3A_973 = arith.constant dense<0.000000e+00> : vector<384xf32>
    %reduce_sum3A_974 = vector.multi_reduction <add>, %max3A_972, %reduce_sum3A_973 [1] : vector<384x64xf32> to vector<384xf32>
    %broadcast_in_dim3A_975 = vector.shape_cast %reduce_sum3A_974 : vector<384xf32> to vector<384x1xf32>
    %div3A_976 = arith.constant 6.400000e+01 : f32
    %div3A_977 = vector.broadcast %div3A_976 : f32 to vector<384x1xf32>
    %div3A_978 = arith.divf %broadcast_in_dim3A_975, %div3A_977 : vector<384x1xf32>
    %mul3A_979 = arith.mulf %max3A_972, %max3A_972 : vector<384x64xf32>
    %reduce_sum3A_980 = arith.constant dense<0.000000e+00> : vector<384xf32>
    %reduce_sum3A_981 = vector.multi_reduction <add>, %mul3A_979, %reduce_sum3A_980 [1] : vector<384x64xf32> to vector<384xf32>
    %broadcast_in_dim3A_982 = vector.shape_cast %reduce_sum3A_981 : vector<384xf32> to vector<384x1xf32>
    %div3A_983 = arith.constant 6.400000e+01 : f32
    %div3A_984 = vector.broadcast %div3A_983 : f32 to vector<384x1xf32>
    %div3A_985 = arith.divf %broadcast_in_dim3A_982, %div3A_984 : vector<384x1xf32>
    %mul3A_986 = arith.mulf %div3A_978, %div3A_978 : vector<384x1xf32>
    %sub3A_987 = arith.subf %div3A_985, %mul3A_986 : vector<384x1xf32>
    %sub3A_988 = vector.broadcast %div3A_978 : vector<384x1xf32> to vector<384x64xf32>
    %sub3A_989 = arith.subf %max3A_972, %sub3A_988 : vector<384x64xf32>
    %add3A_990 = arith.constant 9.99999974E-6 : f32
    %add3A_991 = vector.broadcast %add3A_990 : f32 to vector<384x1xf32>
    %add3A_992 = arith.addf %sub3A_987, %add3A_991 : vector<384x1xf32>
    %rsqrt3A_993 = math.rsqrt %add3A_992 : vector<384x1xf32>
    %mul3A_994 = vector.broadcast %rsqrt3A_993 : vector<384x1xf32> to vector<384x64xf32>
    %mul3A_995 = arith.mulf %sub3A_989, %mul3A_994 : vector<384x64xf32>
    %mul3A_996 = vector.broadcast %get3A_54 : vector<1x64xf32> to vector<384x64xf32>
    %mul3A_997 = arith.mulf %mul3A_995, %mul3A_996 : vector<384x64xf32>
    %add3A_998 = vector.broadcast %get3A_57 : vector<1x64xf32> to vector<384x64xf32>
    %add3A_999 = arith.addf %mul3A_997, %add3A_998 : vector<384x64xf32>
    %dot_general3A_1000 = arith.constant dense<0.000000e+00> : vector<384x64xf32>
    %dot_general3A_1001 = tpu.matmul %slice3A_71, %get3A_48, %dot_general3A_1000 {dimension_numbers = #tpu.dot_dimension_numbers<[1], [0], [0], [1], [0, 0, 1, 1], [], []>, transpose_lhs_hint = false} : vector<384x64xf32>, vector<64x64xf32>, vector<384x64xf32> -> vector<384x64xf32>
    %add3A_1002 = vector.broadcast %get3A_45 : vector<1x64xf32> to vector<384x64xf32>
    %add3A_1003 = arith.addf %add3A_1002, %dot_general3A_1001 : vector<384x64xf32>
    %add3A_1004 = vector.broadcast %get3A_51 : vector<1x64xf32> to vector<384x64xf32>
    %add3A_1005 = arith.addf %add3A_1003, %add3A_1004 : vector<384x64xf32>
    %dot_general3A_1006 = arith.constant dense<0.000000e+00> : vector<384x64xf32>
    %dot_general3A_1007 = tpu.matmul %max3A_486, %slice3A_506, %dot_general3A_1006 {dimension_numbers = #tpu.dot_dimension_numbers<[1], [0], [0], [1], [0, 0, 1, 1], [], []>, transpose_lhs_hint = false} : vector<384x64xf32>, vector<64x64xf32>, vector<384x64xf32> -> vector<384x64xf32>
    %add3A_1008 = arith.addf %add3A_1005, %dot_general3A_1007 : vector<384x64xf32>
    %dot_general3A_1009 = arith.constant dense<0.000000e+00> : vector<384x64xf32>
    %dot_general3A_1010 = tpu.matmul %max3A_505, %slice3A_507, %dot_general3A_1009 {dimension_numbers = #tpu.dot_dimension_numbers<[1], [0], [0], [1], [0, 0, 1, 1], [], []>, transpose_lhs_hint = false} : vector<384x64xf32>, vector<64x64xf32>, vector<384x64xf32> -> vector<384x64xf32>
    %add3A_1011 = arith.addf %add3A_1008, %dot_general3A_1010 : vector<384x64xf32>
    %max3A_1012 = arith.constant 0.000000e+00 : f32
    %max3A_1013 = vector.broadcast %max3A_1012 : f32 to vector<384x64xf32>
    %max3A_1014 = arith.maximumf %add3A_1011, %max3A_1013 : vector<384x64xf32>
    %reduce_sum3A_1015 = arith.constant dense<0.000000e+00> : vector<384xf32>
    %reduce_sum3A_1016 = vector.multi_reduction <add>, %max3A_1014, %reduce_sum3A_1015 [1] : vector<384x64xf32> to vector<384xf32>
    %broadcast_in_dim3A_1017 = vector.shape_cast %reduce_sum3A_1016 : vector<384xf32> to vector<384x1xf32>
    %div3A_1018 = arith.constant 6.400000e+01 : f32
    %div3A_1019 = vector.broadcast %div3A_1018 : f32 to vector<384x1xf32>
    %div3A_1020 = arith.divf %broadcast_in_dim3A_1017, %div3A_1019 : vector<384x1xf32>
    %mul3A_1021 = arith.mulf %max3A_1014, %max3A_1014 : vector<384x64xf32>
    %reduce_sum3A_1022 = arith.constant dense<0.000000e+00> : vector<384xf32>
    %reduce_sum3A_1023 = vector.multi_reduction <add>, %mul3A_1021, %reduce_sum3A_1022 [1] : vector<384x64xf32> to vector<384xf32>
    %broadcast_in_dim3A_1024 = vector.shape_cast %reduce_sum3A_1023 : vector<384xf32> to vector<384x1xf32>
    %div3A_1025 = arith.constant 6.400000e+01 : f32
    %div3A_1026 = vector.broadcast %div3A_1025 : f32 to vector<384x1xf32>
    %div3A_1027 = arith.divf %broadcast_in_dim3A_1024, %div3A_1026 : vector<384x1xf32>
    %mul3A_1028 = arith.mulf %div3A_1020, %div3A_1020 : vector<384x1xf32>
    %sub3A_1029 = arith.subf %div3A_1027, %mul3A_1028 : vector<384x1xf32>
    %sub3A_1030 = vector.broadcast %div3A_1020 : vector<384x1xf32> to vector<384x64xf32>
    %sub3A_1031 = arith.subf %max3A_1014, %sub3A_1030 : vector<384x64xf32>
    %add3A_1032 = arith.constant 9.99999974E-6 : f32
    %add3A_1033 = vector.broadcast %add3A_1032 : f32 to vector<384x1xf32>
    %add3A_1034 = arith.addf %sub3A_1029, %add3A_1033 : vector<384x1xf32>
    %rsqrt3A_1035 = math.rsqrt %add3A_1034 : vector<384x1xf32>
    %mul3A_1036 = vector.broadcast %rsqrt3A_1035 : vector<384x1xf32> to vector<384x64xf32>
    %mul3A_1037 = arith.mulf %sub3A_1031, %mul3A_1036 : vector<384x64xf32>
    %mul3A_1038 = vector.broadcast %get3A_54 : vector<1x64xf32> to vector<384x64xf32>
    %mul3A_1039 = arith.mulf %mul3A_1037, %mul3A_1038 : vector<384x64xf32>
    %add3A_1040 = vector.broadcast %get3A_57 : vector<1x64xf32> to vector<384x64xf32>
    %add3A_1041 = arith.addf %mul3A_1039, %add3A_1040 : vector<384x64xf32>
    %concatenate3A_1042 = tpu.concatenate %add3A_549, %add3A_594, %add3A_639, %add3A_684, %add3A_729, %add3A_774, %add3A_819, %add3A_864, %add3A_909, %add3A_954, %add3A_999, %add3A_1041 in 0 : vector<384x64xf32>, vector<384x64xf32>, vector<384x64xf32>, vector<384x64xf32>, vector<384x64xf32>, vector<384x64xf32>, vector<384x64xf32>, vector<384x64xf32>, vector<384x64xf32>, vector<384x64xf32>, vector<384x64xf32>, vector<384x64xf32> -> vector<4608x64xf32>
    %swap3A = arith.constant 0 : index
    %swap3A_1043 = arith.constant 0 : index
    %swap3A_1044 = arith.constant 0 : index
    %swap3A_1045 = vector.load %arg21[%swap3A, %swap3A_1043, %swap3A_1044] : memref<1x4608x64xf32, #tpu.memory_space<vmem>>, vector<1x4608x64xf32>
    %swap3A_1046 = vector.shape_cast %swap3A_1045 : vector<1x4608x64xf32> to vector<4608x64xf32>
    %swap3A_1047 = vector.shape_cast %concatenate3A_1042 : vector<4608x64xf32> to vector<1x4608x64xf32>
    tpu.vector_store %arg21[%swap3A, %swap3A_1043, %swap3A_1044], %swap3A_1047 {strides = array<i32>} : memref<1x4608x64xf32, #tpu.memory_space<vmem>>, vector<1x4608x64xf32>,
    return
  }
  func.func @transform_0(%arg0: i32) -> (i32, i32, i32) {
    %c0_i32 = arith.constant 0 : i32
    %c0_i32_0 = arith.constant 0 : i32
    %c0_i32_1 = arith.constant 0 : i32
    return %arg0, %c0_i32, %c0_i32_0 : i32, i32, i32
  }
  func.func @transform_1(%arg0: i32) -> (i32, i32) {
    %c0_i32 = arith.constant 0 : i32
    %c0_i32_0 = arith.constant 0 : i32
    %c0_i32_1 = arith.constant 0 : i32
    return %c0_i32, %c0_i32_0 : i32, i32
  }
  func.func @transform_2(%arg0: i32) -> (i32, i32) {
    %c0_i32 = arith.constant 0 : i32
    %c0_i32_0 = arith.constant 0 : i32
    %c0_i32_1 = arith.constant 0 : i32
    return %c0_i32, %c0_i32_0 : i32, i32
  }
  func.func @transform_3(%arg0: i32) -> (i32, i32) {
    %c0_i32 = arith.constant 0 : i32
    %c0_i32_0 = arith.constant 0 : i32
    %c0_i32_1 = arith.constant 0 : i32
    return %c0_i32, %c0_i32_0 : i32, i32
  }
  func.func @transform_4(%arg0: i32) -> (i32, i32) {
    %c0_i32 = arith.constant 0 : i32
    %c0_i32_0 = arith.constant 0 : i32
    %c0_i32_1 = arith.constant 0 : i32
    return %c0_i32, %c0_i32_0 : i32, i32
  }
  func.func @transform_5(%arg0: i32) -> (i32, i32) {
    %c0_i32 = arith.constant 0 : i32
    %c0_i32_0 = arith.constant 0 : i32
    %c0_i32_1 = arith.constant 0 : i32
    return %c0_i32, %c0_i32_0 : i32, i32
  }
  func.func @transform_6(%arg0: i32) -> (i32, i32) {
    %c0_i32 = arith.constant 0 : i32
    %c0_i32_0 = arith.constant 0 : i32
    %c0_i32_1 = arith.constant 0 : i32
    return %c0_i32, %c0_i32_0 : i32, i32
  }
  func.func @transform_7(%arg0: i32) -> (i32, i32) {
    %c0_i32 = arith.constant 0 : i32
    %c0_i32_0 = arith.constant 0 : i32
    %c0_i32_1 = arith.constant 0 : i32
    return %c0_i32, %c0_i32_0 : i32, i32
  }
  func.func @transform_8(%arg0: i32) -> (i32, i32) {
    %c0_i32 = arith.constant 0 : i32
    %c0_i32_0 = arith.constant 0 : i32
    %c0_i32_1 = arith.constant 0 : i32
    return %c0_i32, %c0_i32_0 : i32, i32
  }
  func.func @transform_9(%arg0: i32) -> (i32, i32) {
    %c0_i32 = arith.constant 0 : i32
    %c0_i32_0 = arith.constant 0 : i32
    %c0_i32_1 = arith.constant 0 : i32
    return %c0_i32, %c0_i32_0 : i32, i32
  }
  func.func @transform_10(%arg0: i32) -> (i32, i32) {
    %c0_i32 = arith.constant 0 : i32
    %c0_i32_0 = arith.constant 0 : i32
    %c0_i32_1 = arith.constant 0 : i32
    return %c0_i32, %c0_i32_0 : i32, i32
  }
  func.func @transform_11(%arg0: i32) -> (i32, i32) {
    %c0_i32 = arith.constant 0 : i32
    %c0_i32_0 = arith.constant 0 : i32
    %c0_i32_1 = arith.constant 0 : i32
    return %c0_i32, %c0_i32_0 : i32, i32
  }
  func.func @transform_12(%arg0: i32) -> (i32, i32) {
    %c0_i32 = arith.constant 0 : i32
    %c0_i32_0 = arith.constant 0 : i32
    %c0_i32_1 = arith.constant 0 : i32
    return %c0_i32, %c0_i32_0 : i32, i32
  }
  func.func @transform_13(%arg0: i32) -> (i32, i32) {
    %c0_i32 = arith.constant 0 : i32
    %c0_i32_0 = arith.constant 0 : i32
    %c0_i32_1 = arith.constant 0 : i32
    return %c0_i32, %c0_i32_0 : i32, i32
  }
  func.func @transform_14(%arg0: i32) -> (i32, i32) {
    %c0_i32 = arith.constant 0 : i32
    %c0_i32_0 = arith.constant 0 : i32
    %c0_i32_1 = arith.constant 0 : i32
    return %c0_i32, %c0_i32_0 : i32, i32
  }
  func.func @transform_15(%arg0: i32) -> (i32, i32) {
    %c0_i32 = arith.constant 0 : i32
    %c0_i32_0 = arith.constant 0 : i32
    %c0_i32_1 = arith.constant 0 : i32
    return %c0_i32, %c0_i32_0 : i32, i32
  }
  func.func @transform_16(%arg0: i32) -> (i32, i32) {
    %c0_i32 = arith.constant 0 : i32
    %c0_i32_0 = arith.constant 0 : i32
    %c0_i32_1 = arith.constant 0 : i32
    return %c0_i32, %c0_i32_0 : i32, i32
  }
  func.func @transform_17(%arg0: i32) -> (i32, i32) {
    %c0_i32 = arith.constant 0 : i32
    %c0_i32_0 = arith.constant 0 : i32
    %c0_i32_1 = arith.constant 0 : i32
    return %c0_i32, %c0_i32_0 : i32, i32
  }
  func.func @transform_18(%arg0: i32) -> (i32, i32) {
    %c0_i32 = arith.constant 0 : i32
    %c0_i32_0 = arith.constant 0 : i32
    %c0_i32_1 = arith.constant 0 : i32
    return %c0_i32, %c0_i32_0 : i32, i32
  }
  func.func @transform_19(%arg0: i32) -> (i32, i32) {
    %c0_i32 = arith.constant 0 : i32
    %c0_i32_0 = arith.constant 0 : i32
    %c0_i32_1 = arith.constant 0 : i32
    return %c0_i32, %c0_i32_0 : i32, i32
  }
  func.func @transform_20(%arg0: i32) -> (i32, i32, i32) {
    %c0_i32 = arith.constant 0 : i32
    %c0_i32_0 = arith.constant 0 : i32
    %c0_i32_1 = arith.constant 0 : i32
    return %arg0, %c0_i32, %c0_i32_0 : i32, i32, i32
  }
}

module attributes {stable_mosaic.version = 14 : i64} {
  func.func @_block_kernel(%arg0: i32, %arg1: memref<1x4608x8xf32, #tpu.memory_space<vmem>>, %arg2: memref<1x384xf32, #tpu.memory_space<vmem>>, %arg3: memref<8x384xf32, #tpu.memory_space<vmem>>, %arg4: memref<1x8xf32, #tpu.memory_space<vmem>>, %arg5: memref<12x12xf32, #tpu.memory_space<vmem>>, %arg6: memref<12x12xf32, #tpu.memory_space<vmem>>, %arg7: memref<1x12xf32, #tpu.memory_space<vmem>>, %arg8: memref<8x12xf32, #tpu.memory_space<vmem>>, %arg9: memref<1x8xf32, #tpu.memory_space<vmem>>, %arg10: memref<384x384xf32, #tpu.memory_space<vmem>>, %arg11: memref<384x384xf32, #tpu.memory_space<vmem>>, %arg12: memref<24x64xf32, #tpu.memory_space<vmem>>, %arg13: memref<1x64xf32, #tpu.memory_space<vmem>>, %arg14: memref<192x64xf32, #tpu.memory_space<vmem>>, %arg15: memref<1x64xf32, #tpu.memory_space<vmem>>, %arg16: memref<8x64xf32, #tpu.memory_space<vmem>>, %arg17: memref<1x64xf32, #tpu.memory_space<vmem>>, %arg18: memref<1x64xf32, #tpu.memory_space<vmem>>, %arg19: memref<1x64xf32, #tpu.memory_space<vmem>>, %arg20: memref<384x384xf32, #tpu.memory_space<vmem>>, %arg21: memref<1x4608x64xf32, #tpu.memory_space<vmem>>) attributes {dimension_semantics = [#tpu.dimension_semantics<parallel>], iteration_bounds = array<i64: 32>, scalar_prefetch = 0 : i64, scratch_operands = 0 : i64, tpu.core_type = #tpu.core_type<tc>, window_params = [{transform_indices = @transform_0, window_bounds = array<i64: 1, 4608, 8>}, {pipeline_mode = #tpu.pipeline_mode<synchronous>, transform_indices = @transform_1, window_bounds = array<i64: 1, 384>}, {pipeline_mode = #tpu.pipeline_mode<synchronous>, transform_indices = @transform_2, window_bounds = array<i64: 8, 384>}, {pipeline_mode = #tpu.pipeline_mode<synchronous>, transform_indices = @transform_3, window_bounds = array<i64: 1, 8>}, {pipeline_mode = #tpu.pipeline_mode<synchronous>, transform_indices = @transform_4, window_bounds = array<i64: 12, 12>}, {pipeline_mode = #tpu.pipeline_mode<synchronous>, transform_indices = @transform_5, window_bounds = array<i64: 12, 12>}, {pipeline_mode = #tpu.pipeline_mode<synchronous>, transform_indices = @transform_6, window_bounds = array<i64: 1, 12>}, {pipeline_mode = #tpu.pipeline_mode<synchronous>, transform_indices = @transform_7, window_bounds = array<i64: 8, 12>}, {pipeline_mode = #tpu.pipeline_mode<synchronous>, transform_indices = @transform_8, window_bounds = array<i64: 1, 8>}, {pipeline_mode = #tpu.pipeline_mode<synchronous>, transform_indices = @transform_9, window_bounds = array<i64: 384, 384>}, {pipeline_mode = #tpu.pipeline_mode<synchronous>, transform_indices = @transform_10, window_bounds = array<i64: 384, 384>}, {pipeline_mode = #tpu.pipeline_mode<synchronous>, transform_indices = @transform_11, window_bounds = array<i64: 24, 64>}, {pipeline_mode = #tpu.pipeline_mode<synchronous>, transform_indices = @transform_12, window_bounds = array<i64: 1, 64>}, {pipeline_mode = #tpu.pipeline_mode<synchronous>, transform_indices = @transform_13, window_bounds = array<i64: 192, 64>}, {pipeline_mode = #tpu.pipeline_mode<synchronous>, transform_indices = @transform_14, window_bounds = array<i64: 1, 64>}, {pipeline_mode = #tpu.pipeline_mode<synchronous>, transform_indices = @transform_15, window_bounds = array<i64: 8, 64>}, {pipeline_mode = #tpu.pipeline_mode<synchronous>, transform_indices = @transform_16, window_bounds = array<i64: 1, 64>}, {pipeline_mode = #tpu.pipeline_mode<synchronous>, transform_indices = @transform_17, window_bounds = array<i64: 1, 64>}, {pipeline_mode = #tpu.pipeline_mode<synchronous>, transform_indices = @transform_18, window_bounds = array<i64: 1, 64>}, {pipeline_mode = #tpu.pipeline_mode<synchronous>, transform_indices = @transform_19, window_bounds = array<i64: 384, 384>}, {transform_indices = @transform_20, window_bounds = array<i64: 1, 4608, 64>}]} {
    %get3A = arith.constant 0 : index
    %get3A_0 = arith.constant 0 : index
    %get3A_1 = arith.constant 0 : index
    %get3A_2 = vector.load %arg1[%get3A, %get3A_0, %get3A_1] : memref<1x4608x8xf32, #tpu.memory_space<vmem>>, vector<1x4608x8xf32>
    %get3A_3 = vector.shape_cast %get3A_2 : vector<1x4608x8xf32> to vector<4608x8xf32>
    %get3A_4 = arith.constant 0 : index
    %get3A_5 = arith.constant 0 : index
    %get3A_6 = vector.load %arg2[%get3A_4, %get3A_5] : memref<1x384xf32, #tpu.memory_space<vmem>>, vector<1x384xf32>
    %get3A_7 = arith.constant 0 : index
    %get3A_8 = arith.constant 0 : index
    %get3A_9 = vector.load %arg3[%get3A_7, %get3A_8] : memref<8x384xf32, #tpu.memory_space<vmem>>, vector<8x384xf32>
    %get3A_10 = arith.constant 0 : index
    %get3A_11 = arith.constant 0 : index
    %get3A_12 = vector.load %arg4[%get3A_10, %get3A_11] : memref<1x8xf32, #tpu.memory_space<vmem>>, vector<1x8xf32>
    %get3A_13 = arith.constant 0 : index
    %get3A_14 = arith.constant 0 : index
    %get3A_15 = vector.load %arg5[%get3A_13, %get3A_14] : memref<12x12xf32, #tpu.memory_space<vmem>>, vector<12x12xf32>
    %get3A_16 = arith.constant 0 : index
    %get3A_17 = arith.constant 0 : index
    %get3A_18 = vector.load %arg6[%get3A_16, %get3A_17] : memref<12x12xf32, #tpu.memory_space<vmem>>, vector<12x12xf32>
    %get3A_19 = arith.constant 0 : index
    %get3A_20 = arith.constant 0 : index
    %get3A_21 = vector.load %arg7[%get3A_19, %get3A_20] : memref<1x12xf32, #tpu.memory_space<vmem>>, vector<1x12xf32>
    %get3A_22 = arith.constant 0 : index
    %get3A_23 = arith.constant 0 : index
    %get3A_24 = vector.load %arg8[%get3A_22, %get3A_23] : memref<8x12xf32, #tpu.memory_space<vmem>>, vector<8x12xf32>
    %get3A_25 = arith.constant 0 : index
    %get3A_26 = arith.constant 0 : index
    %get3A_27 = vector.load %arg9[%get3A_25, %get3A_26] : memref<1x8xf32, #tpu.memory_space<vmem>>, vector<1x8xf32>
    %get3A_28 = arith.constant 0 : index
    %get3A_29 = arith.constant 0 : index
    %get3A_30 = vector.load %arg10[%get3A_28, %get3A_29] : memref<384x384xf32, #tpu.memory_space<vmem>>, vector<384x384xf32>
    %get3A_31 = arith.constant 0 : index
    %get3A_32 = arith.constant 0 : index
    %get3A_33 = vector.load %arg11[%get3A_31, %get3A_32] : memref<384x384xf32, #tpu.memory_space<vmem>>, vector<384x384xf32>
    %get3A_34 = arith.constant 0 : index
    %get3A_35 = arith.constant 0 : index
    %get3A_36 = vector.load %arg12[%get3A_34, %get3A_35] : memref<24x64xf32, #tpu.memory_space<vmem>>, vector<24x64xf32>
    %get3A_37 = arith.constant 0 : index
    %get3A_38 = arith.constant 0 : index
    %get3A_39 = vector.load %arg13[%get3A_37, %get3A_38] : memref<1x64xf32, #tpu.memory_space<vmem>>, vector<1x64xf32>
    %get3A_40 = arith.constant 0 : index
    %get3A_41 = arith.constant 0 : index
    %get3A_42 = vector.load %arg14[%get3A_40, %get3A_41] : memref<192x64xf32, #tpu.memory_space<vmem>>, vector<192x64xf32>
    %get3A_43 = arith.constant 0 : index
    %get3A_44 = arith.constant 0 : index
    %get3A_45 = vector.load %arg15[%get3A_43, %get3A_44] : memref<1x64xf32, #tpu.memory_space<vmem>>, vector<1x64xf32>
    %get3A_46 = arith.constant 0 : index
    %get3A_47 = arith.constant 0 : index
    %get3A_48 = vector.load %arg16[%get3A_46, %get3A_47] : memref<8x64xf32, #tpu.memory_space<vmem>>, vector<8x64xf32>
    %get3A_49 = arith.constant 0 : index
    %get3A_50 = arith.constant 0 : index
    %get3A_51 = vector.load %arg17[%get3A_49, %get3A_50] : memref<1x64xf32, #tpu.memory_space<vmem>>, vector<1x64xf32>
    %get3A_52 = arith.constant 0 : index
    %get3A_53 = arith.constant 0 : index
    %get3A_54 = vector.load %arg18[%get3A_52, %get3A_53] : memref<1x64xf32, #tpu.memory_space<vmem>>, vector<1x64xf32>
    %get3A_55 = arith.constant 0 : index
    %get3A_56 = arith.constant 0 : index
    %get3A_57 = vector.load %arg19[%get3A_55, %get3A_56] : memref<1x64xf32, #tpu.memory_space<vmem>>, vector<1x64xf32>
    %get3A_58 = arith.constant 0 : index
    %get3A_59 = arith.constant 0 : index
    %get3A_60 = vector.load %arg20[%get3A_58, %get3A_59] : memref<384x384xf32, #tpu.memory_space<vmem>>, vector<384x384xf32>
    %slice3A = vector.extract_strided_slice %get3A_3 {offsets = [0, 0], sizes = [384, 8], strides = [1, 1]} : vector<4608x8xf32> to vector<384x8xf32>
    %slice3A_61 = vector.extract_strided_slice %get3A_3 {offsets = [384, 0], sizes = [384, 8], strides = [1, 1]} : vector<4608x8xf32> to vector<384x8xf32>
    %slice3A_62 = vector.extract_strided_slice %get3A_3 {offsets = [768, 0], sizes = [384, 8], strides = [1, 1]} : vector<4608x8xf32> to vector<384x8xf32>
    %slice3A_63 = vector.extract_strided_slice %get3A_3 {offsets = [1152, 0], sizes = [384, 8], strides = [1, 1]} : vector<4608x8xf32> to vector<384x8xf32>
    %slice3A_64 = vector.extract_strided_slice %get3A_3 {offsets = [1536, 0], sizes = [384, 8], strides = [1, 1]} : vector<4608x8xf32> to vector<384x8xf32>
    %slice3A_65 = vector.extract_strided_slice %get3A_3 {offsets = [1920, 0], sizes = [384, 8], strides = [1, 1]} : vector<4608x8xf32> to vector<384x8xf32>
    %slice3A_66 = vector.extract_strided_slice %get3A_3 {offsets = [2304, 0], sizes = [384, 8], strides = [1, 1]} : vector<4608x8xf32> to vector<384x8xf32>
    %slice3A_67 = vector.extract_strided_slice %get3A_3 {offsets = [2688, 0], sizes = [384, 8], strides = [1, 1]} : vector<4608x8xf32> to vector<384x8xf32>
    %slice3A_68 = vector.extract_strided_slice %get3A_3 {offsets = [3072, 0], sizes = [384, 8], strides = [1, 1]} : vector<4608x8xf32> to vector<384x8xf32>
    %slice3A_69 = vector.extract_strided_slice %get3A_3 {offsets = [3456, 0], sizes = [384, 8], strides = [1, 1]} : vector<4608x8xf32> to vector<384x8xf32>
    %slice3A_70 = vector.extract_strided_slice %get3A_3 {offsets = [3840, 0], sizes = [384, 8], strides = [1, 1]} : vector<4608x8xf32> to vector<384x8xf32>
    %slice3A_71 = vector.extract_strided_slice %get3A_3 {offsets = [4224, 0], sizes = [384, 8], strides = [1, 1]} : vector<4608x8xf32> to vector<384x8xf32>
    %dot_general3A = arith.constant dense<0.000000e+00> : vector<1x8xf32>
    %dot_general3A_72 = tpu.matmul %get3A_6, %slice3A, %dot_general3A {dimension_numbers = #tpu.dot_dimension_numbers<[1], [0], [0], [1], [0, 0, 1, 1], [], []>, transpose_lhs_hint = false} : vector<1x384xf32>, vector<384x8xf32>, vector<1x8xf32> -> vector<1x8xf32>
    %dot_general3A_73 = arith.constant dense<0.000000e+00> : vector<1x8xf32>
    %dot_general3A_74 = tpu.matmul %get3A_6, %slice3A_61, %dot_general3A_73 {dimension_numbers = #tpu.dot_dimension_numbers<[1], [0], [0], [1], [0, 0, 1, 1], [], []>, transpose_lhs_hint = false} : vector<1x384xf32>, vector<384x8xf32>, vector<1x8xf32> -> vector<1x8xf32>
    %dot_general3A_75 = arith.constant dense<0.000000e+00> : vector<1x8xf32>
    %dot_general3A_76 = tpu.matmul %get3A_6, %slice3A_62, %dot_general3A_75 {dimension_numbers = #tpu.dot_dimension_numbers<[1], [0], [0], [1], [0, 0, 1, 1], [], []>, transpose_lhs_hint = false} : vector<1x384xf32>, vector<384x8xf32>, vector<1x8xf32> -> vector<1x8xf32>
    %dot_general3A_77 = arith.constant dense<0.000000e+00> : vector<1x8xf32>
    %dot_general3A_78 = tpu.matmul %get3A_6, %slice3A_63, %dot_general3A_77 {dimension_numbers = #tpu.dot_dimension_numbers<[1], [0], [0], [1], [0, 0, 1, 1], [], []>, transpose_lhs_hint = false} : vector<1x384xf32>, vector<384x8xf32>, vector<1x8xf32> -> vector<1x8xf32>
    %dot_general3A_79 = arith.constant dense<0.000000e+00> : vector<1x8xf32>
    %dot_general3A_80 = tpu.matmul %get3A_6, %slice3A_64, %dot_general3A_79 {dimension_numbers = #tpu.dot_dimension_numbers<[1], [0], [0], [1], [0, 0, 1, 1], [], []>, transpose_lhs_hint = false} : vector<1x384xf32>, vector<384x8xf32>, vector<1x8xf32> -> vector<1x8xf32>
    %dot_general3A_81 = arith.constant dense<0.000000e+00> : vector<1x8xf32>
    %dot_general3A_82 = tpu.matmul %get3A_6, %slice3A_65, %dot_general3A_81 {dimension_numbers = #tpu.dot_dimension_numbers<[1], [0], [0], [1], [0, 0, 1, 1], [], []>, transpose_lhs_hint = false} : vector<1x384xf32>, vector<384x8xf32>, vector<1x8xf32> -> vector<1x8xf32>
    %dot_general3A_83 = arith.constant dense<0.000000e+00> : vector<1x8xf32>
    %dot_general3A_84 = tpu.matmul %get3A_6, %slice3A_66, %dot_general3A_83 {dimension_numbers = #tpu.dot_dimension_numbers<[1], [0], [0], [1], [0, 0, 1, 1], [], []>, transpose_lhs_hint = false} : vector<1x384xf32>, vector<384x8xf32>, vector<1x8xf32> -> vector<1x8xf32>
    %dot_general3A_85 = arith.constant dense<0.000000e+00> : vector<1x8xf32>
    %dot_general3A_86 = tpu.matmul %get3A_6, %slice3A_67, %dot_general3A_85 {dimension_numbers = #tpu.dot_dimension_numbers<[1], [0], [0], [1], [0, 0, 1, 1], [], []>, transpose_lhs_hint = false} : vector<1x384xf32>, vector<384x8xf32>, vector<1x8xf32> -> vector<1x8xf32>
    %dot_general3A_87 = arith.constant dense<0.000000e+00> : vector<1x8xf32>
    %dot_general3A_88 = tpu.matmul %get3A_6, %slice3A_68, %dot_general3A_87 {dimension_numbers = #tpu.dot_dimension_numbers<[1], [0], [0], [1], [0, 0, 1, 1], [], []>, transpose_lhs_hint = false} : vector<1x384xf32>, vector<384x8xf32>, vector<1x8xf32> -> vector<1x8xf32>
    %dot_general3A_89 = arith.constant dense<0.000000e+00> : vector<1x8xf32>
    %dot_general3A_90 = tpu.matmul %get3A_6, %slice3A_69, %dot_general3A_89 {dimension_numbers = #tpu.dot_dimension_numbers<[1], [0], [0], [1], [0, 0, 1, 1], [], []>, transpose_lhs_hint = false} : vector<1x384xf32>, vector<384x8xf32>, vector<1x8xf32> -> vector<1x8xf32>
    %dot_general3A_91 = arith.constant dense<0.000000e+00> : vector<1x8xf32>
    %dot_general3A_92 = tpu.matmul %get3A_6, %slice3A_70, %dot_general3A_91 {dimension_numbers = #tpu.dot_dimension_numbers<[1], [0], [0], [1], [0, 0, 1, 1], [], []>, transpose_lhs_hint = false} : vector<1x384xf32>, vector<384x8xf32>, vector<1x8xf32> -> vector<1x8xf32>
    %dot_general3A_93 = arith.constant dense<0.000000e+00> : vector<1x8xf32>
    %dot_general3A_94 = tpu.matmul %get3A_6, %slice3A_71, %dot_general3A_93 {dimension_numbers = #tpu.dot_dimension_numbers<[1], [0], [0], [1], [0, 0, 1, 1], [], []>, transpose_lhs_hint = false} : vector<1x384xf32>, vector<384x8xf32>, vector<1x8xf32> -> vector<1x8xf32>
    %concatenate3A = tpu.concatenate %dot_general3A_72, %dot_general3A_74, %dot_general3A_76, %dot_general3A_78, %dot_general3A_80, %dot_general3A_82, %dot_general3A_84, %dot_general3A_86, %dot_general3A_88, %dot_general3A_90, %dot_general3A_92, %dot_general3A_94 in 0 : vector<1x8xf32>, vector<1x8xf32>, vector<1x8xf32>, vector<1x8xf32>, vector<1x8xf32>, vector<1x8xf32>, vector<1x8xf32>, vector<1x8xf32>, vector<1x8xf32>, vector<1x8xf32>, vector<1x8xf32>, vector<1x8xf32> -> vector<12x8xf32>
    %dot_general3A_95 = arith.constant dense<0.000000e+00> : vector<12x384xf32>
    %dot_general3A_96 = tpu.matmul %concatenate3A, %get3A_9, %dot_general3A_95 {dimension_numbers = #tpu.dot_dimension_numbers<[1], [0], [0], [1], [0, 0, 1, 1], [], []>, transpose_lhs_hint = false} : vector<12x8xf32>, vector<8x384xf32>, vector<12x384xf32> -> vector<12x384xf32>
    %dot_general3A_97 = arith.constant dense<0.000000e+00> : vector<384x1xf32>
    %dot_general3A_98 = tpu.matmul %slice3A, %get3A_12, %dot_general3A_97 {dimension_numbers = #tpu.dot_dimension_numbers<[1], [1], [0], [0], [0, 0, 1, 0], [], []>, transpose_lhs_hint = false} : vector<384x8xf32>, vector<1x8xf32>, vector<384x1xf32> -> vector<384x1xf32>
    %dot_general3A_99 = arith.constant dense<0.000000e+00> : vector<384x1xf32>
    %dot_general3A_100 = tpu.matmul %slice3A_61, %get3A_12, %dot_general3A_99 {dimension_numbers = #tpu.dot_dimension_numbers<[1], [1], [0], [0], [0, 0, 1, 0], [], []>, transpose_lhs_hint = false} : vector<384x8xf32>, vector<1x8xf32>, vector<384x1xf32> -> vector<384x1xf32>
    %dot_general3A_101 = arith.constant dense<0.000000e+00> : vector<384x1xf32>
    %dot_general3A_102 = tpu.matmul %slice3A_62, %get3A_12, %dot_general3A_101 {dimension_numbers = #tpu.dot_dimension_numbers<[1], [1], [0], [0], [0, 0, 1, 0], [], []>, transpose_lhs_hint = false} : vector<384x8xf32>, vector<1x8xf32>, vector<384x1xf32> -> vector<384x1xf32>
    %dot_general3A_103 = arith.constant dense<0.000000e+00> : vector<384x1xf32>
    %dot_general3A_104 = tpu.matmul %slice3A_63, %get3A_12, %dot_general3A_103 {dimension_numbers = #tpu.dot_dimension_numbers<[1], [1], [0], [0], [0, 0, 1, 0], [], []>, transpose_lhs_hint = false} : vector<384x8xf32>, vector<1x8xf32>, vector<384x1xf32> -> vector<384x1xf32>
    %dot_general3A_105 = arith.constant dense<0.000000e+00> : vector<384x1xf32>
    %dot_general3A_106 = tpu.matmul %slice3A_64, %get3A_12, %dot_general3A_105 {dimension_numbers = #tpu.dot_dimension_numbers<[1], [1], [0], [0], [0, 0, 1, 0], [], []>, transpose_lhs_hint = false} : vector<384x8xf32>, vector<1x8xf32>, vector<384x1xf32> -> vector<384x1xf32>
    %dot_general3A_107 = arith.constant dense<0.000000e+00> : vector<384x1xf32>
    %dot_general3A_108 = tpu.matmul %slice3A_65, %get3A_12, %dot_general3A_107 {dimension_numbers = #tpu.dot_dimension_numbers<[1], [1], [0], [0], [0, 0, 1, 0], [], []>, transpose_lhs_hint = false} : vector<384x8xf32>, vector<1x8xf32>, vector<384x1xf32> -> vector<384x1xf32>
    %dot_general3A_109 = arith.constant dense<0.000000e+00> : vector<384x1xf32>
    %dot_general3A_110 = tpu.matmul %slice3A_66, %get3A_12, %dot_general3A_109 {dimension_numbers = #tpu.dot_dimension_numbers<[1], [1], [0], [0], [0, 0, 1, 0], [], []>, transpose_lhs_hint = false} : vector<384x8xf32>, vector<1x8xf32>, vector<384x1xf32> -> vector<384x1xf32>
    %dot_general3A_111 = arith.constant dense<0.000000e+00> : vector<384x1xf32>
    %dot_general3A_112 = tpu.matmul %slice3A_67, %get3A_12, %dot_general3A_111 {dimension_numbers = #tpu.dot_dimension_numbers<[1], [1], [0], [0], [0, 0, 1, 0], [], []>, transpose_lhs_hint = false} : vector<384x8xf32>, vector<1x8xf32>, vector<384x1xf32> -> vector<384x1xf32>
    %dot_general3A_113 = arith.constant dense<0.000000e+00> : vector<384x1xf32>
    %dot_general3A_114 = tpu.matmul %slice3A_68, %get3A_12, %dot_general3A_113 {dimension_numbers = #tpu.dot_dimension_numbers<[1], [1], [0], [0], [0, 0, 1, 0], [], []>, transpose_lhs_hint = false} : vector<384x8xf32>, vector<1x8xf32>, vector<384x1xf32> -> vector<384x1xf32>
    %dot_general3A_115 = arith.constant dense<0.000000e+00> : vector<384x1xf32>
    %dot_general3A_116 = tpu.matmul %slice3A_69, %get3A_12, %dot_general3A_115 {dimension_numbers = #tpu.dot_dimension_numbers<[1], [1], [0], [0], [0, 0, 1, 0], [], []>, transpose_lhs_hint = false} : vector<384x8xf32>, vector<1x8xf32>, vector<384x1xf32> -> vector<384x1xf32>
    %dot_general3A_117 = arith.constant dense<0.000000e+00> : vector<384x1xf32>
    %dot_general3A_118 = tpu.matmul %slice3A_70, %get3A_12, %dot_general3A_117 {dimension_numbers = #tpu.dot_dimension_numbers<[1], [1], [0], [0], [0, 0, 1, 0], [], []>, transpose_lhs_hint = false} : vector<384x8xf32>, vector<1x8xf32>, vector<384x1xf32> -> vector<384x1xf32>
    %dot_general3A_119 = arith.constant dense<0.000000e+00> : vector<384x1xf32>
    %dot_general3A_120 = tpu.matmul %slice3A_71, %get3A_12, %dot_general3A_119 {dimension_numbers = #tpu.dot_dimension_numbers<[1], [1], [0], [0], [0, 0, 1, 0], [], []>, transpose_lhs_hint = false} : vector<384x8xf32>, vector<1x8xf32>, vector<384x1xf32> -> vector<384x1xf32>
    %concatenate3A_121 = tpu.concatenate %dot_general3A_98, %dot_general3A_100, %dot_general3A_102, %dot_general3A_104, %dot_general3A_106, %dot_general3A_108, %dot_general3A_110, %dot_general3A_112, %dot_general3A_114, %dot_general3A_116, %dot_general3A_118, %dot_general3A_120 in 1 : vector<384x1xf32>, vector<384x1xf32>, vector<384x1xf32>, vector<384x1xf32>, vector<384x1xf32>, vector<384x1xf32>, vector<384x1xf32>, vector<384x1xf32>, vector<384x1xf32>, vector<384x1xf32>, vector<384x1xf32>, vector<384x1xf32> -> vector<384x12xf32>
    %dot_general3A_122 = arith.constant dense<0.000000e+00> : vector<12x12xf32>
    %dot_general3A_123 = tpu.matmul %dot_general3A_96, %concatenate3A_121, %dot_general3A_122 {dimension_numbers = #tpu.dot_dimension_numbers<[1], [0], [0], [1], [0, 0, 1, 1], [], []>, transpose_lhs_hint = false} : vector<12x384xf32>, vector<384x12xf32>, vector<12x12xf32> -> vector<12x12xf32>
    %add3A = arith.addf %dot_general3A_123, %get3A_15 : vector<12x12xf32>
    %logistic3A = arith.negf %add3A : vector<12x12xf32>
    %logistic3A_124 = math.exp %logistic3A : vector<12x12xf32>
    %logistic3A_125 = arith.constant 1.000000e+00 : f32
    %logistic3A_126 = vector.broadcast %logistic3A_125 : f32 to vector<12x12xf32>
    %logistic3A_127 = arith.addf %logistic3A_126, %logistic3A_124 : vector<12x12xf32>
    %logistic3A_128 = arith.divf %logistic3A_126, %logistic3A_127 : vector<12x12xf32>
    %dot_general3A_129 = arith.constant dense<0.000000e+00> : vector<12x12xf32>
    %dot_general3A_130 = tpu.matmul %get3A_18, %logistic3A_128, %dot_general3A_129 {dimension_numbers = #tpu.dot_dimension_numbers<[1], [0], [0], [1], [0, 0, 1, 1], [], []>, transpose_lhs_hint = false} : vector<12x12xf32>, vector<12x12xf32>, vector<12x12xf32> -> vector<12x12xf32>
    %reduce_max3A = arith.constant dense<0xFF800000> : vector<12xf32>
    %reduce_max3A_131 = vector.multi_reduction <maximumf>, %dot_general3A_130, %reduce_max3A [0] : vector<12x12xf32> to vector<12xf32>
    %broadcast_in_dim3A = vector.shape_cast %reduce_max3A_131 : vector<12xf32> to vector<1x12xf32>
    %sub3A = vector.broadcast %broadcast_in_dim3A : vector<1x12xf32> to vector<12x12xf32>
    %sub3A_132 = arith.subf %dot_general3A_130, %sub3A : vector<12x12xf32>
    %exp3A = math.exp %sub3A_132 : vector<12x12xf32>
    %reduce_sum3A = arith.constant dense<0.000000e+00> : vector<12xf32>
    %reduce_sum3A_133 = vector.multi_reduction <add>, %exp3A, %reduce_sum3A [0] : vector<12x12xf32> to vector<12xf32>
    %broadcast_in_dim3A_134 = vector.shape_cast %reduce_sum3A_133 : vector<12xf32> to vector<1x12xf32>
    %div3A = vector.broadcast %broadcast_in_dim3A_134 : vector<1x12xf32> to vector<12x12xf32>
    %div3A_135 = arith.divf %exp3A, %div3A : vector<12x12xf32>
    %dot_general3A_136 = arith.constant dense<0.000000e+00> : vector<12x1xf32>
    %dot_general3A_137 = tpu.matmul %div3A_135, %get3A_21, %dot_general3A_136 {dimension_numbers = #tpu.dot_dimension_numbers<[1], [1], [0], [0], [0, 0, 1, 0], [], []>, transpose_lhs_hint = false} : vector<12x12xf32>, vector<1x12xf32>, vector<12x1xf32> -> vector<12x1xf32>
    %slice3A_138 = vector.extract_strided_slice %dot_general3A_137 {offsets = [0, 0], sizes = [1, 1], strides = [1, 1]} : vector<12x1xf32> to vector<1x1xf32>
    %mul3A = vector.broadcast %slice3A_138 : vector<1x1xf32> to vector<384x8xf32>
    %mul3A_139 = arith.mulf %mul3A, %slice3A : vector<384x8xf32>
    %slice3A_140 = vector.extract_strided_slice %dot_general3A_137 {offsets = [1, 0], sizes = [1, 1], strides = [1, 1]} : vector<12x1xf32> to vector<1x1xf32>
    %mul3A_141 = vector.broadcast %slice3A_140 : vector<1x1xf32> to vector<384x8xf32>
    %mul3A_142 = arith.mulf %mul3A_141, %slice3A_61 : vector<384x8xf32>
    %add3A_143 = arith.addf %mul3A_139, %mul3A_142 : vector<384x8xf32>
    %slice3A_144 = vector.extract_strided_slice %dot_general3A_137 {offsets = [2, 0], sizes = [1, 1], strides = [1, 1]} : vector<12x1xf32> to vector<1x1xf32>
    %mul3A_145 = vector.broadcast %slice3A_144 : vector<1x1xf32> to vector<384x8xf32>
    %mul3A_146 = arith.mulf %mul3A_145, %slice3A_62 : vector<384x8xf32>
    %add3A_147 = arith.addf %add3A_143, %mul3A_146 : vector<384x8xf32>
    %slice3A_148 = vector.extract_strided_slice %dot_general3A_137 {offsets = [3, 0], sizes = [1, 1], strides = [1, 1]} : vector<12x1xf32> to vector<1x1xf32>
    %mul3A_149 = vector.broadcast %slice3A_148 : vector<1x1xf32> to vector<384x8xf32>
    %mul3A_150 = arith.mulf %mul3A_149, %slice3A_63 : vector<384x8xf32>
    %add3A_151 = arith.addf %add3A_147, %mul3A_150 : vector<384x8xf32>
    %slice3A_152 = vector.extract_strided_slice %dot_general3A_137 {offsets = [4, 0], sizes = [1, 1], strides = [1, 1]} : vector<12x1xf32> to vector<1x1xf32>
    %mul3A_153 = vector.broadcast %slice3A_152 : vector<1x1xf32> to vector<384x8xf32>
    %mul3A_154 = arith.mulf %mul3A_153, %slice3A_64 : vector<384x8xf32>
    %add3A_155 = arith.addf %add3A_151, %mul3A_154 : vector<384x8xf32>
    %slice3A_156 = vector.extract_strided_slice %dot_general3A_137 {offsets = [5, 0], sizes = [1, 1], strides = [1, 1]} : vector<12x1xf32> to vector<1x1xf32>
    %mul3A_157 = vector.broadcast %slice3A_156 : vector<1x1xf32> to vector<384x8xf32>
    %mul3A_158 = arith.mulf %mul3A_157, %slice3A_65 : vector<384x8xf32>
    %add3A_159 = arith.addf %add3A_155, %mul3A_158 : vector<384x8xf32>
    %slice3A_160 = vector.extract_strided_slice %dot_general3A_137 {offsets = [6, 0], sizes = [1, 1], strides = [1, 1]} : vector<12x1xf32> to vector<1x1xf32>
    %mul3A_161 = vector.broadcast %slice3A_160 : vector<1x1xf32> to vector<384x8xf32>
    %mul3A_162 = arith.mulf %mul3A_161, %slice3A_66 : vector<384x8xf32>
    %add3A_163 = arith.addf %add3A_159, %mul3A_162 : vector<384x8xf32>
    %slice3A_164 = vector.extract_strided_slice %dot_general3A_137 {offsets = [7, 0], sizes = [1, 1], strides = [1, 1]} : vector<12x1xf32> to vector<1x1xf32>
    %mul3A_165 = vector.broadcast %slice3A_164 : vector<1x1xf32> to vector<384x8xf32>
    %mul3A_166 = arith.mulf %mul3A_165, %slice3A_67 : vector<384x8xf32>
    %add3A_167 = arith.addf %add3A_163, %mul3A_166 : vector<384x8xf32>
    %slice3A_168 = vector.extract_strided_slice %dot_general3A_137 {offsets = [8, 0], sizes = [1, 1], strides = [1, 1]} : vector<12x1xf32> to vector<1x1xf32>
    %mul3A_169 = vector.broadcast %slice3A_168 : vector<1x1xf32> to vector<384x8xf32>
    %mul3A_170 = arith.mulf %mul3A_169, %slice3A_68 : vector<384x8xf32>
    %add3A_171 = arith.addf %add3A_167, %mul3A_170 : vector<384x8xf32>
    %slice3A_172 = vector.extract_strided_slice %dot_general3A_137 {offsets = [9, 0], sizes = [1, 1], strides = [1, 1]} : vector<12x1xf32> to vector<1x1xf32>
    %mul3A_173 = vector.broadcast %slice3A_172 : vector<1x1xf32> to vector<384x8xf32>
    %mul3A_174 = arith.mulf %mul3A_173, %slice3A_69 : vector<384x8xf32>
    %add3A_175 = arith.addf %add3A_171, %mul3A_174 : vector<384x8xf32>
    %slice3A_176 = vector.extract_strided_slice %dot_general3A_137 {offsets = [10, 0], sizes = [1, 1], strides = [1, 1]} : vector<12x1xf32> to vector<1x1xf32>
    %mul3A_177 = vector.broadcast %slice3A_176 : vector<1x1xf32> to vector<384x8xf32>
    %mul3A_178 = arith.mulf %mul3A_177, %slice3A_70 : vector<384x8xf32>
    %add3A_179 = arith.addf %add3A_175, %mul3A_178 : vector<384x8xf32>
    %slice3A_180 = vector.extract_strided_slice %dot_general3A_137 {offsets = [11, 0], sizes = [1, 1], strides = [1, 1]} : vector<12x1xf32> to vector<1x1xf32>
    %mul3A_181 = vector.broadcast %slice3A_180 : vector<1x1xf32> to vector<384x8xf32>
    %mul3A_182 = arith.mulf %mul3A_181, %slice3A_71 : vector<384x8xf32>
    %add3A_183 = arith.addf %add3A_179, %mul3A_182 : vector<384x8xf32>
    %dot_general3A_184 = arith.constant dense<0.000000e+00> : vector<384x12xf32>
    %dot_general3A_185 = tpu.matmul %add3A_183, %get3A_24, %dot_general3A_184 {dimension_numbers = #tpu.dot_dimension_numbers<[1], [0], [0], [1], [0, 0, 1, 1], [], []>, transpose_lhs_hint = false} : vector<384x8xf32>, vector<8x12xf32>, vector<384x12xf32> -> vector<384x12xf32>
    %dot_general3A_186 = arith.constant dense<0.000000e+00> : vector<384x1xf32>
    %dot_general3A_187 = tpu.matmul %slice3A, %get3A_27, %dot_general3A_186 {dimension_numbers = #tpu.dot_dimension_numbers<[1], [1], [0], [0], [0, 0, 1, 0], [], []>, transpose_lhs_hint = false} : vector<384x8xf32>, vector<1x8xf32>, vector<384x1xf32> -> vector<384x1xf32>
    %dot_general3A_188 = arith.constant dense<0.000000e+00> : vector<384x1xf32>
    %dot_general3A_189 = tpu.matmul %slice3A_61, %get3A_27, %dot_general3A_188 {dimension_numbers = #tpu.dot_dimension_numbers<[1], [1], [0], [0], [0, 0, 1, 0], [], []>, transpose_lhs_hint = false} : vector<384x8xf32>, vector<1x8xf32>, vector<384x1xf32> -> vector<384x1xf32>
    %dot_general3A_190 = arith.constant dense<0.000000e+00> : vector<384x1xf32>
    %dot_general3A_191 = tpu.matmul %slice3A_62, %get3A_27, %dot_general3A_190 {dimension_numbers = #tpu.dot_dimension_numbers<[1], [1], [0], [0], [0, 0, 1, 0], [], []>, transpose_lhs_hint = false} : vector<384x8xf32>, vector<1x8xf32>, vector<384x1xf32> -> vector<384x1xf32>
    %dot_general3A_192 = arith.constant dense<0.000000e+00> : vector<384x1xf32>
    %dot_general3A_193 = tpu.matmul %slice3A_63, %get3A_27, %dot_general3A_192 {dimension_numbers = #tpu.dot_dimension_numbers<[1], [1], [0], [0], [0, 0, 1, 0], [], []>, transpose_lhs_hint = false} : vector<384x8xf32>, vector<1x8xf32>, vector<384x1xf32> -> vector<384x1xf32>
    %dot_general3A_194 = arith.constant dense<0.000000e+00> : vector<384x1xf32>
    %dot_general3A_195 = tpu.matmul %slice3A_64, %get3A_27, %dot_general3A_194 {dimension_numbers = #tpu.dot_dimension_numbers<[1], [1], [0], [0], [0, 0, 1, 0], [], []>, transpose_lhs_hint = false} : vector<384x8xf32>, vector<1x8xf32>, vector<384x1xf32> -> vector<384x1xf32>
    %dot_general3A_196 = arith.constant dense<0.000000e+00> : vector<384x1xf32>
    %dot_general3A_197 = tpu.matmul %slice3A_65, %get3A_27, %dot_general3A_196 {dimension_numbers = #tpu.dot_dimension_numbers<[1], [1], [0], [0], [0, 0, 1, 0], [], []>, transpose_lhs_hint = false} : vector<384x8xf32>, vector<1x8xf32>, vector<384x1xf32> -> vector<384x1xf32>
    %dot_general3A_198 = arith.constant dense<0.000000e+00> : vector<384x1xf32>
    %dot_general3A_199 = tpu.matmul %slice3A_66, %get3A_27, %dot_general3A_198 {dimension_numbers = #tpu.dot_dimension_numbers<[1], [1], [0], [0], [0, 0, 1, 0], [], []>, transpose_lhs_hint = false} : vector<384x8xf32>, vector<1x8xf32>, vector<384x1xf32> -> vector<384x1xf32>
    %dot_general3A_200 = arith.constant dense<0.000000e+00> : vector<384x1xf32>
    %dot_general3A_201 = tpu.matmul %slice3A_67, %get3A_27, %dot_general3A_200 {dimension_numbers = #tpu.dot_dimension_numbers<[1], [1], [0], [0], [0, 0, 1, 0], [], []>, transpose_lhs_hint = false} : vector<384x8xf32>, vector<1x8xf32>, vector<384x1xf32> -> vector<384x1xf32>
    %dot_general3A_202 = arith.constant dense<0.000000e+00> : vector<384x1xf32>
    %dot_general3A_203 = tpu.matmul %slice3A_68, %get3A_27, %dot_general3A_202 {dimension_numbers = #tpu.dot_dimension_numbers<[1], [1], [0], [0], [0, 0, 1, 0], [], []>, transpose_lhs_hint = false} : vector<384x8xf32>, vector<1x8xf32>, vector<384x1xf32> -> vector<384x1xf32>
    %dot_general3A_204 = arith.constant dense<0.000000e+00> : vector<384x1xf32>
    %dot_general3A_205 = tpu.matmul %slice3A_69, %get3A_27, %dot_general3A_204 {dimension_numbers = #tpu.dot_dimension_numbers<[1], [1], [0], [0], [0, 0, 1, 0], [], []>, transpose_lhs_hint = false} : vector<384x8xf32>, vector<1x8xf32>, vector<384x1xf32> -> vector<384x1xf32>
    %dot_general3A_206 = arith.constant dense<0.000000e+00> : vector<384x1xf32>
    %dot_general3A_207 = tpu.matmul %slice3A_70, %get3A_27, %dot_general3A_206 {dimension_numbers = #tpu.dot_dimension_numbers<[1], [1], [0], [0], [0, 0, 1, 0], [], []>, transpose_lhs_hint = false} : vector<384x8xf32>, vector<1x8xf32>, vector<384x1xf32> -> vector<384x1xf32>
    %dot_general3A_208 = arith.constant dense<0.000000e+00> : vector<384x1xf32>
    %dot_general3A_209 = tpu.matmul %slice3A_71, %get3A_27, %dot_general3A_208 {dimension_numbers = #tpu.dot_dimension_numbers<[1], [1], [0], [0], [0, 0, 1, 0], [], []>, transpose_lhs_hint = false} : vector<384x8xf32>, vector<1x8xf32>, vector<384x1xf32> -> vector<384x1xf32>
    %concatenate3A_210 = tpu.concatenate %dot_general3A_187, %dot_general3A_189, %dot_general3A_191, %dot_general3A_193, %dot_general3A_195, %dot_general3A_197, %dot_general3A_199, %dot_general3A_201, %dot_general3A_203, %dot_general3A_205, %dot_general3A_207, %dot_general3A_209 in 1 : vector<384x1xf32>, vector<384x1xf32>, vector<384x1xf32>, vector<384x1xf32>, vector<384x1xf32>, vector<384x1xf32>, vector<384x1xf32>, vector<384x1xf32>, vector<384x1xf32>, vector<384x1xf32>, vector<384x1xf32>, vector<384x1xf32> -> vector<384x12xf32>
    %dot_general3A_211 = arith.constant dense<0.000000e+00> : vector<384x12xf32>
    %dot_general3A_212 = tpu.matmul %concatenate3A_210, %div3A_135, %dot_general3A_211 {dimension_numbers = #tpu.dot_dimension_numbers<[1], [0], [0], [1], [0, 0, 1, 1], [], []>, transpose_lhs_hint = false} : vector<384x12xf32>, vector<12x12xf32>, vector<384x12xf32> -> vector<384x12xf32>
    %dot_general3A_213 = arith.constant dense<0.000000e+00> : vector<384x384xf32>
    %dot_general3A_214 = tpu.matmul %dot_general3A_185, %dot_general3A_212, %dot_general3A_213 {dimension_numbers = #tpu.dot_dimension_numbers<[1], [1], [0], [0], [0, 0, 1, 0], [], []>, transpose_lhs_hint = false} : vector<384x12xf32>, vector<384x12xf32>, vector<384x384xf32> -> vector<384x384xf32>
    %add3A_215 = arith.addf %dot_general3A_214, %get3A_30 : vector<384x384xf32>
    %logistic3A_216 = arith.negf %add3A_215 : vector<384x384xf32>
    %logistic3A_217 = math.exp %logistic3A_216 : vector<384x384xf32>
    %logistic3A_218 = arith.constant 1.000000e+00 : f32
    %logistic3A_219 = vector.broadcast %logistic3A_218 : f32 to vector<384x384xf32>
    %logistic3A_220 = arith.addf %logistic3A_219, %logistic3A_217 : vector<384x384xf32>
    %logistic3A_221 = arith.divf %logistic3A_219, %logistic3A_220 : vector<384x384xf32>
    %dot_general3A_222 = arith.constant dense<0.000000e+00> : vector<384x384xf32>
    %dot_general3A_223 = tpu.matmul %get3A_33, %logistic3A_221, %dot_general3A_222 {dimension_numbers = #tpu.dot_dimension_numbers<[1], [0], [0], [1], [0, 0, 1, 1], [], []>, transpose_lhs_hint = false} : vector<384x384xf32>, vector<384x384xf32>, vector<384x384xf32> -> vector<384x384xf32>
    %iota3A = tpu.iota {dimensions = array<i32: 0>} : vector<384x384xi32>
    %lt3A = arith.constant 307 : i32
    %lt3A_224 = vector.broadcast %lt3A : i32 to vector<384x384xi32>
    %lt3A_225 = arith.cmpi slt, %iota3A, %lt3A_224 : vector<384x384xi32>
    %jit3A = arith.constant -1.000000e+30 : f32
    %broadcast_in_dim3A_226 = vector.broadcast %jit3A : f32 to vector<384x384xf32>
    %select_n3A = arith.select %lt3A_225, %dot_general3A_223, %broadcast_in_dim3A_226 : vector<384x384xi1>, vector<384x384xf32>
    %reduce_max3A_227 = arith.constant dense<0xFF800000> : vector<384xf32>
    %reduce_max3A_228 = vector.multi_reduction <maximumf>, %select_n3A, %reduce_max3A_227 [0] : vector<384x384xf32> to vector<384xf32>
    %broadcast_in_dim3A_229 = vector.shape_cast %reduce_max3A_228 : vector<384xf32> to vector<1x384xf32>
    %sub3A_230 = vector.broadcast %broadcast_in_dim3A_229 : vector<1x384xf32> to vector<384x384xf32>
    %sub3A_231 = arith.subf %select_n3A, %sub3A_230 : vector<384x384xf32>
    %exp3A_232 = math.exp %sub3A_231 : vector<384x384xf32>
    %reduce_sum3A_233 = arith.constant dense<0.000000e+00> : vector<384xf32>
    %reduce_sum3A_234 = vector.multi_reduction <add>, %exp3A_232, %reduce_sum3A_233 [0] : vector<384x384xf32> to vector<384xf32>
    %broadcast_in_dim3A_235 = vector.shape_cast %reduce_sum3A_234 : vector<384xf32> to vector<1x384xf32>
    %div3A_236 = vector.broadcast %broadcast_in_dim3A_235 : vector<1x384xf32> to vector<384x384xf32>
    %div3A_237 = arith.divf %exp3A_232, %div3A_236 : vector<384x384xf32>
    %iota3A_238 = tpu.iota {dimensions = array<i32: 1>} : vector<384x384xi32>
    %eq3A = arith.cmpi eq, %iota3A, %iota3A_238 : vector<384x384xi32>
    %jit3A_239 = arith.constant 0.000000e+00 : f32
    %broadcast_in_dim3A_240 = vector.broadcast %jit3A_239 : f32 to vector<384x384xf32>
    %select_n3A_241 = arith.select %eq3A, %div3A_237, %broadcast_in_dim3A_240 : vector<384x384xi1>, vector<384x384xf32>
    %reduce_sum3A_242 = arith.constant dense<0.000000e+00> : vector<384xf32>
    %reduce_sum3A_243 = vector.multi_reduction <add>, %select_n3A_241, %reduce_sum3A_242 [1] : vector<384x384xf32> to vector<384xf32>
    %broadcast_in_dim3A_244 = vector.shape_cast %reduce_sum3A_243 : vector<384xf32> to vector<384x1xf32>
    %mul3A_245 = arith.mulf %get3A_60, %div3A_237 : vector<384x384xf32>
    %mul3A_246 = vector.broadcast %broadcast_in_dim3A_244 : vector<384x1xf32> to vector<384x8xf32>
    %mul3A_247 = arith.mulf %mul3A_246, %slice3A : vector<384x8xf32>
    %mul3A_248 = vector.broadcast %broadcast_in_dim3A_244 : vector<384x1xf32> to vector<384x8xf32>
    %mul3A_249 = arith.mulf %mul3A_248, %slice3A_61 : vector<384x8xf32>
    %mul3A_250 = vector.broadcast %broadcast_in_dim3A_244 : vector<384x1xf32> to vector<384x8xf32>
    %mul3A_251 = arith.mulf %mul3A_250, %slice3A_62 : vector<384x8xf32>
    %mul3A_252 = vector.broadcast %broadcast_in_dim3A_244 : vector<384x1xf32> to vector<384x8xf32>
    %mul3A_253 = arith.mulf %mul3A_252, %slice3A_63 : vector<384x8xf32>
    %mul3A_254 = vector.broadcast %broadcast_in_dim3A_244 : vector<384x1xf32> to vector<384x8xf32>
    %mul3A_255 = arith.mulf %mul3A_254, %slice3A_64 : vector<384x8xf32>
    %mul3A_256 = vector.broadcast %broadcast_in_dim3A_244 : vector<384x1xf32> to vector<384x8xf32>
    %mul3A_257 = arith.mulf %mul3A_256, %slice3A_65 : vector<384x8xf32>
    %mul3A_258 = vector.broadcast %broadcast_in_dim3A_244 : vector<384x1xf32> to vector<384x8xf32>
    %mul3A_259 = arith.mulf %mul3A_258, %slice3A_66 : vector<384x8xf32>
    %mul3A_260 = vector.broadcast %broadcast_in_dim3A_244 : vector<384x1xf32> to vector<384x8xf32>
    %mul3A_261 = arith.mulf %mul3A_260, %slice3A_67 : vector<384x8xf32>
    %mul3A_262 = vector.broadcast %broadcast_in_dim3A_244 : vector<384x1xf32> to vector<384x8xf32>
    %mul3A_263 = arith.mulf %mul3A_262, %slice3A_68 : vector<384x8xf32>
    %mul3A_264 = vector.broadcast %broadcast_in_dim3A_244 : vector<384x1xf32> to vector<384x8xf32>
    %mul3A_265 = arith.mulf %mul3A_264, %slice3A_69 : vector<384x8xf32>
    %mul3A_266 = vector.broadcast %broadcast_in_dim3A_244 : vector<384x1xf32> to vector<384x8xf32>
    %mul3A_267 = arith.mulf %mul3A_266, %slice3A_70 : vector<384x8xf32>
    %mul3A_268 = vector.broadcast %broadcast_in_dim3A_244 : vector<384x1xf32> to vector<384x8xf32>
    %mul3A_269 = arith.mulf %mul3A_268, %slice3A_71 : vector<384x8xf32>
    %concatenate3A_270 = tpu.concatenate %mul3A_247, %mul3A_249, %mul3A_251, %mul3A_253, %mul3A_255, %mul3A_257, %mul3A_259, %mul3A_261, %mul3A_263, %mul3A_265, %mul3A_267, %mul3A_269 in 1 : vector<384x8xf32>, vector<384x8xf32>, vector<384x8xf32>, vector<384x8xf32>, vector<384x8xf32>, vector<384x8xf32>, vector<384x8xf32>, vector<384x8xf32>, vector<384x8xf32>, vector<384x8xf32>, vector<384x8xf32>, vector<384x8xf32> -> vector<384x96xf32>
    %dot_general3A_271 = arith.constant dense<0.000000e+00> : vector<384x96xf32>
    %dot_general3A_272 = tpu.matmul %mul3A_245, %concatenate3A_270, %dot_general3A_271 {dimension_numbers = #tpu.dot_dimension_numbers<[0], [0], [1], [1], [0, 1, 1, 1], [], []>, transpose_lhs_hint = false} : vector<384x384xf32>, vector<384x96xf32>, vector<384x96xf32> -> vector<384x96xf32>
    %dot_general3A_273 = arith.constant dense<0.000000e+00> : vector<384x96xf32>
    %dot_general3A_274 = tpu.matmul %mul3A_245, %dot_general3A_272, %dot_general3A_273 {dimension_numbers = #tpu.dot_dimension_numbers<[0], [0], [1], [1], [0, 1, 1, 1], [], []>, transpose_lhs_hint = false} : vector<384x384xf32>, vector<384x96xf32>, vector<384x96xf32> -> vector<384x96xf32>
    %mul3A_275 = arith.constant 2.000000e+00 : f32
    %mul3A_276 = vector.broadcast %mul3A_275 : f32 to vector<384x96xf32>
    %mul3A_277 = arith.mulf %mul3A_276, %dot_general3A_274 : vector<384x96xf32>
    %sub3A_278 = arith.subf %mul3A_277, %concatenate3A_270 : vector<384x96xf32>
    %slice3A_279 = vector.extract_strided_slice %concatenate3A_270 {offsets = [0, 0], sizes = [384, 8], strides = [1, 1]} : vector<384x96xf32> to vector<384x8xf32>
    %slice3A_280 = vector.extract_strided_slice %get3A_36 {offsets = [0, 0], sizes = [8, 64], strides = [1, 1]} : vector<24x64xf32> to vector<8x64xf32>
    %dot_general3A_281 = arith.constant dense<0.000000e+00> : vector<384x64xf32>
    %dot_general3A_282 = tpu.matmul %slice3A_279, %slice3A_280, %dot_general3A_281 {dimension_numbers = #tpu.dot_dimension_numbers<[1], [0], [0], [1], [0, 0, 1, 1], [], []>, transpose_lhs_hint = false} : vector<384x8xf32>, vector<8x64xf32>, vector<384x64xf32> -> vector<384x64xf32>
    %slice3A_283 = vector.extract_strided_slice %dot_general3A_272 {offsets = [0, 0], sizes = [384, 8], strides = [1, 1]} : vector<384x96xf32> to vector<384x8xf32>
    %slice3A_284 = vector.extract_strided_slice %get3A_36 {offsets = [8, 0], sizes = [8, 64], strides = [1, 1]} : vector<24x64xf32> to vector<8x64xf32>
    %dot_general3A_285 = arith.constant dense<0.000000e+00> : vector<384x64xf32>
    %dot_general3A_286 = tpu.matmul %slice3A_283, %slice3A_284, %dot_general3A_285 {dimension_numbers = #tpu.dot_dimension_numbers<[1], [0], [0], [1], [0, 0, 1, 1], [], []>, transpose_lhs_hint = false} : vector<384x8xf32>, vector<8x64xf32>, vector<384x64xf32> -> vector<384x64xf32>
    %add3A_287 = arith.addf %dot_general3A_282, %dot_general3A_286 : vector<384x64xf32>
    %slice3A_288 = vector.extract_strided_slice %sub3A_278 {offsets = [0, 0], sizes = [384, 8], strides = [1, 1]} : vector<384x96xf32> to vector<384x8xf32>
    %slice3A_289 = vector.extract_strided_slice %get3A_36 {offsets = [16, 0], sizes = [8, 64], strides = [1, 1]} : vector<24x64xf32> to vector<8x64xf32>
    %dot_general3A_290 = arith.constant dense<0.000000e+00> : vector<384x64xf32>
    %dot_general3A_291 = tpu.matmul %slice3A_288, %slice3A_289, %dot_general3A_290 {dimension_numbers = #tpu.dot_dimension_numbers<[1], [0], [0], [1], [0, 0, 1, 1], [], []>, transpose_lhs_hint = false} : vector<384x8xf32>, vector<8x64xf32>, vector<384x64xf32> -> vector<384x64xf32>
    %add3A_292 = arith.addf %add3A_287, %dot_general3A_291 : vector<384x64xf32>
    %add3A_293 = vector.broadcast %get3A_39 : vector<1x64xf32> to vector<384x64xf32>
    %add3A_294 = arith.addf %add3A_292, %add3A_293 : vector<384x64xf32>
    %max3A = arith.constant 0.000000e+00 : f32
    %max3A_295 = vector.broadcast %max3A : f32 to vector<384x64xf32>
    %max3A_296 = arith.maximumf %add3A_294, %max3A_295 : vector<384x64xf32>
    %slice3A_297 = vector.extract_strided_slice %concatenate3A_270 {offsets = [0, 8], sizes = [384, 8], strides = [1, 1]} : vector<384x96xf32> to vector<384x8xf32>
    %slice3A_298 = vector.extract_strided_slice %get3A_36 {offsets = [0, 0], sizes = [8, 64], strides = [1, 1]} : vector<24x64xf32> to vector<8x64xf32>
    %dot_general3A_299 = arith.constant dense<0.000000e+00> : vector<384x64xf32>
    %dot_general3A_300 = tpu.matmul %slice3A_297, %slice3A_298, %dot_general3A_299 {dimension_numbers = #tpu.dot_dimension_numbers<[1], [0], [0], [1], [0, 0, 1, 1], [], []>, transpose_lhs_hint = false} : vector<384x8xf32>, vector<8x64xf32>, vector<384x64xf32> -> vector<384x64xf32>
    %slice3A_301 = vector.extract_strided_slice %dot_general3A_272 {offsets = [0, 8], sizes = [384, 8], strides = [1, 1]} : vector<384x96xf32> to vector<384x8xf32>
    %slice3A_302 = vector.extract_strided_slice %get3A_36 {offsets = [8, 0], sizes = [8, 64], strides = [1, 1]} : vector<24x64xf32> to vector<8x64xf32>
    %dot_general3A_303 = arith.constant dense<0.000000e+00> : vector<384x64xf32>
    %dot_general3A_304 = tpu.matmul %slice3A_301, %slice3A_302, %dot_general3A_303 {dimension_numbers = #tpu.dot_dimension_numbers<[1], [0], [0], [1], [0, 0, 1, 1], [], []>, transpose_lhs_hint = false} : vector<384x8xf32>, vector<8x64xf32>, vector<384x64xf32> -> vector<384x64xf32>
    %add3A_305 = arith.addf %dot_general3A_300, %dot_general3A_304 : vector<384x64xf32>
    %slice3A_306 = vector.extract_strided_slice %sub3A_278 {offsets = [0, 8], sizes = [384, 8], strides = [1, 1]} : vector<384x96xf32> to vector<384x8xf32>
    %slice3A_307 = vector.extract_strided_slice %get3A_36 {offsets = [16, 0], sizes = [8, 64], strides = [1, 1]} : vector<24x64xf32> to vector<8x64xf32>
    %dot_general3A_308 = arith.constant dense<0.000000e+00> : vector<384x64xf32>
    %dot_general3A_309 = tpu.matmul %slice3A_306, %slice3A_307, %dot_general3A_308 {dimension_numbers = #tpu.dot_dimension_numbers<[1], [0], [0], [1], [0, 0, 1, 1], [], []>, transpose_lhs_hint = false} : vector<384x8xf32>, vector<8x64xf32>, vector<384x64xf32> -> vector<384x64xf32>
    %add3A_310 = arith.addf %add3A_305, %dot_general3A_309 : vector<384x64xf32>
    %add3A_311 = vector.broadcast %get3A_39 : vector<1x64xf32> to vector<384x64xf32>
    %add3A_312 = arith.addf %add3A_310, %add3A_311 : vector<384x64xf32>
    %max3A_313 = arith.constant 0.000000e+00 : f32
    %max3A_314 = vector.broadcast %max3A_313 : f32 to vector<384x64xf32>
    %max3A_315 = arith.maximumf %add3A_312, %max3A_314 : vector<384x64xf32>
    %slice3A_316 = vector.extract_strided_slice %concatenate3A_270 {offsets = [0, 16], sizes = [384, 8], strides = [1, 1]} : vector<384x96xf32> to vector<384x8xf32>
    %slice3A_317 = vector.extract_strided_slice %get3A_36 {offsets = [0, 0], sizes = [8, 64], strides = [1, 1]} : vector<24x64xf32> to vector<8x64xf32>
    %dot_general3A_318 = arith.constant dense<0.000000e+00> : vector<384x64xf32>
    %dot_general3A_319 = tpu.matmul %slice3A_316, %slice3A_317, %dot_general3A_318 {dimension_numbers = #tpu.dot_dimension_numbers<[1], [0], [0], [1], [0, 0, 1, 1], [], []>, transpose_lhs_hint = false} : vector<384x8xf32>, vector<8x64xf32>, vector<384x64xf32> -> vector<384x64xf32>
    %slice3A_320 = vector.extract_strided_slice %dot_general3A_272 {offsets = [0, 16], sizes = [384, 8], strides = [1, 1]} : vector<384x96xf32> to vector<384x8xf32>
    %slice3A_321 = vector.extract_strided_slice %get3A_36 {offsets = [8, 0], sizes = [8, 64], strides = [1, 1]} : vector<24x64xf32> to vector<8x64xf32>
    %dot_general3A_322 = arith.constant dense<0.000000e+00> : vector<384x64xf32>
    %dot_general3A_323 = tpu.matmul %slice3A_320, %slice3A_321, %dot_general3A_322 {dimension_numbers = #tpu.dot_dimension_numbers<[1], [0], [0], [1], [0, 0, 1, 1], [], []>, transpose_lhs_hint = false} : vector<384x8xf32>, vector<8x64xf32>, vector<384x64xf32> -> vector<384x64xf32>
    %add3A_324 = arith.addf %dot_general3A_319, %dot_general3A_323 : vector<384x64xf32>
    %slice3A_325 = vector.extract_strided_slice %sub3A_278 {offsets = [0, 16], sizes = [384, 8], strides = [1, 1]} : vector<384x96xf32> to vector<384x8xf32>
    %slice3A_326 = vector.extract_strided_slice %get3A_36 {offsets = [16, 0], sizes = [8, 64], strides = [1, 1]} : vector<24x64xf32> to vector<8x64xf32>
    %dot_general3A_327 = arith.constant dense<0.000000e+00> : vector<384x64xf32>
    %dot_general3A_328 = tpu.matmul %slice3A_325, %slice3A_326, %dot_general3A_327 {dimension_numbers = #tpu.dot_dimension_numbers<[1], [0], [0], [1], [0, 0, 1, 1], [], []>, transpose_lhs_hint = false} : vector<384x8xf32>, vector<8x64xf32>, vector<384x64xf32> -> vector<384x64xf32>
    %add3A_329 = arith.addf %add3A_324, %dot_general3A_328 : vector<384x64xf32>
    %add3A_330 = vector.broadcast %get3A_39 : vector<1x64xf32> to vector<384x64xf32>
    %add3A_331 = arith.addf %add3A_329, %add3A_330 : vector<384x64xf32>
    %max3A_332 = arith.constant 0.000000e+00 : f32
    %max3A_333 = vector.broadcast %max3A_332 : f32 to vector<384x64xf32>
    %max3A_334 = arith.maximumf %add3A_331, %max3A_333 : vector<384x64xf32>
    %slice3A_335 = vector.extract_strided_slice %concatenate3A_270 {offsets = [0, 24], sizes = [384, 8], strides = [1, 1]} : vector<384x96xf32> to vector<384x8xf32>
    %slice3A_336 = vector.extract_strided_slice %get3A_36 {offsets = [0, 0], sizes = [8, 64], strides = [1, 1]} : vector<24x64xf32> to vector<8x64xf32>
    %dot_general3A_337 = arith.constant dense<0.000000e+00> : vector<384x64xf32>
    %dot_general3A_338 = tpu.matmul %slice3A_335, %slice3A_336, %dot_general3A_337 {dimension_numbers = #tpu.dot_dimension_numbers<[1], [0], [0], [1], [0, 0, 1, 1], [], []>, transpose_lhs_hint = false} : vector<384x8xf32>, vector<8x64xf32>, vector<384x64xf32> -> vector<384x64xf32>
    %slice3A_339 = vector.extract_strided_slice %dot_general3A_272 {offsets = [0, 24], sizes = [384, 8], strides = [1, 1]} : vector<384x96xf32> to vector<384x8xf32>
    %slice3A_340 = vector.extract_strided_slice %get3A_36 {offsets = [8, 0], sizes = [8, 64], strides = [1, 1]} : vector<24x64xf32> to vector<8x64xf32>
    %dot_general3A_341 = arith.constant dense<0.000000e+00> : vector<384x64xf32>
    %dot_general3A_342 = tpu.matmul %slice3A_339, %slice3A_340, %dot_general3A_341 {dimension_numbers = #tpu.dot_dimension_numbers<[1], [0], [0], [1], [0, 0, 1, 1], [], []>, transpose_lhs_hint = false} : vector<384x8xf32>, vector<8x64xf32>, vector<384x64xf32> -> vector<384x64xf32>
    %add3A_343 = arith.addf %dot_general3A_338, %dot_general3A_342 : vector<384x64xf32>
    %slice3A_344 = vector.extract_strided_slice %sub3A_278 {offsets = [0, 24], sizes = [384, 8], strides = [1, 1]} : vector<384x96xf32> to vector<384x8xf32>
    %slice3A_345 = vector.extract_strided_slice %get3A_36 {offsets = [16, 0], sizes = [8, 64], strides = [1, 1]} : vector<24x64xf32> to vector<8x64xf32>
    %dot_general3A_346 = arith.constant dense<0.000000e+00> : vector<384x64xf32>
    %dot_general3A_347 = tpu.matmul %slice3A_344, %slice3A_345, %dot_general3A_346 {dimension_numbers = #tpu.dot_dimension_numbers<[1], [0], [0], [1], [0, 0, 1, 1], [], []>, transpose_lhs_hint = false} : vector<384x8xf32>, vector<8x64xf32>, vector<384x64xf32> -> vector<384x64xf32>
    %add3A_348 = arith.addf %add3A_343, %dot_general3A_347 : vector<384x64xf32>
    %add3A_349 = vector.broadcast %get3A_39 : vector<1x64xf32> to vector<384x64xf32>
    %add3A_350 = arith.addf %add3A_348, %add3A_349 : vector<384x64xf32>
    %max3A_351 = arith.constant 0.000000e+00 : f32
    %max3A_352 = vector.broadcast %max3A_351 : f32 to vector<384x64xf32>
    %max3A_353 = arith.maximumf %add3A_350, %max3A_352 : vector<384x64xf32>
    %slice3A_354 = vector.extract_strided_slice %concatenate3A_270 {offsets = [0, 32], sizes = [384, 8], strides = [1, 1]} : vector<384x96xf32> to vector<384x8xf32>
    %slice3A_355 = vector.extract_strided_slice %get3A_36 {offsets = [0, 0], sizes = [8, 64], strides = [1, 1]} : vector<24x64xf32> to vector<8x64xf32>
    %dot_general3A_356 = arith.constant dense<0.000000e+00> : vector<384x64xf32>
    %dot_general3A_357 = tpu.matmul %slice3A_354, %slice3A_355, %dot_general3A_356 {dimension_numbers = #tpu.dot_dimension_numbers<[1], [0], [0], [1], [0, 0, 1, 1], [], []>, transpose_lhs_hint = false} : vector<384x8xf32>, vector<8x64xf32>, vector<384x64xf32> -> vector<384x64xf32>
    %slice3A_358 = vector.extract_strided_slice %dot_general3A_272 {offsets = [0, 32], sizes = [384, 8], strides = [1, 1]} : vector<384x96xf32> to vector<384x8xf32>
    %slice3A_359 = vector.extract_strided_slice %get3A_36 {offsets = [8, 0], sizes = [8, 64], strides = [1, 1]} : vector<24x64xf32> to vector<8x64xf32>
    %dot_general3A_360 = arith.constant dense<0.000000e+00> : vector<384x64xf32>
    %dot_general3A_361 = tpu.matmul %slice3A_358, %slice3A_359, %dot_general3A_360 {dimension_numbers = #tpu.dot_dimension_numbers<[1], [0], [0], [1], [0, 0, 1, 1], [], []>, transpose_lhs_hint = false} : vector<384x8xf32>, vector<8x64xf32>, vector<384x64xf32> -> vector<384x64xf32>
    %add3A_362 = arith.addf %dot_general3A_357, %dot_general3A_361 : vector<384x64xf32>
    %slice3A_363 = vector.extract_strided_slice %sub3A_278 {offsets = [0, 32], sizes = [384, 8], strides = [1, 1]} : vector<384x96xf32> to vector<384x8xf32>
    %slice3A_364 = vector.extract_strided_slice %get3A_36 {offsets = [16, 0], sizes = [8, 64], strides = [1, 1]} : vector<24x64xf32> to vector<8x64xf32>
    %dot_general3A_365 = arith.constant dense<0.000000e+00> : vector<384x64xf32>
    %dot_general3A_366 = tpu.matmul %slice3A_363, %slice3A_364, %dot_general3A_365 {dimension_numbers = #tpu.dot_dimension_numbers<[1], [0], [0], [1], [0, 0, 1, 1], [], []>, transpose_lhs_hint = false} : vector<384x8xf32>, vector<8x64xf32>, vector<384x64xf32> -> vector<384x64xf32>
    %add3A_367 = arith.addf %add3A_362, %dot_general3A_366 : vector<384x64xf32>
    %add3A_368 = vector.broadcast %get3A_39 : vector<1x64xf32> to vector<384x64xf32>
    %add3A_369 = arith.addf %add3A_367, %add3A_368 : vector<384x64xf32>
    %max3A_370 = arith.constant 0.000000e+00 : f32
    %max3A_371 = vector.broadcast %max3A_370 : f32 to vector<384x64xf32>
    %max3A_372 = arith.maximumf %add3A_369, %max3A_371 : vector<384x64xf32>
    %slice3A_373 = vector.extract_strided_slice %concatenate3A_270 {offsets = [0, 40], sizes = [384, 8], strides = [1, 1]} : vector<384x96xf32> to vector<384x8xf32>
    %slice3A_374 = vector.extract_strided_slice %get3A_36 {offsets = [0, 0], sizes = [8, 64], strides = [1, 1]} : vector<24x64xf32> to vector<8x64xf32>
    %dot_general3A_375 = arith.constant dense<0.000000e+00> : vector<384x64xf32>
    %dot_general3A_376 = tpu.matmul %slice3A_373, %slice3A_374, %dot_general3A_375 {dimension_numbers = #tpu.dot_dimension_numbers<[1], [0], [0], [1], [0, 0, 1, 1], [], []>, transpose_lhs_hint = false} : vector<384x8xf32>, vector<8x64xf32>, vector<384x64xf32> -> vector<384x64xf32>
    %slice3A_377 = vector.extract_strided_slice %dot_general3A_272 {offsets = [0, 40], sizes = [384, 8], strides = [1, 1]} : vector<384x96xf32> to vector<384x8xf32>
    %slice3A_378 = vector.extract_strided_slice %get3A_36 {offsets = [8, 0], sizes = [8, 64], strides = [1, 1]} : vector<24x64xf32> to vector<8x64xf32>
    %dot_general3A_379 = arith.constant dense<0.000000e+00> : vector<384x64xf32>
    %dot_general3A_380 = tpu.matmul %slice3A_377, %slice3A_378, %dot_general3A_379 {dimension_numbers = #tpu.dot_dimension_numbers<[1], [0], [0], [1], [0, 0, 1, 1], [], []>, transpose_lhs_hint = false} : vector<384x8xf32>, vector<8x64xf32>, vector<384x64xf32> -> vector<384x64xf32>
    %add3A_381 = arith.addf %dot_general3A_376, %dot_general3A_380 : vector<384x64xf32>
    %slice3A_382 = vector.extract_strided_slice %sub3A_278 {offsets = [0, 40], sizes = [384, 8], strides = [1, 1]} : vector<384x96xf32> to vector<384x8xf32>
    %slice3A_383 = vector.extract_strided_slice %get3A_36 {offsets = [16, 0], sizes = [8, 64], strides = [1, 1]} : vector<24x64xf32> to vector<8x64xf32>
    %dot_general3A_384 = arith.constant dense<0.000000e+00> : vector<384x64xf32>
    %dot_general3A_385 = tpu.matmul %slice3A_382, %slice3A_383, %dot_general3A_384 {dimension_numbers = #tpu.dot_dimension_numbers<[1], [0], [0], [1], [0, 0, 1, 1], [], []>, transpose_lhs_hint = false} : vector<384x8xf32>, vector<8x64xf32>, vector<384x64xf32> -> vector<384x64xf32>
    %add3A_386 = arith.addf %add3A_381, %dot_general3A_385 : vector<384x64xf32>
    %add3A_387 = vector.broadcast %get3A_39 : vector<1x64xf32> to vector<384x64xf32>
    %add3A_388 = arith.addf %add3A_386, %add3A_387 : vector<384x64xf32>
    %max3A_389 = arith.constant 0.000000e+00 : f32
    %max3A_390 = vector.broadcast %max3A_389 : f32 to vector<384x64xf32>
    %max3A_391 = arith.maximumf %add3A_388, %max3A_390 : vector<384x64xf32>
    %slice3A_392 = vector.extract_strided_slice %concatenate3A_270 {offsets = [0, 48], sizes = [384, 8], strides = [1, 1]} : vector<384x96xf32> to vector<384x8xf32>
    %slice3A_393 = vector.extract_strided_slice %get3A_36 {offsets = [0, 0], sizes = [8, 64], strides = [1, 1]} : vector<24x64xf32> to vector<8x64xf32>
    %dot_general3A_394 = arith.constant dense<0.000000e+00> : vector<384x64xf32>
    %dot_general3A_395 = tpu.matmul %slice3A_392, %slice3A_393, %dot_general3A_394 {dimension_numbers = #tpu.dot_dimension_numbers<[1], [0], [0], [1], [0, 0, 1, 1], [], []>, transpose_lhs_hint = false} : vector<384x8xf32>, vector<8x64xf32>, vector<384x64xf32> -> vector<384x64xf32>
    %slice3A_396 = vector.extract_strided_slice %dot_general3A_272 {offsets = [0, 48], sizes = [384, 8], strides = [1, 1]} : vector<384x96xf32> to vector<384x8xf32>
    %slice3A_397 = vector.extract_strided_slice %get3A_36 {offsets = [8, 0], sizes = [8, 64], strides = [1, 1]} : vector<24x64xf32> to vector<8x64xf32>
    %dot_general3A_398 = arith.constant dense<0.000000e+00> : vector<384x64xf32>
    %dot_general3A_399 = tpu.matmul %slice3A_396, %slice3A_397, %dot_general3A_398 {dimension_numbers = #tpu.dot_dimension_numbers<[1], [0], [0], [1], [0, 0, 1, 1], [], []>, transpose_lhs_hint = false} : vector<384x8xf32>, vector<8x64xf32>, vector<384x64xf32> -> vector<384x64xf32>
    %add3A_400 = arith.addf %dot_general3A_395, %dot_general3A_399 : vector<384x64xf32>
    %slice3A_401 = vector.extract_strided_slice %sub3A_278 {offsets = [0, 48], sizes = [384, 8], strides = [1, 1]} : vector<384x96xf32> to vector<384x8xf32>
    %slice3A_402 = vector.extract_strided_slice %get3A_36 {offsets = [16, 0], sizes = [8, 64], strides = [1, 1]} : vector<24x64xf32> to vector<8x64xf32>
    %dot_general3A_403 = arith.constant dense<0.000000e+00> : vector<384x64xf32>
    %dot_general3A_404 = tpu.matmul %slice3A_401, %slice3A_402, %dot_general3A_403 {dimension_numbers = #tpu.dot_dimension_numbers<[1], [0], [0], [1], [0, 0, 1, 1], [], []>, transpose_lhs_hint = false} : vector<384x8xf32>, vector<8x64xf32>, vector<384x64xf32> -> vector<384x64xf32>
    %add3A_405 = arith.addf %add3A_400, %dot_general3A_404 : vector<384x64xf32>
    %add3A_406 = vector.broadcast %get3A_39 : vector<1x64xf32> to vector<384x64xf32>
    %add3A_407 = arith.addf %add3A_405, %add3A_406 : vector<384x64xf32>
    %max3A_408 = arith.constant 0.000000e+00 : f32
    %max3A_409 = vector.broadcast %max3A_408 : f32 to vector<384x64xf32>
    %max3A_410 = arith.maximumf %add3A_407, %max3A_409 : vector<384x64xf32>
    %slice3A_411 = vector.extract_strided_slice %concatenate3A_270 {offsets = [0, 56], sizes = [384, 8], strides = [1, 1]} : vector<384x96xf32> to vector<384x8xf32>
    %slice3A_412 = vector.extract_strided_slice %get3A_36 {offsets = [0, 0], sizes = [8, 64], strides = [1, 1]} : vector<24x64xf32> to vector<8x64xf32>
    %dot_general3A_413 = arith.constant dense<0.000000e+00> : vector<384x64xf32>
    %dot_general3A_414 = tpu.matmul %slice3A_411, %slice3A_412, %dot_general3A_413 {dimension_numbers = #tpu.dot_dimension_numbers<[1], [0], [0], [1], [0, 0, 1, 1], [], []>, transpose_lhs_hint = false} : vector<384x8xf32>, vector<8x64xf32>, vector<384x64xf32> -> vector<384x64xf32>
    %slice3A_415 = vector.extract_strided_slice %dot_general3A_272 {offsets = [0, 56], sizes = [384, 8], strides = [1, 1]} : vector<384x96xf32> to vector<384x8xf32>
    %slice3A_416 = vector.extract_strided_slice %get3A_36 {offsets = [8, 0], sizes = [8, 64], strides = [1, 1]} : vector<24x64xf32> to vector<8x64xf32>
    %dot_general3A_417 = arith.constant dense<0.000000e+00> : vector<384x64xf32>
    %dot_general3A_418 = tpu.matmul %slice3A_415, %slice3A_416, %dot_general3A_417 {dimension_numbers = #tpu.dot_dimension_numbers<[1], [0], [0], [1], [0, 0, 1, 1], [], []>, transpose_lhs_hint = false} : vector<384x8xf32>, vector<8x64xf32>, vector<384x64xf32> -> vector<384x64xf32>
    %add3A_419 = arith.addf %dot_general3A_414, %dot_general3A_418 : vector<384x64xf32>
    %slice3A_420 = vector.extract_strided_slice %sub3A_278 {offsets = [0, 56], sizes = [384, 8], strides = [1, 1]} : vector<384x96xf32> to vector<384x8xf32>
    %slice3A_421 = vector.extract_strided_slice %get3A_36 {offsets = [16, 0], sizes = [8, 64], strides = [1, 1]} : vector<24x64xf32> to vector<8x64xf32>
    %dot_general3A_422 = arith.constant dense<0.000000e+00> : vector<384x64xf32>
    %dot_general3A_423 = tpu.matmul %slice3A_420, %slice3A_421, %dot_general3A_422 {dimension_numbers = #tpu.dot_dimension_numbers<[1], [0], [0], [1], [0, 0, 1, 1], [], []>, transpose_lhs_hint = false} : vector<384x8xf32>, vector<8x64xf32>, vector<384x64xf32> -> vector<384x64xf32>
    %add3A_424 = arith.addf %add3A_419, %dot_general3A_423 : vector<384x64xf32>
    %add3A_425 = vector.broadcast %get3A_39 : vector<1x64xf32> to vector<384x64xf32>
    %add3A_426 = arith.addf %add3A_424, %add3A_425 : vector<384x64xf32>
    %max3A_427 = arith.constant 0.000000e+00 : f32
    %max3A_428 = vector.broadcast %max3A_427 : f32 to vector<384x64xf32>
    %max3A_429 = arith.maximumf %add3A_426, %max3A_428 : vector<384x64xf32>
    %slice3A_430 = vector.extract_strided_slice %concatenate3A_270 {offsets = [0, 64], sizes = [384, 8], strides = [1, 1]} : vector<384x96xf32> to vector<384x8xf32>
    %slice3A_431 = vector.extract_strided_slice %get3A_36 {offsets = [0, 0], sizes = [8, 64], strides = [1, 1]} : vector<24x64xf32> to vector<8x64xf32>
    %dot_general3A_432 = arith.constant dense<0.000000e+00> : vector<384x64xf32>
    %dot_general3A_433 = tpu.matmul %slice3A_430, %slice3A_431, %dot_general3A_432 {dimension_numbers = #tpu.dot_dimension_numbers<[1], [0], [0], [1], [0, 0, 1, 1], [], []>, transpose_lhs_hint = false} : vector<384x8xf32>, vector<8x64xf32>, vector<384x64xf32> -> vector<384x64xf32>
    %slice3A_434 = vector.extract_strided_slice %dot_general3A_272 {offsets = [0, 64], sizes = [384, 8], strides = [1, 1]} : vector<384x96xf32> to vector<384x8xf32>
    %slice3A_435 = vector.extract_strided_slice %get3A_36 {offsets = [8, 0], sizes = [8, 64], strides = [1, 1]} : vector<24x64xf32> to vector<8x64xf32>
    %dot_general3A_436 = arith.constant dense<0.000000e+00> : vector<384x64xf32>
    %dot_general3A_437 = tpu.matmul %slice3A_434, %slice3A_435, %dot_general3A_436 {dimension_numbers = #tpu.dot_dimension_numbers<[1], [0], [0], [1], [0, 0, 1, 1], [], []>, transpose_lhs_hint = false} : vector<384x8xf32>, vector<8x64xf32>, vector<384x64xf32> -> vector<384x64xf32>
    %add3A_438 = arith.addf %dot_general3A_433, %dot_general3A_437 : vector<384x64xf32>
    %slice3A_439 = vector.extract_strided_slice %sub3A_278 {offsets = [0, 64], sizes = [384, 8], strides = [1, 1]} : vector<384x96xf32> to vector<384x8xf32>
    %slice3A_440 = vector.extract_strided_slice %get3A_36 {offsets = [16, 0], sizes = [8, 64], strides = [1, 1]} : vector<24x64xf32> to vector<8x64xf32>
    %dot_general3A_441 = arith.constant dense<0.000000e+00> : vector<384x64xf32>
    %dot_general3A_442 = tpu.matmul %slice3A_439, %slice3A_440, %dot_general3A_441 {dimension_numbers = #tpu.dot_dimension_numbers<[1], [0], [0], [1], [0, 0, 1, 1], [], []>, transpose_lhs_hint = false} : vector<384x8xf32>, vector<8x64xf32>, vector<384x64xf32> -> vector<384x64xf32>
    %add3A_443 = arith.addf %add3A_438, %dot_general3A_442 : vector<384x64xf32>
    %add3A_444 = vector.broadcast %get3A_39 : vector<1x64xf32> to vector<384x64xf32>
    %add3A_445 = arith.addf %add3A_443, %add3A_444 : vector<384x64xf32>
    %max3A_446 = arith.constant 0.000000e+00 : f32
    %max3A_447 = vector.broadcast %max3A_446 : f32 to vector<384x64xf32>
    %max3A_448 = arith.maximumf %add3A_445, %max3A_447 : vector<384x64xf32>
    %slice3A_449 = vector.extract_strided_slice %concatenate3A_270 {offsets = [0, 72], sizes = [384, 8], strides = [1, 1]} : vector<384x96xf32> to vector<384x8xf32>
    %slice3A_450 = vector.extract_strided_slice %get3A_36 {offsets = [0, 0], sizes = [8, 64], strides = [1, 1]} : vector<24x64xf32> to vector<8x64xf32>
    %dot_general3A_451 = arith.constant dense<0.000000e+00> : vector<384x64xf32>
    %dot_general3A_452 = tpu.matmul %slice3A_449, %slice3A_450, %dot_general3A_451 {dimension_numbers = #tpu.dot_dimension_numbers<[1], [0], [0], [1], [0, 0, 1, 1], [], []>, transpose_lhs_hint = false} : vector<384x8xf32>, vector<8x64xf32>, vector<384x64xf32> -> vector<384x64xf32>
    %slice3A_453 = vector.extract_strided_slice %dot_general3A_272 {offsets = [0, 72], sizes = [384, 8], strides = [1, 1]} : vector<384x96xf32> to vector<384x8xf32>
    %slice3A_454 = vector.extract_strided_slice %get3A_36 {offsets = [8, 0], sizes = [8, 64], strides = [1, 1]} : vector<24x64xf32> to vector<8x64xf32>
    %dot_general3A_455 = arith.constant dense<0.000000e+00> : vector<384x64xf32>
    %dot_general3A_456 = tpu.matmul %slice3A_453, %slice3A_454, %dot_general3A_455 {dimension_numbers = #tpu.dot_dimension_numbers<[1], [0], [0], [1], [0, 0, 1, 1], [], []>, transpose_lhs_hint = false} : vector<384x8xf32>, vector<8x64xf32>, vector<384x64xf32> -> vector<384x64xf32>
    %add3A_457 = arith.addf %dot_general3A_452, %dot_general3A_456 : vector<384x64xf32>
    %slice3A_458 = vector.extract_strided_slice %sub3A_278 {offsets = [0, 72], sizes = [384, 8], strides = [1, 1]} : vector<384x96xf32> to vector<384x8xf32>
    %slice3A_459 = vector.extract_strided_slice %get3A_36 {offsets = [16, 0], sizes = [8, 64], strides = [1, 1]} : vector<24x64xf32> to vector<8x64xf32>
    %dot_general3A_460 = arith.constant dense<0.000000e+00> : vector<384x64xf32>
    %dot_general3A_461 = tpu.matmul %slice3A_458, %slice3A_459, %dot_general3A_460 {dimension_numbers = #tpu.dot_dimension_numbers<[1], [0], [0], [1], [0, 0, 1, 1], [], []>, transpose_lhs_hint = false} : vector<384x8xf32>, vector<8x64xf32>, vector<384x64xf32> -> vector<384x64xf32>
    %add3A_462 = arith.addf %add3A_457, %dot_general3A_461 : vector<384x64xf32>
    %add3A_463 = vector.broadcast %get3A_39 : vector<1x64xf32> to vector<384x64xf32>
    %add3A_464 = arith.addf %add3A_462, %add3A_463 : vector<384x64xf32>
    %max3A_465 = arith.constant 0.000000e+00 : f32
    %max3A_466 = vector.broadcast %max3A_465 : f32 to vector<384x64xf32>
    %max3A_467 = arith.maximumf %add3A_464, %max3A_466 : vector<384x64xf32>
    %slice3A_468 = vector.extract_strided_slice %concatenate3A_270 {offsets = [0, 80], sizes = [384, 8], strides = [1, 1]} : vector<384x96xf32> to vector<384x8xf32>
    %slice3A_469 = vector.extract_strided_slice %get3A_36 {offsets = [0, 0], sizes = [8, 64], strides = [1, 1]} : vector<24x64xf32> to vector<8x64xf32>
    %dot_general3A_470 = arith.constant dense<0.000000e+00> : vector<384x64xf32>
    %dot_general3A_471 = tpu.matmul %slice3A_468, %slice3A_469, %dot_general3A_470 {dimension_numbers = #tpu.dot_dimension_numbers<[1], [0], [0], [1], [0, 0, 1, 1], [], []>, transpose_lhs_hint = false} : vector<384x8xf32>, vector<8x64xf32>, vector<384x64xf32> -> vector<384x64xf32>
    %slice3A_472 = vector.extract_strided_slice %dot_general3A_272 {offsets = [0, 80], sizes = [384, 8], strides = [1, 1]} : vector<384x96xf32> to vector<384x8xf32>
    %slice3A_473 = vector.extract_strided_slice %get3A_36 {offsets = [8, 0], sizes = [8, 64], strides = [1, 1]} : vector<24x64xf32> to vector<8x64xf32>
    %dot_general3A_474 = arith.constant dense<0.000000e+00> : vector<384x64xf32>
    %dot_general3A_475 = tpu.matmul %slice3A_472, %slice3A_473, %dot_general3A_474 {dimension_numbers = #tpu.dot_dimension_numbers<[1], [0], [0], [1], [0, 0, 1, 1], [], []>, transpose_lhs_hint = false} : vector<384x8xf32>, vector<8x64xf32>, vector<384x64xf32> -> vector<384x64xf32>
    %add3A_476 = arith.addf %dot_general3A_471, %dot_general3A_475 : vector<384x64xf32>
    %slice3A_477 = vector.extract_strided_slice %sub3A_278 {offsets = [0, 80], sizes = [384, 8], strides = [1, 1]} : vector<384x96xf32> to vector<384x8xf32>
    %slice3A_478 = vector.extract_strided_slice %get3A_36 {offsets = [16, 0], sizes = [8, 64], strides = [1, 1]} : vector<24x64xf32> to vector<8x64xf32>
    %dot_general3A_479 = arith.constant dense<0.000000e+00> : vector<384x64xf32>
    %dot_general3A_480 = tpu.matmul %slice3A_477, %slice3A_478, %dot_general3A_479 {dimension_numbers = #tpu.dot_dimension_numbers<[1], [0], [0], [1], [0, 0, 1, 1], [], []>, transpose_lhs_hint = false} : vector<384x8xf32>, vector<8x64xf32>, vector<384x64xf32> -> vector<384x64xf32>
    %add3A_481 = arith.addf %add3A_476, %dot_general3A_480 : vector<384x64xf32>
    %add3A_482 = vector.broadcast %get3A_39 : vector<1x64xf32> to vector<384x64xf32>
    %add3A_483 = arith.addf %add3A_481, %add3A_482 : vector<384x64xf32>
    %max3A_484 = arith.constant 0.000000e+00 : f32
    %max3A_485 = vector.broadcast %max3A_484 : f32 to vector<384x64xf32>
    %max3A_486 = arith.maximumf %add3A_483, %max3A_485 : vector<384x64xf32>
    %slice3A_487 = vector.extract_strided_slice %concatenate3A_270 {offsets = [0, 88], sizes = [384, 8], strides = [1, 1]} : vector<384x96xf32> to vector<384x8xf32>
    %slice3A_488 = vector.extract_strided_slice %get3A_36 {offsets = [0, 0], sizes = [8, 64], strides = [1, 1]} : vector<24x64xf32> to vector<8x64xf32>
    %dot_general3A_489 = arith.constant dense<0.000000e+00> : vector<384x64xf32>
    %dot_general3A_490 = tpu.matmul %slice3A_487, %slice3A_488, %dot_general3A_489 {dimension_numbers = #tpu.dot_dimension_numbers<[1], [0], [0], [1], [0, 0, 1, 1], [], []>, transpose_lhs_hint = false} : vector<384x8xf32>, vector<8x64xf32>, vector<384x64xf32> -> vector<384x64xf32>
    %slice3A_491 = vector.extract_strided_slice %dot_general3A_272 {offsets = [0, 88], sizes = [384, 8], strides = [1, 1]} : vector<384x96xf32> to vector<384x8xf32>
    %slice3A_492 = vector.extract_strided_slice %get3A_36 {offsets = [8, 0], sizes = [8, 64], strides = [1, 1]} : vector<24x64xf32> to vector<8x64xf32>
    %dot_general3A_493 = arith.constant dense<0.000000e+00> : vector<384x64xf32>
    %dot_general3A_494 = tpu.matmul %slice3A_491, %slice3A_492, %dot_general3A_493 {dimension_numbers = #tpu.dot_dimension_numbers<[1], [0], [0], [1], [0, 0, 1, 1], [], []>, transpose_lhs_hint = false} : vector<384x8xf32>, vector<8x64xf32>, vector<384x64xf32> -> vector<384x64xf32>
    %add3A_495 = arith.addf %dot_general3A_490, %dot_general3A_494 : vector<384x64xf32>
    %slice3A_496 = vector.extract_strided_slice %sub3A_278 {offsets = [0, 88], sizes = [384, 8], strides = [1, 1]} : vector<384x96xf32> to vector<384x8xf32>
    %slice3A_497 = vector.extract_strided_slice %get3A_36 {offsets = [16, 0], sizes = [8, 64], strides = [1, 1]} : vector<24x64xf32> to vector<8x64xf32>
    %dot_general3A_498 = arith.constant dense<0.000000e+00> : vector<384x64xf32>
    %dot_general3A_499 = tpu.matmul %slice3A_496, %slice3A_497, %dot_general3A_498 {dimension_numbers = #tpu.dot_dimension_numbers<[1], [0], [0], [1], [0, 0, 1, 1], [], []>, transpose_lhs_hint = false} : vector<384x8xf32>, vector<8x64xf32>, vector<384x64xf32> -> vector<384x64xf32>
    %add3A_500 = arith.addf %add3A_495, %dot_general3A_499 : vector<384x64xf32>
    %add3A_501 = vector.broadcast %get3A_39 : vector<1x64xf32> to vector<384x64xf32>
    %add3A_502 = arith.addf %add3A_500, %add3A_501 : vector<384x64xf32>
    %max3A_503 = arith.constant 0.000000e+00 : f32
    %max3A_504 = vector.broadcast %max3A_503 : f32 to vector<384x64xf32>
    %max3A_505 = arith.maximumf %add3A_502, %max3A_504 : vector<384x64xf32>
    %slice3A_506 = vector.extract_strided_slice %get3A_42 {offsets = [0, 0], sizes = [64, 64], strides = [1, 1]} : vector<192x64xf32> to vector<64x64xf32>
    %slice3A_507 = vector.extract_strided_slice %get3A_42 {offsets = [64, 0], sizes = [64, 64], strides = [1, 1]} : vector<192x64xf32> to vector<64x64xf32>
    %slice3A_508 = vector.extract_strided_slice %get3A_42 {offsets = [128, 0], sizes = [64, 64], strides = [1, 1]} : vector<192x64xf32> to vector<64x64xf32>
    %dot_general3A_509 = arith.constant dense<0.000000e+00> : vector<384x64xf32>
    %dot_general3A_510 = tpu.matmul %slice3A, %get3A_48, %dot_general3A_509 {dimension_numbers = #tpu.dot_dimension_numbers<[1], [0], [0], [1], [0, 0, 1, 1], [], []>, transpose_lhs_hint = false} : vector<384x8xf32>, vector<8x64xf32>, vector<384x64xf32> -> vector<384x64xf32>
    %add3A_511 = vector.broadcast %get3A_45 : vector<1x64xf32> to vector<384x64xf32>
    %add3A_512 = arith.addf %add3A_511, %dot_general3A_510 : vector<384x64xf32>
    %add3A_513 = vector.broadcast %get3A_51 : vector<1x64xf32> to vector<384x64xf32>
    %add3A_514 = arith.addf %add3A_512, %add3A_513 : vector<384x64xf32>
    %dot_general3A_515 = arith.constant dense<0.000000e+00> : vector<384x64xf32>
    %dot_general3A_516 = tpu.matmul %max3A_296, %slice3A_507, %dot_general3A_515 {dimension_numbers = #tpu.dot_dimension_numbers<[1], [0], [0], [1], [0, 0, 1, 1], [], []>, transpose_lhs_hint = false} : vector<384x64xf32>, vector<64x64xf32>, vector<384x64xf32> -> vector<384x64xf32>
    %add3A_517 = arith.addf %add3A_514, %dot_general3A_516 : vector<384x64xf32>
    %dot_general3A_518 = arith.constant dense<0.000000e+00> : vector<384x64xf32>
    %dot_general3A_519 = tpu.matmul %max3A_315, %slice3A_508, %dot_general3A_518 {dimension_numbers = #tpu.dot_dimension_numbers<[1], [0], [0], [1], [0, 0, 1, 1], [], []>, transpose_lhs_hint = false} : vector<384x64xf32>, vector<64x64xf32>, vector<384x64xf32> -> vector<384x64xf32>
    %add3A_520 = arith.addf %add3A_517, %dot_general3A_519 : vector<384x64xf32>
    %max3A_521 = arith.constant 0.000000e+00 : f32
    %max3A_522 = vector.broadcast %max3A_521 : f32 to vector<384x64xf32>
    %max3A_523 = arith.maximumf %add3A_520, %max3A_522 : vector<384x64xf32>
    %reduce_sum3A_524 = arith.constant dense<0.000000e+00> : vector<384xf32>
    %reduce_sum3A_525 = vector.multi_reduction <add>, %max3A_523, %reduce_sum3A_524 [1] : vector<384x64xf32> to vector<384xf32>
    %broadcast_in_dim3A_526 = vector.shape_cast %reduce_sum3A_525 : vector<384xf32> to vector<384x1xf32>
    %div3A_527 = arith.constant 6.400000e+01 : f32
    %div3A_528 = vector.broadcast %div3A_527 : f32 to vector<384x1xf32>
    %div3A_529 = arith.divf %broadcast_in_dim3A_526, %div3A_528 : vector<384x1xf32>
    %mul3A_530 = arith.mulf %max3A_523, %max3A_523 : vector<384x64xf32>
    %reduce_sum3A_531 = arith.constant dense<0.000000e+00> : vector<384xf32>
    %reduce_sum3A_532 = vector.multi_reduction <add>, %mul3A_530, %reduce_sum3A_531 [1] : vector<384x64xf32> to vector<384xf32>
    %broadcast_in_dim3A_533 = vector.shape_cast %reduce_sum3A_532 : vector<384xf32> to vector<384x1xf32>
    %div3A_534 = arith.constant 6.400000e+01 : f32
    %div3A_535 = vector.broadcast %div3A_534 : f32 to vector<384x1xf32>
    %div3A_536 = arith.divf %broadcast_in_dim3A_533, %div3A_535 : vector<384x1xf32>
    %mul3A_537 = arith.mulf %div3A_529, %div3A_529 : vector<384x1xf32>
    %sub3A_538 = arith.subf %div3A_536, %mul3A_537 : vector<384x1xf32>
    %sub3A_539 = vector.broadcast %div3A_529 : vector<384x1xf32> to vector<384x64xf32>
    %sub3A_540 = arith.subf %max3A_523, %sub3A_539 : vector<384x64xf32>
    %add3A_541 = arith.constant 9.99999974E-6 : f32
    %add3A_542 = vector.broadcast %add3A_541 : f32 to vector<384x1xf32>
    %add3A_543 = arith.addf %sub3A_538, %add3A_542 : vector<384x1xf32>
    %rsqrt3A = math.rsqrt %add3A_543 : vector<384x1xf32>
    %mul3A_544 = vector.broadcast %rsqrt3A : vector<384x1xf32> to vector<384x64xf32>
    %mul3A_545 = arith.mulf %sub3A_540, %mul3A_544 : vector<384x64xf32>
    %mul3A_546 = vector.broadcast %get3A_54 : vector<1x64xf32> to vector<384x64xf32>
    %mul3A_547 = arith.mulf %mul3A_545, %mul3A_546 : vector<384x64xf32>
    %add3A_548 = vector.broadcast %get3A_57 : vector<1x64xf32> to vector<384x64xf32>
    %add3A_549 = arith.addf %mul3A_547, %add3A_548 : vector<384x64xf32>
    %dot_general3A_550 = arith.constant dense<0.000000e+00> : vector<384x64xf32>
    %dot_general3A_551 = tpu.matmul %slice3A_61, %get3A_48, %dot_general3A_550 {dimension_numbers = #tpu.dot_dimension_numbers<[1], [0], [0], [1], [0, 0, 1, 1], [], []>, transpose_lhs_hint = false} : vector<384x8xf32>, vector<8x64xf32>, vector<384x64xf32> -> vector<384x64xf32>
    %add3A_552 = vector.broadcast %get3A_45 : vector<1x64xf32> to vector<384x64xf32>
    %add3A_553 = arith.addf %add3A_552, %dot_general3A_551 : vector<384x64xf32>
    %add3A_554 = vector.broadcast %get3A_51 : vector<1x64xf32> to vector<384x64xf32>
    %add3A_555 = arith.addf %add3A_553, %add3A_554 : vector<384x64xf32>
    %dot_general3A_556 = arith.constant dense<0.000000e+00> : vector<384x64xf32>
    %dot_general3A_557 = tpu.matmul %max3A_296, %slice3A_506, %dot_general3A_556 {dimension_numbers = #tpu.dot_dimension_numbers<[1], [0], [0], [1], [0, 0, 1, 1], [], []>, transpose_lhs_hint = false} : vector<384x64xf32>, vector<64x64xf32>, vector<384x64xf32> -> vector<384x64xf32>
    %add3A_558 = arith.addf %add3A_555, %dot_general3A_557 : vector<384x64xf32>
    %dot_general3A_559 = arith.constant dense<0.000000e+00> : vector<384x64xf32>
    %dot_general3A_560 = tpu.matmul %max3A_315, %slice3A_507, %dot_general3A_559 {dimension_numbers = #tpu.dot_dimension_numbers<[1], [0], [0], [1], [0, 0, 1, 1], [], []>, transpose_lhs_hint = false} : vector<384x64xf32>, vector<64x64xf32>, vector<384x64xf32> -> vector<384x64xf32>
    %add3A_561 = arith.addf %add3A_558, %dot_general3A_560 : vector<384x64xf32>
    %dot_general3A_562 = arith.constant dense<0.000000e+00> : vector<384x64xf32>
    %dot_general3A_563 = tpu.matmul %max3A_334, %slice3A_508, %dot_general3A_562 {dimension_numbers = #tpu.dot_dimension_numbers<[1], [0], [0], [1], [0, 0, 1, 1], [], []>, transpose_lhs_hint = false} : vector<384x64xf32>, vector<64x64xf32>, vector<384x64xf32> -> vector<384x64xf32>
    %add3A_564 = arith.addf %add3A_561, %dot_general3A_563 : vector<384x64xf32>
    %max3A_565 = arith.constant 0.000000e+00 : f32
    %max3A_566 = vector.broadcast %max3A_565 : f32 to vector<384x64xf32>
    %max3A_567 = arith.maximumf %add3A_564, %max3A_566 : vector<384x64xf32>
    %reduce_sum3A_568 = arith.constant dense<0.000000e+00> : vector<384xf32>
    %reduce_sum3A_569 = vector.multi_reduction <add>, %max3A_567, %reduce_sum3A_568 [1] : vector<384x64xf32> to vector<384xf32>
    %broadcast_in_dim3A_570 = vector.shape_cast %reduce_sum3A_569 : vector<384xf32> to vector<384x1xf32>
    %div3A_571 = arith.constant 6.400000e+01 : f32
    %div3A_572 = vector.broadcast %div3A_571 : f32 to vector<384x1xf32>
    %div3A_573 = arith.divf %broadcast_in_dim3A_570, %div3A_572 : vector<384x1xf32>
    %mul3A_574 = arith.mulf %max3A_567, %max3A_567 : vector<384x64xf32>
    %reduce_sum3A_575 = arith.constant dense<0.000000e+00> : vector<384xf32>
    %reduce_sum3A_576 = vector.multi_reduction <add>, %mul3A_574, %reduce_sum3A_575 [1] : vector<384x64xf32> to vector<384xf32>
    %broadcast_in_dim3A_577 = vector.shape_cast %reduce_sum3A_576 : vector<384xf32> to vector<384x1xf32>
    %div3A_578 = arith.constant 6.400000e+01 : f32
    %div3A_579 = vector.broadcast %div3A_578 : f32 to vector<384x1xf32>
    %div3A_580 = arith.divf %broadcast_in_dim3A_577, %div3A_579 : vector<384x1xf32>
    %mul3A_581 = arith.mulf %div3A_573, %div3A_573 : vector<384x1xf32>
    %sub3A_582 = arith.subf %div3A_580, %mul3A_581 : vector<384x1xf32>
    %sub3A_583 = vector.broadcast %div3A_573 : vector<384x1xf32> to vector<384x64xf32>
    %sub3A_584 = arith.subf %max3A_567, %sub3A_583 : vector<384x64xf32>
    %add3A_585 = arith.constant 9.99999974E-6 : f32
    %add3A_586 = vector.broadcast %add3A_585 : f32 to vector<384x1xf32>
    %add3A_587 = arith.addf %sub3A_582, %add3A_586 : vector<384x1xf32>
    %rsqrt3A_588 = math.rsqrt %add3A_587 : vector<384x1xf32>
    %mul3A_589 = vector.broadcast %rsqrt3A_588 : vector<384x1xf32> to vector<384x64xf32>
    %mul3A_590 = arith.mulf %sub3A_584, %mul3A_589 : vector<384x64xf32>
    %mul3A_591 = vector.broadcast %get3A_54 : vector<1x64xf32> to vector<384x64xf32>
    %mul3A_592 = arith.mulf %mul3A_590, %mul3A_591 : vector<384x64xf32>
    %add3A_593 = vector.broadcast %get3A_57 : vector<1x64xf32> to vector<384x64xf32>
    %add3A_594 = arith.addf %mul3A_592, %add3A_593 : vector<384x64xf32>
    %dot_general3A_595 = arith.constant dense<0.000000e+00> : vector<384x64xf32>
    %dot_general3A_596 = tpu.matmul %slice3A_62, %get3A_48, %dot_general3A_595 {dimension_numbers = #tpu.dot_dimension_numbers<[1], [0], [0], [1], [0, 0, 1, 1], [], []>, transpose_lhs_hint = false} : vector<384x8xf32>, vector<8x64xf32>, vector<384x64xf32> -> vector<384x64xf32>
    %add3A_597 = vector.broadcast %get3A_45 : vector<1x64xf32> to vector<384x64xf32>
    %add3A_598 = arith.addf %add3A_597, %dot_general3A_596 : vector<384x64xf32>
    %add3A_599 = vector.broadcast %get3A_51 : vector<1x64xf32> to vector<384x64xf32>
    %add3A_600 = arith.addf %add3A_598, %add3A_599 : vector<384x64xf32>
    %dot_general3A_601 = arith.constant dense<0.000000e+00> : vector<384x64xf32>
    %dot_general3A_602 = tpu.matmul %max3A_315, %slice3A_506, %dot_general3A_601 {dimension_numbers = #tpu.dot_dimension_numbers<[1], [0], [0], [1], [0, 0, 1, 1], [], []>, transpose_lhs_hint = false} : vector<384x64xf32>, vector<64x64xf32>, vector<384x64xf32> -> vector<384x64xf32>
    %add3A_603 = arith.addf %add3A_600, %dot_general3A_602 : vector<384x64xf32>
    %dot_general3A_604 = arith.constant dense<0.000000e+00> : vector<384x64xf32>
    %dot_general3A_605 = tpu.matmul %max3A_334, %slice3A_507, %dot_general3A_604 {dimension_numbers = #tpu.dot_dimension_numbers<[1], [0], [0], [1], [0, 0, 1, 1], [], []>, transpose_lhs_hint = false} : vector<384x64xf32>, vector<64x64xf32>, vector<384x64xf32> -> vector<384x64xf32>
    %add3A_606 = arith.addf %add3A_603, %dot_general3A_605 : vector<384x64xf32>
    %dot_general3A_607 = arith.constant dense<0.000000e+00> : vector<384x64xf32>
    %dot_general3A_608 = tpu.matmul %max3A_353, %slice3A_508, %dot_general3A_607 {dimension_numbers = #tpu.dot_dimension_numbers<[1], [0], [0], [1], [0, 0, 1, 1], [], []>, transpose_lhs_hint = false} : vector<384x64xf32>, vector<64x64xf32>, vector<384x64xf32> -> vector<384x64xf32>
    %add3A_609 = arith.addf %add3A_606, %dot_general3A_608 : vector<384x64xf32>
    %max3A_610 = arith.constant 0.000000e+00 : f32
    %max3A_611 = vector.broadcast %max3A_610 : f32 to vector<384x64xf32>
    %max3A_612 = arith.maximumf %add3A_609, %max3A_611 : vector<384x64xf32>
    %reduce_sum3A_613 = arith.constant dense<0.000000e+00> : vector<384xf32>
    %reduce_sum3A_614 = vector.multi_reduction <add>, %max3A_612, %reduce_sum3A_613 [1] : vector<384x64xf32> to vector<384xf32>
    %broadcast_in_dim3A_615 = vector.shape_cast %reduce_sum3A_614 : vector<384xf32> to vector<384x1xf32>
    %div3A_616 = arith.constant 6.400000e+01 : f32
    %div3A_617 = vector.broadcast %div3A_616 : f32 to vector<384x1xf32>
    %div3A_618 = arith.divf %broadcast_in_dim3A_615, %div3A_617 : vector<384x1xf32>
    %mul3A_619 = arith.mulf %max3A_612, %max3A_612 : vector<384x64xf32>
    %reduce_sum3A_620 = arith.constant dense<0.000000e+00> : vector<384xf32>
    %reduce_sum3A_621 = vector.multi_reduction <add>, %mul3A_619, %reduce_sum3A_620 [1] : vector<384x64xf32> to vector<384xf32>
    %broadcast_in_dim3A_622 = vector.shape_cast %reduce_sum3A_621 : vector<384xf32> to vector<384x1xf32>
    %div3A_623 = arith.constant 6.400000e+01 : f32
    %div3A_624 = vector.broadcast %div3A_623 : f32 to vector<384x1xf32>
    %div3A_625 = arith.divf %broadcast_in_dim3A_622, %div3A_624 : vector<384x1xf32>
    %mul3A_626 = arith.mulf %div3A_618, %div3A_618 : vector<384x1xf32>
    %sub3A_627 = arith.subf %div3A_625, %mul3A_626 : vector<384x1xf32>
    %sub3A_628 = vector.broadcast %div3A_618 : vector<384x1xf32> to vector<384x64xf32>
    %sub3A_629 = arith.subf %max3A_612, %sub3A_628 : vector<384x64xf32>
    %add3A_630 = arith.constant 9.99999974E-6 : f32
    %add3A_631 = vector.broadcast %add3A_630 : f32 to vector<384x1xf32>
    %add3A_632 = arith.addf %sub3A_627, %add3A_631 : vector<384x1xf32>
    %rsqrt3A_633 = math.rsqrt %add3A_632 : vector<384x1xf32>
    %mul3A_634 = vector.broadcast %rsqrt3A_633 : vector<384x1xf32> to vector<384x64xf32>
    %mul3A_635 = arith.mulf %sub3A_629, %mul3A_634 : vector<384x64xf32>
    %mul3A_636 = vector.broadcast %get3A_54 : vector<1x64xf32> to vector<384x64xf32>
    %mul3A_637 = arith.mulf %mul3A_635, %mul3A_636 : vector<384x64xf32>
    %add3A_638 = vector.broadcast %get3A_57 : vector<1x64xf32> to vector<384x64xf32>
    %add3A_639 = arith.addf %mul3A_637, %add3A_638 : vector<384x64xf32>
    %dot_general3A_640 = arith.constant dense<0.000000e+00> : vector<384x64xf32>
    %dot_general3A_641 = tpu.matmul %slice3A_63, %get3A_48, %dot_general3A_640 {dimension_numbers = #tpu.dot_dimension_numbers<[1], [0], [0], [1], [0, 0, 1, 1], [], []>, transpose_lhs_hint = false} : vector<384x8xf32>, vector<8x64xf32>, vector<384x64xf32> -> vector<384x64xf32>
    %add3A_642 = vector.broadcast %get3A_45 : vector<1x64xf32> to vector<384x64xf32>
    %add3A_643 = arith.addf %add3A_642, %dot_general3A_641 : vector<384x64xf32>
    %add3A_644 = vector.broadcast %get3A_51 : vector<1x64xf32> to vector<384x64xf32>
    %add3A_645 = arith.addf %add3A_643, %add3A_644 : vector<384x64xf32>
    %dot_general3A_646 = arith.constant dense<0.000000e+00> : vector<384x64xf32>
    %dot_general3A_647 = tpu.matmul %max3A_334, %slice3A_506, %dot_general3A_646 {dimension_numbers = #tpu.dot_dimension_numbers<[1], [0], [0], [1], [0, 0, 1, 1], [], []>, transpose_lhs_hint = false} : vector<384x64xf32>, vector<64x64xf32>, vector<384x64xf32> -> vector<384x64xf32>
    %add3A_648 = arith.addf %add3A_645, %dot_general3A_647 : vector<384x64xf32>
    %dot_general3A_649 = arith.constant dense<0.000000e+00> : vector<384x64xf32>
    %dot_general3A_650 = tpu.matmul %max3A_353, %slice3A_507, %dot_general3A_649 {dimension_numbers = #tpu.dot_dimension_numbers<[1], [0], [0], [1], [0, 0, 1, 1], [], []>, transpose_lhs_hint = false} : vector<384x64xf32>, vector<64x64xf32>, vector<384x64xf32> -> vector<384x64xf32>
    %add3A_651 = arith.addf %add3A_648, %dot_general3A_650 : vector<384x64xf32>
    %dot_general3A_652 = arith.constant dense<0.000000e+00> : vector<384x64xf32>
    %dot_general3A_653 = tpu.matmul %max3A_372, %slice3A_508, %dot_general3A_652 {dimension_numbers = #tpu.dot_dimension_numbers<[1], [0], [0], [1], [0, 0, 1, 1], [], []>, transpose_lhs_hint = false} : vector<384x64xf32>, vector<64x64xf32>, vector<384x64xf32> -> vector<384x64xf32>
    %add3A_654 = arith.addf %add3A_651, %dot_general3A_653 : vector<384x64xf32>
    %max3A_655 = arith.constant 0.000000e+00 : f32
    %max3A_656 = vector.broadcast %max3A_655 : f32 to vector<384x64xf32>
    %max3A_657 = arith.maximumf %add3A_654, %max3A_656 : vector<384x64xf32>
    %reduce_sum3A_658 = arith.constant dense<0.000000e+00> : vector<384xf32>
    %reduce_sum3A_659 = vector.multi_reduction <add>, %max3A_657, %reduce_sum3A_658 [1] : vector<384x64xf32> to vector<384xf32>
    %broadcast_in_dim3A_660 = vector.shape_cast %reduce_sum3A_659 : vector<384xf32> to vector<384x1xf32>
    %div3A_661 = arith.constant 6.400000e+01 : f32
    %div3A_662 = vector.broadcast %div3A_661 : f32 to vector<384x1xf32>
    %div3A_663 = arith.divf %broadcast_in_dim3A_660, %div3A_662 : vector<384x1xf32>
    %mul3A_664 = arith.mulf %max3A_657, %max3A_657 : vector<384x64xf32>
    %reduce_sum3A_665 = arith.constant dense<0.000000e+00> : vector<384xf32>
    %reduce_sum3A_666 = vector.multi_reduction <add>, %mul3A_664, %reduce_sum3A_665 [1] : vector<384x64xf32> to vector<384xf32>
    %broadcast_in_dim3A_667 = vector.shape_cast %reduce_sum3A_666 : vector<384xf32> to vector<384x1xf32>
    %div3A_668 = arith.constant 6.400000e+01 : f32
    %div3A_669 = vector.broadcast %div3A_668 : f32 to vector<384x1xf32>
    %div3A_670 = arith.divf %broadcast_in_dim3A_667, %div3A_669 : vector<384x1xf32>
    %mul3A_671 = arith.mulf %div3A_663, %div3A_663 : vector<384x1xf32>
    %sub3A_672 = arith.subf %div3A_670, %mul3A_671 : vector<384x1xf32>
    %sub3A_673 = vector.broadcast %div3A_663 : vector<384x1xf32> to vector<384x64xf32>
    %sub3A_674 = arith.subf %max3A_657, %sub3A_673 : vector<384x64xf32>
    %add3A_675 = arith.constant 9.99999974E-6 : f32
    %add3A_676 = vector.broadcast %add3A_675 : f32 to vector<384x1xf32>
    %add3A_677 = arith.addf %sub3A_672, %add3A_676 : vector<384x1xf32>
    %rsqrt3A_678 = math.rsqrt %add3A_677 : vector<384x1xf32>
    %mul3A_679 = vector.broadcast %rsqrt3A_678 : vector<384x1xf32> to vector<384x64xf32>
    %mul3A_680 = arith.mulf %sub3A_674, %mul3A_679 : vector<384x64xf32>
    %mul3A_681 = vector.broadcast %get3A_54 : vector<1x64xf32> to vector<384x64xf32>
    %mul3A_682 = arith.mulf %mul3A_680, %mul3A_681 : vector<384x64xf32>
    %add3A_683 = vector.broadcast %get3A_57 : vector<1x64xf32> to vector<384x64xf32>
    %add3A_684 = arith.addf %mul3A_682, %add3A_683 : vector<384x64xf32>
    %dot_general3A_685 = arith.constant dense<0.000000e+00> : vector<384x64xf32>
    %dot_general3A_686 = tpu.matmul %slice3A_64, %get3A_48, %dot_general3A_685 {dimension_numbers = #tpu.dot_dimension_numbers<[1], [0], [0], [1], [0, 0, 1, 1], [], []>, transpose_lhs_hint = false} : vector<384x8xf32>, vector<8x64xf32>, vector<384x64xf32> -> vector<384x64xf32>
    %add3A_687 = vector.broadcast %get3A_45 : vector<1x64xf32> to vector<384x64xf32>
    %add3A_688 = arith.addf %add3A_687, %dot_general3A_686 : vector<384x64xf32>
    %add3A_689 = vector.broadcast %get3A_51 : vector<1x64xf32> to vector<384x64xf32>
    %add3A_690 = arith.addf %add3A_688, %add3A_689 : vector<384x64xf32>
    %dot_general3A_691 = arith.constant dense<0.000000e+00> : vector<384x64xf32>
    %dot_general3A_692 = tpu.matmul %max3A_353, %slice3A_506, %dot_general3A_691 {dimension_numbers = #tpu.dot_dimension_numbers<[1], [0], [0], [1], [0, 0, 1, 1], [], []>, transpose_lhs_hint = false} : vector<384x64xf32>, vector<64x64xf32>, vector<384x64xf32> -> vector<384x64xf32>
    %add3A_693 = arith.addf %add3A_690, %dot_general3A_692 : vector<384x64xf32>
    %dot_general3A_694 = arith.constant dense<0.000000e+00> : vector<384x64xf32>
    %dot_general3A_695 = tpu.matmul %max3A_372, %slice3A_507, %dot_general3A_694 {dimension_numbers = #tpu.dot_dimension_numbers<[1], [0], [0], [1], [0, 0, 1, 1], [], []>, transpose_lhs_hint = false} : vector<384x64xf32>, vector<64x64xf32>, vector<384x64xf32> -> vector<384x64xf32>
    %add3A_696 = arith.addf %add3A_693, %dot_general3A_695 : vector<384x64xf32>
    %dot_general3A_697 = arith.constant dense<0.000000e+00> : vector<384x64xf32>
    %dot_general3A_698 = tpu.matmul %max3A_391, %slice3A_508, %dot_general3A_697 {dimension_numbers = #tpu.dot_dimension_numbers<[1], [0], [0], [1], [0, 0, 1, 1], [], []>, transpose_lhs_hint = false} : vector<384x64xf32>, vector<64x64xf32>, vector<384x64xf32> -> vector<384x64xf32>
    %add3A_699 = arith.addf %add3A_696, %dot_general3A_698 : vector<384x64xf32>
    %max3A_700 = arith.constant 0.000000e+00 : f32
    %max3A_701 = vector.broadcast %max3A_700 : f32 to vector<384x64xf32>
    %max3A_702 = arith.maximumf %add3A_699, %max3A_701 : vector<384x64xf32>
    %reduce_sum3A_703 = arith.constant dense<0.000000e+00> : vector<384xf32>
    %reduce_sum3A_704 = vector.multi_reduction <add>, %max3A_702, %reduce_sum3A_703 [1] : vector<384x64xf32> to vector<384xf32>
    %broadcast_in_dim3A_705 = vector.shape_cast %reduce_sum3A_704 : vector<384xf32> to vector<384x1xf32>
    %div3A_706 = arith.constant 6.400000e+01 : f32
    %div3A_707 = vector.broadcast %div3A_706 : f32 to vector<384x1xf32>
    %div3A_708 = arith.divf %broadcast_in_dim3A_705, %div3A_707 : vector<384x1xf32>
    %mul3A_709 = arith.mulf %max3A_702, %max3A_702 : vector<384x64xf32>
    %reduce_sum3A_710 = arith.constant dense<0.000000e+00> : vector<384xf32>
    %reduce_sum3A_711 = vector.multi_reduction <add>, %mul3A_709, %reduce_sum3A_710 [1] : vector<384x64xf32> to vector<384xf32>
    %broadcast_in_dim3A_712 = vector.shape_cast %reduce_sum3A_711 : vector<384xf32> to vector<384x1xf32>
    %div3A_713 = arith.constant 6.400000e+01 : f32
    %div3A_714 = vector.broadcast %div3A_713 : f32 to vector<384x1xf32>
    %div3A_715 = arith.divf %broadcast_in_dim3A_712, %div3A_714 : vector<384x1xf32>
    %mul3A_716 = arith.mulf %div3A_708, %div3A_708 : vector<384x1xf32>
    %sub3A_717 = arith.subf %div3A_715, %mul3A_716 : vector<384x1xf32>
    %sub3A_718 = vector.broadcast %div3A_708 : vector<384x1xf32> to vector<384x64xf32>
    %sub3A_719 = arith.subf %max3A_702, %sub3A_718 : vector<384x64xf32>
    %add3A_720 = arith.constant 9.99999974E-6 : f32
    %add3A_721 = vector.broadcast %add3A_720 : f32 to vector<384x1xf32>
    %add3A_722 = arith.addf %sub3A_717, %add3A_721 : vector<384x1xf32>
    %rsqrt3A_723 = math.rsqrt %add3A_722 : vector<384x1xf32>
    %mul3A_724 = vector.broadcast %rsqrt3A_723 : vector<384x1xf32> to vector<384x64xf32>
    %mul3A_725 = arith.mulf %sub3A_719, %mul3A_724 : vector<384x64xf32>
    %mul3A_726 = vector.broadcast %get3A_54 : vector<1x64xf32> to vector<384x64xf32>
    %mul3A_727 = arith.mulf %mul3A_725, %mul3A_726 : vector<384x64xf32>
    %add3A_728 = vector.broadcast %get3A_57 : vector<1x64xf32> to vector<384x64xf32>
    %add3A_729 = arith.addf %mul3A_727, %add3A_728 : vector<384x64xf32>
    %dot_general3A_730 = arith.constant dense<0.000000e+00> : vector<384x64xf32>
    %dot_general3A_731 = tpu.matmul %slice3A_65, %get3A_48, %dot_general3A_730 {dimension_numbers = #tpu.dot_dimension_numbers<[1], [0], [0], [1], [0, 0, 1, 1], [], []>, transpose_lhs_hint = false} : vector<384x8xf32>, vector<8x64xf32>, vector<384x64xf32> -> vector<384x64xf32>
    %add3A_732 = vector.broadcast %get3A_45 : vector<1x64xf32> to vector<384x64xf32>
    %add3A_733 = arith.addf %add3A_732, %dot_general3A_731 : vector<384x64xf32>
    %add3A_734 = vector.broadcast %get3A_51 : vector<1x64xf32> to vector<384x64xf32>
    %add3A_735 = arith.addf %add3A_733, %add3A_734 : vector<384x64xf32>
    %dot_general3A_736 = arith.constant dense<0.000000e+00> : vector<384x64xf32>
    %dot_general3A_737 = tpu.matmul %max3A_372, %slice3A_506, %dot_general3A_736 {dimension_numbers = #tpu.dot_dimension_numbers<[1], [0], [0], [1], [0, 0, 1, 1], [], []>, transpose_lhs_hint = false} : vector<384x64xf32>, vector<64x64xf32>, vector<384x64xf32> -> vector<384x64xf32>
    %add3A_738 = arith.addf %add3A_735, %dot_general3A_737 : vector<384x64xf32>
    %dot_general3A_739 = arith.constant dense<0.000000e+00> : vector<384x64xf32>
    %dot_general3A_740 = tpu.matmul %max3A_391, %slice3A_507, %dot_general3A_739 {dimension_numbers = #tpu.dot_dimension_numbers<[1], [0], [0], [1], [0, 0, 1, 1], [], []>, transpose_lhs_hint = false} : vector<384x64xf32>, vector<64x64xf32>, vector<384x64xf32> -> vector<384x64xf32>
    %add3A_741 = arith.addf %add3A_738, %dot_general3A_740 : vector<384x64xf32>
    %dot_general3A_742 = arith.constant dense<0.000000e+00> : vector<384x64xf32>
    %dot_general3A_743 = tpu.matmul %max3A_410, %slice3A_508, %dot_general3A_742 {dimension_numbers = #tpu.dot_dimension_numbers<[1], [0], [0], [1], [0, 0, 1, 1], [], []>, transpose_lhs_hint = false} : vector<384x64xf32>, vector<64x64xf32>, vector<384x64xf32> -> vector<384x64xf32>
    %add3A_744 = arith.addf %add3A_741, %dot_general3A_743 : vector<384x64xf32>
    %max3A_745 = arith.constant 0.000000e+00 : f32
    %max3A_746 = vector.broadcast %max3A_745 : f32 to vector<384x64xf32>
    %max3A_747 = arith.maximumf %add3A_744, %max3A_746 : vector<384x64xf32>
    %reduce_sum3A_748 = arith.constant dense<0.000000e+00> : vector<384xf32>
    %reduce_sum3A_749 = vector.multi_reduction <add>, %max3A_747, %reduce_sum3A_748 [1] : vector<384x64xf32> to vector<384xf32>
    %broadcast_in_dim3A_750 = vector.shape_cast %reduce_sum3A_749 : vector<384xf32> to vector<384x1xf32>
    %div3A_751 = arith.constant 6.400000e+01 : f32
    %div3A_752 = vector.broadcast %div3A_751 : f32 to vector<384x1xf32>
    %div3A_753 = arith.divf %broadcast_in_dim3A_750, %div3A_752 : vector<384x1xf32>
    %mul3A_754 = arith.mulf %max3A_747, %max3A_747 : vector<384x64xf32>
    %reduce_sum3A_755 = arith.constant dense<0.000000e+00> : vector<384xf32>
    %reduce_sum3A_756 = vector.multi_reduction <add>, %mul3A_754, %reduce_sum3A_755 [1] : vector<384x64xf32> to vector<384xf32>
    %broadcast_in_dim3A_757 = vector.shape_cast %reduce_sum3A_756 : vector<384xf32> to vector<384x1xf32>
    %div3A_758 = arith.constant 6.400000e+01 : f32
    %div3A_759 = vector.broadcast %div3A_758 : f32 to vector<384x1xf32>
    %div3A_760 = arith.divf %broadcast_in_dim3A_757, %div3A_759 : vector<384x1xf32>
    %mul3A_761 = arith.mulf %div3A_753, %div3A_753 : vector<384x1xf32>
    %sub3A_762 = arith.subf %div3A_760, %mul3A_761 : vector<384x1xf32>
    %sub3A_763 = vector.broadcast %div3A_753 : vector<384x1xf32> to vector<384x64xf32>
    %sub3A_764 = arith.subf %max3A_747, %sub3A_763 : vector<384x64xf32>
    %add3A_765 = arith.constant 9.99999974E-6 : f32
    %add3A_766 = vector.broadcast %add3A_765 : f32 to vector<384x1xf32>
    %add3A_767 = arith.addf %sub3A_762, %add3A_766 : vector<384x1xf32>
    %rsqrt3A_768 = math.rsqrt %add3A_767 : vector<384x1xf32>
    %mul3A_769 = vector.broadcast %rsqrt3A_768 : vector<384x1xf32> to vector<384x64xf32>
    %mul3A_770 = arith.mulf %sub3A_764, %mul3A_769 : vector<384x64xf32>
    %mul3A_771 = vector.broadcast %get3A_54 : vector<1x64xf32> to vector<384x64xf32>
    %mul3A_772 = arith.mulf %mul3A_770, %mul3A_771 : vector<384x64xf32>
    %add3A_773 = vector.broadcast %get3A_57 : vector<1x64xf32> to vector<384x64xf32>
    %add3A_774 = arith.addf %mul3A_772, %add3A_773 : vector<384x64xf32>
    %dot_general3A_775 = arith.constant dense<0.000000e+00> : vector<384x64xf32>
    %dot_general3A_776 = tpu.matmul %slice3A_66, %get3A_48, %dot_general3A_775 {dimension_numbers = #tpu.dot_dimension_numbers<[1], [0], [0], [1], [0, 0, 1, 1], [], []>, transpose_lhs_hint = false} : vector<384x8xf32>, vector<8x64xf32>, vector<384x64xf32> -> vector<384x64xf32>
    %add3A_777 = vector.broadcast %get3A_45 : vector<1x64xf32> to vector<384x64xf32>
    %add3A_778 = arith.addf %add3A_777, %dot_general3A_776 : vector<384x64xf32>
    %add3A_779 = vector.broadcast %get3A_51 : vector<1x64xf32> to vector<384x64xf32>
    %add3A_780 = arith.addf %add3A_778, %add3A_779 : vector<384x64xf32>
    %dot_general3A_781 = arith.constant dense<0.000000e+00> : vector<384x64xf32>
    %dot_general3A_782 = tpu.matmul %max3A_391, %slice3A_506, %dot_general3A_781 {dimension_numbers = #tpu.dot_dimension_numbers<[1], [0], [0], [1], [0, 0, 1, 1], [], []>, transpose_lhs_hint = false} : vector<384x64xf32>, vector<64x64xf32>, vector<384x64xf32> -> vector<384x64xf32>
    %add3A_783 = arith.addf %add3A_780, %dot_general3A_782 : vector<384x64xf32>
    %dot_general3A_784 = arith.constant dense<0.000000e+00> : vector<384x64xf32>
    %dot_general3A_785 = tpu.matmul %max3A_410, %slice3A_507, %dot_general3A_784 {dimension_numbers = #tpu.dot_dimension_numbers<[1], [0], [0], [1], [0, 0, 1, 1], [], []>, transpose_lhs_hint = false} : vector<384x64xf32>, vector<64x64xf32>, vector<384x64xf32> -> vector<384x64xf32>
    %add3A_786 = arith.addf %add3A_783, %dot_general3A_785 : vector<384x64xf32>
    %dot_general3A_787 = arith.constant dense<0.000000e+00> : vector<384x64xf32>
    %dot_general3A_788 = tpu.matmul %max3A_429, %slice3A_508, %dot_general3A_787 {dimension_numbers = #tpu.dot_dimension_numbers<[1], [0], [0], [1], [0, 0, 1, 1], [], []>, transpose_lhs_hint = false} : vector<384x64xf32>, vector<64x64xf32>, vector<384x64xf32> -> vector<384x64xf32>
    %add3A_789 = arith.addf %add3A_786, %dot_general3A_788 : vector<384x64xf32>
    %max3A_790 = arith.constant 0.000000e+00 : f32
    %max3A_791 = vector.broadcast %max3A_790 : f32 to vector<384x64xf32>
    %max3A_792 = arith.maximumf %add3A_789, %max3A_791 : vector<384x64xf32>
    %reduce_sum3A_793 = arith.constant dense<0.000000e+00> : vector<384xf32>
    %reduce_sum3A_794 = vector.multi_reduction <add>, %max3A_792, %reduce_sum3A_793 [1] : vector<384x64xf32> to vector<384xf32>
    %broadcast_in_dim3A_795 = vector.shape_cast %reduce_sum3A_794 : vector<384xf32> to vector<384x1xf32>
    %div3A_796 = arith.constant 6.400000e+01 : f32
    %div3A_797 = vector.broadcast %div3A_796 : f32 to vector<384x1xf32>
    %div3A_798 = arith.divf %broadcast_in_dim3A_795, %div3A_797 : vector<384x1xf32>
    %mul3A_799 = arith.mulf %max3A_792, %max3A_792 : vector<384x64xf32>
    %reduce_sum3A_800 = arith.constant dense<0.000000e+00> : vector<384xf32>
    %reduce_sum3A_801 = vector.multi_reduction <add>, %mul3A_799, %reduce_sum3A_800 [1] : vector<384x64xf32> to vector<384xf32>
    %broadcast_in_dim3A_802 = vector.shape_cast %reduce_sum3A_801 : vector<384xf32> to vector<384x1xf32>
    %div3A_803 = arith.constant 6.400000e+01 : f32
    %div3A_804 = vector.broadcast %div3A_803 : f32 to vector<384x1xf32>
    %div3A_805 = arith.divf %broadcast_in_dim3A_802, %div3A_804 : vector<384x1xf32>
    %mul3A_806 = arith.mulf %div3A_798, %div3A_798 : vector<384x1xf32>
    %sub3A_807 = arith.subf %div3A_805, %mul3A_806 : vector<384x1xf32>
    %sub3A_808 = vector.broadcast %div3A_798 : vector<384x1xf32> to vector<384x64xf32>
    %sub3A_809 = arith.subf %max3A_792, %sub3A_808 : vector<384x64xf32>
    %add3A_810 = arith.constant 9.99999974E-6 : f32
    %add3A_811 = vector.broadcast %add3A_810 : f32 to vector<384x1xf32>
    %add3A_812 = arith.addf %sub3A_807, %add3A_811 : vector<384x1xf32>
    %rsqrt3A_813 = math.rsqrt %add3A_812 : vector<384x1xf32>
    %mul3A_814 = vector.broadcast %rsqrt3A_813 : vector<384x1xf32> to vector<384x64xf32>
    %mul3A_815 = arith.mulf %sub3A_809, %mul3A_814 : vector<384x64xf32>
    %mul3A_816 = vector.broadcast %get3A_54 : vector<1x64xf32> to vector<384x64xf32>
    %mul3A_817 = arith.mulf %mul3A_815, %mul3A_816 : vector<384x64xf32>
    %add3A_818 = vector.broadcast %get3A_57 : vector<1x64xf32> to vector<384x64xf32>
    %add3A_819 = arith.addf %mul3A_817, %add3A_818 : vector<384x64xf32>
    %dot_general3A_820 = arith.constant dense<0.000000e+00> : vector<384x64xf32>
    %dot_general3A_821 = tpu.matmul %slice3A_67, %get3A_48, %dot_general3A_820 {dimension_numbers = #tpu.dot_dimension_numbers<[1], [0], [0], [1], [0, 0, 1, 1], [], []>, transpose_lhs_hint = false} : vector<384x8xf32>, vector<8x64xf32>, vector<384x64xf32> -> vector<384x64xf32>
    %add3A_822 = vector.broadcast %get3A_45 : vector<1x64xf32> to vector<384x64xf32>
    %add3A_823 = arith.addf %add3A_822, %dot_general3A_821 : vector<384x64xf32>
    %add3A_824 = vector.broadcast %get3A_51 : vector<1x64xf32> to vector<384x64xf32>
    %add3A_825 = arith.addf %add3A_823, %add3A_824 : vector<384x64xf32>
    %dot_general3A_826 = arith.constant dense<0.000000e+00> : vector<384x64xf32>
    %dot_general3A_827 = tpu.matmul %max3A_410, %slice3A_506, %dot_general3A_826 {dimension_numbers = #tpu.dot_dimension_numbers<[1], [0], [0], [1], [0, 0, 1, 1], [], []>, transpose_lhs_hint = false} : vector<384x64xf32>, vector<64x64xf32>, vector<384x64xf32> -> vector<384x64xf32>
    %add3A_828 = arith.addf %add3A_825, %dot_general3A_827 : vector<384x64xf32>
    %dot_general3A_829 = arith.constant dense<0.000000e+00> : vector<384x64xf32>
    %dot_general3A_830 = tpu.matmul %max3A_429, %slice3A_507, %dot_general3A_829 {dimension_numbers = #tpu.dot_dimension_numbers<[1], [0], [0], [1], [0, 0, 1, 1], [], []>, transpose_lhs_hint = false} : vector<384x64xf32>, vector<64x64xf32>, vector<384x64xf32> -> vector<384x64xf32>
    %add3A_831 = arith.addf %add3A_828, %dot_general3A_830 : vector<384x64xf32>
    %dot_general3A_832 = arith.constant dense<0.000000e+00> : vector<384x64xf32>
    %dot_general3A_833 = tpu.matmul %max3A_448, %slice3A_508, %dot_general3A_832 {dimension_numbers = #tpu.dot_dimension_numbers<[1], [0], [0], [1], [0, 0, 1, 1], [], []>, transpose_lhs_hint = false} : vector<384x64xf32>, vector<64x64xf32>, vector<384x64xf32> -> vector<384x64xf32>
    %add3A_834 = arith.addf %add3A_831, %dot_general3A_833 : vector<384x64xf32>
    %max3A_835 = arith.constant 0.000000e+00 : f32
    %max3A_836 = vector.broadcast %max3A_835 : f32 to vector<384x64xf32>
    %max3A_837 = arith.maximumf %add3A_834, %max3A_836 : vector<384x64xf32>
    %reduce_sum3A_838 = arith.constant dense<0.000000e+00> : vector<384xf32>
    %reduce_sum3A_839 = vector.multi_reduction <add>, %max3A_837, %reduce_sum3A_838 [1] : vector<384x64xf32> to vector<384xf32>
    %broadcast_in_dim3A_840 = vector.shape_cast %reduce_sum3A_839 : vector<384xf32> to vector<384x1xf32>
    %div3A_841 = arith.constant 6.400000e+01 : f32
    %div3A_842 = vector.broadcast %div3A_841 : f32 to vector<384x1xf32>
    %div3A_843 = arith.divf %broadcast_in_dim3A_840, %div3A_842 : vector<384x1xf32>
    %mul3A_844 = arith.mulf %max3A_837, %max3A_837 : vector<384x64xf32>
    %reduce_sum3A_845 = arith.constant dense<0.000000e+00> : vector<384xf32>
    %reduce_sum3A_846 = vector.multi_reduction <add>, %mul3A_844, %reduce_sum3A_845 [1] : vector<384x64xf32> to vector<384xf32>
    %broadcast_in_dim3A_847 = vector.shape_cast %reduce_sum3A_846 : vector<384xf32> to vector<384x1xf32>
    %div3A_848 = arith.constant 6.400000e+01 : f32
    %div3A_849 = vector.broadcast %div3A_848 : f32 to vector<384x1xf32>
    %div3A_850 = arith.divf %broadcast_in_dim3A_847, %div3A_849 : vector<384x1xf32>
    %mul3A_851 = arith.mulf %div3A_843, %div3A_843 : vector<384x1xf32>
    %sub3A_852 = arith.subf %div3A_850, %mul3A_851 : vector<384x1xf32>
    %sub3A_853 = vector.broadcast %div3A_843 : vector<384x1xf32> to vector<384x64xf32>
    %sub3A_854 = arith.subf %max3A_837, %sub3A_853 : vector<384x64xf32>
    %add3A_855 = arith.constant 9.99999974E-6 : f32
    %add3A_856 = vector.broadcast %add3A_855 : f32 to vector<384x1xf32>
    %add3A_857 = arith.addf %sub3A_852, %add3A_856 : vector<384x1xf32>
    %rsqrt3A_858 = math.rsqrt %add3A_857 : vector<384x1xf32>
    %mul3A_859 = vector.broadcast %rsqrt3A_858 : vector<384x1xf32> to vector<384x64xf32>
    %mul3A_860 = arith.mulf %sub3A_854, %mul3A_859 : vector<384x64xf32>
    %mul3A_861 = vector.broadcast %get3A_54 : vector<1x64xf32> to vector<384x64xf32>
    %mul3A_862 = arith.mulf %mul3A_860, %mul3A_861 : vector<384x64xf32>
    %add3A_863 = vector.broadcast %get3A_57 : vector<1x64xf32> to vector<384x64xf32>
    %add3A_864 = arith.addf %mul3A_862, %add3A_863 : vector<384x64xf32>
    %dot_general3A_865 = arith.constant dense<0.000000e+00> : vector<384x64xf32>
    %dot_general3A_866 = tpu.matmul %slice3A_68, %get3A_48, %dot_general3A_865 {dimension_numbers = #tpu.dot_dimension_numbers<[1], [0], [0], [1], [0, 0, 1, 1], [], []>, transpose_lhs_hint = false} : vector<384x8xf32>, vector<8x64xf32>, vector<384x64xf32> -> vector<384x64xf32>
    %add3A_867 = vector.broadcast %get3A_45 : vector<1x64xf32> to vector<384x64xf32>
    %add3A_868 = arith.addf %add3A_867, %dot_general3A_866 : vector<384x64xf32>
    %add3A_869 = vector.broadcast %get3A_51 : vector<1x64xf32> to vector<384x64xf32>
    %add3A_870 = arith.addf %add3A_868, %add3A_869 : vector<384x64xf32>
    %dot_general3A_871 = arith.constant dense<0.000000e+00> : vector<384x64xf32>
    %dot_general3A_872 = tpu.matmul %max3A_429, %slice3A_506, %dot_general3A_871 {dimension_numbers = #tpu.dot_dimension_numbers<[1], [0], [0], [1], [0, 0, 1, 1], [], []>, transpose_lhs_hint = false} : vector<384x64xf32>, vector<64x64xf32>, vector<384x64xf32> -> vector<384x64xf32>
    %add3A_873 = arith.addf %add3A_870, %dot_general3A_872 : vector<384x64xf32>
    %dot_general3A_874 = arith.constant dense<0.000000e+00> : vector<384x64xf32>
    %dot_general3A_875 = tpu.matmul %max3A_448, %slice3A_507, %dot_general3A_874 {dimension_numbers = #tpu.dot_dimension_numbers<[1], [0], [0], [1], [0, 0, 1, 1], [], []>, transpose_lhs_hint = false} : vector<384x64xf32>, vector<64x64xf32>, vector<384x64xf32> -> vector<384x64xf32>
    %add3A_876 = arith.addf %add3A_873, %dot_general3A_875 : vector<384x64xf32>
    %dot_general3A_877 = arith.constant dense<0.000000e+00> : vector<384x64xf32>
    %dot_general3A_878 = tpu.matmul %max3A_467, %slice3A_508, %dot_general3A_877 {dimension_numbers = #tpu.dot_dimension_numbers<[1], [0], [0], [1], [0, 0, 1, 1], [], []>, transpose_lhs_hint = false} : vector<384x64xf32>, vector<64x64xf32>, vector<384x64xf32> -> vector<384x64xf32>
    %add3A_879 = arith.addf %add3A_876, %dot_general3A_878 : vector<384x64xf32>
    %max3A_880 = arith.constant 0.000000e+00 : f32
    %max3A_881 = vector.broadcast %max3A_880 : f32 to vector<384x64xf32>
    %max3A_882 = arith.maximumf %add3A_879, %max3A_881 : vector<384x64xf32>
    %reduce_sum3A_883 = arith.constant dense<0.000000e+00> : vector<384xf32>
    %reduce_sum3A_884 = vector.multi_reduction <add>, %max3A_882, %reduce_sum3A_883 [1] : vector<384x64xf32> to vector<384xf32>
    %broadcast_in_dim3A_885 = vector.shape_cast %reduce_sum3A_884 : vector<384xf32> to vector<384x1xf32>
    %div3A_886 = arith.constant 6.400000e+01 : f32
    %div3A_887 = vector.broadcast %div3A_886 : f32 to vector<384x1xf32>
    %div3A_888 = arith.divf %broadcast_in_dim3A_885, %div3A_887 : vector<384x1xf32>
    %mul3A_889 = arith.mulf %max3A_882, %max3A_882 : vector<384x64xf32>
    %reduce_sum3A_890 = arith.constant dense<0.000000e+00> : vector<384xf32>
    %reduce_sum3A_891 = vector.multi_reduction <add>, %mul3A_889, %reduce_sum3A_890 [1] : vector<384x64xf32> to vector<384xf32>
    %broadcast_in_dim3A_892 = vector.shape_cast %reduce_sum3A_891 : vector<384xf32> to vector<384x1xf32>
    %div3A_893 = arith.constant 6.400000e+01 : f32
    %div3A_894 = vector.broadcast %div3A_893 : f32 to vector<384x1xf32>
    %div3A_895 = arith.divf %broadcast_in_dim3A_892, %div3A_894 : vector<384x1xf32>
    %mul3A_896 = arith.mulf %div3A_888, %div3A_888 : vector<384x1xf32>
    %sub3A_897 = arith.subf %div3A_895, %mul3A_896 : vector<384x1xf32>
    %sub3A_898 = vector.broadcast %div3A_888 : vector<384x1xf32> to vector<384x64xf32>
    %sub3A_899 = arith.subf %max3A_882, %sub3A_898 : vector<384x64xf32>
    %add3A_900 = arith.constant 9.99999974E-6 : f32
    %add3A_901 = vector.broadcast %add3A_900 : f32 to vector<384x1xf32>
    %add3A_902 = arith.addf %sub3A_897, %add3A_901 : vector<384x1xf32>
    %rsqrt3A_903 = math.rsqrt %add3A_902 : vector<384x1xf32>
    %mul3A_904 = vector.broadcast %rsqrt3A_903 : vector<384x1xf32> to vector<384x64xf32>
    %mul3A_905 = arith.mulf %sub3A_899, %mul3A_904 : vector<384x64xf32>
    %mul3A_906 = vector.broadcast %get3A_54 : vector<1x64xf32> to vector<384x64xf32>
    %mul3A_907 = arith.mulf %mul3A_905, %mul3A_906 : vector<384x64xf32>
    %add3A_908 = vector.broadcast %get3A_57 : vector<1x64xf32> to vector<384x64xf32>
    %add3A_909 = arith.addf %mul3A_907, %add3A_908 : vector<384x64xf32>
    %dot_general3A_910 = arith.constant dense<0.000000e+00> : vector<384x64xf32>
    %dot_general3A_911 = tpu.matmul %slice3A_69, %get3A_48, %dot_general3A_910 {dimension_numbers = #tpu.dot_dimension_numbers<[1], [0], [0], [1], [0, 0, 1, 1], [], []>, transpose_lhs_hint = false} : vector<384x8xf32>, vector<8x64xf32>, vector<384x64xf32> -> vector<384x64xf32>
    %add3A_912 = vector.broadcast %get3A_45 : vector<1x64xf32> to vector<384x64xf32>
    %add3A_913 = arith.addf %add3A_912, %dot_general3A_911 : vector<384x64xf32>
    %add3A_914 = vector.broadcast %get3A_51 : vector<1x64xf32> to vector<384x64xf32>
    %add3A_915 = arith.addf %add3A_913, %add3A_914 : vector<384x64xf32>
    %dot_general3A_916 = arith.constant dense<0.000000e+00> : vector<384x64xf32>
    %dot_general3A_917 = tpu.matmul %max3A_448, %slice3A_506, %dot_general3A_916 {dimension_numbers = #tpu.dot_dimension_numbers<[1], [0], [0], [1], [0, 0, 1, 1], [], []>, transpose_lhs_hint = false} : vector<384x64xf32>, vector<64x64xf32>, vector<384x64xf32> -> vector<384x64xf32>
    %add3A_918 = arith.addf %add3A_915, %dot_general3A_917 : vector<384x64xf32>
    %dot_general3A_919 = arith.constant dense<0.000000e+00> : vector<384x64xf32>
    %dot_general3A_920 = tpu.matmul %max3A_467, %slice3A_507, %dot_general3A_919 {dimension_numbers = #tpu.dot_dimension_numbers<[1], [0], [0], [1], [0, 0, 1, 1], [], []>, transpose_lhs_hint = false} : vector<384x64xf32>, vector<64x64xf32>, vector<384x64xf32> -> vector<384x64xf32>
    %add3A_921 = arith.addf %add3A_918, %dot_general3A_920 : vector<384x64xf32>
    %dot_general3A_922 = arith.constant dense<0.000000e+00> : vector<384x64xf32>
    %dot_general3A_923 = tpu.matmul %max3A_486, %slice3A_508, %dot_general3A_922 {dimension_numbers = #tpu.dot_dimension_numbers<[1], [0], [0], [1], [0, 0, 1, 1], [], []>, transpose_lhs_hint = false} : vector<384x64xf32>, vector<64x64xf32>, vector<384x64xf32> -> vector<384x64xf32>
    %add3A_924 = arith.addf %add3A_921, %dot_general3A_923 : vector<384x64xf32>
    %max3A_925 = arith.constant 0.000000e+00 : f32
    %max3A_926 = vector.broadcast %max3A_925 : f32 to vector<384x64xf32>
    %max3A_927 = arith.maximumf %add3A_924, %max3A_926 : vector<384x64xf32>
    %reduce_sum3A_928 = arith.constant dense<0.000000e+00> : vector<384xf32>
    %reduce_sum3A_929 = vector.multi_reduction <add>, %max3A_927, %reduce_sum3A_928 [1] : vector<384x64xf32> to vector<384xf32>
    %broadcast_in_dim3A_930 = vector.shape_cast %reduce_sum3A_929 : vector<384xf32> to vector<384x1xf32>
    %div3A_931 = arith.constant 6.400000e+01 : f32
    %div3A_932 = vector.broadcast %div3A_931 : f32 to vector<384x1xf32>
    %div3A_933 = arith.divf %broadcast_in_dim3A_930, %div3A_932 : vector<384x1xf32>
    %mul3A_934 = arith.mulf %max3A_927, %max3A_927 : vector<384x64xf32>
    %reduce_sum3A_935 = arith.constant dense<0.000000e+00> : vector<384xf32>
    %reduce_sum3A_936 = vector.multi_reduction <add>, %mul3A_934, %reduce_sum3A_935 [1] : vector<384x64xf32> to vector<384xf32>
    %broadcast_in_dim3A_937 = vector.shape_cast %reduce_sum3A_936 : vector<384xf32> to vector<384x1xf32>
    %div3A_938 = arith.constant 6.400000e+01 : f32
    %div3A_939 = vector.broadcast %div3A_938 : f32 to vector<384x1xf32>
    %div3A_940 = arith.divf %broadcast_in_dim3A_937, %div3A_939 : vector<384x1xf32>
    %mul3A_941 = arith.mulf %div3A_933, %div3A_933 : vector<384x1xf32>
    %sub3A_942 = arith.subf %div3A_940, %mul3A_941 : vector<384x1xf32>
    %sub3A_943 = vector.broadcast %div3A_933 : vector<384x1xf32> to vector<384x64xf32>
    %sub3A_944 = arith.subf %max3A_927, %sub3A_943 : vector<384x64xf32>
    %add3A_945 = arith.constant 9.99999974E-6 : f32
    %add3A_946 = vector.broadcast %add3A_945 : f32 to vector<384x1xf32>
    %add3A_947 = arith.addf %sub3A_942, %add3A_946 : vector<384x1xf32>
    %rsqrt3A_948 = math.rsqrt %add3A_947 : vector<384x1xf32>
    %mul3A_949 = vector.broadcast %rsqrt3A_948 : vector<384x1xf32> to vector<384x64xf32>
    %mul3A_950 = arith.mulf %sub3A_944, %mul3A_949 : vector<384x64xf32>
    %mul3A_951 = vector.broadcast %get3A_54 : vector<1x64xf32> to vector<384x64xf32>
    %mul3A_952 = arith.mulf %mul3A_950, %mul3A_951 : vector<384x64xf32>
    %add3A_953 = vector.broadcast %get3A_57 : vector<1x64xf32> to vector<384x64xf32>
    %add3A_954 = arith.addf %mul3A_952, %add3A_953 : vector<384x64xf32>
    %dot_general3A_955 = arith.constant dense<0.000000e+00> : vector<384x64xf32>
    %dot_general3A_956 = tpu.matmul %slice3A_70, %get3A_48, %dot_general3A_955 {dimension_numbers = #tpu.dot_dimension_numbers<[1], [0], [0], [1], [0, 0, 1, 1], [], []>, transpose_lhs_hint = false} : vector<384x8xf32>, vector<8x64xf32>, vector<384x64xf32> -> vector<384x64xf32>
    %add3A_957 = vector.broadcast %get3A_45 : vector<1x64xf32> to vector<384x64xf32>
    %add3A_958 = arith.addf %add3A_957, %dot_general3A_956 : vector<384x64xf32>
    %add3A_959 = vector.broadcast %get3A_51 : vector<1x64xf32> to vector<384x64xf32>
    %add3A_960 = arith.addf %add3A_958, %add3A_959 : vector<384x64xf32>
    %dot_general3A_961 = arith.constant dense<0.000000e+00> : vector<384x64xf32>
    %dot_general3A_962 = tpu.matmul %max3A_467, %slice3A_506, %dot_general3A_961 {dimension_numbers = #tpu.dot_dimension_numbers<[1], [0], [0], [1], [0, 0, 1, 1], [], []>, transpose_lhs_hint = false} : vector<384x64xf32>, vector<64x64xf32>, vector<384x64xf32> -> vector<384x64xf32>
    %add3A_963 = arith.addf %add3A_960, %dot_general3A_962 : vector<384x64xf32>
    %dot_general3A_964 = arith.constant dense<0.000000e+00> : vector<384x64xf32>
    %dot_general3A_965 = tpu.matmul %max3A_486, %slice3A_507, %dot_general3A_964 {dimension_numbers = #tpu.dot_dimension_numbers<[1], [0], [0], [1], [0, 0, 1, 1], [], []>, transpose_lhs_hint = false} : vector<384x64xf32>, vector<64x64xf32>, vector<384x64xf32> -> vector<384x64xf32>
    %add3A_966 = arith.addf %add3A_963, %dot_general3A_965 : vector<384x64xf32>
    %dot_general3A_967 = arith.constant dense<0.000000e+00> : vector<384x64xf32>
    %dot_general3A_968 = tpu.matmul %max3A_505, %slice3A_508, %dot_general3A_967 {dimension_numbers = #tpu.dot_dimension_numbers<[1], [0], [0], [1], [0, 0, 1, 1], [], []>, transpose_lhs_hint = false} : vector<384x64xf32>, vector<64x64xf32>, vector<384x64xf32> -> vector<384x64xf32>
    %add3A_969 = arith.addf %add3A_966, %dot_general3A_968 : vector<384x64xf32>
    %max3A_970 = arith.constant 0.000000e+00 : f32
    %max3A_971 = vector.broadcast %max3A_970 : f32 to vector<384x64xf32>
    %max3A_972 = arith.maximumf %add3A_969, %max3A_971 : vector<384x64xf32>
    %reduce_sum3A_973 = arith.constant dense<0.000000e+00> : vector<384xf32>
    %reduce_sum3A_974 = vector.multi_reduction <add>, %max3A_972, %reduce_sum3A_973 [1] : vector<384x64xf32> to vector<384xf32>
    %broadcast_in_dim3A_975 = vector.shape_cast %reduce_sum3A_974 : vector<384xf32> to vector<384x1xf32>
    %div3A_976 = arith.constant 6.400000e+01 : f32
    %div3A_977 = vector.broadcast %div3A_976 : f32 to vector<384x1xf32>
    %div3A_978 = arith.divf %broadcast_in_dim3A_975, %div3A_977 : vector<384x1xf32>
    %mul3A_979 = arith.mulf %max3A_972, %max3A_972 : vector<384x64xf32>
    %reduce_sum3A_980 = arith.constant dense<0.000000e+00> : vector<384xf32>
    %reduce_sum3A_981 = vector.multi_reduction <add>, %mul3A_979, %reduce_sum3A_980 [1] : vector<384x64xf32> to vector<384xf32>
    %broadcast_in_dim3A_982 = vector.shape_cast %reduce_sum3A_981 : vector<384xf32> to vector<384x1xf32>
    %div3A_983 = arith.constant 6.400000e+01 : f32
    %div3A_984 = vector.broadcast %div3A_983 : f32 to vector<384x1xf32>
    %div3A_985 = arith.divf %broadcast_in_dim3A_982, %div3A_984 : vector<384x1xf32>
    %mul3A_986 = arith.mulf %div3A_978, %div3A_978 : vector<384x1xf32>
    %sub3A_987 = arith.subf %div3A_985, %mul3A_986 : vector<384x1xf32>
    %sub3A_988 = vector.broadcast %div3A_978 : vector<384x1xf32> to vector<384x64xf32>
    %sub3A_989 = arith.subf %max3A_972, %sub3A_988 : vector<384x64xf32>
    %add3A_990 = arith.constant 9.99999974E-6 : f32
    %add3A_991 = vector.broadcast %add3A_990 : f32 to vector<384x1xf32>
    %add3A_992 = arith.addf %sub3A_987, %add3A_991 : vector<384x1xf32>
    %rsqrt3A_993 = math.rsqrt %add3A_992 : vector<384x1xf32>
    %mul3A_994 = vector.broadcast %rsqrt3A_993 : vector<384x1xf32> to vector<384x64xf32>
    %mul3A_995 = arith.mulf %sub3A_989, %mul3A_994 : vector<384x64xf32>
    %mul3A_996 = vector.broadcast %get3A_54 : vector<1x64xf32> to vector<384x64xf32>
    %mul3A_997 = arith.mulf %mul3A_995, %mul3A_996 : vector<384x64xf32>
    %add3A_998 = vector.broadcast %get3A_57 : vector<1x64xf32> to vector<384x64xf32>
    %add3A_999 = arith.addf %mul3A_997, %add3A_998 : vector<384x64xf32>
    %dot_general3A_1000 = arith.constant dense<0.000000e+00> : vector<384x64xf32>
    %dot_general3A_1001 = tpu.matmul %slice3A_71, %get3A_48, %dot_general3A_1000 {dimension_numbers = #tpu.dot_dimension_numbers<[1], [0], [0], [1], [0, 0, 1, 1], [], []>, transpose_lhs_hint = false} : vector<384x8xf32>, vector<8x64xf32>, vector<384x64xf32> -> vector<384x64xf32>
    %add3A_1002 = vector.broadcast %get3A_45 : vector<1x64xf32> to vector<384x64xf32>
    %add3A_1003 = arith.addf %add3A_1002, %dot_general3A_1001 : vector<384x64xf32>
    %add3A_1004 = vector.broadcast %get3A_51 : vector<1x64xf32> to vector<384x64xf32>
    %add3A_1005 = arith.addf %add3A_1003, %add3A_1004 : vector<384x64xf32>
    %dot_general3A_1006 = arith.constant dense<0.000000e+00> : vector<384x64xf32>
    %dot_general3A_1007 = tpu.matmul %max3A_486, %slice3A_506, %dot_general3A_1006 {dimension_numbers = #tpu.dot_dimension_numbers<[1], [0], [0], [1], [0, 0, 1, 1], [], []>, transpose_lhs_hint = false} : vector<384x64xf32>, vector<64x64xf32>, vector<384x64xf32> -> vector<384x64xf32>
    %add3A_1008 = arith.addf %add3A_1005, %dot_general3A_1007 : vector<384x64xf32>
    %dot_general3A_1009 = arith.constant dense<0.000000e+00> : vector<384x64xf32>
    %dot_general3A_1010 = tpu.matmul %max3A_505, %slice3A_507, %dot_general3A_1009 {dimension_numbers = #tpu.dot_dimension_numbers<[1], [0], [0], [1], [0, 0, 1, 1], [], []>, transpose_lhs_hint = false} : vector<384x64xf32>, vector<64x64xf32>, vector<384x64xf32> -> vector<384x64xf32>
    %add3A_1011 = arith.addf %add3A_1008, %dot_general3A_1010 : vector<384x64xf32>
    %max3A_1012 = arith.constant 0.000000e+00 : f32
    %max3A_1013 = vector.broadcast %max3A_1012 : f32 to vector<384x64xf32>
    %max3A_1014 = arith.maximumf %add3A_1011, %max3A_1013 : vector<384x64xf32>
    %reduce_sum3A_1015 = arith.constant dense<0.000000e+00> : vector<384xf32>
    %reduce_sum3A_1016 = vector.multi_reduction <add>, %max3A_1014, %reduce_sum3A_1015 [1] : vector<384x64xf32> to vector<384xf32>
    %broadcast_in_dim3A_1017 = vector.shape_cast %reduce_sum3A_1016 : vector<384xf32> to vector<384x1xf32>
    %div3A_1018 = arith.constant 6.400000e+01 : f32
    %div3A_1019 = vector.broadcast %div3A_1018 : f32 to vector<384x1xf32>
    %div3A_1020 = arith.divf %broadcast_in_dim3A_1017, %div3A_1019 : vector<384x1xf32>
    %mul3A_1021 = arith.mulf %max3A_1014, %max3A_1014 : vector<384x64xf32>
    %reduce_sum3A_1022 = arith.constant dense<0.000000e+00> : vector<384xf32>
    %reduce_sum3A_1023 = vector.multi_reduction <add>, %mul3A_1021, %reduce_sum3A_1022 [1] : vector<384x64xf32> to vector<384xf32>
    %broadcast_in_dim3A_1024 = vector.shape_cast %reduce_sum3A_1023 : vector<384xf32> to vector<384x1xf32>
    %div3A_1025 = arith.constant 6.400000e+01 : f32
    %div3A_1026 = vector.broadcast %div3A_1025 : f32 to vector<384x1xf32>
    %div3A_1027 = arith.divf %broadcast_in_dim3A_1024, %div3A_1026 : vector<384x1xf32>
    %mul3A_1028 = arith.mulf %div3A_1020, %div3A_1020 : vector<384x1xf32>
    %sub3A_1029 = arith.subf %div3A_1027, %mul3A_1028 : vector<384x1xf32>
    %sub3A_1030 = vector.broadcast %div3A_1020 : vector<384x1xf32> to vector<384x64xf32>
    %sub3A_1031 = arith.subf %max3A_1014, %sub3A_1030 : vector<384x64xf32>
    %add3A_1032 = arith.constant 9.99999974E-6 : f32
    %add3A_1033 = vector.broadcast %add3A_1032 : f32 to vector<384x1xf32>
    %add3A_1034 = arith.addf %sub3A_1029, %add3A_1033 : vector<384x1xf32>
    %rsqrt3A_1035 = math.rsqrt %add3A_1034 : vector<384x1xf32>
    %mul3A_1036 = vector.broadcast %rsqrt3A_1035 : vector<384x1xf32> to vector<384x64xf32>
    %mul3A_1037 = arith.mulf %sub3A_1031, %mul3A_1036 : vector<384x64xf32>
    %mul3A_1038 = vector.broadcast %get3A_54 : vector<1x64xf32> to vector<384x64xf32>
    %mul3A_1039 = arith.mulf %mul3A_1037, %mul3A_1038 : vector<384x64xf32>
    %add3A_1040 = vector.broadcast %get3A_57 : vector<1x64xf32> to vector<384x64xf32>
    %add3A_1041 = arith.addf %mul3A_1039, %add3A_1040 : vector<384x64xf32>
    %concatenate3A_1042 = tpu.concatenate %add3A_549, %add3A_594, %add3A_639, %add3A_684, %add3A_729, %add3A_774, %add3A_819, %add3A_864, %add3A_909, %add3A_954, %add3A_999, %add3A_1041 in 0 : vector<384x64xf32>, vector<384x64xf32>, vector<384x64xf32>, vector<384x64xf32>, vector<384x64xf32>, vector<384x64xf32>, vector<384x64xf32>, vector<384x64xf32>, vector<384x64xf32>, vector<384x64xf32>, vector<384x64xf32>, vector<384x64xf32> -> vector<4608x64xf32>
    %swap3A = arith.constant 0 : index
    %swap3A_1043 = arith.constant 0 : index
    %swap3A_1044 = arith.constant 0 : index
    %swap3A_1045 = vector.load %arg21[%swap3A, %swap3A_1043, %swap3A_1044] : memref<1x4608x64xf32, #tpu.memory_space<vmem>>, vector<1x4608x64xf32>
    %swap3A_1046 = vector.shape_cast %swap3A_1045 : vector<1x4608x64xf32> to vector<4608x64xf32>
    %swap3A_1047 = vector.shape_cast %concatenate3A_1042 : vector<4608x64xf32> to vector<1x4608x64xf32>
    tpu.vector_store %arg21[%swap3A, %swap3A_1043, %swap3A_1044], %swap3A_1047 {strides = array<i32>} : memref<1x4608x64xf32, #tpu.memory_space<vmem>>, vector<1x4608x64xf32>,
    return
  }
  func.func @transform_0(%arg0: i32) -> (i32, i32, i32) {
    %c0_i32 = arith.constant 0 : i32
    %c0_i32_0 = arith.constant 0 : i32
    %c0_i32_1 = arith.constant 0 : i32
    return %arg0, %c0_i32, %c0_i32_0 : i32, i32, i32
  }
  func.func @transform_1(%arg0: i32) -> (i32, i32) {
    %c0_i32 = arith.constant 0 : i32
    %c0_i32_0 = arith.constant 0 : i32
    %c0_i32_1 = arith.constant 0 : i32
    return %c0_i32, %c0_i32_0 : i32, i32
  }
  func.func @transform_2(%arg0: i32) -> (i32, i32) {
    %c0_i32 = arith.constant 0 : i32
    %c0_i32_0 = arith.constant 0 : i32
    %c0_i32_1 = arith.constant 0 : i32
    return %c0_i32, %c0_i32_0 : i32, i32
  }
  func.func @transform_3(%arg0: i32) -> (i32, i32) {
    %c0_i32 = arith.constant 0 : i32
    %c0_i32_0 = arith.constant 0 : i32
    %c0_i32_1 = arith.constant 0 : i32
    return %c0_i32, %c0_i32_0 : i32, i32
  }
  func.func @transform_4(%arg0: i32) -> (i32, i32) {
    %c0_i32 = arith.constant 0 : i32
    %c0_i32_0 = arith.constant 0 : i32
    %c0_i32_1 = arith.constant 0 : i32
    return %c0_i32, %c0_i32_0 : i32, i32
  }
  func.func @transform_5(%arg0: i32) -> (i32, i32) {
    %c0_i32 = arith.constant 0 : i32
    %c0_i32_0 = arith.constant 0 : i32
    %c0_i32_1 = arith.constant 0 : i32
    return %c0_i32, %c0_i32_0 : i32, i32
  }
  func.func @transform_6(%arg0: i32) -> (i32, i32) {
    %c0_i32 = arith.constant 0 : i32
    %c0_i32_0 = arith.constant 0 : i32
    %c0_i32_1 = arith.constant 0 : i32
    return %c0_i32, %c0_i32_0 : i32, i32
  }
  func.func @transform_7(%arg0: i32) -> (i32, i32) {
    %c0_i32 = arith.constant 0 : i32
    %c0_i32_0 = arith.constant 0 : i32
    %c0_i32_1 = arith.constant 0 : i32
    return %c0_i32, %c0_i32_0 : i32, i32
  }
  func.func @transform_8(%arg0: i32) -> (i32, i32) {
    %c0_i32 = arith.constant 0 : i32
    %c0_i32_0 = arith.constant 0 : i32
    %c0_i32_1 = arith.constant 0 : i32
    return %c0_i32, %c0_i32_0 : i32, i32
  }
  func.func @transform_9(%arg0: i32) -> (i32, i32) {
    %c0_i32 = arith.constant 0 : i32
    %c0_i32_0 = arith.constant 0 : i32
    %c0_i32_1 = arith.constant 0 : i32
    return %c0_i32, %c0_i32_0 : i32, i32
  }
  func.func @transform_10(%arg0: i32) -> (i32, i32) {
    %c0_i32 = arith.constant 0 : i32
    %c0_i32_0 = arith.constant 0 : i32
    %c0_i32_1 = arith.constant 0 : i32
    return %c0_i32, %c0_i32_0 : i32, i32
  }
  func.func @transform_11(%arg0: i32) -> (i32, i32) {
    %c0_i32 = arith.constant 0 : i32
    %c0_i32_0 = arith.constant 0 : i32
    %c0_i32_1 = arith.constant 0 : i32
    return %c0_i32, %c0_i32_0 : i32, i32
  }
  func.func @transform_12(%arg0: i32) -> (i32, i32) {
    %c0_i32 = arith.constant 0 : i32
    %c0_i32_0 = arith.constant 0 : i32
    %c0_i32_1 = arith.constant 0 : i32
    return %c0_i32, %c0_i32_0 : i32, i32
  }
  func.func @transform_13(%arg0: i32) -> (i32, i32) {
    %c0_i32 = arith.constant 0 : i32
    %c0_i32_0 = arith.constant 0 : i32
    %c0_i32_1 = arith.constant 0 : i32
    return %c0_i32, %c0_i32_0 : i32, i32
  }
  func.func @transform_14(%arg0: i32) -> (i32, i32) {
    %c0_i32 = arith.constant 0 : i32
    %c0_i32_0 = arith.constant 0 : i32
    %c0_i32_1 = arith.constant 0 : i32
    return %c0_i32, %c0_i32_0 : i32, i32
  }
  func.func @transform_15(%arg0: i32) -> (i32, i32) {
    %c0_i32 = arith.constant 0 : i32
    %c0_i32_0 = arith.constant 0 : i32
    %c0_i32_1 = arith.constant 0 : i32
    return %c0_i32, %c0_i32_0 : i32, i32
  }
  func.func @transform_16(%arg0: i32) -> (i32, i32) {
    %c0_i32 = arith.constant 0 : i32
    %c0_i32_0 = arith.constant 0 : i32
    %c0_i32_1 = arith.constant 0 : i32
    return %c0_i32, %c0_i32_0 : i32, i32
  }
  func.func @transform_17(%arg0: i32) -> (i32, i32) {
    %c0_i32 = arith.constant 0 : i32
    %c0_i32_0 = arith.constant 0 : i32
    %c0_i32_1 = arith.constant 0 : i32
    return %c0_i32, %c0_i32_0 : i32, i32
  }
  func.func @transform_18(%arg0: i32) -> (i32, i32) {
    %c0_i32 = arith.constant 0 : i32
    %c0_i32_0 = arith.constant 0 : i32
    %c0_i32_1 = arith.constant 0 : i32
    return %c0_i32, %c0_i32_0 : i32, i32
  }
  func.func @transform_19(%arg0: i32) -> (i32, i32) {
    %c0_i32 = arith.constant 0 : i32
    %c0_i32_0 = arith.constant 0 : i32
    %c0_i32_1 = arith.constant 0 : i32
    return %c0_i32, %c0_i32_0 : i32, i32
  }
  func.func @transform_20(%arg0: i32) -> (i32, i32, i32) {
    %c0_i32 = arith.constant 0 : i32
    %c0_i32_0 = arith.constant 0 : i32
    %c0_i32_1 = arith.constant 0 : i32
    return %arg0, %c0_i32, %c0_i32_0 : i32, i32, i32
  }
}

module attributes {stable_mosaic.version = 14 : i64} {
  func.func @_final_kernel(%arg0: i32, %arg1: memref<1x4608x64xf32, #tpu.memory_space<vmem>>, %arg2: memref<768x12xf32, #tpu.memory_space<vmem>>, %arg3: memref<1x12xf32, #tpu.memory_space<vmem>>, %arg4: memref<2x1xf32, #tpu.memory_space<vmem>>, %arg5: memref<1x384x12xf32, #tpu.memory_space<vmem>>) attributes {dimension_semantics = [#tpu.dimension_semantics<parallel>], iteration_bounds = array<i64: 32>, scalar_prefetch = 0 : i64, scratch_operands = 0 : i64, tpu.core_type = #tpu.core_type<tc>, window_params = [{transform_indices = @transform_0, window_bounds = array<i64: 1, 4608, 64>}, {pipeline_mode = #tpu.pipeline_mode<synchronous>, transform_indices = @transform_1, window_bounds = array<i64: 768, 12>}, {pipeline_mode = #tpu.pipeline_mode<synchronous>, transform_indices = @transform_2, window_bounds = array<i64: 1, 12>}, {pipeline_mode = #tpu.pipeline_mode<synchronous>, transform_indices = @transform_3, window_bounds = array<i64: 2, 1>}, {transform_indices = @transform_4, window_bounds = array<i64: 1, 384, 12>}]} {
    %get3A = arith.constant 0 : index
    %get3A_0 = arith.constant 0 : index
    %get3A_1 = arith.constant 0 : index
    %get3A_2 = vector.load %arg1[%get3A, %get3A_0, %get3A_1] : memref<1x4608x64xf32, #tpu.memory_space<vmem>>, vector<1x4608x64xf32>
    %get3A_3 = vector.shape_cast %get3A_2 : vector<1x4608x64xf32> to vector<4608x64xf32>
    %get3A_4 = arith.constant 0 : index
    %get3A_5 = arith.constant 0 : index
    %get3A_6 = vector.load %arg3[%get3A_4, %get3A_5] : memref<1x12xf32, #tpu.memory_space<vmem>>, vector<1x12xf32>
    %slice3A = vector.extract_strided_slice %get3A_3 {offsets = [0, 0], sizes = [384, 64], strides = [1, 1]} : vector<4608x64xf32> to vector<384x64xf32>
    %get3A_7 = arith.constant 0 : index
    %get3A_8 = arith.constant 0 : index
    %get3A_9 = vector.load %arg2[%get3A_7, %get3A_8] : memref<768x12xf32, #tpu.memory_space<vmem>>, vector<64x12xf32>
    %dot_general3A = arith.constant dense<0.000000e+00> : vector<384x12xf32>
    %dot_general3A_10 = tpu.matmul %slice3A, %get3A_9, %dot_general3A {dimension_numbers = #tpu.dot_dimension_numbers<[1], [0], [0], [1], [0, 0, 1, 1], [], []>, transpose_lhs_hint = false} : vector<384x64xf32>, vector<64x12xf32>, vector<384x12xf32> -> vector<384x12xf32>
    %add3A = vector.broadcast %get3A_6 : vector<1x12xf32> to vector<384x12xf32>
    %add3A_11 = arith.addf %add3A, %dot_general3A_10 : vector<384x12xf32>
    %slice3A_12 = vector.extract_strided_slice %get3A_3 {offsets = [384, 0], sizes = [384, 64], strides = [1, 1]} : vector<4608x64xf32> to vector<384x64xf32>
    %get3A_13 = arith.constant 64 : index
    %get3A_14 = arith.constant 0 : index
    %get3A_15 = vector.load %arg2[%get3A_13, %get3A_14] : memref<768x12xf32, #tpu.memory_space<vmem>>, vector<64x12xf32>
    %dot_general3A_16 = arith.constant dense<0.000000e+00> : vector<384x12xf32>
    %dot_general3A_17 = tpu.matmul %slice3A_12, %get3A_15, %dot_general3A_16 {dimension_numbers = #tpu.dot_dimension_numbers<[1], [0], [0], [1], [0, 0, 1, 1], [], []>, transpose_lhs_hint = false} : vector<384x64xf32>, vector<64x12xf32>, vector<384x12xf32> -> vector<384x12xf32>
    %add3A_18 = arith.addf %add3A_11, %dot_general3A_17 : vector<384x12xf32>
    %slice3A_19 = vector.extract_strided_slice %get3A_3 {offsets = [768, 0], sizes = [384, 64], strides = [1, 1]} : vector<4608x64xf32> to vector<384x64xf32>
    %get3A_20 = arith.constant 128 : index
    %get3A_21 = arith.constant 0 : index
    %get3A_22 = vector.load %arg2[%get3A_20, %get3A_21] : memref<768x12xf32, #tpu.memory_space<vmem>>, vector<64x12xf32>
    %dot_general3A_23 = arith.constant dense<0.000000e+00> : vector<384x12xf32>
    %dot_general3A_24 = tpu.matmul %slice3A_19, %get3A_22, %dot_general3A_23 {dimension_numbers = #tpu.dot_dimension_numbers<[1], [0], [0], [1], [0, 0, 1, 1], [], []>, transpose_lhs_hint = false} : vector<384x64xf32>, vector<64x12xf32>, vector<384x12xf32> -> vector<384x12xf32>
    %add3A_25 = arith.addf %add3A_18, %dot_general3A_24 : vector<384x12xf32>
    %slice3A_26 = vector.extract_strided_slice %get3A_3 {offsets = [1152, 0], sizes = [384, 64], strides = [1, 1]} : vector<4608x64xf32> to vector<384x64xf32>
    %get3A_27 = arith.constant 192 : index
    %get3A_28 = arith.constant 0 : index
    %get3A_29 = vector.load %arg2[%get3A_27, %get3A_28] : memref<768x12xf32, #tpu.memory_space<vmem>>, vector<64x12xf32>
    %dot_general3A_30 = arith.constant dense<0.000000e+00> : vector<384x12xf32>
    %dot_general3A_31 = tpu.matmul %slice3A_26, %get3A_29, %dot_general3A_30 {dimension_numbers = #tpu.dot_dimension_numbers<[1], [0], [0], [1], [0, 0, 1, 1], [], []>, transpose_lhs_hint = false} : vector<384x64xf32>, vector<64x12xf32>, vector<384x12xf32> -> vector<384x12xf32>
    %add3A_32 = arith.addf %add3A_25, %dot_general3A_31 : vector<384x12xf32>
    %slice3A_33 = vector.extract_strided_slice %get3A_3 {offsets = [1536, 0], sizes = [384, 64], strides = [1, 1]} : vector<4608x64xf32> to vector<384x64xf32>
    %get3A_34 = arith.constant 256 : index
    %get3A_35 = arith.constant 0 : index
    %get3A_36 = vector.load %arg2[%get3A_34, %get3A_35] : memref<768x12xf32, #tpu.memory_space<vmem>>, vector<64x12xf32>
    %dot_general3A_37 = arith.constant dense<0.000000e+00> : vector<384x12xf32>
    %dot_general3A_38 = tpu.matmul %slice3A_33, %get3A_36, %dot_general3A_37 {dimension_numbers = #tpu.dot_dimension_numbers<[1], [0], [0], [1], [0, 0, 1, 1], [], []>, transpose_lhs_hint = false} : vector<384x64xf32>, vector<64x12xf32>, vector<384x12xf32> -> vector<384x12xf32>
    %add3A_39 = arith.addf %add3A_32, %dot_general3A_38 : vector<384x12xf32>
    %slice3A_40 = vector.extract_strided_slice %get3A_3 {offsets = [1920, 0], sizes = [384, 64], strides = [1, 1]} : vector<4608x64xf32> to vector<384x64xf32>
    %get3A_41 = arith.constant 320 : index
    %get3A_42 = arith.constant 0 : index
    %get3A_43 = vector.load %arg2[%get3A_41, %get3A_42] : memref<768x12xf32, #tpu.memory_space<vmem>>, vector<64x12xf32>
    %dot_general3A_44 = arith.constant dense<0.000000e+00> : vector<384x12xf32>
    %dot_general3A_45 = tpu.matmul %slice3A_40, %get3A_43, %dot_general3A_44 {dimension_numbers = #tpu.dot_dimension_numbers<[1], [0], [0], [1], [0, 0, 1, 1], [], []>, transpose_lhs_hint = false} : vector<384x64xf32>, vector<64x12xf32>, vector<384x12xf32> -> vector<384x12xf32>
    %add3A_46 = arith.addf %add3A_39, %dot_general3A_45 : vector<384x12xf32>
    %slice3A_47 = vector.extract_strided_slice %get3A_3 {offsets = [2304, 0], sizes = [384, 64], strides = [1, 1]} : vector<4608x64xf32> to vector<384x64xf32>
    %get3A_48 = arith.constant 384 : index
    %get3A_49 = arith.constant 0 : index
    %get3A_50 = vector.load %arg2[%get3A_48, %get3A_49] : memref<768x12xf32, #tpu.memory_space<vmem>>, vector<64x12xf32>
    %dot_general3A_51 = arith.constant dense<0.000000e+00> : vector<384x12xf32>
    %dot_general3A_52 = tpu.matmul %slice3A_47, %get3A_50, %dot_general3A_51 {dimension_numbers = #tpu.dot_dimension_numbers<[1], [0], [0], [1], [0, 0, 1, 1], [], []>, transpose_lhs_hint = false} : vector<384x64xf32>, vector<64x12xf32>, vector<384x12xf32> -> vector<384x12xf32>
    %add3A_53 = arith.addf %add3A_46, %dot_general3A_52 : vector<384x12xf32>
    %slice3A_54 = vector.extract_strided_slice %get3A_3 {offsets = [2688, 0], sizes = [384, 64], strides = [1, 1]} : vector<4608x64xf32> to vector<384x64xf32>
    %get3A_55 = arith.constant 448 : index
    %get3A_56 = arith.constant 0 : index
    %get3A_57 = vector.load %arg2[%get3A_55, %get3A_56] : memref<768x12xf32, #tpu.memory_space<vmem>>, vector<64x12xf32>
    %dot_general3A_58 = arith.constant dense<0.000000e+00> : vector<384x12xf32>
    %dot_general3A_59 = tpu.matmul %slice3A_54, %get3A_57, %dot_general3A_58 {dimension_numbers = #tpu.dot_dimension_numbers<[1], [0], [0], [1], [0, 0, 1, 1], [], []>, transpose_lhs_hint = false} : vector<384x64xf32>, vector<64x12xf32>, vector<384x12xf32> -> vector<384x12xf32>
    %add3A_60 = arith.addf %add3A_53, %dot_general3A_59 : vector<384x12xf32>
    %slice3A_61 = vector.extract_strided_slice %get3A_3 {offsets = [3072, 0], sizes = [384, 64], strides = [1, 1]} : vector<4608x64xf32> to vector<384x64xf32>
    %get3A_62 = arith.constant 512 : index
    %get3A_63 = arith.constant 0 : index
    %get3A_64 = vector.load %arg2[%get3A_62, %get3A_63] : memref<768x12xf32, #tpu.memory_space<vmem>>, vector<64x12xf32>
    %dot_general3A_65 = arith.constant dense<0.000000e+00> : vector<384x12xf32>
    %dot_general3A_66 = tpu.matmul %slice3A_61, %get3A_64, %dot_general3A_65 {dimension_numbers = #tpu.dot_dimension_numbers<[1], [0], [0], [1], [0, 0, 1, 1], [], []>, transpose_lhs_hint = false} : vector<384x64xf32>, vector<64x12xf32>, vector<384x12xf32> -> vector<384x12xf32>
    %add3A_67 = arith.addf %add3A_60, %dot_general3A_66 : vector<384x12xf32>
    %slice3A_68 = vector.extract_strided_slice %get3A_3 {offsets = [3456, 0], sizes = [384, 64], strides = [1, 1]} : vector<4608x64xf32> to vector<384x64xf32>
    %get3A_69 = arith.constant 576 : index
    %get3A_70 = arith.constant 0 : index
    %get3A_71 = vector.load %arg2[%get3A_69, %get3A_70] : memref<768x12xf32, #tpu.memory_space<vmem>>, vector<64x12xf32>
    %dot_general3A_72 = arith.constant dense<0.000000e+00> : vector<384x12xf32>
    %dot_general3A_73 = tpu.matmul %slice3A_68, %get3A_71, %dot_general3A_72 {dimension_numbers = #tpu.dot_dimension_numbers<[1], [0], [0], [1], [0, 0, 1, 1], [], []>, transpose_lhs_hint = false} : vector<384x64xf32>, vector<64x12xf32>, vector<384x12xf32> -> vector<384x12xf32>
    %add3A_74 = arith.addf %add3A_67, %dot_general3A_73 : vector<384x12xf32>
    %slice3A_75 = vector.extract_strided_slice %get3A_3 {offsets = [3840, 0], sizes = [384, 64], strides = [1, 1]} : vector<4608x64xf32> to vector<384x64xf32>
    %get3A_76 = arith.constant 640 : index
    %get3A_77 = arith.constant 0 : index
    %get3A_78 = vector.load %arg2[%get3A_76, %get3A_77] : memref<768x12xf32, #tpu.memory_space<vmem>>, vector<64x12xf32>
    %dot_general3A_79 = arith.constant dense<0.000000e+00> : vector<384x12xf32>
    %dot_general3A_80 = tpu.matmul %slice3A_75, %get3A_78, %dot_general3A_79 {dimension_numbers = #tpu.dot_dimension_numbers<[1], [0], [0], [1], [0, 0, 1, 1], [], []>, transpose_lhs_hint = false} : vector<384x64xf32>, vector<64x12xf32>, vector<384x12xf32> -> vector<384x12xf32>
    %add3A_81 = arith.addf %add3A_74, %dot_general3A_80 : vector<384x12xf32>
    %slice3A_82 = vector.extract_strided_slice %get3A_3 {offsets = [4224, 0], sizes = [384, 64], strides = [1, 1]} : vector<4608x64xf32> to vector<384x64xf32>
    %get3A_83 = arith.constant 704 : index
    %get3A_84 = arith.constant 0 : index
    %get3A_85 = vector.load %arg2[%get3A_83, %get3A_84] : memref<768x12xf32, #tpu.memory_space<vmem>>, vector<64x12xf32>
    %dot_general3A_86 = arith.constant dense<0.000000e+00> : vector<384x12xf32>
    %dot_general3A_87 = tpu.matmul %slice3A_82, %get3A_85, %dot_general3A_86 {dimension_numbers = #tpu.dot_dimension_numbers<[1], [0], [0], [1], [0, 0, 1, 1], [], []>, transpose_lhs_hint = false} : vector<384x64xf32>, vector<64x12xf32>, vector<384x12xf32> -> vector<384x12xf32>
    %add3A_88 = arith.addf %add3A_81, %dot_general3A_87 : vector<384x12xf32>
    %max3A = arith.constant 0.000000e+00 : f32
    %max3A_89 = vector.broadcast %max3A : f32 to vector<384x12xf32>
    %max3A_90 = arith.maximumf %add3A_88, %max3A_89 : vector<384x12xf32>
    %swap3A = arith.constant 0 : index
    %swap3A_91 = arith.constant 0 : index
    %swap3A_92 = arith.constant 0 : index
    %swap3A_93 = vector.load %arg5[%swap3A, %swap3A_91, %swap3A_92] : memref<1x384x12xf32, #tpu.memory_space<vmem>>, vector<1x384x12xf32>
    %swap3A_94 = vector.shape_cast %swap3A_93 : vector<1x384x12xf32> to vector<384x12xf32>
    %swap3A_95 = vector.shape_cast %max3A_90 : vector<384x12xf32> to vector<1x384x12xf32>
    tpu.vector_store %arg5[%swap3A, %swap3A_91, %swap3A_92], %swap3A_95 {strides = array<i32>} : memref<1x384x12xf32, #tpu.memory_space<vmem>>, vector<1x384x12xf32>,
    return
  }
  func.func @transform_0(%arg0: i32) -> (i32, i32, i32) {
    %c0_i32 = arith.constant 0 : i32
    %c0_i32_0 = arith.constant 0 : i32
    %c0_i32_1 = arith.constant 0 : i32
    return %arg0, %c0_i32, %c0_i32_0 : i32, i32, i32
  }
  func.func @transform_1(%arg0: i32) -> (i32, i32) {
    %c0_i32 = arith.constant 0 : i32
    %c0_i32_0 = arith.constant 0 : i32
    %c0_i32_1 = arith.constant 0 : i32
    return %c0_i32, %c0_i32_0 : i32, i32
  }
  func.func @transform_2(%arg0: i32) -> (i32, i32) {
    %c0_i32 = arith.constant 0 : i32
    %c0_i32_0 = arith.constant 0 : i32
    %c0_i32_1 = arith.constant 0 : i32
    return %c0_i32, %c0_i32_0 : i32, i32
  }
  func.func @transform_3(%arg0: i32) -> (i32, i32) {
    %c0_i32 = arith.constant 0 : i32
    %c0_i32_0 = arith.constant 0 : i32
    %c0_i32_1 = arith.constant 0 : i32
    return %c0_i32, %c0_i32_0 : i32, i32
  }
  func.func @transform_4(%arg0: i32) -> (i32, i32, i32) {
    %c0_i32 = arith.constant 0 : i32
    %c0_i32_0 = arith.constant 0 : i32
    %c0_i32_1 = arith.constant 0 : i32
    return %arg0, %c0_i32, %c0_i32_0 : i32, i32, i32
  }
}

module attributes {stable_mosaic.version = 14 : i64} {
  func.func @_final_kernel(%arg0: i32, %arg1: memref<1x4608x64xf32, #tpu.memory_space<vmem>>, %arg2: memref<768x12xf32, #tpu.memory_space<vmem>>, %arg3: memref<1x12xf32, #tpu.memory_space<vmem>>, %arg4: memref<2x1xf32, #tpu.memory_space<vmem>>, %arg5: memref<1x384x12xf32, #tpu.memory_space<vmem>>) attributes {dimension_semantics = [#tpu.dimension_semantics<parallel>], iteration_bounds = array<i64: 32>, scalar_prefetch = 0 : i64, scratch_operands = 0 : i64, tpu.core_type = #tpu.core_type<tc>, window_params = [{transform_indices = @transform_0, window_bounds = array<i64: 1, 4608, 64>}, {pipeline_mode = #tpu.pipeline_mode<synchronous>, transform_indices = @transform_1, window_bounds = array<i64: 768, 12>}, {pipeline_mode = #tpu.pipeline_mode<synchronous>, transform_indices = @transform_2, window_bounds = array<i64: 1, 12>}, {pipeline_mode = #tpu.pipeline_mode<synchronous>, transform_indices = @transform_3, window_bounds = array<i64: 2, 1>}, {transform_indices = @transform_4, window_bounds = array<i64: 1, 384, 12>}]} {
    %get3A = arith.constant 0 : index
    %get3A_0 = arith.constant 0 : index
    %get3A_1 = arith.constant 0 : index
    %get3A_2 = vector.load %arg1[%get3A, %get3A_0, %get3A_1] : memref<1x4608x64xf32, #tpu.memory_space<vmem>>, vector<1x4608x64xf32>
    %get3A_3 = vector.shape_cast %get3A_2 : vector<1x4608x64xf32> to vector<4608x64xf32>
    %get3A_4 = arith.constant 0 : index
    %get3A_5 = arith.constant 0 : index
    %get3A_6 = vector.load %arg3[%get3A_4, %get3A_5] : memref<1x12xf32, #tpu.memory_space<vmem>>, vector<1x12xf32>
    %slice3A = vector.extract_strided_slice %get3A_3 {offsets = [0, 0], sizes = [384, 64], strides = [1, 1]} : vector<4608x64xf32> to vector<384x64xf32>
    %get3A_7 = arith.constant 0 : index
    %get3A_8 = arith.constant 0 : index
    %get3A_9 = vector.load %arg2[%get3A_7, %get3A_8] : memref<768x12xf32, #tpu.memory_space<vmem>>, vector<64x12xf32>
    %dot_general3A = arith.constant dense<0.000000e+00> : vector<384x12xf32>
    %dot_general3A_10 = tpu.matmul %slice3A, %get3A_9, %dot_general3A {dimension_numbers = #tpu.dot_dimension_numbers<[1], [0], [0], [1], [0, 0, 1, 1], [], []>, transpose_lhs_hint = false} : vector<384x64xf32>, vector<64x12xf32>, vector<384x12xf32> -> vector<384x12xf32>
    %add3A = vector.broadcast %get3A_6 : vector<1x12xf32> to vector<384x12xf32>
    %add3A_11 = arith.addf %add3A, %dot_general3A_10 : vector<384x12xf32>
    %slice3A_12 = vector.extract_strided_slice %get3A_3 {offsets = [384, 0], sizes = [384, 64], strides = [1, 1]} : vector<4608x64xf32> to vector<384x64xf32>
    %get3A_13 = arith.constant 64 : index
    %get3A_14 = arith.constant 0 : index
    %get3A_15 = vector.load %arg2[%get3A_13, %get3A_14] : memref<768x12xf32, #tpu.memory_space<vmem>>, vector<64x12xf32>
    %dot_general3A_16 = arith.constant dense<0.000000e+00> : vector<384x12xf32>
    %dot_general3A_17 = tpu.matmul %slice3A_12, %get3A_15, %dot_general3A_16 {dimension_numbers = #tpu.dot_dimension_numbers<[1], [0], [0], [1], [0, 0, 1, 1], [], []>, transpose_lhs_hint = false} : vector<384x64xf32>, vector<64x12xf32>, vector<384x12xf32> -> vector<384x12xf32>
    %add3A_18 = arith.addf %add3A_11, %dot_general3A_17 : vector<384x12xf32>
    %slice3A_19 = vector.extract_strided_slice %get3A_3 {offsets = [768, 0], sizes = [384, 64], strides = [1, 1]} : vector<4608x64xf32> to vector<384x64xf32>
    %get3A_20 = arith.constant 128 : index
    %get3A_21 = arith.constant 0 : index
    %get3A_22 = vector.load %arg2[%get3A_20, %get3A_21] : memref<768x12xf32, #tpu.memory_space<vmem>>, vector<64x12xf32>
    %dot_general3A_23 = arith.constant dense<0.000000e+00> : vector<384x12xf32>
    %dot_general3A_24 = tpu.matmul %slice3A_19, %get3A_22, %dot_general3A_23 {dimension_numbers = #tpu.dot_dimension_numbers<[1], [0], [0], [1], [0, 0, 1, 1], [], []>, transpose_lhs_hint = false} : vector<384x64xf32>, vector<64x12xf32>, vector<384x12xf32> -> vector<384x12xf32>
    %add3A_25 = arith.addf %add3A_18, %dot_general3A_24 : vector<384x12xf32>
    %slice3A_26 = vector.extract_strided_slice %get3A_3 {offsets = [1152, 0], sizes = [384, 64], strides = [1, 1]} : vector<4608x64xf32> to vector<384x64xf32>
    %get3A_27 = arith.constant 192 : index
    %get3A_28 = arith.constant 0 : index
    %get3A_29 = vector.load %arg2[%get3A_27, %get3A_28] : memref<768x12xf32, #tpu.memory_space<vmem>>, vector<64x12xf32>
    %dot_general3A_30 = arith.constant dense<0.000000e+00> : vector<384x12xf32>
    %dot_general3A_31 = tpu.matmul %slice3A_26, %get3A_29, %dot_general3A_30 {dimension_numbers = #tpu.dot_dimension_numbers<[1], [0], [0], [1], [0, 0, 1, 1], [], []>, transpose_lhs_hint = false} : vector<384x64xf32>, vector<64x12xf32>, vector<384x12xf32> -> vector<384x12xf32>
    %add3A_32 = arith.addf %add3A_25, %dot_general3A_31 : vector<384x12xf32>
    %slice3A_33 = vector.extract_strided_slice %get3A_3 {offsets = [1536, 0], sizes = [384, 64], strides = [1, 1]} : vector<4608x64xf32> to vector<384x64xf32>
    %get3A_34 = arith.constant 256 : index
    %get3A_35 = arith.constant 0 : index
    %get3A_36 = vector.load %arg2[%get3A_34, %get3A_35] : memref<768x12xf32, #tpu.memory_space<vmem>>, vector<64x12xf32>
    %dot_general3A_37 = arith.constant dense<0.000000e+00> : vector<384x12xf32>
    %dot_general3A_38 = tpu.matmul %slice3A_33, %get3A_36, %dot_general3A_37 {dimension_numbers = #tpu.dot_dimension_numbers<[1], [0], [0], [1], [0, 0, 1, 1], [], []>, transpose_lhs_hint = false} : vector<384x64xf32>, vector<64x12xf32>, vector<384x12xf32> -> vector<384x12xf32>
    %add3A_39 = arith.addf %add3A_32, %dot_general3A_38 : vector<384x12xf32>
    %slice3A_40 = vector.extract_strided_slice %get3A_3 {offsets = [1920, 0], sizes = [384, 64], strides = [1, 1]} : vector<4608x64xf32> to vector<384x64xf32>
    %get3A_41 = arith.constant 320 : index
    %get3A_42 = arith.constant 0 : index
    %get3A_43 = vector.load %arg2[%get3A_41, %get3A_42] : memref<768x12xf32, #tpu.memory_space<vmem>>, vector<64x12xf32>
    %dot_general3A_44 = arith.constant dense<0.000000e+00> : vector<384x12xf32>
    %dot_general3A_45 = tpu.matmul %slice3A_40, %get3A_43, %dot_general3A_44 {dimension_numbers = #tpu.dot_dimension_numbers<[1], [0], [0], [1], [0, 0, 1, 1], [], []>, transpose_lhs_hint = false} : vector<384x64xf32>, vector<64x12xf32>, vector<384x12xf32> -> vector<384x12xf32>
    %add3A_46 = arith.addf %add3A_39, %dot_general3A_45 : vector<384x12xf32>
    %slice3A_47 = vector.extract_strided_slice %get3A_3 {offsets = [2304, 0], sizes = [384, 64], strides = [1, 1]} : vector<4608x64xf32> to vector<384x64xf32>
    %get3A_48 = arith.constant 384 : index
    %get3A_49 = arith.constant 0 : index
    %get3A_50 = vector.load %arg2[%get3A_48, %get3A_49] : memref<768x12xf32, #tpu.memory_space<vmem>>, vector<64x12xf32>
    %dot_general3A_51 = arith.constant dense<0.000000e+00> : vector<384x12xf32>
    %dot_general3A_52 = tpu.matmul %slice3A_47, %get3A_50, %dot_general3A_51 {dimension_numbers = #tpu.dot_dimension_numbers<[1], [0], [0], [1], [0, 0, 1, 1], [], []>, transpose_lhs_hint = false} : vector<384x64xf32>, vector<64x12xf32>, vector<384x12xf32> -> vector<384x12xf32>
    %add3A_53 = arith.addf %add3A_46, %dot_general3A_52 : vector<384x12xf32>
    %slice3A_54 = vector.extract_strided_slice %get3A_3 {offsets = [2688, 0], sizes = [384, 64], strides = [1, 1]} : vector<4608x64xf32> to vector<384x64xf32>
    %get3A_55 = arith.constant 448 : index
    %get3A_56 = arith.constant 0 : index
    %get3A_57 = vector.load %arg2[%get3A_55, %get3A_56] : memref<768x12xf32, #tpu.memory_space<vmem>>, vector<64x12xf32>
    %dot_general3A_58 = arith.constant dense<0.000000e+00> : vector<384x12xf32>
    %dot_general3A_59 = tpu.matmul %slice3A_54, %get3A_57, %dot_general3A_58 {dimension_numbers = #tpu.dot_dimension_numbers<[1], [0], [0], [1], [0, 0, 1, 1], [], []>, transpose_lhs_hint = false} : vector<384x64xf32>, vector<64x12xf32>, vector<384x12xf32> -> vector<384x12xf32>
    %add3A_60 = arith.addf %add3A_53, %dot_general3A_59 : vector<384x12xf32>
    %slice3A_61 = vector.extract_strided_slice %get3A_3 {offsets = [3072, 0], sizes = [384, 64], strides = [1, 1]} : vector<4608x64xf32> to vector<384x64xf32>
    %get3A_62 = arith.constant 512 : index
    %get3A_63 = arith.constant 0 : index
    %get3A_64 = vector.load %arg2[%get3A_62, %get3A_63] : memref<768x12xf32, #tpu.memory_space<vmem>>, vector<64x12xf32>
    %dot_general3A_65 = arith.constant dense<0.000000e+00> : vector<384x12xf32>
    %dot_general3A_66 = tpu.matmul %slice3A_61, %get3A_64, %dot_general3A_65 {dimension_numbers = #tpu.dot_dimension_numbers<[1], [0], [0], [1], [0, 0, 1, 1], [], []>, transpose_lhs_hint = false} : vector<384x64xf32>, vector<64x12xf32>, vector<384x12xf32> -> vector<384x12xf32>
    %add3A_67 = arith.addf %add3A_60, %dot_general3A_66 : vector<384x12xf32>
    %slice3A_68 = vector.extract_strided_slice %get3A_3 {offsets = [3456, 0], sizes = [384, 64], strides = [1, 1]} : vector<4608x64xf32> to vector<384x64xf32>
    %get3A_69 = arith.constant 576 : index
    %get3A_70 = arith.constant 0 : index
    %get3A_71 = vector.load %arg2[%get3A_69, %get3A_70] : memref<768x12xf32, #tpu.memory_space<vmem>>, vector<64x12xf32>
    %dot_general3A_72 = arith.constant dense<0.000000e+00> : vector<384x12xf32>
    %dot_general3A_73 = tpu.matmul %slice3A_68, %get3A_71, %dot_general3A_72 {dimension_numbers = #tpu.dot_dimension_numbers<[1], [0], [0], [1], [0, 0, 1, 1], [], []>, transpose_lhs_hint = false} : vector<384x64xf32>, vector<64x12xf32>, vector<384x12xf32> -> vector<384x12xf32>
    %add3A_74 = arith.addf %add3A_67, %dot_general3A_73 : vector<384x12xf32>
    %slice3A_75 = vector.extract_strided_slice %get3A_3 {offsets = [3840, 0], sizes = [384, 64], strides = [1, 1]} : vector<4608x64xf32> to vector<384x64xf32>
    %get3A_76 = arith.constant 640 : index
    %get3A_77 = arith.constant 0 : index
    %get3A_78 = vector.load %arg2[%get3A_76, %get3A_77] : memref<768x12xf32, #tpu.memory_space<vmem>>, vector<64x12xf32>
    %dot_general3A_79 = arith.constant dense<0.000000e+00> : vector<384x12xf32>
    %dot_general3A_80 = tpu.matmul %slice3A_75, %get3A_78, %dot_general3A_79 {dimension_numbers = #tpu.dot_dimension_numbers<[1], [0], [0], [1], [0, 0, 1, 1], [], []>, transpose_lhs_hint = false} : vector<384x64xf32>, vector<64x12xf32>, vector<384x12xf32> -> vector<384x12xf32>
    %add3A_81 = arith.addf %add3A_74, %dot_general3A_80 : vector<384x12xf32>
    %slice3A_82 = vector.extract_strided_slice %get3A_3 {offsets = [4224, 0], sizes = [384, 64], strides = [1, 1]} : vector<4608x64xf32> to vector<384x64xf32>
    %get3A_83 = arith.constant 704 : index
    %get3A_84 = arith.constant 0 : index
    %get3A_85 = vector.load %arg2[%get3A_83, %get3A_84] : memref<768x12xf32, #tpu.memory_space<vmem>>, vector<64x12xf32>
    %dot_general3A_86 = arith.constant dense<0.000000e+00> : vector<384x12xf32>
    %dot_general3A_87 = tpu.matmul %slice3A_82, %get3A_85, %dot_general3A_86 {dimension_numbers = #tpu.dot_dimension_numbers<[1], [0], [0], [1], [0, 0, 1, 1], [], []>, transpose_lhs_hint = false} : vector<384x64xf32>, vector<64x12xf32>, vector<384x12xf32> -> vector<384x12xf32>
    %add3A_88 = arith.addf %add3A_81, %dot_general3A_87 : vector<384x12xf32>
    %max3A = arith.constant 0.000000e+00 : f32
    %max3A_89 = vector.broadcast %max3A : f32 to vector<384x12xf32>
    %max3A_90 = arith.maximumf %add3A_88, %max3A_89 : vector<384x12xf32>
    %get3A_91 = arith.constant 0 : index
    %get3A_92 = arith.constant 0 : index
    %get3A_93 = vector.load %arg4[%get3A_91, %get3A_92] : memref<2x1xf32, #tpu.memory_space<vmem>>, vector<1x1xf32>
    %mul3A = vector.broadcast %get3A_93 : vector<1x1xf32> to vector<384x12xf32>
    %mul3A_94 = arith.mulf %max3A_90, %mul3A : vector<384x12xf32>
    %get3A_95 = arith.constant 1 : index
    %get3A_96 = arith.constant 0 : index
    %get3A_97 = vector.load %arg4[%get3A_95, %get3A_96] : memref<2x1xf32, #tpu.memory_space<vmem>>, vector<1x1xf32>
    %add3A_98 = vector.broadcast %get3A_97 : vector<1x1xf32> to vector<384x12xf32>
    %add3A_99 = arith.addf %mul3A_94, %add3A_98 : vector<384x12xf32>
    %swap3A = arith.constant 0 : index
    %swap3A_100 = arith.constant 0 : index
    %swap3A_101 = arith.constant 0 : index
    %swap3A_102 = vector.load %arg5[%swap3A, %swap3A_100, %swap3A_101] : memref<1x384x12xf32, #tpu.memory_space<vmem>>, vector<1x384x12xf32>
    %swap3A_103 = vector.shape_cast %swap3A_102 : vector<1x384x12xf32> to vector<384x12xf32>
    %swap3A_104 = vector.shape_cast %add3A_99 : vector<384x12xf32> to vector<1x384x12xf32>
    tpu.vector_store %arg5[%swap3A, %swap3A_100, %swap3A_101], %swap3A_104 {strides = array<i32>} : memref<1x384x12xf32, #tpu.memory_space<vmem>>, vector<1x384x12xf32>,
    return
  }
  func.func @transform_0(%arg0: i32) -> (i32, i32, i32) {
    %c0_i32 = arith.constant 0 : i32
    %c0_i32_0 = arith.constant 0 : i32
    %c0_i32_1 = arith.constant 0 : i32
    return %arg0, %c0_i32, %c0_i32_0 : i32, i32, i32
  }
  func.func @transform_1(%arg0: i32) -> (i32, i32) {
    %c0_i32 = arith.constant 0 : i32
    %c0_i32_0 = arith.constant 0 : i32
    %c0_i32_1 = arith.constant 0 : i32
    return %c0_i32, %c0_i32_0 : i32, i32
  }
  func.func @transform_2(%arg0: i32) -> (i32, i32) {
    %c0_i32 = arith.constant 0 : i32
    %c0_i32_0 = arith.constant 0 : i32
    %c0_i32_1 = arith.constant 0 : i32
    return %c0_i32, %c0_i32_0 : i32, i32
  }
  func.func @transform_3(%arg0: i32) -> (i32, i32) {
    %c0_i32 = arith.constant 0 : i32
    %c0_i32_0 = arith.constant 0 : i32
    %c0_i32_1 = arith.constant 0 : i32
    return %c0_i32, %c0_i32_0 : i32, i32
  }
  func.func @transform_4(%arg0: i32) -> (i32, i32, i32) {
    %c0_i32 = arith.constant 0 : i32
    %c0_i32_0 = arith.constant 0 : i32
    %c0_i32_1 = arith.constant 0 : i32
    return %arg0, %c0_i32, %c0_i32_0 : i32, i32, i32
  }
}

</mosaic_0001>

<sc_bundles>
// kernel: kernel.9.cloned.1.call-start
scs
__scs_entry_jumppad:
0x0: {  	(pc) =	sbr.rel $0x88, $3  }
0x1: {  	(tag) =	ssettag $0x0;
	lr =	simm.s32 $0x1  }
0x2: {  	[smem:$0x3F51] =	sst lr;
	_ =	strace $0xD0000000  }
0x3: {  	_ = 	snop  }
0x4: {  	_ = 	snop  }
0x5: {  	_ = 	snop  }
0x6: {  	_ = 	snop  }
0x7: {  	_ = 	snop  }
__scs_overlays_trampoline_lowered:
0x8: {  	[smem:$0x3F60] =	sst s0  }
0x9: {  	[smem:$0x3F61] =	sst s1  }
0xa: {  	[smem:$0x3F62] =	sst s2  }
0xb: {  	[smem:$0x3F63] =	sst s3  }
0xc: {  	[smem:$0x3F64] =	sst s4  }
0xd: {  	[smem:$0x3F65] =	sst s5  }
0xe: {  	[smem:$0x3F66] =	sst s6  }
0xf: {  	[smem:$0x3F67] =	sst s7  }
0x10: {  	[smem:$0x3F68] =	sst s8  }
0x11: {  	[smem:$0x3F69] =	sst s9;
	s0 =	simm.s32 @!p0 $0x0  }
0x12: {  	s1 =	sld [smem:$0x3F4F];
	s0 =	simm.s32 @p0 $0x1  }
0x13: {  	[smem:$0x3F6A] =	sst s0;
	s0 =	simm.s32 @!p1 $0x0  }
0x14: {  	s2 =	sld [smem:$0x3F4E];
	s0 =	simm.s32 @p1 $0x1  }
0x15: {  	[smem:$0x3F6B] =	sst s0;
	s0 =	simm.s32 @!p2 $0x0  }
0x16: {  	s3 =	sld [smem:$0x3FDB];
	s0 =	simm.s32 @p2 $0x1  }
0x17: {  	s4 =	simm.s32 $0x1BF5;
	[smem:$0x3F6D] =	sst s0  }
0x18: {  	s0 =	sld [smem:$0x3F50];
	_ =	swait.ge [sflag:s4], $0x0  }
0x19: {  	s7 =	sld [smem:$0x3F51]  }
0x1a: {  	s8 =	sadd.s32 $0xFFFFE003, lr  }
0x1b: {  	s9 =	sadd.s32 $0xFFFFFEF7, lr;
	s5 =	simm.s32 $0xFFFFFFFF;
	p2 =	slt.u32 s8, $0xFFFFF086  }
0x1c: {  	p1 =	slt.u32 s9, $0xF7A;
	s5 =	simm.s32 @!p2 $0x0  }
0x1d: {  	s5 =	simm.s32 @p1 $0x1;
	p0 =	seq.s32 s7, s2  }
0x1e: {  	s7 =	smul.u32 @!p0 $0xF7A, s2;
	p2 =	seq.s32 @!p0 s5, $0x0  }
0x1f: {  	s9 =	smul.u32 $0xF7A, s1;
	s8 =	simm.s32 @!p0 $0x1BF5;
	p2 =	por !p2, p0  }
0x20: {  	[sflag:s8] =	ssyncset.s32 @!p0 $0xFFFFF086;
	s6 =	sadd.s32 @!p0 s3, s7;
	s7 =	simm.s32 @!p0 $0x108  }
0x21: {  	s3 =	sadd.s32 s3, s9;
	s6 =	sadd.s32 @!p0 $0x88, s6;
	s7 =	simm.s32 @p2 $0x1082  }
0x22: {  	[simem:s7], [sflag:s8] =	dma.local @!p0 [hbm:s6], $0xF7A  }
0x23: {  	s9 =	sor.u32 $0xD0000000, s2;
	s6 =	simm.s32 $0x108;
	_ =	swait.ge @!p0 [sflag:s8], $0x0  }
0x24: {  	s3 =	sadd.s32 $0x88, s3;
	s6 =	simm.s32 @!p1 $0x1082;
	[sflag:s4] =	ssyncset.s32 $0xFFFFF086  }
0x25: {  	[simem:s6], [sflag:s4] =	dma.local [hbm:s3], $0xF7A  }
0x26: {  	[smem:$0x3F51] =	sst s1;
	(tag) =	ssettag s2;
	_ =	strace s9  }
0x27: {  	s1 =	sld [smem:$0x3F61]  }
0x28: {  	s2 =	sld [smem:$0x3F62]  }
0x29: {  	s4 =	sld [smem:$0x3F64]  }
0x2a: {  	p0 =	seq.s32 s5, $0x0;
	s5 =	sld [smem:$0x3F65]  }
0x2b: {  	s6 =	sld [smem:$0x3F66]  }
0x2c: {  	s7 =	sld [smem:$0x3F67]  }
0x2d: {  	s3 =	simm.s32 $0x108;
	s8 =	sld [smem:$0x3F68]  }
0x2e: {  	s3 =	simm.s32 @!p0 $0x1082;
	s9 =	sld [smem:$0x3F69]  }
0x2f: {  	lr =	sadd.s32 s0, s3;
	s0 =	sld [smem:$0x3F60]  }
0x30: {  	s3 =	sld [smem:$0x3F63]  }
0x31: {  	[smem:$0x3F6C] =	sst s10  }
0x32: {  	s10 =	sld [smem:$0x3F6A];
	_ =	sdelay $0x3  }
0x33: {  	p0 =	seq.s32 s10, $0x1;
	s10 =	sld [smem:$0x3F6C];
	_ =	sdelay $0x3  }
0x34: {  	[smem:$0x3F6C] =	sst s10  }
0x35: {  	s10 =	sld [smem:$0x3F6B];
	_ =	sdelay $0x3  }
0x36: {  	p1 =	seq.s32 s10, $0x1;
	s10 =	sld [smem:$0x3F6C];
	_ =	sdelay $0x3  }
0x37: {  	[smem:$0x3F6C] =	sst s10  }
0x38: {  	s10 =	sld [smem:$0x3F6D]  }
0x39: {  	_ = 	snop;
	(pc) =	sbr.ind lr, $3  }
0x3a: {  	_ = 	snop  }
0x3b: {  	_ = 	snop  }
0x3c: {  	p2 =	seq.s32 s10, $0x1;
	s10 =	sld [smem:$0x3F6C]  }
0x3d: {  	_ =	shalt  }
0x3e: {  	_ =	shalt  }
0x3f: {  	_ =	shalt  }
0x40: {  	_ =	shalt  }
0x41: {  	_ =	shalt  }
0x42: {  	_ =	shalt  }
0x43: {  	_ =	shalt  }
0x44: {  	_ =	shalt  }
0x45: {  	_ =	shalt  }
0x46: {  	_ =	shalt  }
0x47: {  	_ =	shalt  }
0x48: {  	_ =	shalt  }
0x49: {  	_ =	shalt  }
0x4a: {  	_ =	shalt  }
0x4b: {  	_ =	shalt  }
0x4c: {  	_ =	shalt  }
0x4d: {  	_ =	shalt  }
0x4e: {  	_ =	shalt  }
0x4f: {  	_ =	shalt  }
0x50: {  	_ =	shalt  }
0x51: {  	_ =	shalt  }
0x52: {  	_ =	shalt  }
0x53: {  	_ =	shalt  }
0x54: {  	_ =	shalt  }
0x55: {  	_ =	shalt  }
0x56: {  	_ =	shalt  }
0x57: {  	_ =	shalt  }
0x58: {  	_ =	shalt  }
0x59: {  	_ =	shalt  }
0x5a: {  	_ =	shalt  }
0x5b: {  	_ =	shalt  }
0x5c: {  	_ =	shalt  }
0x5d: {  	_ =	shalt  }
0x5e: {  	_ =	shalt  }
0x5f: {  	_ =	shalt  }
0x60: {  	_ =	shalt  }
0x61: {  	_ =	shalt  }
0x62: {  	_ =	shalt  }
0x63: {  	_ =	shalt  }
0x64: {  	_ =	shalt  }
0x65: {  	_ =	shalt  }
0x66: {  	_ =	shalt  }
0x67: {  	_ =	shalt  }
0x68: {  	_ =	shalt  }
0x69: {  	_ =	shalt  }
0x6a: {  	_ =	shalt  }
0x6b: {  	_ =	shalt  }
0x6c: {  	_ =	shalt  }
0x6d: {  	_ =	shalt  }
0x6e: {  	_ =	shalt  }
0x6f: {  	_ =	shalt  }
0x70: {  	_ =	shalt  }
0x71: {  	_ =	shalt  }
0x72: {  	_ =	shalt  }
0x73: {  	_ =	shalt  }
0x74: {  	_ =	shalt  }
0x75: {  	_ =	shalt  }
0x76: {  	_ =	shalt  }
0x77: {  	_ =	shalt  }
0x78: {  	_ =	shalt  }
0x79: {  	_ =	shalt  }
0x7a: {  	_ =	shalt  }
0x7b: {  	_ =	shalt  }
0x7c: {  	_ =	shalt  }
0x7d: {  	_ =	shalt  }
0x7e: {  	_ =	shalt  }
0x7f: {  	_ =	shalt  }
0x80: {  	_ =	shalt  }
0x81: {  	_ =	shalt  }
0x82: {  	_ =	shalt  }
0x83: {  	_ =	shalt  }
0x84: {  	_ =	shalt  }
0x85: {  	_ =	shalt  }
0x86: {  	_ =	shalt  }
0x87: {  	_ =	shalt  }
.Lfunc_end0:
.L_simem_size_0:
called_computation_lowered:
.L_overlay_start_0:
0x88: {  	s2 =	sld [smem:$0x3FD9]  }
0x89: {  	s3 =	sld [smem:$0x3FFE];
	_ =	sdelay $0x1  }
0x8a: {  	s1 =	srdreg.scid  }
0x8b: {  	s0 =	sand.u32 $0x1, s1  }
0x8c: {  	s16 =	sshll.u32 s0, $0xA;
	s2 =	sadd.s32 s3, s2  }
0x8d: {  	s2 =	sadd.s32 s2, s16  }
0x8e: {  	[smem:$0x3F78] =	sst s2  }
0x8f: {  	_ = 	snop  }
0x90: {  	(tm) =	ssettm $0x1  }
0x91: {  	s17 =	sld [smem:$0x3FFB];
	_ =	sdelay $0x3  }
0x92: {  	_ =	strace s17  }
0x93: {  	s2 =	sld [smem:$0x3FFC];
	_ =	sdelay $0x3  }
0x94: {  	_ =	strace s2  }
0x95: {  	s2 =	sld [smem:$0x3FFD];
	_ =	sdelay $0x3  }
0x96: {  	_ =	strace s2  }
0x97: {  	_ =	strace $0x8FFFFFFF  }
0x98: {  	s18 =	sld [smem:$0x3FDB];
	_ =	sdelay $0x1  }
0x99: {  	s19 =	simm.s32 $_scs_section_size  }
0x9a: {  	s4 =	simm.s32 $_size__tile_overlayer_lowered;
	s5 =	simm.s32 $_tile_overlayer_lowered  }
0x9b: {  	s22 =	simm.s32 $0x1BFF;
	s21 =	sshll.u32 s5, $0x1;
	s2 =	sadd.s32 s19, s18  }
0x9c: {  	s6 =	simm.s32 $0x0;
	s20 =	sshll.u32 s4, $0x1;
	s4 =	sadd.s32 s21, s2  }
0x9d: {  	[timem:s6], [sflag:s22] =	dma.local [hbm:s4], s20  }
0x9e: {  	_ =	swait.ge [sflag:s22], s20  }
0x9f: {  	s3 =	ssub.s32 $0x0, s20;
	[sflag:s22] =	ssyncset.done $0x0  }
0xa0: {  	[sflag:s22] =	ssyncadd.s32 s3;
	_ =	sdelay $0x1  }
0xa1: {  	s23 =	simm.s32 $0x1B8B  }
0xa2: {  	_ =	swait.ge [sflag:s23], $0x1  }
0xa3: {  	[sflag:s23] =	ssyncset.done $0x0  }
0xa4: {  	s25 =	simm.s32 $0x1B8E;
	s24 =	sld [smem:$0x3FFE];
	[sflag:s23] =	ssyncadd.s32 $0xFFFFFFFF  }
0xa5: {  	s26 =	simm.s32 $execute0_lowered;
	[smem:$0x3FD2] =	sst s25  }
0xa6: {  	s4 =	sshll.u32 s26, $0x1;
	_ =	strace $0x80000046;
	[dreg:$0x1] =	wrdreg $0xFFFFFFFF  }
0xa7: {  	s28 =	simm.s32 $_size_execute0_lowered;
	s2 =	sadd.s32 s2, s4;
	[dreg:$0x0] =	wrdreg $0x0  }
0xa8: {  	s4 =	sshll.u32 s28, $0x1;
	[dreg:$0x2] =	wrdreg s2  }
0xa9: {  	[dreg:$0x3] =	wrdreg s4  }
0xaa: {  	[dreg:$0x4] =	wrdreg $0xC0  }
0xab: {  	_ =	task [dreg:s6], $0x5FFFF  }
0xac: {  	[dreg:$0x1] =	wrdreg $0xFFFFFFFF  }
0xad: {  	[dreg:$0x0] =	wrdreg $0x60  }
0xae: {  	[dreg:$0x2] =	wrdreg s24  }
0xaf: {  	[dreg:$0x3] =	wrdreg $0x9  }
0xb0: {  	_ =	task.clear_ibuf [dreg:s6], $0x4FFFF;
	_ =	strace $0x90000046  }
0xb1: {  	s29 =	simm.s32 $0x9;
	_ =	strace $0x80000048  }
0xb2: {  	_ =	swait.ge [sflag:s29], $0x1  }
0xb3: {  	[sflag:s29] =	ssyncadd.s32 $0xFFFFFFFF  }
0xb4: {  	_ =	strace $0x90000048  }
0xb5: {  	_ =	sfence  }
0xb6: {  	s30 =	sld [smem:$0x0];
	_ =	sdelay $0x2  }
0xb7: {  	s31 =	sshll.u32 s1, $0xD;
	s1 =	sshrl.u32 s1, $0x2  }
0xb8: {  	s3 =	sand.u32 $0x4000, s31;
	s1 =	sadd.s32 s1, s30  }
0xb9: {  	s0 =	sor.u32 s3, s0;
	s1 =	sshll.u32 s1, $0x11  }
0xba: {  	s0 =	sor.u32 s1, s0  }
0xbb: {  	s0 =	sadd.s32 $0x8F2B, s0  }
0xbc: {  	[sflag:s0] =	ssyncadd.remote.s32 $0x1  }
0xbd: {  	_ =	sfence.sel $0xFFFF  }
0xbe: {  	[dreg:$0x0] =	wrdreg $0xFFFFFFFF;
	(pc) =	sbr.abs _section_cstart, $3  }
0xbf: {  	[dreg:$0x1] =	wrdreg $0xFFFFFFFF  }
0xc0: {  	_ =	task.clear_ibuf [dreg:s6], $0x2FFFF;
	_ =	strace $0x9FFFFFFF  }
0xc1: {  	(tm) =	ssettm $0x7FFFFFFF  }
tec
execute0_lowered:
.L_overlay_start_1:
0x0: {  	(tag) =	ssettag $0x1  }
0x1: {  	s0 =	srdreg.scid  }
0x2: {  	s2 =	sand.u32 $0x1, s0;
	s0 =	stileid.u32  }
0x3: {  	s4 =	sshll.u32 s2, $0x4;
	s5 =	ssub.s32 $0x0, s0  }
0x4: {  	p0 =	sne.s32 s4, s5  }
.Ltmp0:
0x5: {  	_ = 	snop;
	(pc) =	sbr.rel @p0 .LBB2_9-.Ltmp0, $3  }
0x6: {  	_ =	sdelay $0x1  }
0x7: {  	s3 =	rddreg [dreg:$0x0]  }
0x8: {  	s1 =	rddreg [dreg:$0x1];
	_ =	strace $0x80000047  }
0x9: {  	s2 =	ssub.s32 $0x2, s2;
	s5 =	simm.s32 $0x0;
	s6 =	simm.s32 $0x1  }
0xa: {  	s7 =	simm.s32 $0x2680;
	s8 =	simm.s32 $0x2800;
	s4 =	sshrl.u32 s2, $0x1  }
0xb: {  	s9 =	simm.s32 $0x2980;
	s10 =	simm.s32 $0x0;
	s4 =	ssub.s32 s2, s4  }
0xc: {  	v0 =	vimm.f32 $0.0e+00;
	v1 =	vimm.f32 $1.000000000e+00;
	v2 =	vimm.f32 $-1.000000000e+00;
	s2 =	sadd.s32 $0xE600, s3;
	s3 =	sadd.s32 $0xEC00, s3;
	s4 =	smax.u32 s4, $0x1  }
.LBB2_2:
0xd: {  	[tilespmem:s5], [sflag:$0x1] =	stream.linear.gather [hbm4b:s2+s5], $0x2680, $0x38;
	[tilespmem:$0x1F600] =	vst v63  }
0xe: {  	_ =	swait.ge [sflag:s6], $0x2680  }
0xf: {  	[sflag:s6] =	ssyncset.done $0x0  }
0x10: {  	[sflag:s6] =	ssyncadd.s32 $0xFFFFD980  }
0x11: {  	[tilespmem:$0x2680] =	vst v0  }
0x12: {  	[tilespmem:$0x2690] =	vst v0  }
0x13: {  	[tilespmem:$0x26A0] =	vst v0  }
0x14: {  	[tilespmem:$0x26B0] =	vst v0  }
0x15: {  	[tilespmem:$0x26C0] =	vst v0  }
0x16: {  	[tilespmem:$0x26D0] =	vst v0  }
0x17: {  	[tilespmem:$0x26E0] =	vst v0  }
0x18: {  	[tilespmem:$0x26F0] =	vst v0  }
0x19: {  	[tilespmem:$0x2700] =	vst v0  }
0x1a: {  	[tilespmem:$0x2710] =	vst v0  }
0x1b: {  	[tilespmem:$0x2720] =	vst v0  }
0x1c: {  	[tilespmem:$0x2730] =	vst v0  }
0x1d: {  	[tilespmem:$0x2740] =	vst v0  }
0x1e: {  	[tilespmem:$0x2750] =	vst v0  }
0x1f: {  	[tilespmem:$0x2760] =	vst v0  }
0x20: {  	[tilespmem:$0x2770] =	vst v0  }
0x21: {  	[tilespmem:$0x2780] =	vst v0  }
0x22: {  	[tilespmem:$0x2790] =	vst v0  }
0x23: {  	[tilespmem:$0x27A0] =	vst v0  }
0x24: {  	s12 =	simm.s32 $0x0;
	s11 =	simm.s32 $0x40;
	[tilespmem:$0x27B0] =	vst v0  }
.LBB2_3:
0x25: {  	p0 =	sne.s32 s11, $0x4C80;
	v3 =	vld [tilespmem:s12+$0x0]  }
0x26: {  	v4 =	vld [tilespmem:s12+$0x1330];
	_ =	sdelay $0x2  }
.Ltmp1:
0x27: {  	(pc) =	sbr.rel @p0 .LBB2_3-.Ltmp1, $4  }
0x28: {  	_ = 	snop  }
0x29: {  	vm0 =	veq.s32 v3, v4  }
0x2a: {  	v4 =	vsel vm0, $0x0, v1  }
0x2b: {  	s12 =	sshra.s32 s11, $0x2;
	s11 =	sadd.s32 $0x40, s11;
	[tilespmem:v3+s7+$0x0] =	vst.idx.add.f32.msk $0xffff, v4  }
0x2c: {  	v3 =	vld [tilespmem:s12+$0x0]  }
0x2d: {  	v4 =	vld [tilespmem:s12+$0x1330];
	_ =	sdelay $0x4  }
0x2e: {  	vm0 =	veq.s32 v3, v4  }
0x2f: {  	v4 =	vsel vm0, $0x0, v1  }
0x30: {  	[tilespmem:v3+s7+$0x0] =	vst.idx.add.f32.msk $0xffff, v4  }
0x31: {  	v14 =	vld [tilespmem:$0x2680];
	_ =	sdelay $0x1  }
0x32: {  	v11 =	vld [tilespmem:$0x2690];
	_ =	sdelay $0x2  }
0x33: {  	v3 =	vshra.s32 v14, $0x1;
	v5 =	vmul.f32 $5.000000000e-01, v14  }
0x34: {  	v3 =	vsub.s32 $0x5F3759DF, v3  }
0x35: {  	v6 =	vshra.s32 v11, $0x1;
	v8 =	vmul.f32 $5.000000000e-01, v11;
	v60 =	vmul.f32 v3, v5  }
0x36: {  	v6 =	vsub.s32 $0x5F3759DF, v6  }
0x37: {  	v10 =	vld [tilespmem:$0x26A0];
	v7 =	vmul.f32 v6, v8;
	v4 =	vmul.f32 v3, v60;
	_ =	sdelay $0x1  }
0x38: {  	v61 =	vmul.f32 v6, v7;
	v4 =	vsub.f32 $1.500000000e+00, v4;
	_ =	sdelay $0x1  }
0x39: {  	v3 =	vmul.f32 v3, v4;
	v4 =	vsub.f32 $1.500000000e+00, v61  }
0x3a: {  	v9 =	vshra.s32 v10, $0x1;
	v12 =	vmul.f32 $5.000000000e-01, v10  }
0x3b: {  	v9 =	vsub.s32 $0x5F3759DF, v9;
	v62 =	vmul.f32 v3, v5;
	v6 =	vmul.f32 v6, v4;
	v4 =	vld [tilespmem:$0x26B0]  }
0x3c: {  	v15 =	vmul.f32 v9, v12  }
0x3d: {  	v7 =	vmul.f32 v62, v3;
	v13 =	vmul.f32 v6, v8  }
0x3e: {  	v20 =	vmul.f32 v9, v15  }
0x3f: {  	v7 =	vsub.f32 $1.500000000e+00, v7;
	v63 =	vmul.f32 v13, v6  }
0x40: {  	v13 =	vsub.f32 $1.500000000e+00, v20;
	v16 =	vshra.s32 v4, $0x1;
	v17 =	vmul.f32 $5.000000000e-01, v4  }
0x41: {  	v3 =	vmul.f32 v7, v3;
	v7 =	vsub.f32 $1.500000000e+00, v63;
	v16 =	vsub.s32 $0x5F3759DF, v16  }
0x42: {  	v9 =	vmul.f32 v9, v13;
	v18 =	vmul.f32 v16, v17  }
0x43: {  	v21 =	vmul.f32 v3, v5;
	v6 =	vmul.f32 v7, v6  }
0x44: {  	v19 =	vmul.f32 v9, v12;
	v7 =	vld [tilespmem:$0x26C0];
	v23 =	vmul.f32 v16, v18  }
0x45: {  	v15 =	vmul.f32 v21, v3;
	v24 =	vmul.f32 v6, v8  }
0x46: {  	v27 =	vmul.f32 v19, v9;
	v25 =	vsub.f32 $1.500000000e+00, v23  }
0x47: {  	v22 =	vsub.f32 $1.500000000e+00, v15;
	v26 =	vmul.f32 v24, v6  }
0x48: {  	v28 =	vsub.f32 $1.500000000e+00, v27;
	v13 =	vmul.f32 v16, v25  }
0x49: {  	v3 =	vmul.f32 v22, v3;
	v15 =	vsub.f32 $1.500000000e+00, v26;
	v22 =	vmul.f32 $5.000000000e-01, v7  }
0x4a: {  	v30 =	vshra.s32 v7, $0x1;
	v31 =	vmul.f32 v28, v9;
	v29 =	vmul.f32 v13, v17  }
0x4b: {  	v32 =	vsub.s32 $0x5F3759DF, v30;
	v9 =	vld [tilespmem:$0x26D0];
	v5 =	vmul.f32 v3, v5;
	v6 =	vmul.f32 v15, v6  }
0x4c: {  	v34 =	vmul.f32 v32, v22;
	v33 =	vmul.f32 v29, v13  }
0x4d: {  	v35 =	vmul.f32 v31, v12;
	v5 =	vmul.f32 v5, v3  }
0x4e: {  	v18 =	vmul.f32 v32, v34;
	v20 =	vsub.f32 $1.500000000e+00, v33  }
0x4f: {  	v8 =	vmul.f32 v6, v8;
	v19 =	vmul.f32 v35, v31;
	v5 =	vsub.f32 $1.500000000e+00, v5  }
0x50: {  	v24 =	vmul.f32 $5.000000000e-01, v9;
	v18 =	vsub.f32 $1.500000000e+00, v18;
	v13 =	vmul.f32 v20, v13  }
0x51: {  	v8 =	vmul.f32 v8, v6;
	v23 =	vmul.f32 v5, v3;
	v3 =	vsub.f32 $1.500000000e+00, v19  }
0x52: {  	v18 =	vmul.f32 v32, v18;
	v5 =	vld [tilespmem:$0x26E0];
	v36 =	vmul.f32 v13, v17  }
0x53: {  	v8 =	vsub.f32 $1.500000000e+00, v8;
	v15 =	vmul.f32 v3, v31;
	v3 =	vshra.s32 v9, $0x1  }
0x54: {  	v37 =	vmul.f32 v18, v22;
	v19 =	vmul.f32 v36, v13;
	v21 =	vsub.s32 $0x5F3759DF, v3  }
0x55: {  	v3 =	vmul.f32 v21, v24  }
0x56: {  	v16 =	vmul.f32 v8, v6;
	v40 =	vmul.f32 v37, v18;
	v39 =	vsub.f32 $1.500000000e+00, v19  }
0x57: {  	v42 =	vshra.s32 v5, $0x1;
	v25 =	vmul.f32 $5.000000000e-01, v5;
	v41 =	vmul.f32 v21, v3;
	v3 =	vld [tilespmem:$0x26F0]  }
0x58: {  	v38 =	vmul.f32 v15, v12;
	v43 =	vsub.f32 $1.500000000e+00, v40;
	v44 =	vsub.s32 $0x5F3759DF, v42  }
0x59: {  	v13 =	vmul.f32 v39, v13;
	v20 =	vmul.f32 v44, v25  }
0x5a: {  	v6 =	vmul.f32 v38, v15;
	v19 =	vsub.f32 $1.500000000e+00, v41;
	v18 =	vmul.f32 v43, v18  }
0x5b: {  	v17 =	vmul.f32 v13, v17;
	v45 =	vmul.f32 v44, v20  }
0x5c: {  	v19 =	vmul.f32 v21, v19;
	v46 =	vmul.f32 v18, v22;
	v47 =	vshra.s32 v3, $0x1  }
0x5d: {  	v26 =	vmul.f32 $5.000000000e-01, v3;
	v8 =	vsub.f32 $1.500000000e+00, v45;
	v17 =	vmul.f32 v17, v13  }
0x5e: {  	v27 =	vmul.f32 v19, v24;
	v28 =	vsub.s32 $0x5F3759DF, v47;
	v20 =	vmul.f32 v46, v18  }
0x5f: {  	vm8 =	vgt.f32 v14, $5.000000000e-01;
	v21 =	vmul.f32 v28, v26;
	v12 =	vmul.f32 v44, v8;
	v8 =	vld [tilespmem:$0x2700]  }
0x60: {  	v6 =	vsub.f32 $1.500000000e+00, v6;
	v27 =	vmul.f32 v27, v19;
	v20 =	vsub.f32 $1.500000000e+00, v20  }
0x61: {  	v17 =	vsub.f32 $1.500000000e+00, v17;
	v29 =	vmul.f32 v28, v21;
	v49 =	vmul.f32 v12, v25  }
0x62: {  	v21 =	vmul.f32 v6, v15;
	v6 =	vld [tilespmem:$0x2710];
	v48 =	vsub.f32 $1.500000000e+00, v27;
	v18 =	vmul.f32 v20, v18  }
0x63: {  	v20 =	vmul.f32 v17, v13;
	v50 =	vsub.f32 $1.500000000e+00, v29;
	v15 =	vmul.f32 v49, v12  }
0x64: {  	v19 =	vmul.f32 v48, v19;
	v54 =	vshra.s32 v8, $0x1;
	v29 =	vmul.f32 $5.000000000e-01, v8  }
0x65: {  	v52 =	vmul.f32 v18, v22;
	v51 =	vmul.f32 v28, v50;
	v55 =	vsub.s32 $0x5F3759DF, v54  }
0x66: {  	v14 =	vld [tilespmem:$0x2740];
	v15 =	vsub.f32 $1.500000000e+00, v15;
	v53 =	vmul.f32 v19, v24;
	v28 =	vmul.f32 v55, v29  }
0x67: {  	v31 =	vshra.s32 v6, $0x1;
	v32 =	vmul.f32 $5.000000000e-01, v6;
	v27 =	vmul.f32 v51, v26  }
0x68: {  	v12 =	vmul.f32 v15, v12;
	v31 =	vsub.s32 $0x5F3759DF, v31;
	v22 =	vmul.f32 v53, v19  }
0x69: {  	vm9 =	vgt.f32 v11, $5.000000000e-01;
	v28 =	vmul.f32 v55, v28;
	v33 =	vmul.f32 v31, v32  }
0x6a: {  	vm10 =	vgt.f32 v10, $5.000000000e-01;
	v27 =	vmul.f32 v27, v51;
	v30 =	vmul.f32 v12, v25  }
0x6b: {  	v54 =	vmul.f32 $5.000000000e-01, v14;
	v22 =	vsub.f32 $1.500000000e+00, v22;
	v56 =	vsub.f32 $1.500000000e+00, v28  }
0x6c: {  	v58 =	vmul.f32 v31, v33;
	v27 =	vsub.f32 $1.500000000e+00, v27;
	v30 =	vmul.f32 v30, v12  }
0x6d: {  	vm11 =	vgt.f32 v4, $5.000000000e-01;
	v19 =	vmul.f32 v22, v19;
	v15 =	vmul.f32 v55, v56  }
0x6e: {  	v17 =	vmul.f32 v52, v18;
	v61 =	vsub.f32 $1.500000000e+00, v58;
	v13 =	vmul.f32 v27, v51  }
0x6f: {  	v57 =	vsub.f32 $1.500000000e+00, v30;
	v24 =	vmul.f32 v19, v24;
	v63 =	vmul.f32 v15, v29  }
0x70: {  	vm12 =	vgt.f32 v7, $5.000000000e-01;
	v33 =	vmul.f32 v31, v61;
	v59 =	vmul.f32 v13, v26  }
0x71: {  	vm13 =	vgt.f32 v9, $5.000000000e-01;
	v60 =	vmul.f32 v57, v12;
	v28 =	vmul.f32 v63, v15  }
0x72: {  	v17 =	vsub.f32 $1.500000000e+00, v17;
	v12 =	vld [tilespmem:$0x2720];
	v35 =	vmul.f32 v33, v32;
	v62 =	vmul.f32 v59, v13  }
0x73: {  	v53 =	vshra.s32 v14, $0x1;
	v24 =	vmul.f32 v24, v19;
	v38 =	vsub.f32 $1.500000000e+00, v28  }
0x74: {  	v25 =	vmul.f32 v60, v25;
	v39 =	vmul.f32 v35, v33;
	v22 =	vsub.f32 $1.500000000e+00, v62  }
0x75: {  	v31 =	vmul.f32 v17, v18;
	v34 =	vsub.f32 $1.500000000e+00, v24;
	v42 =	vmul.f32 v38, v15  }
0x76: {  	v36 =	vmul.f32 v25, v60;
	v43 =	vsub.f32 $1.500000000e+00, v39;
	v37 =	vmul.f32 v22, v13;
	v13 =	vld [tilespmem:$0x2730]  }
0x77: {  	v44 =	vshra.s32 v12, $0x1;
	v22 =	vmul.f32 v34, v19;
	v45 =	vmul.f32 v42, v29  }
0x78: {  	v15 =	vnsel vm8, $0x0, v23;
	v30 =	vmul.f32 v43, v33;
	v41 =	vmul.f32 v37, v26  }
0x79: {  	v40 =	vsub.f32 $1.500000000e+00, v36;
	v26 =	vmul.f32 $5.000000000e-01, v12;
	v47 =	vmul.f32 v45, v42  }
0x7a: {  	v17 =	vsub.s32 $0x5F3759DF, v44;
	v48 =	vmul.f32 v30, v32;
	v19 =	vmul.f32 v41, v37  }
0x7b: {  	v11 =	vld [tilespmem:$0x2750];
	v46 =	vmul.f32 v17, v26;
	v50 =	vshra.s32 v13, $0x1;
	v34 =	vmul.f32 $5.000000000e-01, v13  }
0x7c: {  	v23 =	vsub.f32 $1.500000000e+00, v47;
	v27 =	vmul.f32 v48, v30;
	v33 =	vsub.s32 $0x5F3759DF, v50  }
0x7d: {  	v19 =	vsub.f32 $1.500000000e+00, v19;
	v49 =	vmul.f32 v17, v46;
	v51 =	vmul.f32 v33, v34  }
0x7e: {  	v23 =	vmul.f32 v23, v42;
	v52 =	vsub.f32 $1.500000000e+00, v27;
	v27 =	vsub.s32 $0x5F3759DF, v53  }
0x7f: {  	v28 =	vsub.f32 $1.500000000e+00, v49;
	v19 =	vmul.f32 v19, v37;
	v55 =	vmul.f32 v27, v54  }
0x80: {  	v36 =	vshra.s32 v11, $0x1;
	v37 =	vmul.f32 $5.000000000e-01, v11;
	v25 =	vmul.f32 v33, v51  }
0x81: {  	v56 =	vsub.s32 $0x5F3759DF, v36;
	v24 =	vmul.f32 v52, v30;
	v17 =	vmul.f32 v17, v28  }
0x82: {  	vm14 =	vgt.f32 v5, $5.000000000e-01;
	v30 =	vmul.f32 v27, v55;
	v36 =	vmul.f32 v56, v37  }
0x83: {  	v18 =	vmul.f32 v40, v60;
	v25 =	vsub.f32 $1.500000000e+00, v25;
	v35 =	vmul.f32 v17, v26  }
0x84: {  	v29 =	vmul.f32 v23, v29;
	v30 =	vsub.f32 $1.500000000e+00, v30;
	v36 =	vmul.f32 v56, v36  }
0x85: {  	vm15 =	vgt.f32 v3, $5.000000000e-01;
	v25 =	vmul.f32 v33, v25;
	v35 =	vmul.f32 v35, v17  }
0x86: {  	v29 =	vmul.f32 v29, v23;
	v27 =	vmul.f32 v27, v30;
	v58 =	vsub.f32 $1.500000000e+00, v36  }
0x87: {  	v32 =	vmul.f32 v24, v32;
	v38 =	vmul.f32 v25, v34;
	v35 =	vsub.f32 $1.500000000e+00, v35  }
0x88: {  	v21 =	vnsel vm10, $0x0, v21;
	v60 =	vmul.f32 v27, v54;
	v62 =	vmul.f32 v56, v58  }
0x89: {  	v38 =	vmul.f32 v38, v25;
	v35 =	vmul.f32 v35, v17;
	v17 =	vnsel vm9, $0x0, v16;
	v16 =	vld [tilespmem:$0x2760]  }
0x8a: {  	v29 =	vsub.f32 $1.500000000e+00, v29;
	v63 =	vmul.f32 v60, v27;
	v33 =	vmul.f32 v62, v37  }
0x8b: {  	v32 =	vmul.f32 v32, v24;
	v59 =	vsub.f32 $1.500000000e+00, v38;
	v57 =	vmul.f32 v35, v26  }
0x8c: {  	v23 =	vmul.f32 v29, v23;
	v30 =	vsub.f32 $1.500000000e+00, v63;
	v33 =	vmul.f32 v33, v62  }
0x8d: {  	vm4 =	vgt.f32 v8, $5.000000000e-01;
	v25 =	vmul.f32 v59, v25;
	v61 =	vmul.f32 v57, v35  }
0x8e: {  	v27 =	vmul.f32 v30, v27;
	v42 =	vshra.s32 v16, $0x1;
	v38 =	vmul.f32 $5.000000000e-01, v16  }
0x8f: {  	v44 =	vsub.f32 $1.500000000e+00, v33;
	v39 =	vmul.f32 v25, v34;
	v36 =	vsub.s32 $0x5F3759DF, v42  }
0x90: {  	v10 =	vsub.f32 $1.500000000e+00, v61;
	v47 =	vmul.f32 v27, v54;
	v40 =	vmul.f32 v36, v38  }
0x91: {  	vm5 =	vgt.f32 v6, $5.000000000e-01;
	v29 =	vmul.f32 v44, v62;
	v39 =	vmul.f32 v39, v25  }
0x92: {  	v32 =	vsub.f32 $1.500000000e+00, v32;
	v43 =	vmul.f32 v10, v35;
	v45 =	vmul.f32 v36, v40  }
0x93: {  	v10 =	vld [tilespmem:$0x2770];
	v48 =	vmul.f32 v47, v27;
	v49 =	vmul.f32 v29, v37;
	v46 =	vsub.f32 $1.500000000e+00, v39  }
0x94: {  	v24 =	vmul.f32 v32, v24;
	v26 =	vmul.f32 v43, v26;
	v33 =	vsub.f32 $1.500000000e+00, v45  }
0x95: {  	v4 =	vsub.f32 $1.500000000e+00, v48;
	v50 =	vmul.f32 v49, v29;
	v25 =	vmul.f32 v46, v25  }
0x96: {  	v32 =	vnsel vm11, $0x0, v20;
	v26 =	vmul.f32 v26, v43;
	v33 =	vmul.f32 v36, v33  }
0x97: {  	v27 =	vmul.f32 v4, v27;
	v7 =	vsub.f32 $1.500000000e+00, v50;
	v34 =	vmul.f32 v25, v34  }
0x98: {  	v4 =	vld [tilespmem:$0x2780];
	v52 =	vshra.s32 v10, $0x1;
	v35 =	vmul.f32 $5.000000000e-01, v10;
	v51 =	vmul.f32 v33, v38  }
0x99: {  	v53 =	vsub.s32 $0x5F3759DF, v52;
	v54 =	vmul.f32 v27, v54;
	v29 =	vmul.f32 v7, v29  }
0x9a: {  	v57 =	vsub.f32 $1.500000000e+00, v26;
	v55 =	vmul.f32 v53, v35;
	v20 =	vmul.f32 v51, v33  }
0x9b: {  	v31 =	vnsel vm12, $0x0, v31;
	v7 =	vld [tilespmem:$0x2790];
	v34 =	vmul.f32 v34, v25;
	v58 =	vmul.f32 v54, v27  }
0x9c: {  	v59 =	vmul.f32 v29, v37;
	v30 =	vmul.f32 v57, v43;
	v56 =	vsub.f32 $1.500000000e+00, v20  }
0x9d: {  	v28 =	vmul.f32 v53, v55;
	v48 =	vshra.s32 v4, $0x1;
	v37 =	vmul.f32 $5.000000000e-01, v4  }
0x9e: {  	v9 =	vmul.f32 v59, v29;
	v36 =	vsub.s32 $0x5F3759DF, v48;
	v33 =	vmul.f32 v56, v33  }
0x9f: {  	v26 =	vsub.f32 $1.500000000e+00, v58;
	v61 =	vsub.f32 $1.500000000e+00, v28;
	v20 =	vld [tilespmem:$0x27B0];
	v50 =	vmul.f32 v36, v37  }
0xa0: {  	v52 =	vmul.f32 $5.000000000e-01, v7;
	v45 =	vsub.f32 $1.500000000e+00, v9;
	v9 =	vld [tilespmem:$0x27A0];
	v62 =	vmul.f32 v33, v38  }
0xa1: {  	vm6 =	vgt.f32 v12, $5.000000000e-01;
	v63 =	vmul.f32 v53, v61;
	v28 =	vmul.f32 v36, v50  }
0xa2: {  	v51 =	vshra.s32 v7, $0x1;
	v26 =	vmul.f32 v26, v27;
	v46 =	vmul.f32 v62, v33  }
0xa3: {  	v29 =	vmul.f32 v45, v29;
	v47 =	vmul.f32 v63, v35;
	v28 =	vsub.f32 $1.500000000e+00, v28  }
0xa4: {  	v43 =	vshra.s32 v20, $0x1;
	v44 =	vmul.f32 $5.000000000e-01, v20;
	v27 =	vsub.f32 $1.500000000e+00, v46  }
0xa5: {  	v49 =	vmul.f32 v47, v63;
	v41 =	vshra.s32 v9, $0x1;
	v42 =	vmul.f32 $5.000000000e-01, v9  }
0xa6: {  	v43 =	vsub.s32 $0x5F3759DF, v43;
	v27 =	vmul.f32 v27, v33;
	v33 =	vsub.s32 $0x5F3759DF, v51  }
0xa7: {  	v28 =	vmul.f32 v36, v28;
	v41 =	vsub.s32 $0x5F3759DF, v41;
	v53 =	vmul.f32 v33, v52  }
0xa8: {  	v60 =	vsub.f32 $1.500000000e+00, v34;
	v54 =	vmul.f32 v43, v44;
	v45 =	vmul.f32 v41, v42  }
0xa9: {  	v5 =	vsub.f32 $1.500000000e+00, v49;
	v57 =	vmul.f32 v28, v37;
	v40 =	vmul.f32 v33, v53  }
0xaa: {  	vm8 =	vgt.f32 v14, $5.000000000e-01;
	v34 =	vmul.f32 v43, v54;
	v45 =	vmul.f32 v41, v45  }
0xab: {  	v25 =	vmul.f32 v60, v25;
	v5 =	vmul.f32 v5, v63;
	v40 =	vsub.f32 $1.500000000e+00, v40  }
0xac: {  	v36 =	vmul.f32 v57, v28;
	v34 =	vsub.f32 $1.500000000e+00, v34;
	v55 =	vsub.f32 $1.500000000e+00, v45  }
0xad: {  	v22 =	vnsel vm13, $0x0, v22;
	v3 =	vmul.f32 v5, v35;
	v33 =	vmul.f32 v33, v40  }
0xae: {  	v18 =	vnsel vm14, $0x0, v18;
	v34 =	vmul.f32 v43, v34;
	v56 =	vmul.f32 v41, v55  }
0xaf: {  	vm7 =	vgt.f32 v13, $5.000000000e-01;
	v3 =	vmul.f32 v3, v5;
	v40 =	vmul.f32 v33, v52  }
0xb0: {  	v38 =	vmul.f32 v27, v38;
	v36 =	vsub.f32 $1.500000000e+00, v36;
	v59 =	vmul.f32 v56, v42  }
0xb1: {  	v60 =	vmul.f32 v34, v44;
	v3 =	vsub.f32 $1.500000000e+00, v3;
	v58 =	vmul.f32 v40, v33  }
0xb2: {  	v19 =	vnsel vm15, $0x0, v19;
	v28 =	vmul.f32 v36, v28;
	v40 =	vmul.f32 v59, v56  }
0xb3: {  	v3 =	vmul.f32 v3, v5;
	v5 =	vmul.f32 v60, v34;
	v6 =	vsub.f32 $1.500000000e+00, v58  }
0xb4: {  	v23 =	vnsel vm4, $0x0, v23;
	v36 =	vmul.f32 v28, v37;
	v62 =	vsub.f32 $1.500000000e+00, v40  }
0xb5: {  	v63 =	vmul.f32 v38, v27;
	v5 =	vsub.f32 $1.500000000e+00, v5;
	v6 =	vmul.f32 v6, v33  }
0xb6: {  	vm9 =	vgt.f32 v11, $5.000000000e-01;
	v41 =	vmul.f32 v36, v28;
	v8 =	vmul.f32 v62, v56  }
0xb7: {  	[tilespmem:$0x2820] =	vst v21;
	v24 =	vnsel vm5, $0x0, v24;
	v5 =	vmul.f32 v5, v34;
	v38 =	vmul.f32 v6, v52  }
0xb8: {  	[tilespmem:$0x2810] =	vst v17;
	vm10 =	vgt.f32 v16, $5.000000000e-01;
	v17 =	vsub.f32 $1.500000000e+00, v41;
	v43 =	vmul.f32 v8, v42  }
0xb9: {  	[tilespmem:$0x2840] =	vst v31;
	vm11 =	vgt.f32 v10, $5.000000000e-01;
	v45 =	vmul.f32 v5, v44;
	v13 =	vmul.f32 v38, v6  }
0xba: {  	[tilespmem:$0x2800] =	vst v15;
	v17 =	vmul.f32 v17, v28;
	v40 =	vnsel vm7, $0x0, v25;
	v25 =	vmul.f32 v43, v8  }
0xbb: {  	[tilespmem:$0x2850] =	vst v22;
	v61 =	vmul.f32 v3, v35;
	v14 =	vmul.f32 v45, v5;
	v13 =	vsub.f32 $1.500000000e+00, v13  }
0xbc: {  	[tilespmem:$0x2860] =	vst v18;
	v30 =	vnsel vm6, $0x0, v30;
	v50 =	vmul.f32 v17, v37;
	v47 =	vsub.f32 $1.500000000e+00, v25  }
0xbd: {  	[tilespmem:$0x2870] =	vst v19;
	v12 =	vmul.f32 v61, v3;
	v48 =	vsub.f32 $1.500000000e+00, v14;
	v6 =	vmul.f32 v13, v6  }
0xbe: {  	[tilespmem:$0x2830] =	vst v32;
	v46 =	vsub.f32 $1.500000000e+00, v63;
	v14 =	vmul.f32 v50, v17;
	v8 =	vmul.f32 v47, v8  }
0xbf: {  	[tilespmem:$0x2880] =	vst v23;
	v49 =	vnsel vm8, $0x0, v26;
	v5 =	vmul.f32 v48, v5;
	v51 =	vmul.f32 v6, v52  }
0xc0: {  	[tilespmem:$0x2890] =	vst v24;
	v21 =	vmul.f32 v46, v27;
	v12 =	vsub.f32 $1.500000000e+00, v12;
	v53 =	vmul.f32 v8, v42  }
0xc1: {  	[tilespmem:$0x28A0] =	vst v30;
	v14 =	vsub.f32 $1.500000000e+00, v14;
	v54 =	vmul.f32 v5, v44;
	v11 =	vmul.f32 v51, v6  }
0xc2: {  	[tilespmem:$0x28C0] =	vst v49;
	v55 =	vnsel vm10, $0x0, v21;
	v3 =	vmul.f32 v12, v3;
	v18 =	vmul.f32 v53, v8  }
0xc3: {  	[tilespmem:$0x28E0] =	vst v55;
	v58 =	vmul.f32 v14, v17;
	v57 =	vmul.f32 v54, v5;
	v56 =	vsub.f32 $1.500000000e+00, v11  }
0xc4: {  	vm12 =	vgt.f32 v4, $5.000000000e-01;
	[tilespmem:$0x28B0] =	vst v40;
	v3 =	vnsel vm11, $0x0, v3;
	v59 =	vsub.f32 $1.500000000e+00, v18  }
0xc5: {  	[tilespmem:$0x28F0] =	vst v3;
	v3 =	vnsel vm12, $0x0, v58;
	v61 =	vsub.f32 $1.500000000e+00, v57;
	v60 =	vmul.f32 v56, v6  }
0xc6: {  	vm13 =	vgt.f32 v7, $5.000000000e-01;
	v52 =	vnsel vm9, $0x0, v29;
	[tilespmem:$0x2900] =	vst v3;
	v62 =	vmul.f32 v59, v8  }
0xc7: {  	vm14 =	vgt.f32 v9, $5.000000000e-01;
	[tilespmem:$0x28D0] =	vst v52;
	v63 =	vmul.f32 v61, v5;
	v3 =	vnsel vm13, $0x0, v60  }
0xc8: {  	vm15 =	vgt.f32 v20, $5.000000000e-01;
	[tilespmem:$0x2910] =	vst v3;
	v3 =	vnsel vm14, $0x0, v62  }
0xc9: {  	[tilespmem:$0x2920] =	vst v3;
	v3 =	vnsel vm15, $0x0, v63  }
0xca: {  	s11 =	simm.s32 $0x40;
	s12 =	simm.s32 $0x0;
	[tilespmem:$0x2930] =	vst v3  }
.LBB2_5:
0xcb: {  	p0 =	sne.s32 s11, $0x731C0;
	[tilespmem:s12+$0x2980] =	vst v0;
	s12 =	smov.u32 s11;
	s11 =	sadd.s32 $0x40, s11  }
.Ltmp2:
0xcc: {  	(pc) =	sbr.rel @p0 .LBB2_5-.Ltmp2, $2  }
0xcd: {  	_ =	sdelay $0x2  }
0xce: {  	s12 =	sshra.s32 s12, $0x2  }
0xcf: {  	[tilespmem:s12+$0x2980] =	vst v0;
	s12 =	simm.s32 $0x0  }
0xd0: {  	s11 =	simm.s32 $0x40;
	v3 =	vld [tilespmem:s12+$0x1330]  }
.LBB2_7:
0xd1: {  	p0 =	sne.s32 s11, $0x4C80;
	v4 =	vld [tilespmem:s12+$0x0];
	_ =	sdelay $0x6  }
0xd2: {  	v5 =	vld.idx.msk [tilespmem:v3+s8+$0x0], $0xffff  }
0xd3: {  	v6 =	vld.idx.msk [tilespmem:v4+s8+$0x0], $0xffff;
	_ =	sdelay $0x2  }
0xd4: {  	v7 =	vmul.u32 $0x180, v4;
	_ =	sdelay $0x1  }
0xd5: {  	v7 =	vadd.s32 v3, v7  }
0xd6: {  	vm0 =	veq.s32 v4, v3;
	v3 =	vmul.f32 v5, v6  }
.Ltmp3:
0xd7: {  	v4 =	vsel vm0, $0x0, v2;
	(pc) =	sbr.rel @p0 .LBB2_7-.Ltmp3, $3  }
0xd8: {  	v3 =	vmul.f32 v3, v4;
	_ =	sdelay $0x1  }
0xd9: {  	s12 =	sshra.s32 s11, $0x2;
	[tilespmem:v7+s9+$0x0] =	vst.idx.add.f32.msk $0xffff, v3  }
0xda: {  	s11 =	sadd.s32 $0x40, s11;
	v3 =	vld [tilespmem:s12+$0x1330]  }
0xdb: {  	_ = 	snop  }
0xdc: {  	v4 =	vld [tilespmem:s12+$0x0];
	_ =	sdelay $0x6  }
0xdd: {  	v5 =	vld.idx.msk [tilespmem:v3+s8+$0x0], $0xffff  }
0xde: {  	v6 =	vld.idx.msk [tilespmem:v4+s8+$0x0], $0xffff;
	_ =	sdelay $0x1  }
0xdf: {  	v7 =	vmul.u32 $0x180, v4;
	_ =	sdelay $0x1  }
0xe0: {  	v7 =	vadd.s32 v3, v7  }
0xe1: {  	vm0 =	veq.s32 v4, v3;
	v3 =	vmul.f32 v5, v6  }
0xe2: {  	v4 =	vsel vm0, $0x0, v2  }
0xe3: {  	s10 =	sadd.s32 $0x1, s10;
	v3 =	vmul.f32 v3, v4  }
0xe4: {  	p0 =	sne.s32 s10, s4  }
.Ltmp4:
0xe5: {  	[tilespmem:v7+s9+$0x0] =	vst.idx.add.f32.msk $0xffff, v3;
	(pc) =	sbr.rel @p0 .LBB2_2-.Ltmp4, $4  }
0xe6: {  	[hbm4b:s3+s5] =	stream.linear.scatter [tilespmem:s9], [sflag:$0x1], $0x1CC80, $0x38;
	[tilespmem:$0x1F600] =	vst v63  }
0xe7: {  	_ =	swait.ge [sflag:s6], $0x1CC80  }
0xe8: {  	[sflag:s6] =	ssyncset.done $0x0  }
0xe9: {  	[sflag:s6] =	ssyncadd.s32 $0xFFFE3380  }
.LBB2_9:
0xea: {  	_ =	sfence.sel $0x180000  }
0xeb: {  	[bflag:$0x0] =	sbarrier.arrive $0xFFFF  }
0xec: {  	p0 =	sne.s32 s0, $0x0;
	_ =	strace $0x90000047  }
0xed: {  	s0 =	sadd.s32 @!p0 $0x100000, s1;
	[bflag:$0x2] =	sbarrier.arrive $0xFFFF  }
0xee: {  	[sflag:s0] =	ssyncadd.tile.s32 @!p0 $0x1;
	_ =	shalt  }
.Lfunc_end2:
_tile_overlayer_lowered:
.L_overlay_start_2:
0xef: {  	(tag) =	ssettag $0x2  }
0xf0: {  	s0 =	rddreg [dreg:$0x0];
	s2 =	stileid.u32  }
0xf1: {  	s1 =	rddreg [dreg:$0x1];
	p0 =	sne.s32 s2, $0x0  }
0xf2: {  	s3 =	rddreg [dreg:$0x2];
	[bflag:$0x3] =	sbarrier.arrive $0xFFFF;
	s2 =	simm.s32 @!p0 $0x1C01  }
0xf3: {  	[timem:s3], [sflag:s2] =	dma.local @!p0 [hbm:s0], s1  }
0xf4: {  	s0 =	simm.s32 @!p0 $0x1  }
0xf5: {  	_ =	swait.ge @!p0 [sflag:s0], s1  }
0xf6: {  	s1 =	ssub.s32 @!p0 $0x0, s1;
	[sflag:s0] =	ssyncset.done @!p0 $0x0  }
0xf7: {  	[sflag:s0] =	ssyncadd.s32 @!p0 s1  }
0xf8: {  	[bflag:$0x3] =	sbarrier.arrive $0xFFFF  }
0xf9: {  	_ =	shalt  }

</sc_bundles>
